<compile_context>
chip_gen: v7x
topology: tpu7x:2x2x1
jax: 0.10.2.dev20260603
libtpu: 0.0.44.dev20260713+nightly
codegen_flags: <defaults>
</compile_context>

<pallas_src>
import functools

import jax
import jax.numpy as jnp
from jax import lax
from jax.experimental import pallas as pl
from jax.experimental.pallas import tpu as pltpu
from jax.experimental.pallas import tpu_sc as plsc

N = 10000
NP = 10240
E = 320000
D = 128
G = 64

NC = 2
NS = 16
NW = NC * NS
EW = E // NW
C = 80
NCHUNK = EW // C
RPW = NP // NS

_mesh = plsc.VectorSubcoreMesh(core_axis_name="c", subcore_axis_name="s")


def _sc_body(do_gather):
    def body(hp_hbm, src_hbm, dst_hbm, zrows_hbm, ones_hbm, out,
             srcbufa, srcbufb, dstall, rowsa, rowsb, acc, sema, semb):
        cid = lax.axis_index("c")
        sid = lax.axis_index("s")
        wid = sid * NC + cid

        pltpu.sync_copy(zrows_hbm, rowsa)
        for j in range(RPW // C):
            pltpu.sync_copy(rowsa, acc.at[pl.ds(sid * RPW + j * C, C)])
        pltpu.sync_copy(dst_hbm.at[wid], dstall)
        if not do_gather:
            pltpu.sync_copy(ones_hbm, rowsa)
        plsc.subcore_barrier()

        if do_gather:
            pltpu.sync_copy(src_hbm.at[wid, 0], srcbufa)
            pltpu.async_copy(hp_hbm.at[srcbufa], rowsa, sema)

            def _pair(j, _):
                k = 2 * j
                pltpu.sync_copy(src_hbm.at[wid, k + 1], srcbufb)
                pltpu.async_copy(hp_hbm.at[srcbufb], rowsb, semb)
                pltpu.make_async_copy(hp_hbm.at[srcbufa], rowsa, sema).wait()
                pltpu.sync_copy(rowsa, acc.at[dstall.at[k]], add=True)
                pltpu.sync_copy(src_hbm.at[wid, k + 2], srcbufa)
                pltpu.async_copy(hp_hbm.at[srcbufa], rowsa, sema)
                pltpu.make_async_copy(hp_hbm.at[srcbufb], rowsb, semb).wait()
                pltpu.sync_copy(rowsb, acc.at[dstall.at[k + 1]], add=True)
                return 0

            lax.fori_loop(0, (NCHUNK - 1) // 2, _pair, 0)
            pltpu.make_async_copy(hp_hbm.at[srcbufa], rowsa, sema).wait()
            pltpu.sync_copy(rowsa, acc.at[dstall.at[NCHUNK - 1]], add=True)
        else:
            def _chunk(i, _):
                pltpu.sync_copy(rowsa, acc.at[dstall.at[i]], add=True)
                return 0

            lax.fori_loop(0, NCHUNK, _chunk, 0)
        plsc.subcore_barrier()

        for j in range(RPW // C):
            pltpu.sync_copy(acc.at[pl.ds(sid * RPW + j * C, C)], rowsa)
            pltpu.sync_copy(rowsa,
                            out.at[pl.ds(cid * NP + sid * RPW + j * C, C)])
    return body


def _make_sc(do_gather):
    return functools.partial(
        pl.kernel,
        mesh=_mesh,
        out_type=jax.ShapeDtypeStruct((2 * NP, D), jnp.float32),
        scratch_types=[
            pltpu.VMEM((C,), jnp.int32),
            pltpu.VMEM((C,), jnp.int32),
            pltpu.VMEM((NCHUNK, C), jnp.int32),
            pltpu.VMEM((C, D), jnp.float32),
            pltpu.VMEM((C, D), jnp.float32),
            pltpu.VMEM_SHARED((NP, D), jnp.float32),
            pltpu.SemaphoreType.DMA,
            pltpu.SemaphoreType.DMA,
        ],
    )(_sc_body(do_gather))


_sc_agg = _make_sc(True)
_sc_deg = _make_sc(False)


BLK = 1024
GRID = NP // BLK


def _dinv(deg0_ref, deg1_ref):
    deg = deg0_ref[:, 0:1] + deg1_ref[:, 0:1] + 1.0
    return lax.rsqrt(deg)


def _tc1_body(deg0_ref, deg1_ref, x_ref, w_ref, hp_ref):
    dinv = _dinv(deg0_ref, deg1_ref)
    h = jnp.dot(x_ref[...], w_ref[...], preferred_element_type=jnp.float32)
    hp_ref[...] = h * dinv


def _tc_mid_body(deg0_ref, deg1_ref, p0_ref, p1_ref, hp_ref, b_ref, w_ref,
                 out_ref):
    dinv = _dinv(deg0_ref, deg1_ref)
    conv = dinv * (p0_ref[...] + p1_ref[...] + hp_ref[...]) + b_ref[...]
    a = jnp.maximum(conv, 0.0)
    out_ref[...] = dinv * jnp.dot(a, w_ref[...],
                                  preferred_element_type=jnp.float32)


def _tc_head_body(deg0_ref, deg1_ref, p0_ref, p1_ref, hp_ref, b_ref,
                  batch_ref, l1w_ref, l1b_ref, l2w_ref, l2b_ref,
                  out_ref, sums, counts):
    i = pl.program_id(0)

    @pl.when(i == 0)
    def _():
        sums[...] = jnp.zeros_like(sums)
        counts[...] = jnp.zeros_like(counts)

    dinv = _dinv(deg0_ref, deg1_ref)
    conv = dinv * (p0_ref[...] + p1_ref[...] + hp_ref[...]) + b_ref[...]
    a = jnp.maximum(conv, 0.0)

    bt = batch_ref[0]
    oh = (jax.lax.broadcasted_iota(jnp.int32, (G, BLK), 0)
          == jnp.broadcast_to(bt, (G, BLK))).astype(jnp.float32)
    sums[...] += jnp.dot(oh, a, preferred_element_type=jnp.float32)
    counts[...] += jnp.broadcast_to(
        jnp.sum(oh, axis=1, keepdims=True), (G, D))

    @pl.when(i == GRID - 1)
    def _():
        g = sums[...] / jnp.maximum(counts[...], 1.0)
        z = jnp.maximum(
            jnp.dot(g, l1w_ref[...], preferred_element_type=jnp.float32)
            + l1b_ref[...], 0.0)
        out_ref[...] = (
            jnp.dot(z, l2w_ref[...], preferred_element_type=jnp.float32)
            + l2b_ref[...])


_row_spec = pl.BlockSpec((BLK, D), lambda i: (i, 0))
_w_spec = pl.BlockSpec((D, D), lambda i: (0, 0))
_b_spec = pl.BlockSpec((1, D), lambda i: (0, 0))

_tc1 = pl.pallas_call(
    _tc1_body,
    grid=(GRID,),
    in_specs=[_row_spec, _row_spec, _row_spec, _w_spec],
    out_specs=_row_spec,
    out_shape=jax.ShapeDtypeStruct((NP, D), jnp.float32),
)

_tc_mid = pl.pallas_call(
    _tc_mid_body,
    grid=(GRID,),
    in_specs=[_row_spec, _row_spec, _row_spec, _row_spec, _row_spec,
              _b_spec, _w_spec],
    out_specs=_row_spec,
    out_shape=jax.ShapeDtypeStruct((NP, D), jnp.float32),
)

_tc_head = pl.pallas_call(
    _tc_head_body,
    grid=(GRID,),
    in_specs=[_row_spec, _row_spec, _row_spec, _row_spec, _row_spec,
              _b_spec,
              pl.BlockSpec((1, 1, BLK), lambda i: (i, 0, 0)),
              _w_spec, _b_spec, _w_spec, _b_spec],
    out_specs=pl.BlockSpec((G, D), lambda i: (0, 0)),
    out_shape=jax.ShapeDtypeStruct((G, D), jnp.float32),
    scratch_shapes=[
        pltpu.VMEM((G, D), jnp.float32),
        pltpu.VMEM((G, D), jnp.float32),
    ],
)


def kernel(x, edge_index, batch, W1, b1, W2, b2, W3, b3,
           lin1_w, lin1_b, lin2_w, lin2_b):
    src = edge_index[0].reshape(NW, NCHUNK, C)
    dst = edge_index[1].reshape(NW, NCHUNK, C)
    xp = jnp.pad(x, ((0, NP - N), (0, 0)))
    batchp = jnp.pad(batch, (0, NP - N), constant_values=G)
    b1r = b1.reshape(1, D)
    b2r = b2.reshape(1, D)
    b3r = b3.reshape(1, D)
    l1br = lin1_b.reshape(1, D)
    l2br = lin2_b.reshape(1, D)
    batch3 = batchp.reshape(GRID, 1, BLK)

    ones_rows = jnp.ones((C, D), jnp.float32)
    zrows = jnp.zeros((C, D), jnp.float32)

    degc = _sc_deg(zrows, src, dst, zrows, ones_rows)
    deg0, deg1 = degc[:NP], degc[NP:]
    hp1 = _tc1(deg0, deg1, xp, W1)
    pc = _sc_agg(hp1, src, dst, zrows, ones_rows)
    p0, p1 = pc[:NP], pc[NP:]
    hp2 = _tc_mid(deg0, deg1, p0, p1, hp1, b1r, W2)
    pc = _sc_agg(hp2, src, dst, zrows, ones_rows)
    p0, p1 = pc[:NP], pc[NP:]
    hp3 = _tc_mid(deg0, deg1, p0, p1, hp2, b2r, W3)
    pc = _sc_agg(hp3, src, dst, zrows, ones_rows)
    p0, p1 = pc[:NP], pc[NP:]
    out = _tc_head(deg0, deg1, p0, p1, hp3, b3r, batch3,
                   lin1_w, l1br, lin2_w, l2br)
    return out

# --- scband reference (transcript-rebuilt; emitter-appended) ---
"""Pipeline reference for scband-gnn-40690520163162 (READ-ONLY COPY).

The authoritative reference and input builder live on the scoring server;
editing this copy changes nothing except your own understanding.
"""

import jax, jax.numpy as jnp
import numpy as np

N = 10000
E = 320000
D_IN = 128
D_HID = 128
D_OUT = 128
G = 64  # number of graphs in the batch


def setup_inputs(seed: int = 0) -> dict:
    key = jax.random.key(seed)
    ks = jax.random.split(key, 14)
    x = jax.random.normal(ks[0], (N, D_IN), dtype=jnp.float32)
    edge_index = jax.random.randint(ks[1], (2, E), 0, N, dtype=jnp.int32)
    batch = jnp.sort(jax.random.randint(ks[2], (N,), 0, G, dtype=jnp.int32))
    s = 0.05
    W1 = jax.random.normal(ks[3], (D_IN, D_HID), dtype=jnp.float32) * s
    b1 = jnp.zeros((D_HID,), dtype=jnp.float32)
    W2 = jax.random.normal(ks[4], (D_HID, D_HID), dtype=jnp.float32) * s
    b2 = jnp.zeros((D_HID,), dtype=jnp.float32)
    W3 = jax.random.normal(ks[5], (D_HID, D_HID), dtype=jnp.float32) * s
    b3 = jnp.zeros((D_HID,), dtype=jnp.float32)
    lin1_w = jax.random.normal(ks[6], (D_HID, D_HID), dtype=jnp.float32) * s
    lin1_b = jnp.zeros((D_HID,), dtype=jnp.float32)
    lin2_w = jax.random.normal(ks[7], (D_HID, D_OUT), dtype=jnp.float32) * s
    lin2_b = jnp.zeros((D_OUT,), dtype=jnp.float32)
    return {
        "x": x, "edge_index": edge_index, "batch": batch,
        "W1": W1, "b1": b1, "W2": W2, "b2": b2, "W3": W3, "b3": b3,
        "lin1_w": lin1_w, "lin1_b": lin1_b, "lin2_w": lin2_w, "lin2_b": lin2_b,
    }


def _gcn_conv(x, edge_index, W, b):
    # GCNConv: add self loops, symmetric normalization, linear transform, scatter-add aggregate
    loop = jnp.arange(N, dtype=edge_index.dtype)
    src = jnp.concatenate([edge_index[0], loop])
    dst = jnp.concatenate([edge_index[1], loop])
    ones = jnp.ones(src.shape[0], dtype=x.dtype)
    deg = jax.ops.segment_sum(ones, dst, num_segments=N)
    dinv = jnp.where(deg > 0, jax.lax.rsqrt(deg), 0.0)
    norm = dinv[src] * dinv[dst]
    h = x @ W
    msg = h[src] * norm[:, None]
    out = jax.ops.segment_sum(msg, dst, num_segments=N)
    return out + b


def _global_mean_pool(x, batch):
    sums = jax.ops.segment_sum(x, batch, num_segments=G)
    counts = jax.ops.segment_sum(jnp.ones((x.shape[0],), dtype=x.dtype), batch, num_segments=G)
    counts = jnp.maximum(counts, 1.0)
    return sums / counts[:, None]


def reference(x, edge_index, batch, W1, b1, W2, b2, W3, b3, lin1_w, lin1_b, lin2_w, lin2_b):
    h = jax.nn.relu(_gcn_conv(x, edge_index, W1, b1))
    h = jax.nn.relu(_gcn_conv(h, edge_index, W2, b2))
    h = jax.nn.relu(_gcn_conv(h, edge_index, W3, b3))
    g = _global_mean_pool(h, batch)
    # dropout is identity in eval mode
    g = jax.nn.relu(g @ lin1_w + lin1_b)
    out = g @ lin2_w + lin2_b
    return out

if __name__ == "__main__":
    import jax
    _d = setup_inputs()
    print(jax.jit(kernel)(*tuple(_d.values())))

</pallas_src>

<mosaic_0001>
#map = affine_map<(d0, d1) -> (0, 0)>
#map1 = affine_map<(d0, d1) -> (0, 0, 0)>
module attributes {stable_mosaic.version = 14 : i64} {
  func.func @body(%arg0: i32, %arg1: i32, %arg2: memref<10240x128xf32, #tpu.memory_space<hbm>>, %arg3: memref<32x125x80xi32, #tpu.memory_space<hbm>>, %arg4: memref<32x125x80xi32, #tpu.memory_space<hbm>>, %arg5: memref<80x128xf32, #tpu.memory_space<hbm>>, %arg6: memref<80x128xf32, #tpu.memory_space<hbm>>, %arg7: memref<20480x128xf32, #tpu.memory_space<hbm>>, %arg8: memref<80xi32, #tpu.memory_space<vmem>>, %arg9: memref<80xi32, #tpu.memory_space<vmem>>, %arg10: memref<125x80xi32, #tpu.memory_space<vmem>>, %arg11: memref<80x128xf32, #tpu.memory_space<vmem>>, %arg12: memref<80x128xf32, #tpu.memory_space<vmem>>, %arg13: memref<10240x128xf32, #tpu.memory_space<vmem_shared>>, %arg14: memref<!tpu.dma_semaphore, #tpu.memory_space<semaphore_mem>>, %arg15: memref<!tpu.dma_semaphore, #tpu.memory_space<semaphore_mem>>) attributes {dimension_semantics = [#tpu.dimension_semantics<core_parallel>, #tpu.dimension_semantics<subcore_parallel>], iteration_bounds = array<i64: 2, 16>, scalar_prefetch = 0 : i64, scratch_operands = 8 : i64, tpu.core_type = #tpu.core_type<sc_vector_subcore>, window_params = [{transform_indices = #map}, {transform_indices = #map1}, {transform_indices = #map1}, {transform_indices = #map}, {transform_indices = #map}, {transform_indices = #map}]} {
    %mul3A = arith.constant 2 : i32
    %mul3A_0 = arith.muli %arg1, %mul3A : i32
    %add3A = arith.addi %mul3A_0, %arg0 : i32
    "tpu.region"() ({
      %run_scoped3A_133 = tpu.sem_alloc : memref<!tpu.dma_semaphore, #tpu.memory_space<semaphore_mem>>
      tpu.enqueue_dma source(%arg5 : memref<80x128xf32, #tpu.memory_space<hbm>>) target(%arg11 : memref<80x128xf32, #tpu.memory_space<vmem>>) target_semaphore(%run_scoped3A_133 : memref<!tpu.dma_semaphore, #tpu.memory_space<semaphore_mem>>)
      tpu.wait_dma2 semaphore(%run_scoped3A_133 : memref<!tpu.dma_semaphore, #tpu.memory_space<semaphore_mem>>) src(%arg5 : memref<80x128xf32, #tpu.memory_space<hbm>>) dst(%arg11 : memref<80x128xf32, #tpu.memory_space<vmem>>)
      tpu.yield
    }) : () -> ()
    %mul3A_1 = arith.constant 640 : i32
    %mul3A_2 = arith.muli %arg1, %mul3A_1 : i32
    %add3A_3 = arith.constant 0 : i32
    %add3A_4 = arith.addi %mul3A_2, %add3A_3 : i32
    "tpu.region"() ({
      %run_scoped3A_133 = tpu.sem_alloc : memref<!tpu.dma_semaphore, #tpu.memory_space<semaphore_mem>>
      %dma_start3A_134 = arith.constant 0 : i32
      %dma_start3A_135 = tpu.memref_slice %arg13[%add3A_4, %dma_start3A_134] : memref<10240x128xf32, #tpu.memory_space<vmem_shared>> -> memref<80x128xf32, #tpu.memory_space<vmem_shared>>
      %dma_start3A_136 = arith.constant 0 : i32
      %dma_start3A_137 = tpu.memref_slice %arg13[%add3A_4, %dma_start3A_136] : memref<10240x128xf32, #tpu.memory_space<vmem_shared>> -> memref<80x128xf32, #tpu.memory_space<vmem_shared>>
      tpu.enqueue_dma source(%arg11 : memref<80x128xf32, #tpu.memory_space<vmem>>) target(%dma_start3A_137 : memref<80x128xf32, #tpu.memory_space<vmem_shared>>) target_semaphore(%run_scoped3A_133 : memref<!tpu.dma_semaphore, #tpu.memory_space<semaphore_mem>>)
      %dma_wait3A_138 = arith.constant 0 : i32
      %dma_wait3A_139 = tpu.memref_slice %arg13[%add3A_4, %dma_wait3A_138] : memref<10240x128xf32, #tpu.memory_space<vmem_shared>> -> memref<80x128xf32, #tpu.memory_space<vmem_shared>>
      %dma_wait3A_140 = arith.constant 0 : i32
      %dma_wait3A_141 = tpu.memref_slice %arg13[%add3A_4, %dma_wait3A_140] : memref<10240x128xf32, #tpu.memory_space<vmem_shared>> -> memref<80x128xf32, #tpu.memory_space<vmem_shared>>
      tpu.wait_dma2 semaphore(%run_scoped3A_133 : memref<!tpu.dma_semaphore, #tpu.memory_space<semaphore_mem>>) src(%arg11 : memref<80x128xf32, #tpu.memory_space<vmem>>) dst(%dma_wait3A_141 : memref<80x128xf32, #tpu.memory_space<vmem_shared>>)
      tpu.yield
    }) : () -> ()
    %mul3A_5 = arith.constant 640 : i32
    %mul3A_6 = arith.muli %arg1, %mul3A_5 : i32
    %add3A_7 = arith.constant 80 : i32
    %add3A_8 = arith.addi %mul3A_6, %add3A_7 : i32
    "tpu.region"() ({
      %run_scoped3A_133 = tpu.sem_alloc : memref<!tpu.dma_semaphore, #tpu.memory_space<semaphore_mem>>
      %dma_start3A_134 = arith.constant 0 : i32
      %dma_start3A_135 = tpu.memref_slice %arg13[%add3A_8, %dma_start3A_134] : memref<10240x128xf32, #tpu.memory_space<vmem_shared>> -> memref<80x128xf32, #tpu.memory_space<vmem_shared>>
      %dma_start3A_136 = arith.constant 0 : i32
      %dma_start3A_137 = tpu.memref_slice %arg13[%add3A_8, %dma_start3A_136] : memref<10240x128xf32, #tpu.memory_space<vmem_shared>> -> memref<80x128xf32, #tpu.memory_space<vmem_shared>>
      tpu.enqueue_dma source(%arg11 : memref<80x128xf32, #tpu.memory_space<vmem>>) target(%dma_start3A_137 : memref<80x128xf32, #tpu.memory_space<vmem_shared>>) target_semaphore(%run_scoped3A_133 : memref<!tpu.dma_semaphore, #tpu.memory_space<semaphore_mem>>)
      %dma_wait3A_138 = arith.constant 0 : i32
      %dma_wait3A_139 = tpu.memref_slice %arg13[%add3A_8, %dma_wait3A_138] : memref<10240x128xf32, #tpu.memory_space<vmem_shared>> -> memref<80x128xf32, #tpu.memory_space<vmem_shared>>
      %dma_wait3A_140 = arith.constant 0 : i32
      %dma_wait3A_141 = tpu.memref_slice %arg13[%add3A_8, %dma_wait3A_140] : memref<10240x128xf32, #tpu.memory_space<vmem_shared>> -> memref<80x128xf32, #tpu.memory_space<vmem_shared>>
      tpu.wait_dma2 semaphore(%run_scoped3A_133 : memref<!tpu.dma_semaphore, #tpu.memory_space<semaphore_mem>>) src(%arg11 : memref<80x128xf32, #tpu.memory_space<vmem>>) dst(%dma_wait3A_141 : memref<80x128xf32, #tpu.memory_space<vmem_shared>>)
      tpu.yield
    }) : () -> ()
    %mul3A_9 = arith.constant 640 : i32
    %mul3A_10 = arith.muli %arg1, %mul3A_9 : i32
    %add3A_11 = arith.constant 160 : i32
    %add3A_12 = arith.addi %mul3A_10, %add3A_11 : i32
    "tpu.region"() ({
      %run_scoped3A_133 = tpu.sem_alloc : memref<!tpu.dma_semaphore, #tpu.memory_space<semaphore_mem>>
      %dma_start3A_134 = arith.constant 0 : i32
      %dma_start3A_135 = tpu.memref_slice %arg13[%add3A_12, %dma_start3A_134] : memref<10240x128xf32, #tpu.memory_space<vmem_shared>> -> memref<80x128xf32, #tpu.memory_space<vmem_shared>>
      %dma_start3A_136 = arith.constant 0 : i32
      %dma_start3A_137 = tpu.memref_slice %arg13[%add3A_12, %dma_start3A_136] : memref<10240x128xf32, #tpu.memory_space<vmem_shared>> -> memref<80x128xf32, #tpu.memory_space<vmem_shared>>
      tpu.enqueue_dma source(%arg11 : memref<80x128xf32, #tpu.memory_space<vmem>>) target(%dma_start3A_137 : memref<80x128xf32, #tpu.memory_space<vmem_shared>>) target_semaphore(%run_scoped3A_133 : memref<!tpu.dma_semaphore, #tpu.memory_space<semaphore_mem>>)
      %dma_wait3A_138 = arith.constant 0 : i32
      %dma_wait3A_139 = tpu.memref_slice %arg13[%add3A_12, %dma_wait3A_138] : memref<10240x128xf32, #tpu.memory_space<vmem_shared>> -> memref<80x128xf32, #tpu.memory_space<vmem_shared>>
      %dma_wait3A_140 = arith.constant 0 : i32
      %dma_wait3A_141 = tpu.memref_slice %arg13[%add3A_12, %dma_wait3A_140] : memref<10240x128xf32, #tpu.memory_space<vmem_shared>> -> memref<80x128xf32, #tpu.memory_space<vmem_shared>>
      tpu.wait_dma2 semaphore(%run_scoped3A_133 : memref<!tpu.dma_semaphore, #tpu.memory_space<semaphore_mem>>) src(%arg11 : memref<80x128xf32, #tpu.memory_space<vmem>>) dst(%dma_wait3A_141 : memref<80x128xf32, #tpu.memory_space<vmem_shared>>)
      tpu.yield
    }) : () -> ()
    %mul3A_13 = arith.constant 640 : i32
    %mul3A_14 = arith.muli %arg1, %mul3A_13 : i32
    %add3A_15 = arith.constant 240 : i32
    %add3A_16 = arith.addi %mul3A_14, %add3A_15 : i32
    "tpu.region"() ({
      %run_scoped3A_133 = tpu.sem_alloc : memref<!tpu.dma_semaphore, #tpu.memory_space<semaphore_mem>>
      %dma_start3A_134 = arith.constant 0 : i32
      %dma_start3A_135 = tpu.memref_slice %arg13[%add3A_16, %dma_start3A_134] : memref<10240x128xf32, #tpu.memory_space<vmem_shared>> -> memref<80x128xf32, #tpu.memory_space<vmem_shared>>
      %dma_start3A_136 = arith.constant 0 : i32
      %dma_start3A_137 = tpu.memref_slice %arg13[%add3A_16, %dma_start3A_136] : memref<10240x128xf32, #tpu.memory_space<vmem_shared>> -> memref<80x128xf32, #tpu.memory_space<vmem_shared>>
      tpu.enqueue_dma source(%arg11 : memref<80x128xf32, #tpu.memory_space<vmem>>) target(%dma_start3A_137 : memref<80x128xf32, #tpu.memory_space<vmem_shared>>) target_semaphore(%run_scoped3A_133 : memref<!tpu.dma_semaphore, #tpu.memory_space<semaphore_mem>>)
      %dma_wait3A_138 = arith.constant 0 : i32
      %dma_wait3A_139 = tpu.memref_slice %arg13[%add3A_16, %dma_wait3A_138] : memref<10240x128xf32, #tpu.memory_space<vmem_shared>> -> memref<80x128xf32, #tpu.memory_space<vmem_shared>>
      %dma_wait3A_140 = arith.constant 0 : i32
      %dma_wait3A_141 = tpu.memref_slice %arg13[%add3A_16, %dma_wait3A_140] : memref<10240x128xf32, #tpu.memory_space<vmem_shared>> -> memref<80x128xf32, #tpu.memory_space<vmem_shared>>
      tpu.wait_dma2 semaphore(%run_scoped3A_133 : memref<!tpu.dma_semaphore, #tpu.memory_space<semaphore_mem>>) src(%arg11 : memref<80x128xf32, #tpu.memory_space<vmem>>) dst(%dma_wait3A_141 : memref<80x128xf32, #tpu.memory_space<vmem_shared>>)
      tpu.yield
    }) : () -> ()
    %mul3A_17 = arith.constant 640 : i32
    %mul3A_18 = arith.muli %arg1, %mul3A_17 : i32
    %add3A_19 = arith.constant 320 : i32
    %add3A_20 = arith.addi %mul3A_18, %add3A_19 : i32
    "tpu.region"() ({
      %run_scoped3A_133 = tpu.sem_alloc : memref<!tpu.dma_semaphore, #tpu.memory_space<semaphore_mem>>
      %dma_start3A_134 = arith.constant 0 : i32
      %dma_start3A_135 = tpu.memref_slice %arg13[%add3A_20, %dma_start3A_134] : memref<10240x128xf32, #tpu.memory_space<vmem_shared>> -> memref<80x128xf32, #tpu.memory_space<vmem_shared>>
      %dma_start3A_136 = arith.constant 0 : i32
      %dma_start3A_137 = tpu.memref_slice %arg13[%add3A_20, %dma_start3A_136] : memref<10240x128xf32, #tpu.memory_space<vmem_shared>> -> memref<80x128xf32, #tpu.memory_space<vmem_shared>>
      tpu.enqueue_dma source(%arg11 : memref<80x128xf32, #tpu.memory_space<vmem>>) target(%dma_start3A_137 : memref<80x128xf32, #tpu.memory_space<vmem_shared>>) target_semaphore(%run_scoped3A_133 : memref<!tpu.dma_semaphore, #tpu.memory_space<semaphore_mem>>)
      %dma_wait3A_138 = arith.constant 0 : i32
      %dma_wait3A_139 = tpu.memref_slice %arg13[%add3A_20, %dma_wait3A_138] : memref<10240x128xf32, #tpu.memory_space<vmem_shared>> -> memref<80x128xf32, #tpu.memory_space<vmem_shared>>
      %dma_wait3A_140 = arith.constant 0 : i32
      %dma_wait3A_141 = tpu.memref_slice %arg13[%add3A_20, %dma_wait3A_140] : memref<10240x128xf32, #tpu.memory_space<vmem_shared>> -> memref<80x128xf32, #tpu.memory_space<vmem_shared>>
      tpu.wait_dma2 semaphore(%run_scoped3A_133 : memref<!tpu.dma_semaphore, #tpu.memory_space<semaphore_mem>>) src(%arg11 : memref<80x128xf32, #tpu.memory_space<vmem>>) dst(%dma_wait3A_141 : memref<80x128xf32, #tpu.memory_space<vmem_shared>>)
      tpu.yield
    }) : () -> ()
    %mul3A_21 = arith.constant 640 : i32
    %mul3A_22 = arith.muli %arg1, %mul3A_21 : i32
    %add3A_23 = arith.constant 400 : i32
    %add3A_24 = arith.addi %mul3A_22, %add3A_23 : i32
    "tpu.region"() ({
      %run_scoped3A_133 = tpu.sem_alloc : memref<!tpu.dma_semaphore, #tpu.memory_space<semaphore_mem>>
      %dma_start3A_134 = arith.constant 0 : i32
      %dma_start3A_135 = tpu.memref_slice %arg13[%add3A_24, %dma_start3A_134] : memref<10240x128xf32, #tpu.memory_space<vmem_shared>> -> memref<80x128xf32, #tpu.memory_space<vmem_shared>>
      %dma_start3A_136 = arith.constant 0 : i32
      %dma_start3A_137 = tpu.memref_slice %arg13[%add3A_24, %dma_start3A_136] : memref<10240x128xf32, #tpu.memory_space<vmem_shared>> -> memref<80x128xf32, #tpu.memory_space<vmem_shared>>
      tpu.enqueue_dma source(%arg11 : memref<80x128xf32, #tpu.memory_space<vmem>>) target(%dma_start3A_137 : memref<80x128xf32, #tpu.memory_space<vmem_shared>>) target_semaphore(%run_scoped3A_133 : memref<!tpu.dma_semaphore, #tpu.memory_space<semaphore_mem>>)
      %dma_wait3A_138 = arith.constant 0 : i32
      %dma_wait3A_139 = tpu.memref_slice %arg13[%add3A_24, %dma_wait3A_138] : memref<10240x128xf32, #tpu.memory_space<vmem_shared>> -> memref<80x128xf32, #tpu.memory_space<vmem_shared>>
      %dma_wait3A_140 = arith.constant 0 : i32
      %dma_wait3A_141 = tpu.memref_slice %arg13[%add3A_24, %dma_wait3A_140] : memref<10240x128xf32, #tpu.memory_space<vmem_shared>> -> memref<80x128xf32, #tpu.memory_space<vmem_shared>>
      tpu.wait_dma2 semaphore(%run_scoped3A_133 : memref<!tpu.dma_semaphore, #tpu.memory_space<semaphore_mem>>) src(%arg11 : memref<80x128xf32, #tpu.memory_space<vmem>>) dst(%dma_wait3A_141 : memref<80x128xf32, #tpu.memory_space<vmem_shared>>)
      tpu.yield
    }) : () -> ()
    %mul3A_25 = arith.constant 640 : i32
    %mul3A_26 = arith.muli %arg1, %mul3A_25 : i32
    %add3A_27 = arith.constant 480 : i32
    %add3A_28 = arith.addi %mul3A_26, %add3A_27 : i32
    "tpu.region"() ({
      %run_scoped3A_133 = tpu.sem_alloc : memref<!tpu.dma_semaphore, #tpu.memory_space<semaphore_mem>>
      %dma_start3A_134 = arith.constant 0 : i32
      %dma_start3A_135 = tpu.memref_slice %arg13[%add3A_28, %dma_start3A_134] : memref<10240x128xf32, #tpu.memory_space<vmem_shared>> -> memref<80x128xf32, #tpu.memory_space<vmem_shared>>
      %dma_start3A_136 = arith.constant 0 : i32
      %dma_start3A_137 = tpu.memref_slice %arg13[%add3A_28, %dma_start3A_136] : memref<10240x128xf32, #tpu.memory_space<vmem_shared>> -> memref<80x128xf32, #tpu.memory_space<vmem_shared>>
      tpu.enqueue_dma source(%arg11 : memref<80x128xf32, #tpu.memory_space<vmem>>) target(%dma_start3A_137 : memref<80x128xf32, #tpu.memory_space<vmem_shared>>) target_semaphore(%run_scoped3A_133 : memref<!tpu.dma_semaphore, #tpu.memory_space<semaphore_mem>>)
      %dma_wait3A_138 = arith.constant 0 : i32
      %dma_wait3A_139 = tpu.memref_slice %arg13[%add3A_28, %dma_wait3A_138] : memref<10240x128xf32, #tpu.memory_space<vmem_shared>> -> memref<80x128xf32, #tpu.memory_space<vmem_shared>>
      %dma_wait3A_140 = arith.constant 0 : i32
      %dma_wait3A_141 = tpu.memref_slice %arg13[%add3A_28, %dma_wait3A_140] : memref<10240x128xf32, #tpu.memory_space<vmem_shared>> -> memref<80x128xf32, #tpu.memory_space<vmem_shared>>
      tpu.wait_dma2 semaphore(%run_scoped3A_133 : memref<!tpu.dma_semaphore, #tpu.memory_space<semaphore_mem>>) src(%arg11 : memref<80x128xf32, #tpu.memory_space<vmem>>) dst(%dma_wait3A_141 : memref<80x128xf32, #tpu.memory_space<vmem_shared>>)
      tpu.yield
    }) : () -> ()
    %mul3A_29 = arith.constant 640 : i32
    %mul3A_30 = arith.muli %arg1, %mul3A_29 : i32
    %add3A_31 = arith.constant 560 : i32
    %add3A_32 = arith.addi %mul3A_30, %add3A_31 : i32
    "tpu.region"() ({
      %run_scoped3A_133 = tpu.sem_alloc : memref<!tpu.dma_semaphore, #tpu.memory_space<semaphore_mem>>
      %dma_start3A_134 = arith.constant 0 : i32
      %dma_start3A_135 = tpu.memref_slice %arg13[%add3A_32, %dma_start3A_134] : memref<10240x128xf32, #tpu.memory_space<vmem_shared>> -> memref<80x128xf32, #tpu.memory_space<vmem_shared>>
      %dma_start3A_136 = arith.constant 0 : i32
      %dma_start3A_137 = tpu.memref_slice %arg13[%add3A_32, %dma_start3A_136] : memref<10240x128xf32, #tpu.memory_space<vmem_shared>> -> memref<80x128xf32, #tpu.memory_space<vmem_shared>>
      tpu.enqueue_dma source(%arg11 : memref<80x128xf32, #tpu.memory_space<vmem>>) target(%dma_start3A_137 : memref<80x128xf32, #tpu.memory_space<vmem_shared>>) target_semaphore(%run_scoped3A_133 : memref<!tpu.dma_semaphore, #tpu.memory_space<semaphore_mem>>)
      %dma_wait3A_138 = arith.constant 0 : i32
      %dma_wait3A_139 = tpu.memref_slice %arg13[%add3A_32, %dma_wait3A_138] : memref<10240x128xf32, #tpu.memory_space<vmem_shared>> -> memref<80x128xf32, #tpu.memory_space<vmem_shared>>
      %dma_wait3A_140 = arith.constant 0 : i32
      %dma_wait3A_141 = tpu.memref_slice %arg13[%add3A_32, %dma_wait3A_140] : memref<10240x128xf32, #tpu.memory_space<vmem_shared>> -> memref<80x128xf32, #tpu.memory_space<vmem_shared>>
      tpu.wait_dma2 semaphore(%run_scoped3A_133 : memref<!tpu.dma_semaphore, #tpu.memory_space<semaphore_mem>>) src(%arg11 : memref<80x128xf32, #tpu.memory_space<vmem>>) dst(%dma_wait3A_141 : memref<80x128xf32, #tpu.memory_space<vmem_shared>>)
      tpu.yield
    }) : () -> ()
    "tpu.region"() ({
      %run_scoped3A_133 = tpu.sem_alloc : memref<!tpu.dma_semaphore, #tpu.memory_space<semaphore_mem>>
      %dma_start3A_134 = arith.constant 0 : i32
      %dma_start3A_135 = arith.constant 0 : i32
      %dma_start3A_136 = tpu.memref_slice %arg4[%add3A, %dma_start3A_134, %dma_start3A_135] : memref<32x125x80xi32, #tpu.memory_space<hbm>> -> memref<1x125x80xi32, #tpu.memory_space<hbm>>
      %dma_start3A_137 = tpu.memref_squeeze %dma_start3A_136 : memref<1x125x80xi32, #tpu.memory_space<hbm>> -> memref<125x80xi32, #tpu.memory_space<hbm>>
      %dma_start3A_138 = arith.constant 0 : i32
      %dma_start3A_139 = arith.constant 0 : i32
      %dma_start3A_140 = tpu.memref_slice %arg4[%add3A, %dma_start3A_138, %dma_start3A_139] : memref<32x125x80xi32, #tpu.memory_space<hbm>> -> memref<1x125x80xi32, #tpu.memory_space<hbm>>
      %dma_start3A_141 = tpu.memref_squeeze %dma_start3A_140 : memref<1x125x80xi32, #tpu.memory_space<hbm>> -> memref<125x80xi32, #tpu.memory_space<hbm>>
      tpu.enqueue_dma source(%dma_start3A_141 : memref<125x80xi32, #tpu.memory_space<hbm>>) target(%arg10 : memref<125x80xi32, #tpu.memory_space<vmem>>) target_semaphore(%run_scoped3A_133 : memref<!tpu.dma_semaphore, #tpu.memory_space<semaphore_mem>>)
      %dma_wait3A_142 = arith.constant 0 : i32
      %dma_wait3A_143 = arith.constant 0 : i32
      %dma_wait3A_144 = tpu.memref_slice %arg4[%add3A, %dma_wait3A_142, %dma_wait3A_143] : memref<32x125x80xi32, #tpu.memory_space<hbm>> -> memref<1x125x80xi32, #tpu.memory_space<hbm>>
      %dma_wait3A_145 = tpu.memref_squeeze %dma_wait3A_144 : memref<1x125x80xi32, #tpu.memory_space<hbm>> -> memref<125x80xi32, #tpu.memory_space<hbm>>
      %dma_wait3A_146 = arith.constant 0 : i32
      %dma_wait3A_147 = arith.constant 0 : i32
      %dma_wait3A_148 = tpu.memref_slice %arg4[%add3A, %dma_wait3A_146, %dma_wait3A_147] : memref<32x125x80xi32, #tpu.memory_space<hbm>> -> memref<1x125x80xi32, #tpu.memory_space<hbm>>
      %dma_wait3A_149 = tpu.memref_squeeze %dma_wait3A_148 : memref<1x125x80xi32, #tpu.memory_space<hbm>> -> memref<125x80xi32, #tpu.memory_space<hbm>>
      tpu.wait_dma2 semaphore(%run_scoped3A_133 : memref<!tpu.dma_semaphore, #tpu.memory_space<semaphore_mem>>) src(%dma_wait3A_149 : memref<125x80xi32, #tpu.memory_space<hbm>>) dst(%arg10 : memref<125x80xi32, #tpu.memory_space<vmem>>)
      tpu.yield
    }) : () -> ()
    %barrier3A = arith.constant 0 : index
    tpu.barrier barrier_id(%barrier3A)
    %run_scoped3A = arith.constant 0 : i32
    "tpu.region"() ({
      %run_scoped3A_133 = tpu.sem_alloc : memref<!tpu.dma_semaphore, #tpu.memory_space<semaphore_mem>>
      %dma_start3A_134 = arith.constant 0 : i32
      %dma_start3A_135 = tpu.memref_slice %arg3[%add3A, %run_scoped3A, %dma_start3A_134] : memref<32x125x80xi32, #tpu.memory_space<hbm>> -> memref<1x1x80xi32, #tpu.memory_space<hbm>>
      %dma_start3A_136 = tpu.memref_squeeze %dma_start3A_135 : memref<1x1x80xi32, #tpu.memory_space<hbm>> -> memref<80xi32, #tpu.memory_space<hbm>>
      %dma_start3A_137 = arith.constant 0 : i32
      %dma_start3A_138 = tpu.memref_slice %arg3[%add3A, %run_scoped3A, %dma_start3A_137] : memref<32x125x80xi32, #tpu.memory_space<hbm>> -> memref<1x1x80xi32, #tpu.memory_space<hbm>>
      %dma_start3A_139 = tpu.memref_squeeze %dma_start3A_138 : memref<1x1x80xi32, #tpu.memory_space<hbm>> -> memref<80xi32, #tpu.memory_space<hbm>>
      tpu.enqueue_dma source(%dma_start3A_139 : memref<80xi32, #tpu.memory_space<hbm>>) target(%arg8 : memref<80xi32, #tpu.memory_space<vmem>>) target_semaphore(%run_scoped3A_133 : memref<!tpu.dma_semaphore, #tpu.memory_space<semaphore_mem>>)
      %dma_wait3A_140 = arith.constant 0 : i32
      %dma_wait3A_141 = tpu.memref_slice %arg3[%add3A, %run_scoped3A, %dma_wait3A_140] : memref<32x125x80xi32, #tpu.memory_space<hbm>> -> memref<1x1x80xi32, #tpu.memory_space<hbm>>
      %dma_wait3A_142 = tpu.memref_squeeze %dma_wait3A_141 : memref<1x1x80xi32, #tpu.memory_space<hbm>> -> memref<80xi32, #tpu.memory_space<hbm>>
      %dma_wait3A_143 = arith.constant 0 : i32
      %dma_wait3A_144 = tpu.memref_slice %arg3[%add3A, %run_scoped3A, %dma_wait3A_143] : memref<32x125x80xi32, #tpu.memory_space<hbm>> -> memref<1x1x80xi32, #tpu.memory_space<hbm>>
      %dma_wait3A_145 = tpu.memref_squeeze %dma_wait3A_144 : memref<1x1x80xi32, #tpu.memory_space<hbm>> -> memref<80xi32, #tpu.memory_space<hbm>>
      tpu.wait_dma2 semaphore(%run_scoped3A_133 : memref<!tpu.dma_semaphore, #tpu.memory_space<semaphore_mem>>) src(%dma_wait3A_145 : memref<80xi32, #tpu.memory_space<hbm>>) dst(%arg8 : memref<80xi32, #tpu.memory_space<vmem>>)
      tpu.yield
    }) : () -> ()
    %dma_start3A = arith.constant 0 : i32
    %dma_start3A_33 = arith.constant 0 : i32
    %dma_start3A_34 = tpu.memref_slice %arg2[%dma_start3A, %dma_start3A_33] : memref<10240x128xf32, #tpu.memory_space<hbm>> -> memref<10240x128xf32, #tpu.memory_space<hbm>>
    tpu.enqueue_indirect_dma source(%dma_start3A_34 : memref<10240x128xf32, #tpu.memory_space<hbm>>) target(%arg11 : memref<80x128xf32, #tpu.memory_space<vmem>>) offsets(%arg8 : memref<80xi32, #tpu.memory_space<vmem>>) semaphore(%arg14 : memref<!tpu.dma_semaphore, #tpu.memory_space<semaphore_mem>>)
    %scan3A = arith.constant 0 : i32
    %scan3A_35 = arith.constant 0 : i32
    %scan3A_36 = arith.constant 62 : i32
    %scan3A_37 = arith.addi %scan3A_35, %scan3A_36 : i32
    %scan3A_38 = arith.constant 1 : i32
    %scan3A_39 = scf.for %scan3A_133 = %scan3A_35 to %scan3A_37 step %scan3A_38 iter_args(%scan3A_134 = %scan3A) -> (i32)  : i32 {
      %mul3A_135 = arith.constant 2 : i32
      %mul3A_136 = arith.muli %mul3A_135, %scan3A_133 : i32
      %add3A_137 = arith.constant 1 : i32
      %add3A_138 = arith.addi %mul3A_136, %add3A_137 : i32
      "tpu.region"() ({
        %run_scoped3A_156 = tpu.sem_alloc : memref<!tpu.dma_semaphore, #tpu.memory_space<semaphore_mem>>
        %dma_start3A_157 = arith.constant 0 : i32
        %dma_start3A_158 = tpu.memref_slice %arg3[%add3A, %add3A_138, %dma_start3A_157] : memref<32x125x80xi32, #tpu.memory_space<hbm>> -> memref<1x1x80xi32, #tpu.memory_space<hbm>>
        %dma_start3A_159 = tpu.memref_squeeze %dma_start3A_158 : memref<1x1x80xi32, #tpu.memory_space<hbm>> -> memref<80xi32, #tpu.memory_space<hbm>>
        %dma_start3A_160 = arith.constant 0 : i32
        %dma_start3A_161 = tpu.memref_slice %arg3[%add3A, %add3A_138, %dma_start3A_160] : memref<32x125x80xi32, #tpu.memory_space<hbm>> -> memref<1x1x80xi32, #tpu.memory_space<hbm>>
        %dma_start3A_162 = tpu.memref_squeeze %dma_start3A_161 : memref<1x1x80xi32, #tpu.memory_space<hbm>> -> memref<80xi32, #tpu.memory_space<hbm>>
        tpu.enqueue_dma source(%dma_start3A_162 : memref<80xi32, #tpu.memory_space<hbm>>) target(%arg9 : memref<80xi32, #tpu.memory_space<vmem>>) target_semaphore(%run_scoped3A_156 : memref<!tpu.dma_semaphore, #tpu.memory_space<semaphore_mem>>)
        %dma_wait3A_163 = arith.constant 0 : i32
        %dma_wait3A_164 = tpu.memref_slice %arg3[%add3A, %add3A_138, %dma_wait3A_163] : memref<32x125x80xi32, #tpu.memory_space<hbm>> -> memref<1x1x80xi32, #tpu.memory_space<hbm>>
        %dma_wait3A_165 = tpu.memref_squeeze %dma_wait3A_164 : memref<1x1x80xi32, #tpu.memory_space<hbm>> -> memref<80xi32, #tpu.memory_space<hbm>>
        %dma_wait3A_166 = arith.constant 0 : i32
        %dma_wait3A_167 = tpu.memref_slice %arg3[%add3A, %add3A_138, %dma_wait3A_166] : memref<32x125x80xi32, #tpu.memory_space<hbm>> -> memref<1x1x80xi32, #tpu.memory_space<hbm>>
        %dma_wait3A_168 = tpu.memref_squeeze %dma_wait3A_167 : memref<1x1x80xi32, #tpu.memory_space<hbm>> -> memref<80xi32, #tpu.memory_space<hbm>>
        tpu.wait_dma2 semaphore(%run_scoped3A_156 : memref<!tpu.dma_semaphore, #tpu.memory_space<semaphore_mem>>) src(%dma_wait3A_168 : memref<80xi32, #tpu.memory_space<hbm>>) dst(%arg9 : memref<80xi32, #tpu.memory_space<vmem>>)
        tpu.yield
      }) : () -> ()
      %dma_start3A_139 = arith.constant 0 : i32
      %dma_start3A_140 = arith.constant 0 : i32
      %dma_start3A_141 = tpu.memref_slice %arg2[%dma_start3A_139, %dma_start3A_140] : memref<10240x128xf32, #tpu.memory_space<hbm>> -> memref<10240x128xf32, #tpu.memory_space<hbm>>
      tpu.enqueue_indirect_dma source(%dma_start3A_141 : memref<10240x128xf32, #tpu.memory_space<hbm>>) target(%arg12 : memref<80x128xf32, #tpu.memory_space<vmem>>) offsets(%arg9 : memref<80xi32, #tpu.memory_space<vmem>>) semaphore(%arg15 : memref<!tpu.dma_semaphore, #tpu.memory_space<semaphore_mem>>)
      %dma_wait3A_142 = arith.constant 0 : i32
      %dma_wait3A_143 = arith.constant 0 : i32
      %dma_wait3A_144 = tpu.memref_slice %arg2[%dma_wait3A_142, %dma_wait3A_143] : memref<10240x128xf32, #tpu.memory_space<hbm>> -> memref<10240x128xf32, #tpu.memory_space<hbm>>
      tpu.wait_indirect_dma semaphore(%arg14 : memref<!tpu.dma_semaphore, #tpu.memory_space<semaphore_mem>>) src(%dma_wait3A_144 : memref<10240x128xf32, #tpu.memory_space<hbm>>) dst(%arg11 : memref<80x128xf32, #tpu.memory_space<vmem>>)
      "tpu.region"() ({
        %run_scoped3A_156 = tpu.sem_alloc : memref<!tpu.dma_semaphore, #tpu.memory_space<semaphore_mem>>
        %dma_start3A_157 = arith.constant 0 : i32
        %dma_start3A_158 = tpu.memref_slice %arg10[%mul3A_136, %dma_start3A_157] : memref<125x80xi32, #tpu.memory_space<vmem>> -> memref<1x80xi32, #tpu.memory_space<vmem>>
        %dma_start3A_159 = tpu.memref_squeeze %dma_start3A_158 : memref<1x80xi32, #tpu.memory_space<vmem>> -> memref<80xi32, #tpu.memory_space<vmem>>
        %dma_start3A_160 = arith.constant 0 : i32
        %dma_start3A_161 = arith.constant 0 : i32
        %dma_start3A_162 = tpu.memref_slice %arg13[%dma_start3A_160, %dma_start3A_161] : memref<10240x128xf32, #tpu.memory_space<vmem_shared>> -> memref<10240x128xf32, #tpu.memory_space<vmem_shared>>
        tpu.enqueue_indirect_dma source(%arg11 : memref<80x128xf32, #tpu.memory_space<vmem>>) target(%dma_start3A_162 : memref<10240x128xf32, #tpu.memory_space<vmem_shared>>) offsets(%dma_start3A_159 : memref<80xi32, #tpu.memory_space<vmem>>) semaphore(%run_scoped3A_156 : memref<!tpu.dma_semaphore, #tpu.memory_space<semaphore_mem>>) {add = true}
        %dma_wait3A_163 = arith.constant 0 : i32
        %dma_wait3A_164 = tpu.memref_slice %arg10[%mul3A_136, %dma_wait3A_163] : memref<125x80xi32, #tpu.memory_space<vmem>> -> memref<1x80xi32, #tpu.memory_space<vmem>>
        %dma_wait3A_165 = tpu.memref_squeeze %dma_wait3A_164 : memref<1x80xi32, #tpu.memory_space<vmem>> -> memref<80xi32, #tpu.memory_space<vmem>>
        %dma_wait3A_166 = arith.constant 0 : i32
        %dma_wait3A_167 = arith.constant 0 : i32
        %dma_wait3A_168 = tpu.memref_slice %arg13[%dma_wait3A_166, %dma_wait3A_167] : memref<10240x128xf32, #tpu.memory_space<vmem_shared>> -> memref<10240x128xf32, #tpu.memory_space<vmem_shared>>
        tpu.wait_indirect_dma semaphore(%run_scoped3A_156 : memref<!tpu.dma_semaphore, #tpu.memory_space<semaphore_mem>>) src(%arg11 : memref<80x128xf32, #tpu.memory_space<vmem>>) dst(%dma_wait3A_168 : memref<10240x128xf32, #tpu.memory_space<vmem_shared>>)
        tpu.yield
      }) : () -> ()
      %add3A_145 = arith.constant 2 : i32
      %add3A_146 = arith.addi %mul3A_136, %add3A_145 : i32
      "tpu.region"() ({
        %run_scoped3A_156 = tpu.sem_alloc : memref<!tpu.dma_semaphore, #tpu.memory_space<semaphore_mem>>
        %dma_start3A_157 = arith.constant 0 : i32
        %dma_start3A_158 = tpu.memref_slice %arg3[%add3A, %add3A_146, %dma_start3A_157] : memref<32x125x80xi32, #tpu.memory_space<hbm>> -> memref<1x1x80xi32, #tpu.memory_space<hbm>>
        %dma_start3A_159 = tpu.memref_squeeze %dma_start3A_158 : memref<1x1x80xi32, #tpu.memory_space<hbm>> -> memref<80xi32, #tpu.memory_space<hbm>>
        %dma_start3A_160 = arith.constant 0 : i32
        %dma_start3A_161 = tpu.memref_slice %arg3[%add3A, %add3A_146, %dma_start3A_160] : memref<32x125x80xi32, #tpu.memory_space<hbm>> -> memref<1x1x80xi32, #tpu.memory_space<hbm>>
        %dma_start3A_162 = tpu.memref_squeeze %dma_start3A_161 : memref<1x1x80xi32, #tpu.memory_space<hbm>> -> memref<80xi32, #tpu.memory_space<hbm>>
        tpu.enqueue_dma source(%dma_start3A_162 : memref<80xi32, #tpu.memory_space<hbm>>) target(%arg8 : memref<80xi32, #tpu.memory_space<vmem>>) target_semaphore(%run_scoped3A_156 : memref<!tpu.dma_semaphore, #tpu.memory_space<semaphore_mem>>)
        %dma_wait3A_163 = arith.constant 0 : i32
        %dma_wait3A_164 = tpu.memref_slice %arg3[%add3A, %add3A_146, %dma_wait3A_163] : memref<32x125x80xi32, #tpu.memory_space<hbm>> -> memref<1x1x80xi32, #tpu.memory_space<hbm>>
        %dma_wait3A_165 = tpu.memref_squeeze %dma_wait3A_164 : memref<1x1x80xi32, #tpu.memory_space<hbm>> -> memref<80xi32, #tpu.memory_space<hbm>>
        %dma_wait3A_166 = arith.constant 0 : i32
        %dma_wait3A_167 = tpu.memref_slice %arg3[%add3A, %add3A_146, %dma_wait3A_166] : memref<32x125x80xi32, #tpu.memory_space<hbm>> -> memref<1x1x80xi32, #tpu.memory_space<hbm>>
        %dma_wait3A_168 = tpu.memref_squeeze %dma_wait3A_167 : memref<1x1x80xi32, #tpu.memory_space<hbm>> -> memref<80xi32, #tpu.memory_space<hbm>>
        tpu.wait_dma2 semaphore(%run_scoped3A_156 : memref<!tpu.dma_semaphore, #tpu.memory_space<semaphore_mem>>) src(%dma_wait3A_168 : memref<80xi32, #tpu.memory_space<hbm>>) dst(%arg8 : memref<80xi32, #tpu.memory_space<vmem>>)
        tpu.yield
      }) : () -> ()
      %dma_start3A_147 = arith.constant 0 : i32
      %dma_start3A_148 = arith.constant 0 : i32
      %dma_start3A_149 = tpu.memref_slice %arg2[%dma_start3A_147, %dma_start3A_148] : memref<10240x128xf32, #tpu.memory_space<hbm>> -> memref<10240x128xf32, #tpu.memory_space<hbm>>
      tpu.enqueue_indirect_dma source(%dma_start3A_149 : memref<10240x128xf32, #tpu.memory_space<hbm>>) target(%arg11 : memref<80x128xf32, #tpu.memory_space<vmem>>) offsets(%arg8 : memref<80xi32, #tpu.memory_space<vmem>>) semaphore(%arg14 : memref<!tpu.dma_semaphore, #tpu.memory_space<semaphore_mem>>)
      %dma_wait3A_150 = arith.constant 0 : i32
      %dma_wait3A_151 = arith.constant 0 : i32
      %dma_wait3A_152 = tpu.memref_slice %arg2[%dma_wait3A_150, %dma_wait3A_151] : memref<10240x128xf32, #tpu.memory_space<hbm>> -> memref<10240x128xf32, #tpu.memory_space<hbm>>
      tpu.wait_indirect_dma semaphore(%arg15 : memref<!tpu.dma_semaphore, #tpu.memory_space<semaphore_mem>>) src(%dma_wait3A_152 : memref<10240x128xf32, #tpu.memory_space<hbm>>) dst(%arg12 : memref<80x128xf32, #tpu.memory_space<vmem>>)
      %add3A_153 = arith.constant 1 : i32
      %add3A_154 = arith.addi %mul3A_136, %add3A_153 : i32
      "tpu.region"() ({
        %run_scoped3A_156 = tpu.sem_alloc : memref<!tpu.dma_semaphore, #tpu.memory_space<semaphore_mem>>
        %dma_start3A_157 = arith.constant 0 : i32
        %dma_start3A_158 = tpu.memref_slice %arg10[%add3A_154, %dma_start3A_157] : memref<125x80xi32, #tpu.memory_space<vmem>> -> memref<1x80xi32, #tpu.memory_space<vmem>>
        %dma_start3A_159 = tpu.memref_squeeze %dma_start3A_158 : memref<1x80xi32, #tpu.memory_space<vmem>> -> memref<80xi32, #tpu.memory_space<vmem>>
        %dma_start3A_160 = arith.constant 0 : i32
        %dma_start3A_161 = arith.constant 0 : i32
        %dma_start3A_162 = tpu.memref_slice %arg13[%dma_start3A_160, %dma_start3A_161] : memref<10240x128xf32, #tpu.memory_space<vmem_shared>> -> memref<10240x128xf32, #tpu.memory_space<vmem_shared>>
        tpu.enqueue_indirect_dma source(%arg12 : memref<80x128xf32, #tpu.memory_space<vmem>>) target(%dma_start3A_162 : memref<10240x128xf32, #tpu.memory_space<vmem_shared>>) offsets(%dma_start3A_159 : memref<80xi32, #tpu.memory_space<vmem>>) semaphore(%run_scoped3A_156 : memref<!tpu.dma_semaphore, #tpu.memory_space<semaphore_mem>>) {add = true}
        %dma_wait3A_163 = arith.constant 0 : i32
        %dma_wait3A_164 = tpu.memref_slice %arg10[%add3A_154, %dma_wait3A_163] : memref<125x80xi32, #tpu.memory_space<vmem>> -> memref<1x80xi32, #tpu.memory_space<vmem>>
        %dma_wait3A_165 = tpu.memref_squeeze %dma_wait3A_164 : memref<1x80xi32, #tpu.memory_space<vmem>> -> memref<80xi32, #tpu.memory_space<vmem>>
        %dma_wait3A_166 = arith.constant 0 : i32
        %dma_wait3A_167 = arith.constant 0 : i32
        %dma_wait3A_168 = tpu.memref_slice %arg13[%dma_wait3A_166, %dma_wait3A_167] : memref<10240x128xf32, #tpu.memory_space<vmem_shared>> -> memref<10240x128xf32, #tpu.memory_space<vmem_shared>>
        tpu.wait_indirect_dma semaphore(%run_scoped3A_156 : memref<!tpu.dma_semaphore, #tpu.memory_space<semaphore_mem>>) src(%arg12 : memref<80x128xf32, #tpu.memory_space<vmem>>) dst(%dma_wait3A_168 : memref<10240x128xf32, #tpu.memory_space<vmem_shared>>)
        tpu.yield
      }) : () -> ()
      %scan3A_155 = arith.constant 0 : i32
      scf.yield %scan3A_155 : i32
    }
    %scan3A_40 = arith.constant 62 : i32
    %dma_wait3A = arith.constant 0 : i32
    %dma_wait3A_41 = arith.constant 0 : i32
    %dma_wait3A_42 = tpu.memref_slice %arg2[%dma_wait3A, %dma_wait3A_41] : memref<10240x128xf32, #tpu.memory_space<hbm>> -> memref<10240x128xf32, #tpu.memory_space<hbm>>
    tpu.wait_indirect_dma semaphore(%arg14 : memref<!tpu.dma_semaphore, #tpu.memory_space<semaphore_mem>>) src(%dma_wait3A_42 : memref<10240x128xf32, #tpu.memory_space<hbm>>) dst(%arg11 : memref<80x128xf32, #tpu.memory_space<vmem>>)
    %run_scoped3A_43 = arith.constant 124 : i32
    "tpu.region"() ({
      %run_scoped3A_133 = tpu.sem_alloc : memref<!tpu.dma_semaphore, #tpu.memory_space<semaphore_mem>>
      %dma_start3A_134 = arith.constant 0 : i32
      %dma_start3A_135 = tpu.memref_slice %arg10[%run_scoped3A_43, %dma_start3A_134] : memref<125x80xi32, #tpu.memory_space<vmem>> -> memref<1x80xi32, #tpu.memory_space<vmem>>
      %dma_start3A_136 = tpu.memref_squeeze %dma_start3A_135 : memref<1x80xi32, #tpu.memory_space<vmem>> -> memref<80xi32, #tpu.memory_space<vmem>>
      %dma_start3A_137 = arith.constant 0 : i32
      %dma_start3A_138 = arith.constant 0 : i32
      %dma_start3A_139 = tpu.memref_slice %arg13[%dma_start3A_137, %dma_start3A_138] : memref<10240x128xf32, #tpu.memory_space<vmem_shared>> -> memref<10240x128xf32, #tpu.memory_space<vmem_shared>>
      tpu.enqueue_indirect_dma source(%arg11 : memref<80x128xf32, #tpu.memory_space<vmem>>) target(%dma_start3A_139 : memref<10240x128xf32, #tpu.memory_space<vmem_shared>>) offsets(%dma_start3A_136 : memref<80xi32, #tpu.memory_space<vmem>>) semaphore(%run_scoped3A_133 : memref<!tpu.dma_semaphore, #tpu.memory_space<semaphore_mem>>) {add = true}
      %dma_wait3A_140 = arith.constant 0 : i32
      %dma_wait3A_141 = tpu.memref_slice %arg10[%run_scoped3A_43, %dma_wait3A_140] : memref<125x80xi32, #tpu.memory_space<vmem>> -> memref<1x80xi32, #tpu.memory_space<vmem>>
      %dma_wait3A_142 = tpu.memref_squeeze %dma_wait3A_141 : memref<1x80xi32, #tpu.memory_space<vmem>> -> memref<80xi32, #tpu.memory_space<vmem>>
      %dma_wait3A_143 = arith.constant 0 : i32
      %dma_wait3A_144 = arith.constant 0 : i32
      %dma_wait3A_145 = tpu.memref_slice %arg13[%dma_wait3A_143, %dma_wait3A_144] : memref<10240x128xf32, #tpu.memory_space<vmem_shared>> -> memref<10240x128xf32, #tpu.memory_space<vmem_shared>>
      tpu.wait_indirect_dma semaphore(%run_scoped3A_133 : memref<!tpu.dma_semaphore, #tpu.memory_space<semaphore_mem>>) src(%arg11 : memref<80x128xf32, #tpu.memory_space<vmem>>) dst(%dma_wait3A_145 : memref<10240x128xf32, #tpu.memory_space<vmem_shared>>)
      tpu.yield
    }) : () -> ()
    %barrier3A_44 = arith.constant 0 : index
    tpu.barrier barrier_id(%barrier3A_44)
    %mul3A_45 = arith.constant 640 : i32
    %mul3A_46 = arith.muli %arg1, %mul3A_45 : i32
    %add3A_47 = arith.constant 0 : i32
    %add3A_48 = arith.addi %mul3A_46, %add3A_47 : i32
    "tpu.region"() ({
      %run_scoped3A_133 = tpu.sem_alloc : memref<!tpu.dma_semaphore, #tpu.memory_space<semaphore_mem>>
      %dma_start3A_134 = arith.constant 0 : i32
      %dma_start3A_135 = tpu.memref_slice %arg13[%add3A_48, %dma_start3A_134] : memref<10240x128xf32, #tpu.memory_space<vmem_shared>> -> memref<80x128xf32, #tpu.memory_space<vmem_shared>>
      %dma_start3A_136 = arith.constant 0 : i32
      %dma_start3A_137 = tpu.memref_slice %arg13[%add3A_48, %dma_start3A_136] : memref<10240x128xf32, #tpu.memory_space<vmem_shared>> -> memref<80x128xf32, #tpu.memory_space<vmem_shared>>
      tpu.enqueue_dma source(%dma_start3A_137 : memref<80x128xf32, #tpu.memory_space<vmem_shared>>) target(%arg11 : memref<80x128xf32, #tpu.memory_space<vmem>>) target_semaphore(%run_scoped3A_133 : memref<!tpu.dma_semaphore, #tpu.memory_space<semaphore_mem>>)
      %dma_wait3A_138 = arith.constant 0 : i32
      %dma_wait3A_139 = tpu.memref_slice %arg13[%add3A_48, %dma_wait3A_138] : memref<10240x128xf32, #tpu.memory_space<vmem_shared>> -> memref<80x128xf32, #tpu.memory_space<vmem_shared>>
      %dma_wait3A_140 = arith.constant 0 : i32
      %dma_wait3A_141 = tpu.memref_slice %arg13[%add3A_48, %dma_wait3A_140] : memref<10240x128xf32, #tpu.memory_space<vmem_shared>> -> memref<80x128xf32, #tpu.memory_space<vmem_shared>>
      tpu.wait_dma2 semaphore(%run_scoped3A_133 : memref<!tpu.dma_semaphore, #tpu.memory_space<semaphore_mem>>) src(%dma_wait3A_141 : memref<80x128xf32, #tpu.memory_space<vmem_shared>>) dst(%arg11 : memref<80x128xf32, #tpu.memory_space<vmem>>)
      tpu.yield
    }) : () -> ()
    %mul3A_49 = arith.constant 10240 : i32
    %mul3A_50 = arith.muli %arg0, %mul3A_49 : i32
    %mul3A_51 = arith.constant 640 : i32
    %mul3A_52 = arith.muli %arg1, %mul3A_51 : i32
    %add3A_53 = arith.addi %mul3A_50, %mul3A_52 : i32
    %add3A_54 = arith.constant 0 : i32
    %add3A_55 = arith.addi %add3A_53, %add3A_54 : i32
    "tpu.region"() ({
      %run_scoped3A_133 = tpu.sem_alloc : memref<!tpu.dma_semaphore, #tpu.memory_space<semaphore_mem>>
      %dma_start3A_134 = arith.constant 0 : i32
      %dma_start3A_135 = tpu.memref_slice %arg7[%add3A_55, %dma_start3A_134] : memref<20480x128xf32, #tpu.memory_space<hbm>> -> memref<80x128xf32, #tpu.memory_space<hbm>>
      %dma_start3A_136 = arith.constant 0 : i32
      %dma_start3A_137 = tpu.memref_slice %arg7[%add3A_55, %dma_start3A_136] : memref<20480x128xf32, #tpu.memory_space<hbm>> -> memref<80x128xf32, #tpu.memory_space<hbm>>
      tpu.enqueue_dma source(%arg11 : memref<80x128xf32, #tpu.memory_space<vmem>>) target(%dma_start3A_137 : memref<80x128xf32, #tpu.memory_space<hbm>>) target_semaphore(%run_scoped3A_133 : memref<!tpu.dma_semaphore, #tpu.memory_space<semaphore_mem>>)
      %dma_wait3A_138 = arith.constant 0 : i32
      %dma_wait3A_139 = tpu.memref_slice %arg7[%add3A_55, %dma_wait3A_138] : memref<20480x128xf32, #tpu.memory_space<hbm>> -> memref<80x128xf32, #tpu.memory_space<hbm>>
      %dma_wait3A_140 = arith.constant 0 : i32
      %dma_wait3A_141 = tpu.memref_slice %arg7[%add3A_55, %dma_wait3A_140] : memref<20480x128xf32, #tpu.memory_space<hbm>> -> memref<80x128xf32, #tpu.memory_space<hbm>>
      tpu.wait_dma2 semaphore(%run_scoped3A_133 : memref<!tpu.dma_semaphore, #tpu.memory_space<semaphore_mem>>) src(%arg11 : memref<80x128xf32, #tpu.memory_space<vmem>>) dst(%dma_wait3A_141 : memref<80x128xf32, #tpu.memory_space<hbm>>)
      tpu.yield
    }) : () -> ()
    %mul3A_56 = arith.constant 640 : i32
    %mul3A_57 = arith.muli %arg1, %mul3A_56 : i32
    %add3A_58 = arith.constant 80 : i32
    %add3A_59 = arith.addi %mul3A_57, %add3A_58 : i32
    "tpu.region"() ({
      %run_scoped3A_133 = tpu.sem_alloc : memref<!tpu.dma_semaphore, #tpu.memory_space<semaphore_mem>>
      %dma_start3A_134 = arith.constant 0 : i32
      %dma_start3A_135 = tpu.memref_slice %arg13[%add3A_59, %dma_start3A_134] : memref<10240x128xf32, #tpu.memory_space<vmem_shared>> -> memref<80x128xf32, #tpu.memory_space<vmem_shared>>
      %dma_start3A_136 = arith.constant 0 : i32
      %dma_start3A_137 = tpu.memref_slice %arg13[%add3A_59, %dma_start3A_136] : memref<10240x128xf32, #tpu.memory_space<vmem_shared>> -> memref<80x128xf32, #tpu.memory_space<vmem_shared>>
      tpu.enqueue_dma source(%dma_start3A_137 : memref<80x128xf32, #tpu.memory_space<vmem_shared>>) target(%arg11 : memref<80x128xf32, #tpu.memory_space<vmem>>) target_semaphore(%run_scoped3A_133 : memref<!tpu.dma_semaphore, #tpu.memory_space<semaphore_mem>>)
      %dma_wait3A_138 = arith.constant 0 : i32
      %dma_wait3A_139 = tpu.memref_slice %arg13[%add3A_59, %dma_wait3A_138] : memref<10240x128xf32, #tpu.memory_space<vmem_shared>> -> memref<80x128xf32, #tpu.memory_space<vmem_shared>>
      %dma_wait3A_140 = arith.constant 0 : i32
      %dma_wait3A_141 = tpu.memref_slice %arg13[%add3A_59, %dma_wait3A_140] : memref<10240x128xf32, #tpu.memory_space<vmem_shared>> -> memref<80x128xf32, #tpu.memory_space<vmem_shared>>
      tpu.wait_dma2 semaphore(%run_scoped3A_133 : memref<!tpu.dma_semaphore, #tpu.memory_space<semaphore_mem>>) src(%dma_wait3A_141 : memref<80x128xf32, #tpu.memory_space<vmem_shared>>) dst(%arg11 : memref<80x128xf32, #tpu.memory_space<vmem>>)
      tpu.yield
    }) : () -> ()
    %mul3A_60 = arith.constant 10240 : i32
    %mul3A_61 = arith.muli %arg0, %mul3A_60 : i32
    %mul3A_62 = arith.constant 640 : i32
    %mul3A_63 = arith.muli %arg1, %mul3A_62 : i32
    %add3A_64 = arith.addi %mul3A_61, %mul3A_63 : i32
    %add3A_65 = arith.constant 80 : i32
    %add3A_66 = arith.addi %add3A_64, %add3A_65 : i32
    "tpu.region"() ({
      %run_scoped3A_133 = tpu.sem_alloc : memref<!tpu.dma_semaphore, #tpu.memory_space<semaphore_mem>>
      %dma_start3A_134 = arith.constant 0 : i32
      %dma_start3A_135 = tpu.memref_slice %arg7[%add3A_66, %dma_start3A_134] : memref<20480x128xf32, #tpu.memory_space<hbm>> -> memref<80x128xf32, #tpu.memory_space<hbm>>
      %dma_start3A_136 = arith.constant 0 : i32
      %dma_start3A_137 = tpu.memref_slice %arg7[%add3A_66, %dma_start3A_136] : memref<20480x128xf32, #tpu.memory_space<hbm>> -> memref<80x128xf32, #tpu.memory_space<hbm>>
      tpu.enqueue_dma source(%arg11 : memref<80x128xf32, #tpu.memory_space<vmem>>) target(%dma_start3A_137 : memref<80x128xf32, #tpu.memory_space<hbm>>) target_semaphore(%run_scoped3A_133 : memref<!tpu.dma_semaphore, #tpu.memory_space<semaphore_mem>>)
      %dma_wait3A_138 = arith.constant 0 : i32
      %dma_wait3A_139 = tpu.memref_slice %arg7[%add3A_66, %dma_wait3A_138] : memref<20480x128xf32, #tpu.memory_space<hbm>> -> memref<80x128xf32, #tpu.memory_space<hbm>>
      %dma_wait3A_140 = arith.constant 0 : i32
      %dma_wait3A_141 = tpu.memref_slice %arg7[%add3A_66, %dma_wait3A_140] : memref<20480x128xf32, #tpu.memory_space<hbm>> -> memref<80x128xf32, #tpu.memory_space<hbm>>
      tpu.wait_dma2 semaphore(%run_scoped3A_133 : memref<!tpu.dma_semaphore, #tpu.memory_space<semaphore_mem>>) src(%arg11 : memref<80x128xf32, #tpu.memory_space<vmem>>) dst(%dma_wait3A_141 : memref<80x128xf32, #tpu.memory_space<hbm>>)
      tpu.yield
    }) : () -> ()
    %mul3A_67 = arith.constant 640 : i32
    %mul3A_68 = arith.muli %arg1, %mul3A_67 : i32
    %add3A_69 = arith.constant 160 : i32
    %add3A_70 = arith.addi %mul3A_68, %add3A_69 : i32
    "tpu.region"() ({
      %run_scoped3A_133 = tpu.sem_alloc : memref<!tpu.dma_semaphore, #tpu.memory_space<semaphore_mem>>
      %dma_start3A_134 = arith.constant 0 : i32
      %dma_start3A_135 = tpu.memref_slice %arg13[%add3A_70, %dma_start3A_134] : memref<10240x128xf32, #tpu.memory_space<vmem_shared>> -> memref<80x128xf32, #tpu.memory_space<vmem_shared>>
      %dma_start3A_136 = arith.constant 0 : i32
      %dma_start3A_137 = tpu.memref_slice %arg13[%add3A_70, %dma_start3A_136] : memref<10240x128xf32, #tpu.memory_space<vmem_shared>> -> memref<80x128xf32, #tpu.memory_space<vmem_shared>>
      tpu.enqueue_dma source(%dma_start3A_137 : memref<80x128xf32, #tpu.memory_space<vmem_shared>>) target(%arg11 : memref<80x128xf32, #tpu.memory_space<vmem>>) target_semaphore(%run_scoped3A_133 : memref<!tpu.dma_semaphore, #tpu.memory_space<semaphore_mem>>)
      %dma_wait3A_138 = arith.constant 0 : i32
      %dma_wait3A_139 = tpu.memref_slice %arg13[%add3A_70, %dma_wait3A_138] : memref<10240x128xf32, #tpu.memory_space<vmem_shared>> -> memref<80x128xf32, #tpu.memory_space<vmem_shared>>
      %dma_wait3A_140 = arith.constant 0 : i32
      %dma_wait3A_141 = tpu.memref_slice %arg13[%add3A_70, %dma_wait3A_140] : memref<10240x128xf32, #tpu.memory_space<vmem_shared>> -> memref<80x128xf32, #tpu.memory_space<vmem_shared>>
      tpu.wait_dma2 semaphore(%run_scoped3A_133 : memref<!tpu.dma_semaphore, #tpu.memory_space<semaphore_mem>>) src(%dma_wait3A_141 : memref<80x128xf32, #tpu.memory_space<vmem_shared>>) dst(%arg11 : memref<80x128xf32, #tpu.memory_space<vmem>>)
      tpu.yield
    }) : () -> ()
    %mul3A_71 = arith.constant 10240 : i32
    %mul3A_72 = arith.muli %arg0, %mul3A_71 : i32
    %mul3A_73 = arith.constant 640 : i32
    %mul3A_74 = arith.muli %arg1, %mul3A_73 : i32
    %add3A_75 = arith.addi %mul3A_72, %mul3A_74 : i32
    %add3A_76 = arith.constant 160 : i32
    %add3A_77 = arith.addi %add3A_75, %add3A_76 : i32
    "tpu.region"() ({
      %run_scoped3A_133 = tpu.sem_alloc : memref<!tpu.dma_semaphore, #tpu.memory_space<semaphore_mem>>
      %dma_start3A_134 = arith.constant 0 : i32
      %dma_start3A_135 = tpu.memref_slice %arg7[%add3A_77, %dma_start3A_134] : memref<20480x128xf32, #tpu.memory_space<hbm>> -> memref<80x128xf32, #tpu.memory_space<hbm>>
      %dma_start3A_136 = arith.constant 0 : i32
      %dma_start3A_137 = tpu.memref_slice %arg7[%add3A_77, %dma_start3A_136] : memref<20480x128xf32, #tpu.memory_space<hbm>> -> memref<80x128xf32, #tpu.memory_space<hbm>>
      tpu.enqueue_dma source(%arg11 : memref<80x128xf32, #tpu.memory_space<vmem>>) target(%dma_start3A_137 : memref<80x128xf32, #tpu.memory_space<hbm>>) target_semaphore(%run_scoped3A_133 : memref<!tpu.dma_semaphore, #tpu.memory_space<semaphore_mem>>)
      %dma_wait3A_138 = arith.constant 0 : i32
      %dma_wait3A_139 = tpu.memref_slice %arg7[%add3A_77, %dma_wait3A_138] : memref<20480x128xf32, #tpu.memory_space<hbm>> -> memref<80x128xf32, #tpu.memory_space<hbm>>
      %dma_wait3A_140 = arith.constant 0 : i32
      %dma_wait3A_141 = tpu.memref_slice %arg7[%add3A_77, %dma_wait3A_140] : memref<20480x128xf32, #tpu.memory_space<hbm>> -> memref<80x128xf32, #tpu.memory_space<hbm>>
      tpu.wait_dma2 semaphore(%run_scoped3A_133 : memref<!tpu.dma_semaphore, #tpu.memory_space<semaphore_mem>>) src(%arg11 : memref<80x128xf32, #tpu.memory_space<vmem>>) dst(%dma_wait3A_141 : memref<80x128xf32, #tpu.memory_space<hbm>>)
      tpu.yield
    }) : () -> ()
    %mul3A_78 = arith.constant 640 : i32
    %mul3A_79 = arith.muli %arg1, %mul3A_78 : i32
    %add3A_80 = arith.constant 240 : i32
    %add3A_81 = arith.addi %mul3A_79, %add3A_80 : i32
    "tpu.region"() ({
      %run_scoped3A_133 = tpu.sem_alloc : memref<!tpu.dma_semaphore, #tpu.memory_space<semaphore_mem>>
      %dma_start3A_134 = arith.constant 0 : i32
      %dma_start3A_135 = tpu.memref_slice %arg13[%add3A_81, %dma_start3A_134] : memref<10240x128xf32, #tpu.memory_space<vmem_shared>> -> memref<80x128xf32, #tpu.memory_space<vmem_shared>>
      %dma_start3A_136 = arith.constant 0 : i32
      %dma_start3A_137 = tpu.memref_slice %arg13[%add3A_81, %dma_start3A_136] : memref<10240x128xf32, #tpu.memory_space<vmem_shared>> -> memref<80x128xf32, #tpu.memory_space<vmem_shared>>
      tpu.enqueue_dma source(%dma_start3A_137 : memref<80x128xf32, #tpu.memory_space<vmem_shared>>) target(%arg11 : memref<80x128xf32, #tpu.memory_space<vmem>>) target_semaphore(%run_scoped3A_133 : memref<!tpu.dma_semaphore, #tpu.memory_space<semaphore_mem>>)
      %dma_wait3A_138 = arith.constant 0 : i32
      %dma_wait3A_139 = tpu.memref_slice %arg13[%add3A_81, %dma_wait3A_138] : memref<10240x128xf32, #tpu.memory_space<vmem_shared>> -> memref<80x128xf32, #tpu.memory_space<vmem_shared>>
      %dma_wait3A_140 = arith.constant 0 : i32
      %dma_wait3A_141 = tpu.memref_slice %arg13[%add3A_81, %dma_wait3A_140] : memref<10240x128xf32, #tpu.memory_space<vmem_shared>> -> memref<80x128xf32, #tpu.memory_space<vmem_shared>>
      tpu.wait_dma2 semaphore(%run_scoped3A_133 : memref<!tpu.dma_semaphore, #tpu.memory_space<semaphore_mem>>) src(%dma_wait3A_141 : memref<80x128xf32, #tpu.memory_space<vmem_shared>>) dst(%arg11 : memref<80x128xf32, #tpu.memory_space<vmem>>)
      tpu.yield
    }) : () -> ()
    %mul3A_82 = arith.constant 10240 : i32
    %mul3A_83 = arith.muli %arg0, %mul3A_82 : i32
    %mul3A_84 = arith.constant 640 : i32
    %mul3A_85 = arith.muli %arg1, %mul3A_84 : i32
    %add3A_86 = arith.addi %mul3A_83, %mul3A_85 : i32
    %add3A_87 = arith.constant 240 : i32
    %add3A_88 = arith.addi %add3A_86, %add3A_87 : i32
    "tpu.region"() ({
      %run_scoped3A_133 = tpu.sem_alloc : memref<!tpu.dma_semaphore, #tpu.memory_space<semaphore_mem>>
      %dma_start3A_134 = arith.constant 0 : i32
      %dma_start3A_135 = tpu.memref_slice %arg7[%add3A_88, %dma_start3A_134] : memref<20480x128xf32, #tpu.memory_space<hbm>> -> memref<80x128xf32, #tpu.memory_space<hbm>>
      %dma_start3A_136 = arith.constant 0 : i32
      %dma_start3A_137 = tpu.memref_slice %arg7[%add3A_88, %dma_start3A_136] : memref<20480x128xf32, #tpu.memory_space<hbm>> -> memref<80x128xf32, #tpu.memory_space<hbm>>
      tpu.enqueue_dma source(%arg11 : memref<80x128xf32, #tpu.memory_space<vmem>>) target(%dma_start3A_137 : memref<80x128xf32, #tpu.memory_space<hbm>>) target_semaphore(%run_scoped3A_133 : memref<!tpu.dma_semaphore, #tpu.memory_space<semaphore_mem>>)
      %dma_wait3A_138 = arith.constant 0 : i32
      %dma_wait3A_139 = tpu.memref_slice %arg7[%add3A_88, %dma_wait3A_138] : memref<20480x128xf32, #tpu.memory_space<hbm>> -> memref<80x128xf32, #tpu.memory_space<hbm>>
      %dma_wait3A_140 = arith.constant 0 : i32
      %dma_wait3A_141 = tpu.memref_slice %arg7[%add3A_88, %dma_wait3A_140] : memref<20480x128xf32, #tpu.memory_space<hbm>> -> memref<80x128xf32, #tpu.memory_space<hbm>>
      tpu.wait_dma2 semaphore(%run_scoped3A_133 : memref<!tpu.dma_semaphore, #tpu.memory_space<semaphore_mem>>) src(%arg11 : memref<80x128xf32, #tpu.memory_space<vmem>>) dst(%dma_wait3A_141 : memref<80x128xf32, #tpu.memory_space<hbm>>)
      tpu.yield
    }) : () -> ()
    %mul3A_89 = arith.constant 640 : i32
    %mul3A_90 = arith.muli %arg1, %mul3A_89 : i32
    %add3A_91 = arith.constant 320 : i32
    %add3A_92 = arith.addi %mul3A_90, %add3A_91 : i32
    "tpu.region"() ({
      %run_scoped3A_133 = tpu.sem_alloc : memref<!tpu.dma_semaphore, #tpu.memory_space<semaphore_mem>>
      %dma_start3A_134 = arith.constant 0 : i32
      %dma_start3A_135 = tpu.memref_slice %arg13[%add3A_92, %dma_start3A_134] : memref<10240x128xf32, #tpu.memory_space<vmem_shared>> -> memref<80x128xf32, #tpu.memory_space<vmem_shared>>
      %dma_start3A_136 = arith.constant 0 : i32
      %dma_start3A_137 = tpu.memref_slice %arg13[%add3A_92, %dma_start3A_136] : memref<10240x128xf32, #tpu.memory_space<vmem_shared>> -> memref<80x128xf32, #tpu.memory_space<vmem_shared>>
      tpu.enqueue_dma source(%dma_start3A_137 : memref<80x128xf32, #tpu.memory_space<vmem_shared>>) target(%arg11 : memref<80x128xf32, #tpu.memory_space<vmem>>) target_semaphore(%run_scoped3A_133 : memref<!tpu.dma_semaphore, #tpu.memory_space<semaphore_mem>>)
      %dma_wait3A_138 = arith.constant 0 : i32
      %dma_wait3A_139 = tpu.memref_slice %arg13[%add3A_92, %dma_wait3A_138] : memref<10240x128xf32, #tpu.memory_space<vmem_shared>> -> memref<80x128xf32, #tpu.memory_space<vmem_shared>>
      %dma_wait3A_140 = arith.constant 0 : i32
      %dma_wait3A_141 = tpu.memref_slice %arg13[%add3A_92, %dma_wait3A_140] : memref<10240x128xf32, #tpu.memory_space<vmem_shared>> -> memref<80x128xf32, #tpu.memory_space<vmem_shared>>
      tpu.wait_dma2 semaphore(%run_scoped3A_133 : memref<!tpu.dma_semaphore, #tpu.memory_space<semaphore_mem>>) src(%dma_wait3A_141 : memref<80x128xf32, #tpu.memory_space<vmem_shared>>) dst(%arg11 : memref<80x128xf32, #tpu.memory_space<vmem>>)
      tpu.yield
    }) : () -> ()
    %mul3A_93 = arith.constant 10240 : i32
    %mul3A_94 = arith.muli %arg0, %mul3A_93 : i32
    %mul3A_95 = arith.constant 640 : i32
    %mul3A_96 = arith.muli %arg1, %mul3A_95 : i32
    %add3A_97 = arith.addi %mul3A_94, %mul3A_96 : i32
    %add3A_98 = arith.constant 320 : i32
    %add3A_99 = arith.addi %add3A_97, %add3A_98 : i32
    "tpu.region"() ({
      %run_scoped3A_133 = tpu.sem_alloc : memref<!tpu.dma_semaphore, #tpu.memory_space<semaphore_mem>>
      %dma_start3A_134 = arith.constant 0 : i32
      %dma_start3A_135 = tpu.memref_slice %arg7[%add3A_99, %dma_start3A_134] : memref<20480x128xf32, #tpu.memory_space<hbm>> -> memref<80x128xf32, #tpu.memory_space<hbm>>
      %dma_start3A_136 = arith.constant 0 : i32
      %dma_start3A_137 = tpu.memref_slice %arg7[%add3A_99, %dma_start3A_136] : memref<20480x128xf32, #tpu.memory_space<hbm>> -> memref<80x128xf32, #tpu.memory_space<hbm>>
      tpu.enqueue_dma source(%arg11 : memref<80x128xf32, #tpu.memory_space<vmem>>) target(%dma_start3A_137 : memref<80x128xf32, #tpu.memory_space<hbm>>) target_semaphore(%run_scoped3A_133 : memref<!tpu.dma_semaphore, #tpu.memory_space<semaphore_mem>>)
      %dma_wait3A_138 = arith.constant 0 : i32
      %dma_wait3A_139 = tpu.memref_slice %arg7[%add3A_99, %dma_wait3A_138] : memref<20480x128xf32, #tpu.memory_space<hbm>> -> memref<80x128xf32, #tpu.memory_space<hbm>>
      %dma_wait3A_140 = arith.constant 0 : i32
      %dma_wait3A_141 = tpu.memref_slice %arg7[%add3A_99, %dma_wait3A_140] : memref<20480x128xf32, #tpu.memory_space<hbm>> -> memref<80x128xf32, #tpu.memory_space<hbm>>
      tpu.wait_dma2 semaphore(%run_scoped3A_133 : memref<!tpu.dma_semaphore, #tpu.memory_space<semaphore_mem>>) src(%arg11 : memref<80x128xf32, #tpu.memory_space<vmem>>) dst(%dma_wait3A_141 : memref<80x128xf32, #tpu.memory_space<hbm>>)
      tpu.yield
    }) : () -> ()
    %mul3A_100 = arith.constant 640 : i32
    %mul3A_101 = arith.muli %arg1, %mul3A_100 : i32
    %add3A_102 = arith.constant 400 : i32
    %add3A_103 = arith.addi %mul3A_101, %add3A_102 : i32
    "tpu.region"() ({
      %run_scoped3A_133 = tpu.sem_alloc : memref<!tpu.dma_semaphore, #tpu.memory_space<semaphore_mem>>
      %dma_start3A_134 = arith.constant 0 : i32
      %dma_start3A_135 = tpu.memref_slice %arg13[%add3A_103, %dma_start3A_134] : memref<10240x128xf32, #tpu.memory_space<vmem_shared>> -> memref<80x128xf32, #tpu.memory_space<vmem_shared>>
      %dma_start3A_136 = arith.constant 0 : i32
      %dma_start3A_137 = tpu.memref_slice %arg13[%add3A_103, %dma_start3A_136] : memref<10240x128xf32, #tpu.memory_space<vmem_shared>> -> memref<80x128xf32, #tpu.memory_space<vmem_shared>>
      tpu.enqueue_dma source(%dma_start3A_137 : memref<80x128xf32, #tpu.memory_space<vmem_shared>>) target(%arg11 : memref<80x128xf32, #tpu.memory_space<vmem>>) target_semaphore(%run_scoped3A_133 : memref<!tpu.dma_semaphore, #tpu.memory_space<semaphore_mem>>)
      %dma_wait3A_138 = arith.constant 0 : i32
      %dma_wait3A_139 = tpu.memref_slice %arg13[%add3A_103, %dma_wait3A_138] : memref<10240x128xf32, #tpu.memory_space<vmem_shared>> -> memref<80x128xf32, #tpu.memory_space<vmem_shared>>
      %dma_wait3A_140 = arith.constant 0 : i32
      %dma_wait3A_141 = tpu.memref_slice %arg13[%add3A_103, %dma_wait3A_140] : memref<10240x128xf32, #tpu.memory_space<vmem_shared>> -> memref<80x128xf32, #tpu.memory_space<vmem_shared>>
      tpu.wait_dma2 semaphore(%run_scoped3A_133 : memref<!tpu.dma_semaphore, #tpu.memory_space<semaphore_mem>>) src(%dma_wait3A_141 : memref<80x128xf32, #tpu.memory_space<vmem_shared>>) dst(%arg11 : memref<80x128xf32, #tpu.memory_space<vmem>>)
      tpu.yield
    }) : () -> ()
    %mul3A_104 = arith.constant 10240 : i32
    %mul3A_105 = arith.muli %arg0, %mul3A_104 : i32
    %mul3A_106 = arith.constant 640 : i32
    %mul3A_107 = arith.muli %arg1, %mul3A_106 : i32
    %add3A_108 = arith.addi %mul3A_105, %mul3A_107 : i32
    %add3A_109 = arith.constant 400 : i32
    %add3A_110 = arith.addi %add3A_108, %add3A_109 : i32
    "tpu.region"() ({
      %run_scoped3A_133 = tpu.sem_alloc : memref<!tpu.dma_semaphore, #tpu.memory_space<semaphore_mem>>
      %dma_start3A_134 = arith.constant 0 : i32
      %dma_start3A_135 = tpu.memref_slice %arg7[%add3A_110, %dma_start3A_134] : memref<20480x128xf32, #tpu.memory_space<hbm>> -> memref<80x128xf32, #tpu.memory_space<hbm>>
      %dma_start3A_136 = arith.constant 0 : i32
      %dma_start3A_137 = tpu.memref_slice %arg7[%add3A_110, %dma_start3A_136] : memref<20480x128xf32, #tpu.memory_space<hbm>> -> memref<80x128xf32, #tpu.memory_space<hbm>>
      tpu.enqueue_dma source(%arg11 : memref<80x128xf32, #tpu.memory_space<vmem>>) target(%dma_start3A_137 : memref<80x128xf32, #tpu.memory_space<hbm>>) target_semaphore(%run_scoped3A_133 : memref<!tpu.dma_semaphore, #tpu.memory_space<semaphore_mem>>)
      %dma_wait3A_138 = arith.constant 0 : i32
      %dma_wait3A_139 = tpu.memref_slice %arg7[%add3A_110, %dma_wait3A_138] : memref<20480x128xf32, #tpu.memory_space<hbm>> -> memref<80x128xf32, #tpu.memory_space<hbm>>
      %dma_wait3A_140 = arith.constant 0 : i32
      %dma_wait3A_141 = tpu.memref_slice %arg7[%add3A_110, %dma_wait3A_140] : memref<20480x128xf32, #tpu.memory_space<hbm>> -> memref<80x128xf32, #tpu.memory_space<hbm>>
      tpu.wait_dma2 semaphore(%run_scoped3A_133 : memref<!tpu.dma_semaphore, #tpu.memory_space<semaphore_mem>>) src(%arg11 : memref<80x128xf32, #tpu.memory_space<vmem>>) dst(%dma_wait3A_141 : memref<80x128xf32, #tpu.memory_space<hbm>>)
      tpu.yield
    }) : () -> ()
    %mul3A_111 = arith.constant 640 : i32
    %mul3A_112 = arith.muli %arg1, %mul3A_111 : i32
    %add3A_113 = arith.constant 480 : i32
    %add3A_114 = arith.addi %mul3A_112, %add3A_113 : i32
    "tpu.region"() ({
      %run_scoped3A_133 = tpu.sem_alloc : memref<!tpu.dma_semaphore, #tpu.memory_space<semaphore_mem>>
      %dma_start3A_134 = arith.constant 0 : i32
      %dma_start3A_135 = tpu.memref_slice %arg13[%add3A_114, %dma_start3A_134] : memref<10240x128xf32, #tpu.memory_space<vmem_shared>> -> memref<80x128xf32, #tpu.memory_space<vmem_shared>>
      %dma_start3A_136 = arith.constant 0 : i32
      %dma_start3A_137 = tpu.memref_slice %arg13[%add3A_114, %dma_start3A_136] : memref<10240x128xf32, #tpu.memory_space<vmem_shared>> -> memref<80x128xf32, #tpu.memory_space<vmem_shared>>
      tpu.enqueue_dma source(%dma_start3A_137 : memref<80x128xf32, #tpu.memory_space<vmem_shared>>) target(%arg11 : memref<80x128xf32, #tpu.memory_space<vmem>>) target_semaphore(%run_scoped3A_133 : memref<!tpu.dma_semaphore, #tpu.memory_space<semaphore_mem>>)
      %dma_wait3A_138 = arith.constant 0 : i32
      %dma_wait3A_139 = tpu.memref_slice %arg13[%add3A_114, %dma_wait3A_138] : memref<10240x128xf32, #tpu.memory_space<vmem_shared>> -> memref<80x128xf32, #tpu.memory_space<vmem_shared>>
      %dma_wait3A_140 = arith.constant 0 : i32
      %dma_wait3A_141 = tpu.memref_slice %arg13[%add3A_114, %dma_wait3A_140] : memref<10240x128xf32, #tpu.memory_space<vmem_shared>> -> memref<80x128xf32, #tpu.memory_space<vmem_shared>>
      tpu.wait_dma2 semaphore(%run_scoped3A_133 : memref<!tpu.dma_semaphore, #tpu.memory_space<semaphore_mem>>) src(%dma_wait3A_141 : memref<80x128xf32, #tpu.memory_space<vmem_shared>>) dst(%arg11 : memref<80x128xf32, #tpu.memory_space<vmem>>)
      tpu.yield
    }) : () -> ()
    %mul3A_115 = arith.constant 10240 : i32
    %mul3A_116 = arith.muli %arg0, %mul3A_115 : i32
    %mul3A_117 = arith.constant 640 : i32
    %mul3A_118 = arith.muli %arg1, %mul3A_117 : i32
    %add3A_119 = arith.addi %mul3A_116, %mul3A_118 : i32
    %add3A_120 = arith.constant 480 : i32
    %add3A_121 = arith.addi %add3A_119, %add3A_120 : i32
    "tpu.region"() ({
      %run_scoped3A_133 = tpu.sem_alloc : memref<!tpu.dma_semaphore, #tpu.memory_space<semaphore_mem>>
      %dma_start3A_134 = arith.constant 0 : i32
      %dma_start3A_135 = tpu.memref_slice %arg7[%add3A_121, %dma_start3A_134] : memref<20480x128xf32, #tpu.memory_space<hbm>> -> memref<80x128xf32, #tpu.memory_space<hbm>>
      %dma_start3A_136 = arith.constant 0 : i32
      %dma_start3A_137 = tpu.memref_slice %arg7[%add3A_121, %dma_start3A_136] : memref<20480x128xf32, #tpu.memory_space<hbm>> -> memref<80x128xf32, #tpu.memory_space<hbm>>
      tpu.enqueue_dma source(%arg11 : memref<80x128xf32, #tpu.memory_space<vmem>>) target(%dma_start3A_137 : memref<80x128xf32, #tpu.memory_space<hbm>>) target_semaphore(%run_scoped3A_133 : memref<!tpu.dma_semaphore, #tpu.memory_space<semaphore_mem>>)
      %dma_wait3A_138 = arith.constant 0 : i32
      %dma_wait3A_139 = tpu.memref_slice %arg7[%add3A_121, %dma_wait3A_138] : memref<20480x128xf32, #tpu.memory_space<hbm>> -> memref<80x128xf32, #tpu.memory_space<hbm>>
      %dma_wait3A_140 = arith.constant 0 : i32
      %dma_wait3A_141 = tpu.memref_slice %arg7[%add3A_121, %dma_wait3A_140] : memref<20480x128xf32, #tpu.memory_space<hbm>> -> memref<80x128xf32, #tpu.memory_space<hbm>>
      tpu.wait_dma2 semaphore(%run_scoped3A_133 : memref<!tpu.dma_semaphore, #tpu.memory_space<semaphore_mem>>) src(%arg11 : memref<80x128xf32, #tpu.memory_space<vmem>>) dst(%dma_wait3A_141 : memref<80x128xf32, #tpu.memory_space<hbm>>)
      tpu.yield
    }) : () -> ()
    %mul3A_122 = arith.constant 640 : i32
    %mul3A_123 = arith.muli %arg1, %mul3A_122 : i32
    %add3A_124 = arith.constant 560 : i32
    %add3A_125 = arith.addi %mul3A_123, %add3A_124 : i32
    "tpu.region"() ({
      %run_scoped3A_133 = tpu.sem_alloc : memref<!tpu.dma_semaphore, #tpu.memory_space<semaphore_mem>>
      %dma_start3A_134 = arith.constant 0 : i32
      %dma_start3A_135 = tpu.memref_slice %arg13[%add3A_125, %dma_start3A_134] : memref<10240x128xf32, #tpu.memory_space<vmem_shared>> -> memref<80x128xf32, #tpu.memory_space<vmem_shared>>
      %dma_start3A_136 = arith.constant 0 : i32
      %dma_start3A_137 = tpu.memref_slice %arg13[%add3A_125, %dma_start3A_136] : memref<10240x128xf32, #tpu.memory_space<vmem_shared>> -> memref<80x128xf32, #tpu.memory_space<vmem_shared>>
      tpu.enqueue_dma source(%dma_start3A_137 : memref<80x128xf32, #tpu.memory_space<vmem_shared>>) target(%arg11 : memref<80x128xf32, #tpu.memory_space<vmem>>) target_semaphore(%run_scoped3A_133 : memref<!tpu.dma_semaphore, #tpu.memory_space<semaphore_mem>>)
      %dma_wait3A_138 = arith.constant 0 : i32
      %dma_wait3A_139 = tpu.memref_slice %arg13[%add3A_125, %dma_wait3A_138] : memref<10240x128xf32, #tpu.memory_space<vmem_shared>> -> memref<80x128xf32, #tpu.memory_space<vmem_shared>>
      %dma_wait3A_140 = arith.constant 0 : i32
      %dma_wait3A_141 = tpu.memref_slice %arg13[%add3A_125, %dma_wait3A_140] : memref<10240x128xf32, #tpu.memory_space<vmem_shared>> -> memref<80x128xf32, #tpu.memory_space<vmem_shared>>
      tpu.wait_dma2 semaphore(%run_scoped3A_133 : memref<!tpu.dma_semaphore, #tpu.memory_space<semaphore_mem>>) src(%dma_wait3A_141 : memref<80x128xf32, #tpu.memory_space<vmem_shared>>) dst(%arg11 : memref<80x128xf32, #tpu.memory_space<vmem>>)
      tpu.yield
    }) : () -> ()
    %mul3A_126 = arith.constant 10240 : i32
    %mul3A_127 = arith.muli %arg0, %mul3A_126 : i32
    %mul3A_128 = arith.constant 640 : i32
    %mul3A_129 = arith.muli %arg1, %mul3A_128 : i32
    %add3A_130 = arith.addi %mul3A_127, %mul3A_129 : i32
    %add3A_131 = arith.constant 560 : i32
    %add3A_132 = arith.addi %add3A_130, %add3A_131 : i32
    "tpu.region"() ({
      %run_scoped3A_133 = tpu.sem_alloc : memref<!tpu.dma_semaphore, #tpu.memory_space<semaphore_mem>>
      %dma_start3A_134 = arith.constant 0 : i32
      %dma_start3A_135 = tpu.memref_slice %arg7[%add3A_132, %dma_start3A_134] : memref<20480x128xf32, #tpu.memory_space<hbm>> -> memref<80x128xf32, #tpu.memory_space<hbm>>
      %dma_start3A_136 = arith.constant 0 : i32
      %dma_start3A_137 = tpu.memref_slice %arg7[%add3A_132, %dma_start3A_136] : memref<20480x128xf32, #tpu.memory_space<hbm>> -> memref<80x128xf32, #tpu.memory_space<hbm>>
      tpu.enqueue_dma source(%arg11 : memref<80x128xf32, #tpu.memory_space<vmem>>) target(%dma_start3A_137 : memref<80x128xf32, #tpu.memory_space<hbm>>) target_semaphore(%run_scoped3A_133 : memref<!tpu.dma_semaphore, #tpu.memory_space<semaphore_mem>>)
      %dma_wait3A_138 = arith.constant 0 : i32
      %dma_wait3A_139 = tpu.memref_slice %arg7[%add3A_132, %dma_wait3A_138] : memref<20480x128xf32, #tpu.memory_space<hbm>> -> memref<80x128xf32, #tpu.memory_space<hbm>>
      %dma_wait3A_140 = arith.constant 0 : i32
      %dma_wait3A_141 = tpu.memref_slice %arg7[%add3A_132, %dma_wait3A_140] : memref<20480x128xf32, #tpu.memory_space<hbm>> -> memref<80x128xf32, #tpu.memory_space<hbm>>
      tpu.wait_dma2 semaphore(%run_scoped3A_133 : memref<!tpu.dma_semaphore, #tpu.memory_space<semaphore_mem>>) src(%arg11 : memref<80x128xf32, #tpu.memory_space<vmem>>) dst(%dma_wait3A_141 : memref<80x128xf32, #tpu.memory_space<hbm>>)
      tpu.yield
    }) : () -> ()
    return
  }
}

#map = affine_map<(d0, d1) -> (0, 0)>
#map1 = affine_map<(d0, d1) -> (0, 0, 0)>
module attributes {stable_mosaic.version = 14 : i64} {
  func.func @body(%arg0: i32, %arg1: i32, %arg2: memref<80x128xf32, #tpu.memory_space<hbm>>, %arg3: memref<32x125x80xi32, #tpu.memory_space<hbm>>, %arg4: memref<32x125x80xi32, #tpu.memory_space<hbm>>, %arg5: memref<80x128xf32, #tpu.memory_space<hbm>>, %arg6: memref<80x128xf32, #tpu.memory_space<hbm>>, %arg7: memref<20480x128xf32, #tpu.memory_space<hbm>>, %arg8: memref<80xi32, #tpu.memory_space<vmem>>, %arg9: memref<80xi32, #tpu.memory_space<vmem>>, %arg10: memref<125x80xi32, #tpu.memory_space<vmem>>, %arg11: memref<80x128xf32, #tpu.memory_space<vmem>>, %arg12: memref<80x128xf32, #tpu.memory_space<vmem>>, %arg13: memref<10240x128xf32, #tpu.memory_space<vmem_shared>>, %arg14: memref<!tpu.dma_semaphore, #tpu.memory_space<semaphore_mem>>, %arg15: memref<!tpu.dma_semaphore, #tpu.memory_space<semaphore_mem>>) attributes {dimension_semantics = [#tpu.dimension_semantics<core_parallel>, #tpu.dimension_semantics<subcore_parallel>], iteration_bounds = array<i64: 2, 16>, scalar_prefetch = 0 : i64, scratch_operands = 8 : i64, tpu.core_type = #tpu.core_type<sc_vector_subcore>, window_params = [{transform_indices = #map}, {transform_indices = #map1}, {transform_indices = #map1}, {transform_indices = #map}, {transform_indices = #map}, {transform_indices = #map}]} {
    %mul3A = arith.constant 2 : i32
    %mul3A_0 = arith.muli %arg1, %mul3A : i32
    %add3A = arith.addi %mul3A_0, %arg0 : i32
    "tpu.region"() ({
      %run_scoped3A = tpu.sem_alloc : memref<!tpu.dma_semaphore, #tpu.memory_space<semaphore_mem>>
      tpu.enqueue_dma source(%arg5 : memref<80x128xf32, #tpu.memory_space<hbm>>) target(%arg11 : memref<80x128xf32, #tpu.memory_space<vmem>>) target_semaphore(%run_scoped3A : memref<!tpu.dma_semaphore, #tpu.memory_space<semaphore_mem>>)
      tpu.wait_dma2 semaphore(%run_scoped3A : memref<!tpu.dma_semaphore, #tpu.memory_space<semaphore_mem>>) src(%arg5 : memref<80x128xf32, #tpu.memory_space<hbm>>) dst(%arg11 : memref<80x128xf32, #tpu.memory_space<vmem>>)
      tpu.yield
    }) : () -> ()
    %mul3A_1 = arith.constant 640 : i32
    %mul3A_2 = arith.muli %arg1, %mul3A_1 : i32
    %add3A_3 = arith.constant 0 : i32
    %add3A_4 = arith.addi %mul3A_2, %add3A_3 : i32
    "tpu.region"() ({
      %run_scoped3A = tpu.sem_alloc : memref<!tpu.dma_semaphore, #tpu.memory_space<semaphore_mem>>
      %dma_start3A = arith.constant 0 : i32
      %dma_start3A_128 = tpu.memref_slice %arg13[%add3A_4, %dma_start3A] : memref<10240x128xf32, #tpu.memory_space<vmem_shared>> -> memref<80x128xf32, #tpu.memory_space<vmem_shared>>
      %dma_start3A_129 = arith.constant 0 : i32
      %dma_start3A_130 = tpu.memref_slice %arg13[%add3A_4, %dma_start3A_129] : memref<10240x128xf32, #tpu.memory_space<vmem_shared>> -> memref<80x128xf32, #tpu.memory_space<vmem_shared>>
      tpu.enqueue_dma source(%arg11 : memref<80x128xf32, #tpu.memory_space<vmem>>) target(%dma_start3A_130 : memref<80x128xf32, #tpu.memory_space<vmem_shared>>) target_semaphore(%run_scoped3A : memref<!tpu.dma_semaphore, #tpu.memory_space<semaphore_mem>>)
      %dma_wait3A = arith.constant 0 : i32
      %dma_wait3A_131 = tpu.memref_slice %arg13[%add3A_4, %dma_wait3A] : memref<10240x128xf32, #tpu.memory_space<vmem_shared>> -> memref<80x128xf32, #tpu.memory_space<vmem_shared>>
      %dma_wait3A_132 = arith.constant 0 : i32
      %dma_wait3A_133 = tpu.memref_slice %arg13[%add3A_4, %dma_wait3A_132] : memref<10240x128xf32, #tpu.memory_space<vmem_shared>> -> memref<80x128xf32, #tpu.memory_space<vmem_shared>>
      tpu.wait_dma2 semaphore(%run_scoped3A : memref<!tpu.dma_semaphore, #tpu.memory_space<semaphore_mem>>) src(%arg11 : memref<80x128xf32, #tpu.memory_space<vmem>>) dst(%dma_wait3A_133 : memref<80x128xf32, #tpu.memory_space<vmem_shared>>)
      tpu.yield
    }) : () -> ()
    %mul3A_5 = arith.constant 640 : i32
    %mul3A_6 = arith.muli %arg1, %mul3A_5 : i32
    %add3A_7 = arith.constant 80 : i32
    %add3A_8 = arith.addi %mul3A_6, %add3A_7 : i32
    "tpu.region"() ({
      %run_scoped3A = tpu.sem_alloc : memref<!tpu.dma_semaphore, #tpu.memory_space<semaphore_mem>>
      %dma_start3A = arith.constant 0 : i32
      %dma_start3A_128 = tpu.memref_slice %arg13[%add3A_8, %dma_start3A] : memref<10240x128xf32, #tpu.memory_space<vmem_shared>> -> memref<80x128xf32, #tpu.memory_space<vmem_shared>>
      %dma_start3A_129 = arith.constant 0 : i32
      %dma_start3A_130 = tpu.memref_slice %arg13[%add3A_8, %dma_start3A_129] : memref<10240x128xf32, #tpu.memory_space<vmem_shared>> -> memref<80x128xf32, #tpu.memory_space<vmem_shared>>
      tpu.enqueue_dma source(%arg11 : memref<80x128xf32, #tpu.memory_space<vmem>>) target(%dma_start3A_130 : memref<80x128xf32, #tpu.memory_space<vmem_shared>>) target_semaphore(%run_scoped3A : memref<!tpu.dma_semaphore, #tpu.memory_space<semaphore_mem>>)
      %dma_wait3A = arith.constant 0 : i32
      %dma_wait3A_131 = tpu.memref_slice %arg13[%add3A_8, %dma_wait3A] : memref<10240x128xf32, #tpu.memory_space<vmem_shared>> -> memref<80x128xf32, #tpu.memory_space<vmem_shared>>
      %dma_wait3A_132 = arith.constant 0 : i32
      %dma_wait3A_133 = tpu.memref_slice %arg13[%add3A_8, %dma_wait3A_132] : memref<10240x128xf32, #tpu.memory_space<vmem_shared>> -> memref<80x128xf32, #tpu.memory_space<vmem_shared>>
      tpu.wait_dma2 semaphore(%run_scoped3A : memref<!tpu.dma_semaphore, #tpu.memory_space<semaphore_mem>>) src(%arg11 : memref<80x128xf32, #tpu.memory_space<vmem>>) dst(%dma_wait3A_133 : memref<80x128xf32, #tpu.memory_space<vmem_shared>>)
      tpu.yield
    }) : () -> ()
    %mul3A_9 = arith.constant 640 : i32
    %mul3A_10 = arith.muli %arg1, %mul3A_9 : i32
    %add3A_11 = arith.constant 160 : i32
    %add3A_12 = arith.addi %mul3A_10, %add3A_11 : i32
    "tpu.region"() ({
      %run_scoped3A = tpu.sem_alloc : memref<!tpu.dma_semaphore, #tpu.memory_space<semaphore_mem>>
      %dma_start3A = arith.constant 0 : i32
      %dma_start3A_128 = tpu.memref_slice %arg13[%add3A_12, %dma_start3A] : memref<10240x128xf32, #tpu.memory_space<vmem_shared>> -> memref<80x128xf32, #tpu.memory_space<vmem_shared>>
      %dma_start3A_129 = arith.constant 0 : i32
      %dma_start3A_130 = tpu.memref_slice %arg13[%add3A_12, %dma_start3A_129] : memref<10240x128xf32, #tpu.memory_space<vmem_shared>> -> memref<80x128xf32, #tpu.memory_space<vmem_shared>>
      tpu.enqueue_dma source(%arg11 : memref<80x128xf32, #tpu.memory_space<vmem>>) target(%dma_start3A_130 : memref<80x128xf32, #tpu.memory_space<vmem_shared>>) target_semaphore(%run_scoped3A : memref<!tpu.dma_semaphore, #tpu.memory_space<semaphore_mem>>)
      %dma_wait3A = arith.constant 0 : i32
      %dma_wait3A_131 = tpu.memref_slice %arg13[%add3A_12, %dma_wait3A] : memref<10240x128xf32, #tpu.memory_space<vmem_shared>> -> memref<80x128xf32, #tpu.memory_space<vmem_shared>>
      %dma_wait3A_132 = arith.constant 0 : i32
      %dma_wait3A_133 = tpu.memref_slice %arg13[%add3A_12, %dma_wait3A_132] : memref<10240x128xf32, #tpu.memory_space<vmem_shared>> -> memref<80x128xf32, #tpu.memory_space<vmem_shared>>
      tpu.wait_dma2 semaphore(%run_scoped3A : memref<!tpu.dma_semaphore, #tpu.memory_space<semaphore_mem>>) src(%arg11 : memref<80x128xf32, #tpu.memory_space<vmem>>) dst(%dma_wait3A_133 : memref<80x128xf32, #tpu.memory_space<vmem_shared>>)
      tpu.yield
    }) : () -> ()
    %mul3A_13 = arith.constant 640 : i32
    %mul3A_14 = arith.muli %arg1, %mul3A_13 : i32
    %add3A_15 = arith.constant 240 : i32
    %add3A_16 = arith.addi %mul3A_14, %add3A_15 : i32
    "tpu.region"() ({
      %run_scoped3A = tpu.sem_alloc : memref<!tpu.dma_semaphore, #tpu.memory_space<semaphore_mem>>
      %dma_start3A = arith.constant 0 : i32
      %dma_start3A_128 = tpu.memref_slice %arg13[%add3A_16, %dma_start3A] : memref<10240x128xf32, #tpu.memory_space<vmem_shared>> -> memref<80x128xf32, #tpu.memory_space<vmem_shared>>
      %dma_start3A_129 = arith.constant 0 : i32
      %dma_start3A_130 = tpu.memref_slice %arg13[%add3A_16, %dma_start3A_129] : memref<10240x128xf32, #tpu.memory_space<vmem_shared>> -> memref<80x128xf32, #tpu.memory_space<vmem_shared>>
      tpu.enqueue_dma source(%arg11 : memref<80x128xf32, #tpu.memory_space<vmem>>) target(%dma_start3A_130 : memref<80x128xf32, #tpu.memory_space<vmem_shared>>) target_semaphore(%run_scoped3A : memref<!tpu.dma_semaphore, #tpu.memory_space<semaphore_mem>>)
      %dma_wait3A = arith.constant 0 : i32
      %dma_wait3A_131 = tpu.memref_slice %arg13[%add3A_16, %dma_wait3A] : memref<10240x128xf32, #tpu.memory_space<vmem_shared>> -> memref<80x128xf32, #tpu.memory_space<vmem_shared>>
      %dma_wait3A_132 = arith.constant 0 : i32
      %dma_wait3A_133 = tpu.memref_slice %arg13[%add3A_16, %dma_wait3A_132] : memref<10240x128xf32, #tpu.memory_space<vmem_shared>> -> memref<80x128xf32, #tpu.memory_space<vmem_shared>>
      tpu.wait_dma2 semaphore(%run_scoped3A : memref<!tpu.dma_semaphore, #tpu.memory_space<semaphore_mem>>) src(%arg11 : memref<80x128xf32, #tpu.memory_space<vmem>>) dst(%dma_wait3A_133 : memref<80x128xf32, #tpu.memory_space<vmem_shared>>)
      tpu.yield
    }) : () -> ()
    %mul3A_17 = arith.constant 640 : i32
    %mul3A_18 = arith.muli %arg1, %mul3A_17 : i32
    %add3A_19 = arith.constant 320 : i32
    %add3A_20 = arith.addi %mul3A_18, %add3A_19 : i32
    "tpu.region"() ({
      %run_scoped3A = tpu.sem_alloc : memref<!tpu.dma_semaphore, #tpu.memory_space<semaphore_mem>>
      %dma_start3A = arith.constant 0 : i32
      %dma_start3A_128 = tpu.memref_slice %arg13[%add3A_20, %dma_start3A] : memref<10240x128xf32, #tpu.memory_space<vmem_shared>> -> memref<80x128xf32, #tpu.memory_space<vmem_shared>>
      %dma_start3A_129 = arith.constant 0 : i32
      %dma_start3A_130 = tpu.memref_slice %arg13[%add3A_20, %dma_start3A_129] : memref<10240x128xf32, #tpu.memory_space<vmem_shared>> -> memref<80x128xf32, #tpu.memory_space<vmem_shared>>
      tpu.enqueue_dma source(%arg11 : memref<80x128xf32, #tpu.memory_space<vmem>>) target(%dma_start3A_130 : memref<80x128xf32, #tpu.memory_space<vmem_shared>>) target_semaphore(%run_scoped3A : memref<!tpu.dma_semaphore, #tpu.memory_space<semaphore_mem>>)
      %dma_wait3A = arith.constant 0 : i32
      %dma_wait3A_131 = tpu.memref_slice %arg13[%add3A_20, %dma_wait3A] : memref<10240x128xf32, #tpu.memory_space<vmem_shared>> -> memref<80x128xf32, #tpu.memory_space<vmem_shared>>
      %dma_wait3A_132 = arith.constant 0 : i32
      %dma_wait3A_133 = tpu.memref_slice %arg13[%add3A_20, %dma_wait3A_132] : memref<10240x128xf32, #tpu.memory_space<vmem_shared>> -> memref<80x128xf32, #tpu.memory_space<vmem_shared>>
      tpu.wait_dma2 semaphore(%run_scoped3A : memref<!tpu.dma_semaphore, #tpu.memory_space<semaphore_mem>>) src(%arg11 : memref<80x128xf32, #tpu.memory_space<vmem>>) dst(%dma_wait3A_133 : memref<80x128xf32, #tpu.memory_space<vmem_shared>>)
      tpu.yield
    }) : () -> ()
    %mul3A_21 = arith.constant 640 : i32
    %mul3A_22 = arith.muli %arg1, %mul3A_21 : i32
    %add3A_23 = arith.constant 400 : i32
    %add3A_24 = arith.addi %mul3A_22, %add3A_23 : i32
    "tpu.region"() ({
      %run_scoped3A = tpu.sem_alloc : memref<!tpu.dma_semaphore, #tpu.memory_space<semaphore_mem>>
      %dma_start3A = arith.constant 0 : i32
      %dma_start3A_128 = tpu.memref_slice %arg13[%add3A_24, %dma_start3A] : memref<10240x128xf32, #tpu.memory_space<vmem_shared>> -> memref<80x128xf32, #tpu.memory_space<vmem_shared>>
      %dma_start3A_129 = arith.constant 0 : i32
      %dma_start3A_130 = tpu.memref_slice %arg13[%add3A_24, %dma_start3A_129] : memref<10240x128xf32, #tpu.memory_space<vmem_shared>> -> memref<80x128xf32, #tpu.memory_space<vmem_shared>>
      tpu.enqueue_dma source(%arg11 : memref<80x128xf32, #tpu.memory_space<vmem>>) target(%dma_start3A_130 : memref<80x128xf32, #tpu.memory_space<vmem_shared>>) target_semaphore(%run_scoped3A : memref<!tpu.dma_semaphore, #tpu.memory_space<semaphore_mem>>)
      %dma_wait3A = arith.constant 0 : i32
      %dma_wait3A_131 = tpu.memref_slice %arg13[%add3A_24, %dma_wait3A] : memref<10240x128xf32, #tpu.memory_space<vmem_shared>> -> memref<80x128xf32, #tpu.memory_space<vmem_shared>>
      %dma_wait3A_132 = arith.constant 0 : i32
      %dma_wait3A_133 = tpu.memref_slice %arg13[%add3A_24, %dma_wait3A_132] : memref<10240x128xf32, #tpu.memory_space<vmem_shared>> -> memref<80x128xf32, #tpu.memory_space<vmem_shared>>
      tpu.wait_dma2 semaphore(%run_scoped3A : memref<!tpu.dma_semaphore, #tpu.memory_space<semaphore_mem>>) src(%arg11 : memref<80x128xf32, #tpu.memory_space<vmem>>) dst(%dma_wait3A_133 : memref<80x128xf32, #tpu.memory_space<vmem_shared>>)
      tpu.yield
    }) : () -> ()
    %mul3A_25 = arith.constant 640 : i32
    %mul3A_26 = arith.muli %arg1, %mul3A_25 : i32
    %add3A_27 = arith.constant 480 : i32
    %add3A_28 = arith.addi %mul3A_26, %add3A_27 : i32
    "tpu.region"() ({
      %run_scoped3A = tpu.sem_alloc : memref<!tpu.dma_semaphore, #tpu.memory_space<semaphore_mem>>
      %dma_start3A = arith.constant 0 : i32
      %dma_start3A_128 = tpu.memref_slice %arg13[%add3A_28, %dma_start3A] : memref<10240x128xf32, #tpu.memory_space<vmem_shared>> -> memref<80x128xf32, #tpu.memory_space<vmem_shared>>
      %dma_start3A_129 = arith.constant 0 : i32
      %dma_start3A_130 = tpu.memref_slice %arg13[%add3A_28, %dma_start3A_129] : memref<10240x128xf32, #tpu.memory_space<vmem_shared>> -> memref<80x128xf32, #tpu.memory_space<vmem_shared>>
      tpu.enqueue_dma source(%arg11 : memref<80x128xf32, #tpu.memory_space<vmem>>) target(%dma_start3A_130 : memref<80x128xf32, #tpu.memory_space<vmem_shared>>) target_semaphore(%run_scoped3A : memref<!tpu.dma_semaphore, #tpu.memory_space<semaphore_mem>>)
      %dma_wait3A = arith.constant 0 : i32
      %dma_wait3A_131 = tpu.memref_slice %arg13[%add3A_28, %dma_wait3A] : memref<10240x128xf32, #tpu.memory_space<vmem_shared>> -> memref<80x128xf32, #tpu.memory_space<vmem_shared>>
      %dma_wait3A_132 = arith.constant 0 : i32
      %dma_wait3A_133 = tpu.memref_slice %arg13[%add3A_28, %dma_wait3A_132] : memref<10240x128xf32, #tpu.memory_space<vmem_shared>> -> memref<80x128xf32, #tpu.memory_space<vmem_shared>>
      tpu.wait_dma2 semaphore(%run_scoped3A : memref<!tpu.dma_semaphore, #tpu.memory_space<semaphore_mem>>) src(%arg11 : memref<80x128xf32, #tpu.memory_space<vmem>>) dst(%dma_wait3A_133 : memref<80x128xf32, #tpu.memory_space<vmem_shared>>)
      tpu.yield
    }) : () -> ()
    %mul3A_29 = arith.constant 640 : i32
    %mul3A_30 = arith.muli %arg1, %mul3A_29 : i32
    %add3A_31 = arith.constant 560 : i32
    %add3A_32 = arith.addi %mul3A_30, %add3A_31 : i32
    "tpu.region"() ({
      %run_scoped3A = tpu.sem_alloc : memref<!tpu.dma_semaphore, #tpu.memory_space<semaphore_mem>>
      %dma_start3A = arith.constant 0 : i32
      %dma_start3A_128 = tpu.memref_slice %arg13[%add3A_32, %dma_start3A] : memref<10240x128xf32, #tpu.memory_space<vmem_shared>> -> memref<80x128xf32, #tpu.memory_space<vmem_shared>>
      %dma_start3A_129 = arith.constant 0 : i32
      %dma_start3A_130 = tpu.memref_slice %arg13[%add3A_32, %dma_start3A_129] : memref<10240x128xf32, #tpu.memory_space<vmem_shared>> -> memref<80x128xf32, #tpu.memory_space<vmem_shared>>
      tpu.enqueue_dma source(%arg11 : memref<80x128xf32, #tpu.memory_space<vmem>>) target(%dma_start3A_130 : memref<80x128xf32, #tpu.memory_space<vmem_shared>>) target_semaphore(%run_scoped3A : memref<!tpu.dma_semaphore, #tpu.memory_space<semaphore_mem>>)
      %dma_wait3A = arith.constant 0 : i32
      %dma_wait3A_131 = tpu.memref_slice %arg13[%add3A_32, %dma_wait3A] : memref<10240x128xf32, #tpu.memory_space<vmem_shared>> -> memref<80x128xf32, #tpu.memory_space<vmem_shared>>
      %dma_wait3A_132 = arith.constant 0 : i32
      %dma_wait3A_133 = tpu.memref_slice %arg13[%add3A_32, %dma_wait3A_132] : memref<10240x128xf32, #tpu.memory_space<vmem_shared>> -> memref<80x128xf32, #tpu.memory_space<vmem_shared>>
      tpu.wait_dma2 semaphore(%run_scoped3A : memref<!tpu.dma_semaphore, #tpu.memory_space<semaphore_mem>>) src(%arg11 : memref<80x128xf32, #tpu.memory_space<vmem>>) dst(%dma_wait3A_133 : memref<80x128xf32, #tpu.memory_space<vmem_shared>>)
      tpu.yield
    }) : () -> ()
    "tpu.region"() ({
      %run_scoped3A = tpu.sem_alloc : memref<!tpu.dma_semaphore, #tpu.memory_space<semaphore_mem>>
      %dma_start3A = arith.constant 0 : i32
      %dma_start3A_128 = arith.constant 0 : i32
      %dma_start3A_129 = tpu.memref_slice %arg4[%add3A, %dma_start3A, %dma_start3A_128] : memref<32x125x80xi32, #tpu.memory_space<hbm>> -> memref<1x125x80xi32, #tpu.memory_space<hbm>>
      %dma_start3A_130 = tpu.memref_squeeze %dma_start3A_129 : memref<1x125x80xi32, #tpu.memory_space<hbm>> -> memref<125x80xi32, #tpu.memory_space<hbm>>
      %dma_start3A_131 = arith.constant 0 : i32
      %dma_start3A_132 = arith.constant 0 : i32
      %dma_start3A_133 = tpu.memref_slice %arg4[%add3A, %dma_start3A_131, %dma_start3A_132] : memref<32x125x80xi32, #tpu.memory_space<hbm>> -> memref<1x125x80xi32, #tpu.memory_space<hbm>>
      %dma_start3A_134 = tpu.memref_squeeze %dma_start3A_133 : memref<1x125x80xi32, #tpu.memory_space<hbm>> -> memref<125x80xi32, #tpu.memory_space<hbm>>
      tpu.enqueue_dma source(%dma_start3A_134 : memref<125x80xi32, #tpu.memory_space<hbm>>) target(%arg10 : memref<125x80xi32, #tpu.memory_space<vmem>>) target_semaphore(%run_scoped3A : memref<!tpu.dma_semaphore, #tpu.memory_space<semaphore_mem>>)
      %dma_wait3A = arith.constant 0 : i32
      %dma_wait3A_135 = arith.constant 0 : i32
      %dma_wait3A_136 = tpu.memref_slice %arg4[%add3A, %dma_wait3A, %dma_wait3A_135] : memref<32x125x80xi32, #tpu.memory_space<hbm>> -> memref<1x125x80xi32, #tpu.memory_space<hbm>>
      %dma_wait3A_137 = tpu.memref_squeeze %dma_wait3A_136 : memref<1x125x80xi32, #tpu.memory_space<hbm>> -> memref<125x80xi32, #tpu.memory_space<hbm>>
      %dma_wait3A_138 = arith.constant 0 : i32
      %dma_wait3A_139 = arith.constant 0 : i32
      %dma_wait3A_140 = tpu.memref_slice %arg4[%add3A, %dma_wait3A_138, %dma_wait3A_139] : memref<32x125x80xi32, #tpu.memory_space<hbm>> -> memref<1x125x80xi32, #tpu.memory_space<hbm>>
      %dma_wait3A_141 = tpu.memref_squeeze %dma_wait3A_140 : memref<1x125x80xi32, #tpu.memory_space<hbm>> -> memref<125x80xi32, #tpu.memory_space<hbm>>
      tpu.wait_dma2 semaphore(%run_scoped3A : memref<!tpu.dma_semaphore, #tpu.memory_space<semaphore_mem>>) src(%dma_wait3A_141 : memref<125x80xi32, #tpu.memory_space<hbm>>) dst(%arg10 : memref<125x80xi32, #tpu.memory_space<vmem>>)
      tpu.yield
    }) : () -> ()
    "tpu.region"() ({
      %run_scoped3A = tpu.sem_alloc : memref<!tpu.dma_semaphore, #tpu.memory_space<semaphore_mem>>
      tpu.enqueue_dma source(%arg6 : memref<80x128xf32, #tpu.memory_space<hbm>>) target(%arg11 : memref<80x128xf32, #tpu.memory_space<vmem>>) target_semaphore(%run_scoped3A : memref<!tpu.dma_semaphore, #tpu.memory_space<semaphore_mem>>)
      tpu.wait_dma2 semaphore(%run_scoped3A : memref<!tpu.dma_semaphore, #tpu.memory_space<semaphore_mem>>) src(%arg6 : memref<80x128xf32, #tpu.memory_space<hbm>>) dst(%arg11 : memref<80x128xf32, #tpu.memory_space<vmem>>)
      tpu.yield
    }) : () -> ()
    %barrier3A = arith.constant 0 : index
    tpu.barrier barrier_id(%barrier3A)
    %scan3A = arith.constant 0 : i32
    %scan3A_33 = arith.constant 0 : i32
    %scan3A_34 = arith.constant 125 : i32
    %scan3A_35 = arith.addi %scan3A_33, %scan3A_34 : i32
    %scan3A_36 = arith.constant 1 : i32
    %scan3A_37 = scf.for %scan3A_128 = %scan3A_33 to %scan3A_35 step %scan3A_36 iter_args(%scan3A_129 = %scan3A) -> (i32)  : i32 {
      "tpu.region"() ({
        %run_scoped3A = tpu.sem_alloc : memref<!tpu.dma_semaphore, #tpu.memory_space<semaphore_mem>>
        %dma_start3A = arith.constant 0 : i32
        %dma_start3A_131 = tpu.memref_slice %arg10[%scan3A_128, %dma_start3A] : memref<125x80xi32, #tpu.memory_space<vmem>> -> memref<1x80xi32, #tpu.memory_space<vmem>>
        %dma_start3A_132 = tpu.memref_squeeze %dma_start3A_131 : memref<1x80xi32, #tpu.memory_space<vmem>> -> memref<80xi32, #tpu.memory_space<vmem>>
        %dma_start3A_133 = arith.constant 0 : i32
        %dma_start3A_134 = arith.constant 0 : i32
        %dma_start3A_135 = tpu.memref_slice %arg13[%dma_start3A_133, %dma_start3A_134] : memref<10240x128xf32, #tpu.memory_space<vmem_shared>> -> memref<10240x128xf32, #tpu.memory_space<vmem_shared>>
        tpu.enqueue_indirect_dma source(%arg11 : memref<80x128xf32, #tpu.memory_space<vmem>>) target(%dma_start3A_135 : memref<10240x128xf32, #tpu.memory_space<vmem_shared>>) offsets(%dma_start3A_132 : memref<80xi32, #tpu.memory_space<vmem>>) semaphore(%run_scoped3A : memref<!tpu.dma_semaphore, #tpu.memory_space<semaphore_mem>>) {add = true}
        %dma_wait3A = arith.constant 0 : i32
        %dma_wait3A_136 = tpu.memref_slice %arg10[%scan3A_128, %dma_wait3A] : memref<125x80xi32, #tpu.memory_space<vmem>> -> memref<1x80xi32, #tpu.memory_space<vmem>>
        %dma_wait3A_137 = tpu.memref_squeeze %dma_wait3A_136 : memref<1x80xi32, #tpu.memory_space<vmem>> -> memref<80xi32, #tpu.memory_space<vmem>>
        %dma_wait3A_138 = arith.constant 0 : i32
        %dma_wait3A_139 = arith.constant 0 : i32
        %dma_wait3A_140 = tpu.memref_slice %arg13[%dma_wait3A_138, %dma_wait3A_139] : memref<10240x128xf32, #tpu.memory_space<vmem_shared>> -> memref<10240x128xf32, #tpu.memory_space<vmem_shared>>
        tpu.wait_indirect_dma semaphore(%run_scoped3A : memref<!tpu.dma_semaphore, #tpu.memory_space<semaphore_mem>>) src(%arg11 : memref<80x128xf32, #tpu.memory_space<vmem>>) dst(%dma_wait3A_140 : memref<10240x128xf32, #tpu.memory_space<vmem_shared>>)
        tpu.yield
      }) : () -> ()
      %scan3A_130 = arith.constant 0 : i32
      scf.yield %scan3A_130 : i32
    }
    %scan3A_38 = arith.constant 125 : i32
    %barrier3A_39 = arith.constant 0 : index
    tpu.barrier barrier_id(%barrier3A_39)
    %mul3A_40 = arith.constant 640 : i32
    %mul3A_41 = arith.muli %arg1, %mul3A_40 : i32
    %add3A_42 = arith.constant 0 : i32
    %add3A_43 = arith.addi %mul3A_41, %add3A_42 : i32
    "tpu.region"() ({
      %run_scoped3A = tpu.sem_alloc : memref<!tpu.dma_semaphore, #tpu.memory_space<semaphore_mem>>
      %dma_start3A = arith.constant 0 : i32
      %dma_start3A_128 = tpu.memref_slice %arg13[%add3A_43, %dma_start3A] : memref<10240x128xf32, #tpu.memory_space<vmem_shared>> -> memref<80x128xf32, #tpu.memory_space<vmem_shared>>
      %dma_start3A_129 = arith.constant 0 : i32
      %dma_start3A_130 = tpu.memref_slice %arg13[%add3A_43, %dma_start3A_129] : memref<10240x128xf32, #tpu.memory_space<vmem_shared>> -> memref<80x128xf32, #tpu.memory_space<vmem_shared>>
      tpu.enqueue_dma source(%dma_start3A_130 : memref<80x128xf32, #tpu.memory_space<vmem_shared>>) target(%arg11 : memref<80x128xf32, #tpu.memory_space<vmem>>) target_semaphore(%run_scoped3A : memref<!tpu.dma_semaphore, #tpu.memory_space<semaphore_mem>>)
      %dma_wait3A = arith.constant 0 : i32
      %dma_wait3A_131 = tpu.memref_slice %arg13[%add3A_43, %dma_wait3A] : memref<10240x128xf32, #tpu.memory_space<vmem_shared>> -> memref<80x128xf32, #tpu.memory_space<vmem_shared>>
      %dma_wait3A_132 = arith.constant 0 : i32
      %dma_wait3A_133 = tpu.memref_slice %arg13[%add3A_43, %dma_wait3A_132] : memref<10240x128xf32, #tpu.memory_space<vmem_shared>> -> memref<80x128xf32, #tpu.memory_space<vmem_shared>>
      tpu.wait_dma2 semaphore(%run_scoped3A : memref<!tpu.dma_semaphore, #tpu.memory_space<semaphore_mem>>) src(%dma_wait3A_133 : memref<80x128xf32, #tpu.memory_space<vmem_shared>>) dst(%arg11 : memref<80x128xf32, #tpu.memory_space<vmem>>)
      tpu.yield
    }) : () -> ()
    %mul3A_44 = arith.constant 10240 : i32
    %mul3A_45 = arith.muli %arg0, %mul3A_44 : i32
    %mul3A_46 = arith.constant 640 : i32
    %mul3A_47 = arith.muli %arg1, %mul3A_46 : i32
    %add3A_48 = arith.addi %mul3A_45, %mul3A_47 : i32
    %add3A_49 = arith.constant 0 : i32
    %add3A_50 = arith.addi %add3A_48, %add3A_49 : i32
    "tpu.region"() ({
      %run_scoped3A = tpu.sem_alloc : memref<!tpu.dma_semaphore, #tpu.memory_space<semaphore_mem>>
      %dma_start3A = arith.constant 0 : i32
      %dma_start3A_128 = tpu.memref_slice %arg7[%add3A_50, %dma_start3A] : memref<20480x128xf32, #tpu.memory_space<hbm>> -> memref<80x128xf32, #tpu.memory_space<hbm>>
      %dma_start3A_129 = arith.constant 0 : i32
      %dma_start3A_130 = tpu.memref_slice %arg7[%add3A_50, %dma_start3A_129] : memref<20480x128xf32, #tpu.memory_space<hbm>> -> memref<80x128xf32, #tpu.memory_space<hbm>>
      tpu.enqueue_dma source(%arg11 : memref<80x128xf32, #tpu.memory_space<vmem>>) target(%dma_start3A_130 : memref<80x128xf32, #tpu.memory_space<hbm>>) target_semaphore(%run_scoped3A : memref<!tpu.dma_semaphore, #tpu.memory_space<semaphore_mem>>)
      %dma_wait3A = arith.constant 0 : i32
      %dma_wait3A_131 = tpu.memref_slice %arg7[%add3A_50, %dma_wait3A] : memref<20480x128xf32, #tpu.memory_space<hbm>> -> memref<80x128xf32, #tpu.memory_space<hbm>>
      %dma_wait3A_132 = arith.constant 0 : i32
      %dma_wait3A_133 = tpu.memref_slice %arg7[%add3A_50, %dma_wait3A_132] : memref<20480x128xf32, #tpu.memory_space<hbm>> -> memref<80x128xf32, #tpu.memory_space<hbm>>
      tpu.wait_dma2 semaphore(%run_scoped3A : memref<!tpu.dma_semaphore, #tpu.memory_space<semaphore_mem>>) src(%arg11 : memref<80x128xf32, #tpu.memory_space<vmem>>) dst(%dma_wait3A_133 : memref<80x128xf32, #tpu.memory_space<hbm>>)
      tpu.yield
    }) : () -> ()
    %mul3A_51 = arith.constant 640 : i32
    %mul3A_52 = arith.muli %arg1, %mul3A_51 : i32
    %add3A_53 = arith.constant 80 : i32
    %add3A_54 = arith.addi %mul3A_52, %add3A_53 : i32
    "tpu.region"() ({
      %run_scoped3A = tpu.sem_alloc : memref<!tpu.dma_semaphore, #tpu.memory_space<semaphore_mem>>
      %dma_start3A = arith.constant 0 : i32
      %dma_start3A_128 = tpu.memref_slice %arg13[%add3A_54, %dma_start3A] : memref<10240x128xf32, #tpu.memory_space<vmem_shared>> -> memref<80x128xf32, #tpu.memory_space<vmem_shared>>
      %dma_start3A_129 = arith.constant 0 : i32
      %dma_start3A_130 = tpu.memref_slice %arg13[%add3A_54, %dma_start3A_129] : memref<10240x128xf32, #tpu.memory_space<vmem_shared>> -> memref<80x128xf32, #tpu.memory_space<vmem_shared>>
      tpu.enqueue_dma source(%dma_start3A_130 : memref<80x128xf32, #tpu.memory_space<vmem_shared>>) target(%arg11 : memref<80x128xf32, #tpu.memory_space<vmem>>) target_semaphore(%run_scoped3A : memref<!tpu.dma_semaphore, #tpu.memory_space<semaphore_mem>>)
      %dma_wait3A = arith.constant 0 : i32
      %dma_wait3A_131 = tpu.memref_slice %arg13[%add3A_54, %dma_wait3A] : memref<10240x128xf32, #tpu.memory_space<vmem_shared>> -> memref<80x128xf32, #tpu.memory_space<vmem_shared>>
      %dma_wait3A_132 = arith.constant 0 : i32
      %dma_wait3A_133 = tpu.memref_slice %arg13[%add3A_54, %dma_wait3A_132] : memref<10240x128xf32, #tpu.memory_space<vmem_shared>> -> memref<80x128xf32, #tpu.memory_space<vmem_shared>>
      tpu.wait_dma2 semaphore(%run_scoped3A : memref<!tpu.dma_semaphore, #tpu.memory_space<semaphore_mem>>) src(%dma_wait3A_133 : memref<80x128xf32, #tpu.memory_space<vmem_shared>>) dst(%arg11 : memref<80x128xf32, #tpu.memory_space<vmem>>)
      tpu.yield
    }) : () -> ()
    %mul3A_55 = arith.constant 10240 : i32
    %mul3A_56 = arith.muli %arg0, %mul3A_55 : i32
    %mul3A_57 = arith.constant 640 : i32
    %mul3A_58 = arith.muli %arg1, %mul3A_57 : i32
    %add3A_59 = arith.addi %mul3A_56, %mul3A_58 : i32
    %add3A_60 = arith.constant 80 : i32
    %add3A_61 = arith.addi %add3A_59, %add3A_60 : i32
    "tpu.region"() ({
      %run_scoped3A = tpu.sem_alloc : memref<!tpu.dma_semaphore, #tpu.memory_space<semaphore_mem>>
      %dma_start3A = arith.constant 0 : i32
      %dma_start3A_128 = tpu.memref_slice %arg7[%add3A_61, %dma_start3A] : memref<20480x128xf32, #tpu.memory_space<hbm>> -> memref<80x128xf32, #tpu.memory_space<hbm>>
      %dma_start3A_129 = arith.constant 0 : i32
      %dma_start3A_130 = tpu.memref_slice %arg7[%add3A_61, %dma_start3A_129] : memref<20480x128xf32, #tpu.memory_space<hbm>> -> memref<80x128xf32, #tpu.memory_space<hbm>>
      tpu.enqueue_dma source(%arg11 : memref<80x128xf32, #tpu.memory_space<vmem>>) target(%dma_start3A_130 : memref<80x128xf32, #tpu.memory_space<hbm>>) target_semaphore(%run_scoped3A : memref<!tpu.dma_semaphore, #tpu.memory_space<semaphore_mem>>)
      %dma_wait3A = arith.constant 0 : i32
      %dma_wait3A_131 = tpu.memref_slice %arg7[%add3A_61, %dma_wait3A] : memref<20480x128xf32, #tpu.memory_space<hbm>> -> memref<80x128xf32, #tpu.memory_space<hbm>>
      %dma_wait3A_132 = arith.constant 0 : i32
      %dma_wait3A_133 = tpu.memref_slice %arg7[%add3A_61, %dma_wait3A_132] : memref<20480x128xf32, #tpu.memory_space<hbm>> -> memref<80x128xf32, #tpu.memory_space<hbm>>
      tpu.wait_dma2 semaphore(%run_scoped3A : memref<!tpu.dma_semaphore, #tpu.memory_space<semaphore_mem>>) src(%arg11 : memref<80x128xf32, #tpu.memory_space<vmem>>) dst(%dma_wait3A_133 : memref<80x128xf32, #tpu.memory_space<hbm>>)
      tpu.yield
    }) : () -> ()
    %mul3A_62 = arith.constant 640 : i32
    %mul3A_63 = arith.muli %arg1, %mul3A_62 : i32
    %add3A_64 = arith.constant 160 : i32
    %add3A_65 = arith.addi %mul3A_63, %add3A_64 : i32
    "tpu.region"() ({
      %run_scoped3A = tpu.sem_alloc : memref<!tpu.dma_semaphore, #tpu.memory_space<semaphore_mem>>
      %dma_start3A = arith.constant 0 : i32
      %dma_start3A_128 = tpu.memref_slice %arg13[%add3A_65, %dma_start3A] : memref<10240x128xf32, #tpu.memory_space<vmem_shared>> -> memref<80x128xf32, #tpu.memory_space<vmem_shared>>
      %dma_start3A_129 = arith.constant 0 : i32
      %dma_start3A_130 = tpu.memref_slice %arg13[%add3A_65, %dma_start3A_129] : memref<10240x128xf32, #tpu.memory_space<vmem_shared>> -> memref<80x128xf32, #tpu.memory_space<vmem_shared>>
      tpu.enqueue_dma source(%dma_start3A_130 : memref<80x128xf32, #tpu.memory_space<vmem_shared>>) target(%arg11 : memref<80x128xf32, #tpu.memory_space<vmem>>) target_semaphore(%run_scoped3A : memref<!tpu.dma_semaphore, #tpu.memory_space<semaphore_mem>>)
      %dma_wait3A = arith.constant 0 : i32
      %dma_wait3A_131 = tpu.memref_slice %arg13[%add3A_65, %dma_wait3A] : memref<10240x128xf32, #tpu.memory_space<vmem_shared>> -> memref<80x128xf32, #tpu.memory_space<vmem_shared>>
      %dma_wait3A_132 = arith.constant 0 : i32
      %dma_wait3A_133 = tpu.memref_slice %arg13[%add3A_65, %dma_wait3A_132] : memref<10240x128xf32, #tpu.memory_space<vmem_shared>> -> memref<80x128xf32, #tpu.memory_space<vmem_shared>>
      tpu.wait_dma2 semaphore(%run_scoped3A : memref<!tpu.dma_semaphore, #tpu.memory_space<semaphore_mem>>) src(%dma_wait3A_133 : memref<80x128xf32, #tpu.memory_space<vmem_shared>>) dst(%arg11 : memref<80x128xf32, #tpu.memory_space<vmem>>)
      tpu.yield
    }) : () -> ()
    %mul3A_66 = arith.constant 10240 : i32
    %mul3A_67 = arith.muli %arg0, %mul3A_66 : i32
    %mul3A_68 = arith.constant 640 : i32
    %mul3A_69 = arith.muli %arg1, %mul3A_68 : i32
    %add3A_70 = arith.addi %mul3A_67, %mul3A_69 : i32
    %add3A_71 = arith.constant 160 : i32
    %add3A_72 = arith.addi %add3A_70, %add3A_71 : i32
    "tpu.region"() ({
      %run_scoped3A = tpu.sem_alloc : memref<!tpu.dma_semaphore, #tpu.memory_space<semaphore_mem>>
      %dma_start3A = arith.constant 0 : i32
      %dma_start3A_128 = tpu.memref_slice %arg7[%add3A_72, %dma_start3A] : memref<20480x128xf32, #tpu.memory_space<hbm>> -> memref<80x128xf32, #tpu.memory_space<hbm>>
      %dma_start3A_129 = arith.constant 0 : i32
      %dma_start3A_130 = tpu.memref_slice %arg7[%add3A_72, %dma_start3A_129] : memref<20480x128xf32, #tpu.memory_space<hbm>> -> memref<80x128xf32, #tpu.memory_space<hbm>>
      tpu.enqueue_dma source(%arg11 : memref<80x128xf32, #tpu.memory_space<vmem>>) target(%dma_start3A_130 : memref<80x128xf32, #tpu.memory_space<hbm>>) target_semaphore(%run_scoped3A : memref<!tpu.dma_semaphore, #tpu.memory_space<semaphore_mem>>)
      %dma_wait3A = arith.constant 0 : i32
      %dma_wait3A_131 = tpu.memref_slice %arg7[%add3A_72, %dma_wait3A] : memref<20480x128xf32, #tpu.memory_space<hbm>> -> memref<80x128xf32, #tpu.memory_space<hbm>>
      %dma_wait3A_132 = arith.constant 0 : i32
      %dma_wait3A_133 = tpu.memref_slice %arg7[%add3A_72, %dma_wait3A_132] : memref<20480x128xf32, #tpu.memory_space<hbm>> -> memref<80x128xf32, #tpu.memory_space<hbm>>
      tpu.wait_dma2 semaphore(%run_scoped3A : memref<!tpu.dma_semaphore, #tpu.memory_space<semaphore_mem>>) src(%arg11 : memref<80x128xf32, #tpu.memory_space<vmem>>) dst(%dma_wait3A_133 : memref<80x128xf32, #tpu.memory_space<hbm>>)
      tpu.yield
    }) : () -> ()
    %mul3A_73 = arith.constant 640 : i32
    %mul3A_74 = arith.muli %arg1, %mul3A_73 : i32
    %add3A_75 = arith.constant 240 : i32
    %add3A_76 = arith.addi %mul3A_74, %add3A_75 : i32
    "tpu.region"() ({
      %run_scoped3A = tpu.sem_alloc : memref<!tpu.dma_semaphore, #tpu.memory_space<semaphore_mem>>
      %dma_start3A = arith.constant 0 : i32
      %dma_start3A_128 = tpu.memref_slice %arg13[%add3A_76, %dma_start3A] : memref<10240x128xf32, #tpu.memory_space<vmem_shared>> -> memref<80x128xf32, #tpu.memory_space<vmem_shared>>
      %dma_start3A_129 = arith.constant 0 : i32
      %dma_start3A_130 = tpu.memref_slice %arg13[%add3A_76, %dma_start3A_129] : memref<10240x128xf32, #tpu.memory_space<vmem_shared>> -> memref<80x128xf32, #tpu.memory_space<vmem_shared>>
      tpu.enqueue_dma source(%dma_start3A_130 : memref<80x128xf32, #tpu.memory_space<vmem_shared>>) target(%arg11 : memref<80x128xf32, #tpu.memory_space<vmem>>) target_semaphore(%run_scoped3A : memref<!tpu.dma_semaphore, #tpu.memory_space<semaphore_mem>>)
      %dma_wait3A = arith.constant 0 : i32
      %dma_wait3A_131 = tpu.memref_slice %arg13[%add3A_76, %dma_wait3A] : memref<10240x128xf32, #tpu.memory_space<vmem_shared>> -> memref<80x128xf32, #tpu.memory_space<vmem_shared>>
      %dma_wait3A_132 = arith.constant 0 : i32
      %dma_wait3A_133 = tpu.memref_slice %arg13[%add3A_76, %dma_wait3A_132] : memref<10240x128xf32, #tpu.memory_space<vmem_shared>> -> memref<80x128xf32, #tpu.memory_space<vmem_shared>>
      tpu.wait_dma2 semaphore(%run_scoped3A : memref<!tpu.dma_semaphore, #tpu.memory_space<semaphore_mem>>) src(%dma_wait3A_133 : memref<80x128xf32, #tpu.memory_space<vmem_shared>>) dst(%arg11 : memref<80x128xf32, #tpu.memory_space<vmem>>)
      tpu.yield
    }) : () -> ()
    %mul3A_77 = arith.constant 10240 : i32
    %mul3A_78 = arith.muli %arg0, %mul3A_77 : i32
    %mul3A_79 = arith.constant 640 : i32
    %mul3A_80 = arith.muli %arg1, %mul3A_79 : i32
    %add3A_81 = arith.addi %mul3A_78, %mul3A_80 : i32
    %add3A_82 = arith.constant 240 : i32
    %add3A_83 = arith.addi %add3A_81, %add3A_82 : i32
    "tpu.region"() ({
      %run_scoped3A = tpu.sem_alloc : memref<!tpu.dma_semaphore, #tpu.memory_space<semaphore_mem>>
      %dma_start3A = arith.constant 0 : i32
      %dma_start3A_128 = tpu.memref_slice %arg7[%add3A_83, %dma_start3A] : memref<20480x128xf32, #tpu.memory_space<hbm>> -> memref<80x128xf32, #tpu.memory_space<hbm>>
      %dma_start3A_129 = arith.constant 0 : i32
      %dma_start3A_130 = tpu.memref_slice %arg7[%add3A_83, %dma_start3A_129] : memref<20480x128xf32, #tpu.memory_space<hbm>> -> memref<80x128xf32, #tpu.memory_space<hbm>>
      tpu.enqueue_dma source(%arg11 : memref<80x128xf32, #tpu.memory_space<vmem>>) target(%dma_start3A_130 : memref<80x128xf32, #tpu.memory_space<hbm>>) target_semaphore(%run_scoped3A : memref<!tpu.dma_semaphore, #tpu.memory_space<semaphore_mem>>)
      %dma_wait3A = arith.constant 0 : i32
      %dma_wait3A_131 = tpu.memref_slice %arg7[%add3A_83, %dma_wait3A] : memref<20480x128xf32, #tpu.memory_space<hbm>> -> memref<80x128xf32, #tpu.memory_space<hbm>>
      %dma_wait3A_132 = arith.constant 0 : i32
      %dma_wait3A_133 = tpu.memref_slice %arg7[%add3A_83, %dma_wait3A_132] : memref<20480x128xf32, #tpu.memory_space<hbm>> -> memref<80x128xf32, #tpu.memory_space<hbm>>
      tpu.wait_dma2 semaphore(%run_scoped3A : memref<!tpu.dma_semaphore, #tpu.memory_space<semaphore_mem>>) src(%arg11 : memref<80x128xf32, #tpu.memory_space<vmem>>) dst(%dma_wait3A_133 : memref<80x128xf32, #tpu.memory_space<hbm>>)
      tpu.yield
    }) : () -> ()
    %mul3A_84 = arith.constant 640 : i32
    %mul3A_85 = arith.muli %arg1, %mul3A_84 : i32
    %add3A_86 = arith.constant 320 : i32
    %add3A_87 = arith.addi %mul3A_85, %add3A_86 : i32
    "tpu.region"() ({
      %run_scoped3A = tpu.sem_alloc : memref<!tpu.dma_semaphore, #tpu.memory_space<semaphore_mem>>
      %dma_start3A = arith.constant 0 : i32
      %dma_start3A_128 = tpu.memref_slice %arg13[%add3A_87, %dma_start3A] : memref<10240x128xf32, #tpu.memory_space<vmem_shared>> -> memref<80x128xf32, #tpu.memory_space<vmem_shared>>
      %dma_start3A_129 = arith.constant 0 : i32
      %dma_start3A_130 = tpu.memref_slice %arg13[%add3A_87, %dma_start3A_129] : memref<10240x128xf32, #tpu.memory_space<vmem_shared>> -> memref<80x128xf32, #tpu.memory_space<vmem_shared>>
      tpu.enqueue_dma source(%dma_start3A_130 : memref<80x128xf32, #tpu.memory_space<vmem_shared>>) target(%arg11 : memref<80x128xf32, #tpu.memory_space<vmem>>) target_semaphore(%run_scoped3A : memref<!tpu.dma_semaphore, #tpu.memory_space<semaphore_mem>>)
      %dma_wait3A = arith.constant 0 : i32
      %dma_wait3A_131 = tpu.memref_slice %arg13[%add3A_87, %dma_wait3A] : memref<10240x128xf32, #tpu.memory_space<vmem_shared>> -> memref<80x128xf32, #tpu.memory_space<vmem_shared>>
      %dma_wait3A_132 = arith.constant 0 : i32
      %dma_wait3A_133 = tpu.memref_slice %arg13[%add3A_87, %dma_wait3A_132] : memref<10240x128xf32, #tpu.memory_space<vmem_shared>> -> memref<80x128xf32, #tpu.memory_space<vmem_shared>>
      tpu.wait_dma2 semaphore(%run_scoped3A : memref<!tpu.dma_semaphore, #tpu.memory_space<semaphore_mem>>) src(%dma_wait3A_133 : memref<80x128xf32, #tpu.memory_space<vmem_shared>>) dst(%arg11 : memref<80x128xf32, #tpu.memory_space<vmem>>)
      tpu.yield
    }) : () -> ()
    %mul3A_88 = arith.constant 10240 : i32
    %mul3A_89 = arith.muli %arg0, %mul3A_88 : i32
    %mul3A_90 = arith.constant 640 : i32
    %mul3A_91 = arith.muli %arg1, %mul3A_90 : i32
    %add3A_92 = arith.addi %mul3A_89, %mul3A_91 : i32
    %add3A_93 = arith.constant 320 : i32
    %add3A_94 = arith.addi %add3A_92, %add3A_93 : i32
    "tpu.region"() ({
      %run_scoped3A = tpu.sem_alloc : memref<!tpu.dma_semaphore, #tpu.memory_space<semaphore_mem>>
      %dma_start3A = arith.constant 0 : i32
      %dma_start3A_128 = tpu.memref_slice %arg7[%add3A_94, %dma_start3A] : memref<20480x128xf32, #tpu.memory_space<hbm>> -> memref<80x128xf32, #tpu.memory_space<hbm>>
      %dma_start3A_129 = arith.constant 0 : i32
      %dma_start3A_130 = tpu.memref_slice %arg7[%add3A_94, %dma_start3A_129] : memref<20480x128xf32, #tpu.memory_space<hbm>> -> memref<80x128xf32, #tpu.memory_space<hbm>>
      tpu.enqueue_dma source(%arg11 : memref<80x128xf32, #tpu.memory_space<vmem>>) target(%dma_start3A_130 : memref<80x128xf32, #tpu.memory_space<hbm>>) target_semaphore(%run_scoped3A : memref<!tpu.dma_semaphore, #tpu.memory_space<semaphore_mem>>)
      %dma_wait3A = arith.constant 0 : i32
      %dma_wait3A_131 = tpu.memref_slice %arg7[%add3A_94, %dma_wait3A] : memref<20480x128xf32, #tpu.memory_space<hbm>> -> memref<80x128xf32, #tpu.memory_space<hbm>>
      %dma_wait3A_132 = arith.constant 0 : i32
      %dma_wait3A_133 = tpu.memref_slice %arg7[%add3A_94, %dma_wait3A_132] : memref<20480x128xf32, #tpu.memory_space<hbm>> -> memref<80x128xf32, #tpu.memory_space<hbm>>
      tpu.wait_dma2 semaphore(%run_scoped3A : memref<!tpu.dma_semaphore, #tpu.memory_space<semaphore_mem>>) src(%arg11 : memref<80x128xf32, #tpu.memory_space<vmem>>) dst(%dma_wait3A_133 : memref<80x128xf32, #tpu.memory_space<hbm>>)
      tpu.yield
    }) : () -> ()
    %mul3A_95 = arith.constant 640 : i32
    %mul3A_96 = arith.muli %arg1, %mul3A_95 : i32
    %add3A_97 = arith.constant 400 : i32
    %add3A_98 = arith.addi %mul3A_96, %add3A_97 : i32
    "tpu.region"() ({
      %run_scoped3A = tpu.sem_alloc : memref<!tpu.dma_semaphore, #tpu.memory_space<semaphore_mem>>
      %dma_start3A = arith.constant 0 : i32
      %dma_start3A_128 = tpu.memref_slice %arg13[%add3A_98, %dma_start3A] : memref<10240x128xf32, #tpu.memory_space<vmem_shared>> -> memref<80x128xf32, #tpu.memory_space<vmem_shared>>
      %dma_start3A_129 = arith.constant 0 : i32
      %dma_start3A_130 = tpu.memref_slice %arg13[%add3A_98, %dma_start3A_129] : memref<10240x128xf32, #tpu.memory_space<vmem_shared>> -> memref<80x128xf32, #tpu.memory_space<vmem_shared>>
      tpu.enqueue_dma source(%dma_start3A_130 : memref<80x128xf32, #tpu.memory_space<vmem_shared>>) target(%arg11 : memref<80x128xf32, #tpu.memory_space<vmem>>) target_semaphore(%run_scoped3A : memref<!tpu.dma_semaphore, #tpu.memory_space<semaphore_mem>>)
      %dma_wait3A = arith.constant 0 : i32
      %dma_wait3A_131 = tpu.memref_slice %arg13[%add3A_98, %dma_wait3A] : memref<10240x128xf32, #tpu.memory_space<vmem_shared>> -> memref<80x128xf32, #tpu.memory_space<vmem_shared>>
      %dma_wait3A_132 = arith.constant 0 : i32
      %dma_wait3A_133 = tpu.memref_slice %arg13[%add3A_98, %dma_wait3A_132] : memref<10240x128xf32, #tpu.memory_space<vmem_shared>> -> memref<80x128xf32, #tpu.memory_space<vmem_shared>>
      tpu.wait_dma2 semaphore(%run_scoped3A : memref<!tpu.dma_semaphore, #tpu.memory_space<semaphore_mem>>) src(%dma_wait3A_133 : memref<80x128xf32, #tpu.memory_space<vmem_shared>>) dst(%arg11 : memref<80x128xf32, #tpu.memory_space<vmem>>)
      tpu.yield
    }) : () -> ()
    %mul3A_99 = arith.constant 10240 : i32
    %mul3A_100 = arith.muli %arg0, %mul3A_99 : i32
    %mul3A_101 = arith.constant 640 : i32
    %mul3A_102 = arith.muli %arg1, %mul3A_101 : i32
    %add3A_103 = arith.addi %mul3A_100, %mul3A_102 : i32
    %add3A_104 = arith.constant 400 : i32
    %add3A_105 = arith.addi %add3A_103, %add3A_104 : i32
    "tpu.region"() ({
      %run_scoped3A = tpu.sem_alloc : memref<!tpu.dma_semaphore, #tpu.memory_space<semaphore_mem>>
      %dma_start3A = arith.constant 0 : i32
      %dma_start3A_128 = tpu.memref_slice %arg7[%add3A_105, %dma_start3A] : memref<20480x128xf32, #tpu.memory_space<hbm>> -> memref<80x128xf32, #tpu.memory_space<hbm>>
      %dma_start3A_129 = arith.constant 0 : i32
      %dma_start3A_130 = tpu.memref_slice %arg7[%add3A_105, %dma_start3A_129] : memref<20480x128xf32, #tpu.memory_space<hbm>> -> memref<80x128xf32, #tpu.memory_space<hbm>>
      tpu.enqueue_dma source(%arg11 : memref<80x128xf32, #tpu.memory_space<vmem>>) target(%dma_start3A_130 : memref<80x128xf32, #tpu.memory_space<hbm>>) target_semaphore(%run_scoped3A : memref<!tpu.dma_semaphore, #tpu.memory_space<semaphore_mem>>)
      %dma_wait3A = arith.constant 0 : i32
      %dma_wait3A_131 = tpu.memref_slice %arg7[%add3A_105, %dma_wait3A] : memref<20480x128xf32, #tpu.memory_space<hbm>> -> memref<80x128xf32, #tpu.memory_space<hbm>>
      %dma_wait3A_132 = arith.constant 0 : i32
      %dma_wait3A_133 = tpu.memref_slice %arg7[%add3A_105, %dma_wait3A_132] : memref<20480x128xf32, #tpu.memory_space<hbm>> -> memref<80x128xf32, #tpu.memory_space<hbm>>
      tpu.wait_dma2 semaphore(%run_scoped3A : memref<!tpu.dma_semaphore, #tpu.memory_space<semaphore_mem>>) src(%arg11 : memref<80x128xf32, #tpu.memory_space<vmem>>) dst(%dma_wait3A_133 : memref<80x128xf32, #tpu.memory_space<hbm>>)
      tpu.yield
    }) : () -> ()
    %mul3A_106 = arith.constant 640 : i32
    %mul3A_107 = arith.muli %arg1, %mul3A_106 : i32
    %add3A_108 = arith.constant 480 : i32
    %add3A_109 = arith.addi %mul3A_107, %add3A_108 : i32
    "tpu.region"() ({
      %run_scoped3A = tpu.sem_alloc : memref<!tpu.dma_semaphore, #tpu.memory_space<semaphore_mem>>
      %dma_start3A = arith.constant 0 : i32
      %dma_start3A_128 = tpu.memref_slice %arg13[%add3A_109, %dma_start3A] : memref<10240x128xf32, #tpu.memory_space<vmem_shared>> -> memref<80x128xf32, #tpu.memory_space<vmem_shared>>
      %dma_start3A_129 = arith.constant 0 : i32
      %dma_start3A_130 = tpu.memref_slice %arg13[%add3A_109, %dma_start3A_129] : memref<10240x128xf32, #tpu.memory_space<vmem_shared>> -> memref<80x128xf32, #tpu.memory_space<vmem_shared>>
      tpu.enqueue_dma source(%dma_start3A_130 : memref<80x128xf32, #tpu.memory_space<vmem_shared>>) target(%arg11 : memref<80x128xf32, #tpu.memory_space<vmem>>) target_semaphore(%run_scoped3A : memref<!tpu.dma_semaphore, #tpu.memory_space<semaphore_mem>>)
      %dma_wait3A = arith.constant 0 : i32
      %dma_wait3A_131 = tpu.memref_slice %arg13[%add3A_109, %dma_wait3A] : memref<10240x128xf32, #tpu.memory_space<vmem_shared>> -> memref<80x128xf32, #tpu.memory_space<vmem_shared>>
      %dma_wait3A_132 = arith.constant 0 : i32
      %dma_wait3A_133 = tpu.memref_slice %arg13[%add3A_109, %dma_wait3A_132] : memref<10240x128xf32, #tpu.memory_space<vmem_shared>> -> memref<80x128xf32, #tpu.memory_space<vmem_shared>>
      tpu.wait_dma2 semaphore(%run_scoped3A : memref<!tpu.dma_semaphore, #tpu.memory_space<semaphore_mem>>) src(%dma_wait3A_133 : memref<80x128xf32, #tpu.memory_space<vmem_shared>>) dst(%arg11 : memref<80x128xf32, #tpu.memory_space<vmem>>)
      tpu.yield
    }) : () -> ()
    %mul3A_110 = arith.constant 10240 : i32
    %mul3A_111 = arith.muli %arg0, %mul3A_110 : i32
    %mul3A_112 = arith.constant 640 : i32
    %mul3A_113 = arith.muli %arg1, %mul3A_112 : i32
    %add3A_114 = arith.addi %mul3A_111, %mul3A_113 : i32
    %add3A_115 = arith.constant 480 : i32
    %add3A_116 = arith.addi %add3A_114, %add3A_115 : i32
    "tpu.region"() ({
      %run_scoped3A = tpu.sem_alloc : memref<!tpu.dma_semaphore, #tpu.memory_space<semaphore_mem>>
      %dma_start3A = arith.constant 0 : i32
      %dma_start3A_128 = tpu.memref_slice %arg7[%add3A_116, %dma_start3A] : memref<20480x128xf32, #tpu.memory_space<hbm>> -> memref<80x128xf32, #tpu.memory_space<hbm>>
      %dma_start3A_129 = arith.constant 0 : i32
      %dma_start3A_130 = tpu.memref_slice %arg7[%add3A_116, %dma_start3A_129] : memref<20480x128xf32, #tpu.memory_space<hbm>> -> memref<80x128xf32, #tpu.memory_space<hbm>>
      tpu.enqueue_dma source(%arg11 : memref<80x128xf32, #tpu.memory_space<vmem>>) target(%dma_start3A_130 : memref<80x128xf32, #tpu.memory_space<hbm>>) target_semaphore(%run_scoped3A : memref<!tpu.dma_semaphore, #tpu.memory_space<semaphore_mem>>)
      %dma_wait3A = arith.constant 0 : i32
      %dma_wait3A_131 = tpu.memref_slice %arg7[%add3A_116, %dma_wait3A] : memref<20480x128xf32, #tpu.memory_space<hbm>> -> memref<80x128xf32, #tpu.memory_space<hbm>>
      %dma_wait3A_132 = arith.constant 0 : i32
      %dma_wait3A_133 = tpu.memref_slice %arg7[%add3A_116, %dma_wait3A_132] : memref<20480x128xf32, #tpu.memory_space<hbm>> -> memref<80x128xf32, #tpu.memory_space<hbm>>
      tpu.wait_dma2 semaphore(%run_scoped3A : memref<!tpu.dma_semaphore, #tpu.memory_space<semaphore_mem>>) src(%arg11 : memref<80x128xf32, #tpu.memory_space<vmem>>) dst(%dma_wait3A_133 : memref<80x128xf32, #tpu.memory_space<hbm>>)
      tpu.yield
    }) : () -> ()
    %mul3A_117 = arith.constant 640 : i32
    %mul3A_118 = arith.muli %arg1, %mul3A_117 : i32
    %add3A_119 = arith.constant 560 : i32
    %add3A_120 = arith.addi %mul3A_118, %add3A_119 : i32
    "tpu.region"() ({
      %run_scoped3A = tpu.sem_alloc : memref<!tpu.dma_semaphore, #tpu.memory_space<semaphore_mem>>
      %dma_start3A = arith.constant 0 : i32
      %dma_start3A_128 = tpu.memref_slice %arg13[%add3A_120, %dma_start3A] : memref<10240x128xf32, #tpu.memory_space<vmem_shared>> -> memref<80x128xf32, #tpu.memory_space<vmem_shared>>
      %dma_start3A_129 = arith.constant 0 : i32
      %dma_start3A_130 = tpu.memref_slice %arg13[%add3A_120, %dma_start3A_129] : memref<10240x128xf32, #tpu.memory_space<vmem_shared>> -> memref<80x128xf32, #tpu.memory_space<vmem_shared>>
      tpu.enqueue_dma source(%dma_start3A_130 : memref<80x128xf32, #tpu.memory_space<vmem_shared>>) target(%arg11 : memref<80x128xf32, #tpu.memory_space<vmem>>) target_semaphore(%run_scoped3A : memref<!tpu.dma_semaphore, #tpu.memory_space<semaphore_mem>>)
      %dma_wait3A = arith.constant 0 : i32
      %dma_wait3A_131 = tpu.memref_slice %arg13[%add3A_120, %dma_wait3A] : memref<10240x128xf32, #tpu.memory_space<vmem_shared>> -> memref<80x128xf32, #tpu.memory_space<vmem_shared>>
      %dma_wait3A_132 = arith.constant 0 : i32
      %dma_wait3A_133 = tpu.memref_slice %arg13[%add3A_120, %dma_wait3A_132] : memref<10240x128xf32, #tpu.memory_space<vmem_shared>> -> memref<80x128xf32, #tpu.memory_space<vmem_shared>>
      tpu.wait_dma2 semaphore(%run_scoped3A : memref<!tpu.dma_semaphore, #tpu.memory_space<semaphore_mem>>) src(%dma_wait3A_133 : memref<80x128xf32, #tpu.memory_space<vmem_shared>>) dst(%arg11 : memref<80x128xf32, #tpu.memory_space<vmem>>)
      tpu.yield
    }) : () -> ()
    %mul3A_121 = arith.constant 10240 : i32
    %mul3A_122 = arith.muli %arg0, %mul3A_121 : i32
    %mul3A_123 = arith.constant 640 : i32
    %mul3A_124 = arith.muli %arg1, %mul3A_123 : i32
    %add3A_125 = arith.addi %mul3A_122, %mul3A_124 : i32
    %add3A_126 = arith.constant 560 : i32
    %add3A_127 = arith.addi %add3A_125, %add3A_126 : i32
    "tpu.region"() ({
      %run_scoped3A = tpu.sem_alloc : memref<!tpu.dma_semaphore, #tpu.memory_space<semaphore_mem>>
      %dma_start3A = arith.constant 0 : i32
      %dma_start3A_128 = tpu.memref_slice %arg7[%add3A_127, %dma_start3A] : memref<20480x128xf32, #tpu.memory_space<hbm>> -> memref<80x128xf32, #tpu.memory_space<hbm>>
      %dma_start3A_129 = arith.constant 0 : i32
      %dma_start3A_130 = tpu.memref_slice %arg7[%add3A_127, %dma_start3A_129] : memref<20480x128xf32, #tpu.memory_space<hbm>> -> memref<80x128xf32, #tpu.memory_space<hbm>>
      tpu.enqueue_dma source(%arg11 : memref<80x128xf32, #tpu.memory_space<vmem>>) target(%dma_start3A_130 : memref<80x128xf32, #tpu.memory_space<hbm>>) target_semaphore(%run_scoped3A : memref<!tpu.dma_semaphore, #tpu.memory_space<semaphore_mem>>)
      %dma_wait3A = arith.constant 0 : i32
      %dma_wait3A_131 = tpu.memref_slice %arg7[%add3A_127, %dma_wait3A] : memref<20480x128xf32, #tpu.memory_space<hbm>> -> memref<80x128xf32, #tpu.memory_space<hbm>>
      %dma_wait3A_132 = arith.constant 0 : i32
      %dma_wait3A_133 = tpu.memref_slice %arg7[%add3A_127, %dma_wait3A_132] : memref<20480x128xf32, #tpu.memory_space<hbm>> -> memref<80x128xf32, #tpu.memory_space<hbm>>
      tpu.wait_dma2 semaphore(%run_scoped3A : memref<!tpu.dma_semaphore, #tpu.memory_space<semaphore_mem>>) src(%arg11 : memref<80x128xf32, #tpu.memory_space<vmem>>) dst(%dma_wait3A_133 : memref<80x128xf32, #tpu.memory_space<hbm>>)
      tpu.yield
    }) : () -> ()
    return
  }
}

#map = affine_map<(d0, d1) -> (0, 0)>
#map1 = affine_map<(d0, d1) -> (0, 0, 0)>
module attributes {stable_mosaic.version = 14 : i64} {
  func.func @body(%arg0: i32, %arg1: i32, %arg2: memref<10240x128xf32, #tpu.memory_space<hbm>>, %arg3: memref<32x125x80xi32, #tpu.memory_space<hbm>>, %arg4: memref<32x125x80xi32, #tpu.memory_space<hbm>>, %arg5: memref<80x128xf32, #tpu.memory_space<hbm>>, %arg6: memref<80x128xf32, #tpu.memory_space<hbm>>, %arg7: memref<20480x128xf32, #tpu.memory_space<hbm>>, %arg8: memref<80xi32, #tpu.memory_space<vmem>>, %arg9: memref<80xi32, #tpu.memory_space<vmem>>, %arg10: memref<125x80xi32, #tpu.memory_space<vmem>>, %arg11: memref<80x128xf32, #tpu.memory_space<vmem>>, %arg12: memref<80x128xf32, #tpu.memory_space<vmem>>, %arg13: memref<10240x128xf32, #tpu.memory_space<vmem_shared>>, %arg14: memref<!tpu.dma_semaphore, #tpu.memory_space<semaphore_mem>>, %arg15: memref<!tpu.dma_semaphore, #tpu.memory_space<semaphore_mem>>) attributes {dimension_semantics = [#tpu.dimension_semantics<core_parallel>, #tpu.dimension_semantics<subcore_parallel>], iteration_bounds = array<i64: 2, 16>, scalar_prefetch = 0 : i64, scratch_operands = 8 : i64, tpu.core_type = #tpu.core_type<sc_vector_subcore>, window_params = [{transform_indices = #map}, {transform_indices = #map1}, {transform_indices = #map1}, {transform_indices = #map}, {transform_indices = #map}, {transform_indices = #map}]} {
    %mul3A = arith.constant 2 : i32
    %mul3A_0 = arith.muli %arg1, %mul3A : i32
    %add3A = arith.addi %mul3A_0, %arg0 : i32
    "tpu.region"() ({
      %run_scoped3A_133 = tpu.sem_alloc : memref<!tpu.dma_semaphore, #tpu.memory_space<semaphore_mem>>
      tpu.enqueue_dma source(%arg5 : memref<80x128xf32, #tpu.memory_space<hbm>>) target(%arg11 : memref<80x128xf32, #tpu.memory_space<vmem>>) target_semaphore(%run_scoped3A_133 : memref<!tpu.dma_semaphore, #tpu.memory_space<semaphore_mem>>)
      tpu.wait_dma2 semaphore(%run_scoped3A_133 : memref<!tpu.dma_semaphore, #tpu.memory_space<semaphore_mem>>) src(%arg5 : memref<80x128xf32, #tpu.memory_space<hbm>>) dst(%arg11 : memref<80x128xf32, #tpu.memory_space<vmem>>)
      tpu.yield
    }) : () -> ()
    %mul3A_1 = arith.constant 640 : i32
    %mul3A_2 = arith.muli %arg1, %mul3A_1 : i32
    %add3A_3 = arith.constant 0 : i32
    %add3A_4 = arith.addi %mul3A_2, %add3A_3 : i32
    "tpu.region"() ({
      %run_scoped3A_133 = tpu.sem_alloc : memref<!tpu.dma_semaphore, #tpu.memory_space<semaphore_mem>>
      %dma_start3A_134 = arith.constant 0 : i32
      %dma_start3A_135 = tpu.memref_slice %arg13[%add3A_4, %dma_start3A_134] : memref<10240x128xf32, #tpu.memory_space<vmem_shared>> -> memref<80x128xf32, #tpu.memory_space<vmem_shared>>
      %dma_start3A_136 = arith.constant 0 : i32
      %dma_start3A_137 = tpu.memref_slice %arg13[%add3A_4, %dma_start3A_136] : memref<10240x128xf32, #tpu.memory_space<vmem_shared>> -> memref<80x128xf32, #tpu.memory_space<vmem_shared>>
      tpu.enqueue_dma source(%arg11 : memref<80x128xf32, #tpu.memory_space<vmem>>) target(%dma_start3A_137 : memref<80x128xf32, #tpu.memory_space<vmem_shared>>) target_semaphore(%run_scoped3A_133 : memref<!tpu.dma_semaphore, #tpu.memory_space<semaphore_mem>>)
      %dma_wait3A_138 = arith.constant 0 : i32
      %dma_wait3A_139 = tpu.memref_slice %arg13[%add3A_4, %dma_wait3A_138] : memref<10240x128xf32, #tpu.memory_space<vmem_shared>> -> memref<80x128xf32, #tpu.memory_space<vmem_shared>>
      %dma_wait3A_140 = arith.constant 0 : i32
      %dma_wait3A_141 = tpu.memref_slice %arg13[%add3A_4, %dma_wait3A_140] : memref<10240x128xf32, #tpu.memory_space<vmem_shared>> -> memref<80x128xf32, #tpu.memory_space<vmem_shared>>
      tpu.wait_dma2 semaphore(%run_scoped3A_133 : memref<!tpu.dma_semaphore, #tpu.memory_space<semaphore_mem>>) src(%arg11 : memref<80x128xf32, #tpu.memory_space<vmem>>) dst(%dma_wait3A_141 : memref<80x128xf32, #tpu.memory_space<vmem_shared>>)
      tpu.yield
    }) : () -> ()
    %mul3A_5 = arith.constant 640 : i32
    %mul3A_6 = arith.muli %arg1, %mul3A_5 : i32
    %add3A_7 = arith.constant 80 : i32
    %add3A_8 = arith.addi %mul3A_6, %add3A_7 : i32
    "tpu.region"() ({
      %run_scoped3A_133 = tpu.sem_alloc : memref<!tpu.dma_semaphore, #tpu.memory_space<semaphore_mem>>
      %dma_start3A_134 = arith.constant 0 : i32
      %dma_start3A_135 = tpu.memref_slice %arg13[%add3A_8, %dma_start3A_134] : memref<10240x128xf32, #tpu.memory_space<vmem_shared>> -> memref<80x128xf32, #tpu.memory_space<vmem_shared>>
      %dma_start3A_136 = arith.constant 0 : i32
      %dma_start3A_137 = tpu.memref_slice %arg13[%add3A_8, %dma_start3A_136] : memref<10240x128xf32, #tpu.memory_space<vmem_shared>> -> memref<80x128xf32, #tpu.memory_space<vmem_shared>>
      tpu.enqueue_dma source(%arg11 : memref<80x128xf32, #tpu.memory_space<vmem>>) target(%dma_start3A_137 : memref<80x128xf32, #tpu.memory_space<vmem_shared>>) target_semaphore(%run_scoped3A_133 : memref<!tpu.dma_semaphore, #tpu.memory_space<semaphore_mem>>)
      %dma_wait3A_138 = arith.constant 0 : i32
      %dma_wait3A_139 = tpu.memref_slice %arg13[%add3A_8, %dma_wait3A_138] : memref<10240x128xf32, #tpu.memory_space<vmem_shared>> -> memref<80x128xf32, #tpu.memory_space<vmem_shared>>
      %dma_wait3A_140 = arith.constant 0 : i32
      %dma_wait3A_141 = tpu.memref_slice %arg13[%add3A_8, %dma_wait3A_140] : memref<10240x128xf32, #tpu.memory_space<vmem_shared>> -> memref<80x128xf32, #tpu.memory_space<vmem_shared>>
      tpu.wait_dma2 semaphore(%run_scoped3A_133 : memref<!tpu.dma_semaphore, #tpu.memory_space<semaphore_mem>>) src(%arg11 : memref<80x128xf32, #tpu.memory_space<vmem>>) dst(%dma_wait3A_141 : memref<80x128xf32, #tpu.memory_space<vmem_shared>>)
      tpu.yield
    }) : () -> ()
    %mul3A_9 = arith.constant 640 : i32
    %mul3A_10 = arith.muli %arg1, %mul3A_9 : i32
    %add3A_11 = arith.constant 160 : i32
    %add3A_12 = arith.addi %mul3A_10, %add3A_11 : i32
    "tpu.region"() ({
      %run_scoped3A_133 = tpu.sem_alloc : memref<!tpu.dma_semaphore, #tpu.memory_space<semaphore_mem>>
      %dma_start3A_134 = arith.constant 0 : i32
      %dma_start3A_135 = tpu.memref_slice %arg13[%add3A_12, %dma_start3A_134] : memref<10240x128xf32, #tpu.memory_space<vmem_shared>> -> memref<80x128xf32, #tpu.memory_space<vmem_shared>>
      %dma_start3A_136 = arith.constant 0 : i32
      %dma_start3A_137 = tpu.memref_slice %arg13[%add3A_12, %dma_start3A_136] : memref<10240x128xf32, #tpu.memory_space<vmem_shared>> -> memref<80x128xf32, #tpu.memory_space<vmem_shared>>
      tpu.enqueue_dma source(%arg11 : memref<80x128xf32, #tpu.memory_space<vmem>>) target(%dma_start3A_137 : memref<80x128xf32, #tpu.memory_space<vmem_shared>>) target_semaphore(%run_scoped3A_133 : memref<!tpu.dma_semaphore, #tpu.memory_space<semaphore_mem>>)
      %dma_wait3A_138 = arith.constant 0 : i32
      %dma_wait3A_139 = tpu.memref_slice %arg13[%add3A_12, %dma_wait3A_138] : memref<10240x128xf32, #tpu.memory_space<vmem_shared>> -> memref<80x128xf32, #tpu.memory_space<vmem_shared>>
      %dma_wait3A_140 = arith.constant 0 : i32
      %dma_wait3A_141 = tpu.memref_slice %arg13[%add3A_12, %dma_wait3A_140] : memref<10240x128xf32, #tpu.memory_space<vmem_shared>> -> memref<80x128xf32, #tpu.memory_space<vmem_shared>>
      tpu.wait_dma2 semaphore(%run_scoped3A_133 : memref<!tpu.dma_semaphore, #tpu.memory_space<semaphore_mem>>) src(%arg11 : memref<80x128xf32, #tpu.memory_space<vmem>>) dst(%dma_wait3A_141 : memref<80x128xf32, #tpu.memory_space<vmem_shared>>)
      tpu.yield
    }) : () -> ()
    %mul3A_13 = arith.constant 640 : i32
    %mul3A_14 = arith.muli %arg1, %mul3A_13 : i32
    %add3A_15 = arith.constant 240 : i32
    %add3A_16 = arith.addi %mul3A_14, %add3A_15 : i32
    "tpu.region"() ({
      %run_scoped3A_133 = tpu.sem_alloc : memref<!tpu.dma_semaphore, #tpu.memory_space<semaphore_mem>>
      %dma_start3A_134 = arith.constant 0 : i32
      %dma_start3A_135 = tpu.memref_slice %arg13[%add3A_16, %dma_start3A_134] : memref<10240x128xf32, #tpu.memory_space<vmem_shared>> -> memref<80x128xf32, #tpu.memory_space<vmem_shared>>
      %dma_start3A_136 = arith.constant 0 : i32
      %dma_start3A_137 = tpu.memref_slice %arg13[%add3A_16, %dma_start3A_136] : memref<10240x128xf32, #tpu.memory_space<vmem_shared>> -> memref<80x128xf32, #tpu.memory_space<vmem_shared>>
      tpu.enqueue_dma source(%arg11 : memref<80x128xf32, #tpu.memory_space<vmem>>) target(%dma_start3A_137 : memref<80x128xf32, #tpu.memory_space<vmem_shared>>) target_semaphore(%run_scoped3A_133 : memref<!tpu.dma_semaphore, #tpu.memory_space<semaphore_mem>>)
      %dma_wait3A_138 = arith.constant 0 : i32
      %dma_wait3A_139 = tpu.memref_slice %arg13[%add3A_16, %dma_wait3A_138] : memref<10240x128xf32, #tpu.memory_space<vmem_shared>> -> memref<80x128xf32, #tpu.memory_space<vmem_shared>>
      %dma_wait3A_140 = arith.constant 0 : i32
      %dma_wait3A_141 = tpu.memref_slice %arg13[%add3A_16, %dma_wait3A_140] : memref<10240x128xf32, #tpu.memory_space<vmem_shared>> -> memref<80x128xf32, #tpu.memory_space<vmem_shared>>
      tpu.wait_dma2 semaphore(%run_scoped3A_133 : memref<!tpu.dma_semaphore, #tpu.memory_space<semaphore_mem>>) src(%arg11 : memref<80x128xf32, #tpu.memory_space<vmem>>) dst(%dma_wait3A_141 : memref<80x128xf32, #tpu.memory_space<vmem_shared>>)
      tpu.yield
    }) : () -> ()
    %mul3A_17 = arith.constant 640 : i32
    %mul3A_18 = arith.muli %arg1, %mul3A_17 : i32
    %add3A_19 = arith.constant 320 : i32
    %add3A_20 = arith.addi %mul3A_18, %add3A_19 : i32
    "tpu.region"() ({
      %run_scoped3A_133 = tpu.sem_alloc : memref<!tpu.dma_semaphore, #tpu.memory_space<semaphore_mem>>
      %dma_start3A_134 = arith.constant 0 : i32
      %dma_start3A_135 = tpu.memref_slice %arg13[%add3A_20, %dma_start3A_134] : memref<10240x128xf32, #tpu.memory_space<vmem_shared>> -> memref<80x128xf32, #tpu.memory_space<vmem_shared>>
      %dma_start3A_136 = arith.constant 0 : i32
      %dma_start3A_137 = tpu.memref_slice %arg13[%add3A_20, %dma_start3A_136] : memref<10240x128xf32, #tpu.memory_space<vmem_shared>> -> memref<80x128xf32, #tpu.memory_space<vmem_shared>>
      tpu.enqueue_dma source(%arg11 : memref<80x128xf32, #tpu.memory_space<vmem>>) target(%dma_start3A_137 : memref<80x128xf32, #tpu.memory_space<vmem_shared>>) target_semaphore(%run_scoped3A_133 : memref<!tpu.dma_semaphore, #tpu.memory_space<semaphore_mem>>)
      %dma_wait3A_138 = arith.constant 0 : i32
      %dma_wait3A_139 = tpu.memref_slice %arg13[%add3A_20, %dma_wait3A_138] : memref<10240x128xf32, #tpu.memory_space<vmem_shared>> -> memref<80x128xf32, #tpu.memory_space<vmem_shared>>
      %dma_wait3A_140 = arith.constant 0 : i32
      %dma_wait3A_141 = tpu.memref_slice %arg13[%add3A_20, %dma_wait3A_140] : memref<10240x128xf32, #tpu.memory_space<vmem_shared>> -> memref<80x128xf32, #tpu.memory_space<vmem_shared>>
      tpu.wait_dma2 semaphore(%run_scoped3A_133 : memref<!tpu.dma_semaphore, #tpu.memory_space<semaphore_mem>>) src(%arg11 : memref<80x128xf32, #tpu.memory_space<vmem>>) dst(%dma_wait3A_141 : memref<80x128xf32, #tpu.memory_space<vmem_shared>>)
      tpu.yield
    }) : () -> ()
    %mul3A_21 = arith.constant 640 : i32
    %mul3A_22 = arith.muli %arg1, %mul3A_21 : i32
    %add3A_23 = arith.constant 400 : i32
    %add3A_24 = arith.addi %mul3A_22, %add3A_23 : i32
    "tpu.region"() ({
      %run_scoped3A_133 = tpu.sem_alloc : memref<!tpu.dma_semaphore, #tpu.memory_space<semaphore_mem>>
      %dma_start3A_134 = arith.constant 0 : i32
      %dma_start3A_135 = tpu.memref_slice %arg13[%add3A_24, %dma_start3A_134] : memref<10240x128xf32, #tpu.memory_space<vmem_shared>> -> memref<80x128xf32, #tpu.memory_space<vmem_shared>>
      %dma_start3A_136 = arith.constant 0 : i32
      %dma_start3A_137 = tpu.memref_slice %arg13[%add3A_24, %dma_start3A_136] : memref<10240x128xf32, #tpu.memory_space<vmem_shared>> -> memref<80x128xf32, #tpu.memory_space<vmem_shared>>
      tpu.enqueue_dma source(%arg11 : memref<80x128xf32, #tpu.memory_space<vmem>>) target(%dma_start3A_137 : memref<80x128xf32, #tpu.memory_space<vmem_shared>>) target_semaphore(%run_scoped3A_133 : memref<!tpu.dma_semaphore, #tpu.memory_space<semaphore_mem>>)
      %dma_wait3A_138 = arith.constant 0 : i32
      %dma_wait3A_139 = tpu.memref_slice %arg13[%add3A_24, %dma_wait3A_138] : memref<10240x128xf32, #tpu.memory_space<vmem_shared>> -> memref<80x128xf32, #tpu.memory_space<vmem_shared>>
      %dma_wait3A_140 = arith.constant 0 : i32
      %dma_wait3A_141 = tpu.memref_slice %arg13[%add3A_24, %dma_wait3A_140] : memref<10240x128xf32, #tpu.memory_space<vmem_shared>> -> memref<80x128xf32, #tpu.memory_space<vmem_shared>>
      tpu.wait_dma2 semaphore(%run_scoped3A_133 : memref<!tpu.dma_semaphore, #tpu.memory_space<semaphore_mem>>) src(%arg11 : memref<80x128xf32, #tpu.memory_space<vmem>>) dst(%dma_wait3A_141 : memref<80x128xf32, #tpu.memory_space<vmem_shared>>)
      tpu.yield
    }) : () -> ()
    %mul3A_25 = arith.constant 640 : i32
    %mul3A_26 = arith.muli %arg1, %mul3A_25 : i32
    %add3A_27 = arith.constant 480 : i32
    %add3A_28 = arith.addi %mul3A_26, %add3A_27 : i32
    "tpu.region"() ({
      %run_scoped3A_133 = tpu.sem_alloc : memref<!tpu.dma_semaphore, #tpu.memory_space<semaphore_mem>>
      %dma_start3A_134 = arith.constant 0 : i32
      %dma_start3A_135 = tpu.memref_slice %arg13[%add3A_28, %dma_start3A_134] : memref<10240x128xf32, #tpu.memory_space<vmem_shared>> -> memref<80x128xf32, #tpu.memory_space<vmem_shared>>
      %dma_start3A_136 = arith.constant 0 : i32
      %dma_start3A_137 = tpu.memref_slice %arg13[%add3A_28, %dma_start3A_136] : memref<10240x128xf32, #tpu.memory_space<vmem_shared>> -> memref<80x128xf32, #tpu.memory_space<vmem_shared>>
      tpu.enqueue_dma source(%arg11 : memref<80x128xf32, #tpu.memory_space<vmem>>) target(%dma_start3A_137 : memref<80x128xf32, #tpu.memory_space<vmem_shared>>) target_semaphore(%run_scoped3A_133 : memref<!tpu.dma_semaphore, #tpu.memory_space<semaphore_mem>>)
      %dma_wait3A_138 = arith.constant 0 : i32
      %dma_wait3A_139 = tpu.memref_slice %arg13[%add3A_28, %dma_wait3A_138] : memref<10240x128xf32, #tpu.memory_space<vmem_shared>> -> memref<80x128xf32, #tpu.memory_space<vmem_shared>>
      %dma_wait3A_140 = arith.constant 0 : i32
      %dma_wait3A_141 = tpu.memref_slice %arg13[%add3A_28, %dma_wait3A_140] : memref<10240x128xf32, #tpu.memory_space<vmem_shared>> -> memref<80x128xf32, #tpu.memory_space<vmem_shared>>
      tpu.wait_dma2 semaphore(%run_scoped3A_133 : memref<!tpu.dma_semaphore, #tpu.memory_space<semaphore_mem>>) src(%arg11 : memref<80x128xf32, #tpu.memory_space<vmem>>) dst(%dma_wait3A_141 : memref<80x128xf32, #tpu.memory_space<vmem_shared>>)
      tpu.yield
    }) : () -> ()
    %mul3A_29 = arith.constant 640 : i32
    %mul3A_30 = arith.muli %arg1, %mul3A_29 : i32
    %add3A_31 = arith.constant 560 : i32
    %add3A_32 = arith.addi %mul3A_30, %add3A_31 : i32
    "tpu.region"() ({
      %run_scoped3A_133 = tpu.sem_alloc : memref<!tpu.dma_semaphore, #tpu.memory_space<semaphore_mem>>
      %dma_start3A_134 = arith.constant 0 : i32
      %dma_start3A_135 = tpu.memref_slice %arg13[%add3A_32, %dma_start3A_134] : memref<10240x128xf32, #tpu.memory_space<vmem_shared>> -> memref<80x128xf32, #tpu.memory_space<vmem_shared>>
      %dma_start3A_136 = arith.constant 0 : i32
      %dma_start3A_137 = tpu.memref_slice %arg13[%add3A_32, %dma_start3A_136] : memref<10240x128xf32, #tpu.memory_space<vmem_shared>> -> memref<80x128xf32, #tpu.memory_space<vmem_shared>>
      tpu.enqueue_dma source(%arg11 : memref<80x128xf32, #tpu.memory_space<vmem>>) target(%dma_start3A_137 : memref<80x128xf32, #tpu.memory_space<vmem_shared>>) target_semaphore(%run_scoped3A_133 : memref<!tpu.dma_semaphore, #tpu.memory_space<semaphore_mem>>)
      %dma_wait3A_138 = arith.constant 0 : i32
      %dma_wait3A_139 = tpu.memref_slice %arg13[%add3A_32, %dma_wait3A_138] : memref<10240x128xf32, #tpu.memory_space<vmem_shared>> -> memref<80x128xf32, #tpu.memory_space<vmem_shared>>
      %dma_wait3A_140 = arith.constant 0 : i32
      %dma_wait3A_141 = tpu.memref_slice %arg13[%add3A_32, %dma_wait3A_140] : memref<10240x128xf32, #tpu.memory_space<vmem_shared>> -> memref<80x128xf32, #tpu.memory_space<vmem_shared>>
      tpu.wait_dma2 semaphore(%run_scoped3A_133 : memref<!tpu.dma_semaphore, #tpu.memory_space<semaphore_mem>>) src(%arg11 : memref<80x128xf32, #tpu.memory_space<vmem>>) dst(%dma_wait3A_141 : memref<80x128xf32, #tpu.memory_space<vmem_shared>>)
      tpu.yield
    }) : () -> ()
    "tpu.region"() ({
      %run_scoped3A_133 = tpu.sem_alloc : memref<!tpu.dma_semaphore, #tpu.memory_space<semaphore_mem>>
      %dma_start3A_134 = arith.constant 0 : i32
      %dma_start3A_135 = arith.constant 0 : i32
      %dma_start3A_136 = tpu.memref_slice %arg4[%add3A, %dma_start3A_134, %dma_start3A_135] : memref<32x125x80xi32, #tpu.memory_space<hbm>> -> memref<1x125x80xi32, #tpu.memory_space<hbm>>
      %dma_start3A_137 = tpu.memref_squeeze %dma_start3A_136 : memref<1x125x80xi32, #tpu.memory_space<hbm>> -> memref<125x80xi32, #tpu.memory_space<hbm>>
      %dma_start3A_138 = arith.constant 0 : i32
      %dma_start3A_139 = arith.constant 0 : i32
      %dma_start3A_140 = tpu.memref_slice %arg4[%add3A, %dma_start3A_138, %dma_start3A_139] : memref<32x125x80xi32, #tpu.memory_space<hbm>> -> memref<1x125x80xi32, #tpu.memory_space<hbm>>
      %dma_start3A_141 = tpu.memref_squeeze %dma_start3A_140 : memref<1x125x80xi32, #tpu.memory_space<hbm>> -> memref<125x80xi32, #tpu.memory_space<hbm>>
      tpu.enqueue_dma source(%dma_start3A_141 : memref<125x80xi32, #tpu.memory_space<hbm>>) target(%arg10 : memref<125x80xi32, #tpu.memory_space<vmem>>) target_semaphore(%run_scoped3A_133 : memref<!tpu.dma_semaphore, #tpu.memory_space<semaphore_mem>>)
      %dma_wait3A_142 = arith.constant 0 : i32
      %dma_wait3A_143 = arith.constant 0 : i32
      %dma_wait3A_144 = tpu.memref_slice %arg4[%add3A, %dma_wait3A_142, %dma_wait3A_143] : memref<32x125x80xi32, #tpu.memory_space<hbm>> -> memref<1x125x80xi32, #tpu.memory_space<hbm>>
      %dma_wait3A_145 = tpu.memref_squeeze %dma_wait3A_144 : memref<1x125x80xi32, #tpu.memory_space<hbm>> -> memref<125x80xi32, #tpu.memory_space<hbm>>
      %dma_wait3A_146 = arith.constant 0 : i32
      %dma_wait3A_147 = arith.constant 0 : i32
      %dma_wait3A_148 = tpu.memref_slice %arg4[%add3A, %dma_wait3A_146, %dma_wait3A_147] : memref<32x125x80xi32, #tpu.memory_space<hbm>> -> memref<1x125x80xi32, #tpu.memory_space<hbm>>
      %dma_wait3A_149 = tpu.memref_squeeze %dma_wait3A_148 : memref<1x125x80xi32, #tpu.memory_space<hbm>> -> memref<125x80xi32, #tpu.memory_space<hbm>>
      tpu.wait_dma2 semaphore(%run_scoped3A_133 : memref<!tpu.dma_semaphore, #tpu.memory_space<semaphore_mem>>) src(%dma_wait3A_149 : memref<125x80xi32, #tpu.memory_space<hbm>>) dst(%arg10 : memref<125x80xi32, #tpu.memory_space<vmem>>)
      tpu.yield
    }) : () -> ()
    %barrier3A = arith.constant 0 : index
    tpu.barrier barrier_id(%barrier3A)
    %run_scoped3A = arith.constant 0 : i32
    "tpu.region"() ({
      %run_scoped3A_133 = tpu.sem_alloc : memref<!tpu.dma_semaphore, #tpu.memory_space<semaphore_mem>>
      %dma_start3A_134 = arith.constant 0 : i32
      %dma_start3A_135 = tpu.memref_slice %arg3[%add3A, %run_scoped3A, %dma_start3A_134] : memref<32x125x80xi32, #tpu.memory_space<hbm>> -> memref<1x1x80xi32, #tpu.memory_space<hbm>>
      %dma_start3A_136 = tpu.memref_squeeze %dma_start3A_135 : memref<1x1x80xi32, #tpu.memory_space<hbm>> -> memref<80xi32, #tpu.memory_space<hbm>>
      %dma_start3A_137 = arith.constant 0 : i32
      %dma_start3A_138 = tpu.memref_slice %arg3[%add3A, %run_scoped3A, %dma_start3A_137] : memref<32x125x80xi32, #tpu.memory_space<hbm>> -> memref<1x1x80xi32, #tpu.memory_space<hbm>>
      %dma_start3A_139 = tpu.memref_squeeze %dma_start3A_138 : memref<1x1x80xi32, #tpu.memory_space<hbm>> -> memref<80xi32, #tpu.memory_space<hbm>>
      tpu.enqueue_dma source(%dma_start3A_139 : memref<80xi32, #tpu.memory_space<hbm>>) target(%arg8 : memref<80xi32, #tpu.memory_space<vmem>>) target_semaphore(%run_scoped3A_133 : memref<!tpu.dma_semaphore, #tpu.memory_space<semaphore_mem>>)
      %dma_wait3A_140 = arith.constant 0 : i32
      %dma_wait3A_141 = tpu.memref_slice %arg3[%add3A, %run_scoped3A, %dma_wait3A_140] : memref<32x125x80xi32, #tpu.memory_space<hbm>> -> memref<1x1x80xi32, #tpu.memory_space<hbm>>
      %dma_wait3A_142 = tpu.memref_squeeze %dma_wait3A_141 : memref<1x1x80xi32, #tpu.memory_space<hbm>> -> memref<80xi32, #tpu.memory_space<hbm>>
      %dma_wait3A_143 = arith.constant 0 : i32
      %dma_wait3A_144 = tpu.memref_slice %arg3[%add3A, %run_scoped3A, %dma_wait3A_143] : memref<32x125x80xi32, #tpu.memory_space<hbm>> -> memref<1x1x80xi32, #tpu.memory_space<hbm>>
      %dma_wait3A_145 = tpu.memref_squeeze %dma_wait3A_144 : memref<1x1x80xi32, #tpu.memory_space<hbm>> -> memref<80xi32, #tpu.memory_space<hbm>>
      tpu.wait_dma2 semaphore(%run_scoped3A_133 : memref<!tpu.dma_semaphore, #tpu.memory_space<semaphore_mem>>) src(%dma_wait3A_145 : memref<80xi32, #tpu.memory_space<hbm>>) dst(%arg8 : memref<80xi32, #tpu.memory_space<vmem>>)
      tpu.yield
    }) : () -> ()
    %dma_start3A = arith.constant 0 : i32
    %dma_start3A_33 = arith.constant 0 : i32
    %dma_start3A_34 = tpu.memref_slice %arg2[%dma_start3A, %dma_start3A_33] : memref<10240x128xf32, #tpu.memory_space<hbm>> -> memref<10240x128xf32, #tpu.memory_space<hbm>>
    tpu.enqueue_indirect_dma source(%dma_start3A_34 : memref<10240x128xf32, #tpu.memory_space<hbm>>) target(%arg11 : memref<80x128xf32, #tpu.memory_space<vmem>>) offsets(%arg8 : memref<80xi32, #tpu.memory_space<vmem>>) semaphore(%arg14 : memref<!tpu.dma_semaphore, #tpu.memory_space<semaphore_mem>>)
    %scan3A = arith.constant 0 : i32
    %scan3A_35 = arith.constant 0 : i32
    %scan3A_36 = arith.constant 62 : i32
    %scan3A_37 = arith.addi %scan3A_35, %scan3A_36 : i32
    %scan3A_38 = arith.constant 1 : i32
    %scan3A_39 = scf.for %scan3A_133 = %scan3A_35 to %scan3A_37 step %scan3A_38 iter_args(%scan3A_134 = %scan3A) -> (i32)  : i32 {
      %mul3A_135 = arith.constant 2 : i32
      %mul3A_136 = arith.muli %mul3A_135, %scan3A_133 : i32
      %add3A_137 = arith.constant 1 : i32
      %add3A_138 = arith.addi %mul3A_136, %add3A_137 : i32
      "tpu.region"() ({
        %run_scoped3A_156 = tpu.sem_alloc : memref<!tpu.dma_semaphore, #tpu.memory_space<semaphore_mem>>
        %dma_start3A_157 = arith.constant 0 : i32
        %dma_start3A_158 = tpu.memref_slice %arg3[%add3A, %add3A_138, %dma_start3A_157] : memref<32x125x80xi32, #tpu.memory_space<hbm>> -> memref<1x1x80xi32, #tpu.memory_space<hbm>>
        %dma_start3A_159 = tpu.memref_squeeze %dma_start3A_158 : memref<1x1x80xi32, #tpu.memory_space<hbm>> -> memref<80xi32, #tpu.memory_space<hbm>>
        %dma_start3A_160 = arith.constant 0 : i32
        %dma_start3A_161 = tpu.memref_slice %arg3[%add3A, %add3A_138, %dma_start3A_160] : memref<32x125x80xi32, #tpu.memory_space<hbm>> -> memref<1x1x80xi32, #tpu.memory_space<hbm>>
        %dma_start3A_162 = tpu.memref_squeeze %dma_start3A_161 : memref<1x1x80xi32, #tpu.memory_space<hbm>> -> memref<80xi32, #tpu.memory_space<hbm>>
        tpu.enqueue_dma source(%dma_start3A_162 : memref<80xi32, #tpu.memory_space<hbm>>) target(%arg9 : memref<80xi32, #tpu.memory_space<vmem>>) target_semaphore(%run_scoped3A_156 : memref<!tpu.dma_semaphore, #tpu.memory_space<semaphore_mem>>)
        %dma_wait3A_163 = arith.constant 0 : i32
        %dma_wait3A_164 = tpu.memref_slice %arg3[%add3A, %add3A_138, %dma_wait3A_163] : memref<32x125x80xi32, #tpu.memory_space<hbm>> -> memref<1x1x80xi32, #tpu.memory_space<hbm>>
        %dma_wait3A_165 = tpu.memref_squeeze %dma_wait3A_164 : memref<1x1x80xi32, #tpu.memory_space<hbm>> -> memref<80xi32, #tpu.memory_space<hbm>>
        %dma_wait3A_166 = arith.constant 0 : i32
        %dma_wait3A_167 = tpu.memref_slice %arg3[%add3A, %add3A_138, %dma_wait3A_166] : memref<32x125x80xi32, #tpu.memory_space<hbm>> -> memref<1x1x80xi32, #tpu.memory_space<hbm>>
        %dma_wait3A_168 = tpu.memref_squeeze %dma_wait3A_167 : memref<1x1x80xi32, #tpu.memory_space<hbm>> -> memref<80xi32, #tpu.memory_space<hbm>>
        tpu.wait_dma2 semaphore(%run_scoped3A_156 : memref<!tpu.dma_semaphore, #tpu.memory_space<semaphore_mem>>) src(%dma_wait3A_168 : memref<80xi32, #tpu.memory_space<hbm>>) dst(%arg9 : memref<80xi32, #tpu.memory_space<vmem>>)
        tpu.yield
      }) : () -> ()
      %dma_start3A_139 = arith.constant 0 : i32
      %dma_start3A_140 = arith.constant 0 : i32
      %dma_start3A_141 = tpu.memref_slice %arg2[%dma_start3A_139, %dma_start3A_140] : memref<10240x128xf32, #tpu.memory_space<hbm>> -> memref<10240x128xf32, #tpu.memory_space<hbm>>
      tpu.enqueue_indirect_dma source(%dma_start3A_141 : memref<10240x128xf32, #tpu.memory_space<hbm>>) target(%arg12 : memref<80x128xf32, #tpu.memory_space<vmem>>) offsets(%arg9 : memref<80xi32, #tpu.memory_space<vmem>>) semaphore(%arg15 : memref<!tpu.dma_semaphore, #tpu.memory_space<semaphore_mem>>)
      %dma_wait3A_142 = arith.constant 0 : i32
      %dma_wait3A_143 = arith.constant 0 : i32
      %dma_wait3A_144 = tpu.memref_slice %arg2[%dma_wait3A_142, %dma_wait3A_143] : memref<10240x128xf32, #tpu.memory_space<hbm>> -> memref<10240x128xf32, #tpu.memory_space<hbm>>
      tpu.wait_indirect_dma semaphore(%arg14 : memref<!tpu.dma_semaphore, #tpu.memory_space<semaphore_mem>>) src(%dma_wait3A_144 : memref<10240x128xf32, #tpu.memory_space<hbm>>) dst(%arg11 : memref<80x128xf32, #tpu.memory_space<vmem>>)
      "tpu.region"() ({
        %run_scoped3A_156 = tpu.sem_alloc : memref<!tpu.dma_semaphore, #tpu.memory_space<semaphore_mem>>
        %dma_start3A_157 = arith.constant 0 : i32
        %dma_start3A_158 = tpu.memref_slice %arg10[%mul3A_136, %dma_start3A_157] : memref<125x80xi32, #tpu.memory_space<vmem>> -> memref<1x80xi32, #tpu.memory_space<vmem>>
        %dma_start3A_159 = tpu.memref_squeeze %dma_start3A_158 : memref<1x80xi32, #tpu.memory_space<vmem>> -> memref<80xi32, #tpu.memory_space<vmem>>
        %dma_start3A_160 = arith.constant 0 : i32
        %dma_start3A_161 = arith.constant 0 : i32
        %dma_start3A_162 = tpu.memref_slice %arg13[%dma_start3A_160, %dma_start3A_161] : memref<10240x128xf32, #tpu.memory_space<vmem_shared>> -> memref<10240x128xf32, #tpu.memory_space<vmem_shared>>
        tpu.enqueue_indirect_dma source(%arg11 : memref<80x128xf32, #tpu.memory_space<vmem>>) target(%dma_start3A_162 : memref<10240x128xf32, #tpu.memory_space<vmem_shared>>) offsets(%dma_start3A_159 : memref<80xi32, #tpu.memory_space<vmem>>) semaphore(%run_scoped3A_156 : memref<!tpu.dma_semaphore, #tpu.memory_space<semaphore_mem>>) {add = true}
        %dma_wait3A_163 = arith.constant 0 : i32
        %dma_wait3A_164 = tpu.memref_slice %arg10[%mul3A_136, %dma_wait3A_163] : memref<125x80xi32, #tpu.memory_space<vmem>> -> memref<1x80xi32, #tpu.memory_space<vmem>>
        %dma_wait3A_165 = tpu.memref_squeeze %dma_wait3A_164 : memref<1x80xi32, #tpu.memory_space<vmem>> -> memref<80xi32, #tpu.memory_space<vmem>>
        %dma_wait3A_166 = arith.constant 0 : i32
        %dma_wait3A_167 = arith.constant 0 : i32
        %dma_wait3A_168 = tpu.memref_slice %arg13[%dma_wait3A_166, %dma_wait3A_167] : memref<10240x128xf32, #tpu.memory_space<vmem_shared>> -> memref<10240x128xf32, #tpu.memory_space<vmem_shared>>
        tpu.wait_indirect_dma semaphore(%run_scoped3A_156 : memref<!tpu.dma_semaphore, #tpu.memory_space<semaphore_mem>>) src(%arg11 : memref<80x128xf32, #tpu.memory_space<vmem>>) dst(%dma_wait3A_168 : memref<10240x128xf32, #tpu.memory_space<vmem_shared>>)
        tpu.yield
      }) : () -> ()
      %add3A_145 = arith.constant 2 : i32
      %add3A_146 = arith.addi %mul3A_136, %add3A_145 : i32
      "tpu.region"() ({
        %run_scoped3A_156 = tpu.sem_alloc : memref<!tpu.dma_semaphore, #tpu.memory_space<semaphore_mem>>
        %dma_start3A_157 = arith.constant 0 : i32
        %dma_start3A_158 = tpu.memref_slice %arg3[%add3A, %add3A_146, %dma_start3A_157] : memref<32x125x80xi32, #tpu.memory_space<hbm>> -> memref<1x1x80xi32, #tpu.memory_space<hbm>>
        %dma_start3A_159 = tpu.memref_squeeze %dma_start3A_158 : memref<1x1x80xi32, #tpu.memory_space<hbm>> -> memref<80xi32, #tpu.memory_space<hbm>>
        %dma_start3A_160 = arith.constant 0 : i32
        %dma_start3A_161 = tpu.memref_slice %arg3[%add3A, %add3A_146, %dma_start3A_160] : memref<32x125x80xi32, #tpu.memory_space<hbm>> -> memref<1x1x80xi32, #tpu.memory_space<hbm>>
        %dma_start3A_162 = tpu.memref_squeeze %dma_start3A_161 : memref<1x1x80xi32, #tpu.memory_space<hbm>> -> memref<80xi32, #tpu.memory_space<hbm>>
        tpu.enqueue_dma source(%dma_start3A_162 : memref<80xi32, #tpu.memory_space<hbm>>) target(%arg8 : memref<80xi32, #tpu.memory_space<vmem>>) target_semaphore(%run_scoped3A_156 : memref<!tpu.dma_semaphore, #tpu.memory_space<semaphore_mem>>)
        %dma_wait3A_163 = arith.constant 0 : i32
        %dma_wait3A_164 = tpu.memref_slice %arg3[%add3A, %add3A_146, %dma_wait3A_163] : memref<32x125x80xi32, #tpu.memory_space<hbm>> -> memref<1x1x80xi32, #tpu.memory_space<hbm>>
        %dma_wait3A_165 = tpu.memref_squeeze %dma_wait3A_164 : memref<1x1x80xi32, #tpu.memory_space<hbm>> -> memref<80xi32, #tpu.memory_space<hbm>>
        %dma_wait3A_166 = arith.constant 0 : i32
        %dma_wait3A_167 = tpu.memref_slice %arg3[%add3A, %add3A_146, %dma_wait3A_166] : memref<32x125x80xi32, #tpu.memory_space<hbm>> -> memref<1x1x80xi32, #tpu.memory_space<hbm>>
        %dma_wait3A_168 = tpu.memref_squeeze %dma_wait3A_167 : memref<1x1x80xi32, #tpu.memory_space<hbm>> -> memref<80xi32, #tpu.memory_space<hbm>>
        tpu.wait_dma2 semaphore(%run_scoped3A_156 : memref<!tpu.dma_semaphore, #tpu.memory_space<semaphore_mem>>) src(%dma_wait3A_168 : memref<80xi32, #tpu.memory_space<hbm>>) dst(%arg8 : memref<80xi32, #tpu.memory_space<vmem>>)
        tpu.yield
      }) : () -> ()
      %dma_start3A_147 = arith.constant 0 : i32
      %dma_start3A_148 = arith.constant 0 : i32
      %dma_start3A_149 = tpu.memref_slice %arg2[%dma_start3A_147, %dma_start3A_148] : memref<10240x128xf32, #tpu.memory_space<hbm>> -> memref<10240x128xf32, #tpu.memory_space<hbm>>
      tpu.enqueue_indirect_dma source(%dma_start3A_149 : memref<10240x128xf32, #tpu.memory_space<hbm>>) target(%arg11 : memref<80x128xf32, #tpu.memory_space<vmem>>) offsets(%arg8 : memref<80xi32, #tpu.memory_space<vmem>>) semaphore(%arg14 : memref<!tpu.dma_semaphore, #tpu.memory_space<semaphore_mem>>)
      %dma_wait3A_150 = arith.constant 0 : i32
      %dma_wait3A_151 = arith.constant 0 : i32
      %dma_wait3A_152 = tpu.memref_slice %arg2[%dma_wait3A_150, %dma_wait3A_151] : memref<10240x128xf32, #tpu.memory_space<hbm>> -> memref<10240x128xf32, #tpu.memory_space<hbm>>
      tpu.wait_indirect_dma semaphore(%arg15 : memref<!tpu.dma_semaphore, #tpu.memory_space<semaphore_mem>>) src(%dma_wait3A_152 : memref<10240x128xf32, #tpu.memory_space<hbm>>) dst(%arg12 : memref<80x128xf32, #tpu.memory_space<vmem>>)
      %add3A_153 = arith.constant 1 : i32
      %add3A_154 = arith.addi %mul3A_136, %add3A_153 : i32
      "tpu.region"() ({
        %run_scoped3A_156 = tpu.sem_alloc : memref<!tpu.dma_semaphore, #tpu.memory_space<semaphore_mem>>
        %dma_start3A_157 = arith.constant 0 : i32
        %dma_start3A_158 = tpu.memref_slice %arg10[%add3A_154, %dma_start3A_157] : memref<125x80xi32, #tpu.memory_space<vmem>> -> memref<1x80xi32, #tpu.memory_space<vmem>>
        %dma_start3A_159 = tpu.memref_squeeze %dma_start3A_158 : memref<1x80xi32, #tpu.memory_space<vmem>> -> memref<80xi32, #tpu.memory_space<vmem>>
        %dma_start3A_160 = arith.constant 0 : i32
        %dma_start3A_161 = arith.constant 0 : i32
        %dma_start3A_162 = tpu.memref_slice %arg13[%dma_start3A_160, %dma_start3A_161] : memref<10240x128xf32, #tpu.memory_space<vmem_shared>> -> memref<10240x128xf32, #tpu.memory_space<vmem_shared>>
        tpu.enqueue_indirect_dma source(%arg12 : memref<80x128xf32, #tpu.memory_space<vmem>>) target(%dma_start3A_162 : memref<10240x128xf32, #tpu.memory_space<vmem_shared>>) offsets(%dma_start3A_159 : memref<80xi32, #tpu.memory_space<vmem>>) semaphore(%run_scoped3A_156 : memref<!tpu.dma_semaphore, #tpu.memory_space<semaphore_mem>>) {add = true}
        %dma_wait3A_163 = arith.constant 0 : i32
        %dma_wait3A_164 = tpu.memref_slice %arg10[%add3A_154, %dma_wait3A_163] : memref<125x80xi32, #tpu.memory_space<vmem>> -> memref<1x80xi32, #tpu.memory_space<vmem>>
        %dma_wait3A_165 = tpu.memref_squeeze %dma_wait3A_164 : memref<1x80xi32, #tpu.memory_space<vmem>> -> memref<80xi32, #tpu.memory_space<vmem>>
        %dma_wait3A_166 = arith.constant 0 : i32
        %dma_wait3A_167 = arith.constant 0 : i32
        %dma_wait3A_168 = tpu.memref_slice %arg13[%dma_wait3A_166, %dma_wait3A_167] : memref<10240x128xf32, #tpu.memory_space<vmem_shared>> -> memref<10240x128xf32, #tpu.memory_space<vmem_shared>>
        tpu.wait_indirect_dma semaphore(%run_scoped3A_156 : memref<!tpu.dma_semaphore, #tpu.memory_space<semaphore_mem>>) src(%arg12 : memref<80x128xf32, #tpu.memory_space<vmem>>) dst(%dma_wait3A_168 : memref<10240x128xf32, #tpu.memory_space<vmem_shared>>)
        tpu.yield
      }) : () -> ()
      %scan3A_155 = arith.constant 0 : i32
      scf.yield %scan3A_155 : i32
    }
    %scan3A_40 = arith.constant 62 : i32
    %dma_wait3A = arith.constant 0 : i32
    %dma_wait3A_41 = arith.constant 0 : i32
    %dma_wait3A_42 = tpu.memref_slice %arg2[%dma_wait3A, %dma_wait3A_41] : memref<10240x128xf32, #tpu.memory_space<hbm>> -> memref<10240x128xf32, #tpu.memory_space<hbm>>
    tpu.wait_indirect_dma semaphore(%arg14 : memref<!tpu.dma_semaphore, #tpu.memory_space<semaphore_mem>>) src(%dma_wait3A_42 : memref<10240x128xf32, #tpu.memory_space<hbm>>) dst(%arg11 : memref<80x128xf32, #tpu.memory_space<vmem>>)
    %run_scoped3A_43 = arith.constant 124 : i32
    "tpu.region"() ({
      %run_scoped3A_133 = tpu.sem_alloc : memref<!tpu.dma_semaphore, #tpu.memory_space<semaphore_mem>>
      %dma_start3A_134 = arith.constant 0 : i32
      %dma_start3A_135 = tpu.memref_slice %arg10[%run_scoped3A_43, %dma_start3A_134] : memref<125x80xi32, #tpu.memory_space<vmem>> -> memref<1x80xi32, #tpu.memory_space<vmem>>
      %dma_start3A_136 = tpu.memref_squeeze %dma_start3A_135 : memref<1x80xi32, #tpu.memory_space<vmem>> -> memref<80xi32, #tpu.memory_space<vmem>>
      %dma_start3A_137 = arith.constant 0 : i32
      %dma_start3A_138 = arith.constant 0 : i32
      %dma_start3A_139 = tpu.memref_slice %arg13[%dma_start3A_137, %dma_start3A_138] : memref<10240x128xf32, #tpu.memory_space<vmem_shared>> -> memref<10240x128xf32, #tpu.memory_space<vmem_shared>>
      tpu.enqueue_indirect_dma source(%arg11 : memref<80x128xf32, #tpu.memory_space<vmem>>) target(%dma_start3A_139 : memref<10240x128xf32, #tpu.memory_space<vmem_shared>>) offsets(%dma_start3A_136 : memref<80xi32, #tpu.memory_space<vmem>>) semaphore(%run_scoped3A_133 : memref<!tpu.dma_semaphore, #tpu.memory_space<semaphore_mem>>) {add = true}
      %dma_wait3A_140 = arith.constant 0 : i32
      %dma_wait3A_141 = tpu.memref_slice %arg10[%run_scoped3A_43, %dma_wait3A_140] : memref<125x80xi32, #tpu.memory_space<vmem>> -> memref<1x80xi32, #tpu.memory_space<vmem>>
      %dma_wait3A_142 = tpu.memref_squeeze %dma_wait3A_141 : memref<1x80xi32, #tpu.memory_space<vmem>> -> memref<80xi32, #tpu.memory_space<vmem>>
      %dma_wait3A_143 = arith.constant 0 : i32
      %dma_wait3A_144 = arith.constant 0 : i32
      %dma_wait3A_145 = tpu.memref_slice %arg13[%dma_wait3A_143, %dma_wait3A_144] : memref<10240x128xf32, #tpu.memory_space<vmem_shared>> -> memref<10240x128xf32, #tpu.memory_space<vmem_shared>>
      tpu.wait_indirect_dma semaphore(%run_scoped3A_133 : memref<!tpu.dma_semaphore, #tpu.memory_space<semaphore_mem>>) src(%arg11 : memref<80x128xf32, #tpu.memory_space<vmem>>) dst(%dma_wait3A_145 : memref<10240x128xf32, #tpu.memory_space<vmem_shared>>)
      tpu.yield
    }) : () -> ()
    %barrier3A_44 = arith.constant 0 : index
    tpu.barrier barrier_id(%barrier3A_44)
    %mul3A_45 = arith.constant 640 : i32
    %mul3A_46 = arith.muli %arg1, %mul3A_45 : i32
    %add3A_47 = arith.constant 0 : i32
    %add3A_48 = arith.addi %mul3A_46, %add3A_47 : i32
    "tpu.region"() ({
      %run_scoped3A_133 = tpu.sem_alloc : memref<!tpu.dma_semaphore, #tpu.memory_space<semaphore_mem>>
      %dma_start3A_134 = arith.constant 0 : i32
      %dma_start3A_135 = tpu.memref_slice %arg13[%add3A_48, %dma_start3A_134] : memref<10240x128xf32, #tpu.memory_space<vmem_shared>> -> memref<80x128xf32, #tpu.memory_space<vmem_shared>>
      %dma_start3A_136 = arith.constant 0 : i32
      %dma_start3A_137 = tpu.memref_slice %arg13[%add3A_48, %dma_start3A_136] : memref<10240x128xf32, #tpu.memory_space<vmem_shared>> -> memref<80x128xf32, #tpu.memory_space<vmem_shared>>
      tpu.enqueue_dma source(%dma_start3A_137 : memref<80x128xf32, #tpu.memory_space<vmem_shared>>) target(%arg11 : memref<80x128xf32, #tpu.memory_space<vmem>>) target_semaphore(%run_scoped3A_133 : memref<!tpu.dma_semaphore, #tpu.memory_space<semaphore_mem>>)
      %dma_wait3A_138 = arith.constant 0 : i32
      %dma_wait3A_139 = tpu.memref_slice %arg13[%add3A_48, %dma_wait3A_138] : memref<10240x128xf32, #tpu.memory_space<vmem_shared>> -> memref<80x128xf32, #tpu.memory_space<vmem_shared>>
      %dma_wait3A_140 = arith.constant 0 : i32
      %dma_wait3A_141 = tpu.memref_slice %arg13[%add3A_48, %dma_wait3A_140] : memref<10240x128xf32, #tpu.memory_space<vmem_shared>> -> memref<80x128xf32, #tpu.memory_space<vmem_shared>>
      tpu.wait_dma2 semaphore(%run_scoped3A_133 : memref<!tpu.dma_semaphore, #tpu.memory_space<semaphore_mem>>) src(%dma_wait3A_141 : memref<80x128xf32, #tpu.memory_space<vmem_shared>>) dst(%arg11 : memref<80x128xf32, #tpu.memory_space<vmem>>)
      tpu.yield
    }) : () -> ()
    %mul3A_49 = arith.constant 10240 : i32
    %mul3A_50 = arith.muli %arg0, %mul3A_49 : i32
    %mul3A_51 = arith.constant 640 : i32
    %mul3A_52 = arith.muli %arg1, %mul3A_51 : i32
    %add3A_53 = arith.addi %mul3A_50, %mul3A_52 : i32
    %add3A_54 = arith.constant 0 : i32
    %add3A_55 = arith.addi %add3A_53, %add3A_54 : i32
    "tpu.region"() ({
      %run_scoped3A_133 = tpu.sem_alloc : memref<!tpu.dma_semaphore, #tpu.memory_space<semaphore_mem>>
      %dma_start3A_134 = arith.constant 0 : i32
      %dma_start3A_135 = tpu.memref_slice %arg7[%add3A_55, %dma_start3A_134] : memref<20480x128xf32, #tpu.memory_space<hbm>> -> memref<80x128xf32, #tpu.memory_space<hbm>>
      %dma_start3A_136 = arith.constant 0 : i32
      %dma_start3A_137 = tpu.memref_slice %arg7[%add3A_55, %dma_start3A_136] : memref<20480x128xf32, #tpu.memory_space<hbm>> -> memref<80x128xf32, #tpu.memory_space<hbm>>
      tpu.enqueue_dma source(%arg11 : memref<80x128xf32, #tpu.memory_space<vmem>>) target(%dma_start3A_137 : memref<80x128xf32, #tpu.memory_space<hbm>>) target_semaphore(%run_scoped3A_133 : memref<!tpu.dma_semaphore, #tpu.memory_space<semaphore_mem>>)
      %dma_wait3A_138 = arith.constant 0 : i32
      %dma_wait3A_139 = tpu.memref_slice %arg7[%add3A_55, %dma_wait3A_138] : memref<20480x128xf32, #tpu.memory_space<hbm>> -> memref<80x128xf32, #tpu.memory_space<hbm>>
      %dma_wait3A_140 = arith.constant 0 : i32
      %dma_wait3A_141 = tpu.memref_slice %arg7[%add3A_55, %dma_wait3A_140] : memref<20480x128xf32, #tpu.memory_space<hbm>> -> memref<80x128xf32, #tpu.memory_space<hbm>>
      tpu.wait_dma2 semaphore(%run_scoped3A_133 : memref<!tpu.dma_semaphore, #tpu.memory_space<semaphore_mem>>) src(%arg11 : memref<80x128xf32, #tpu.memory_space<vmem>>) dst(%dma_wait3A_141 : memref<80x128xf32, #tpu.memory_space<hbm>>)
      tpu.yield
    }) : () -> ()
    %mul3A_56 = arith.constant 640 : i32
    %mul3A_57 = arith.muli %arg1, %mul3A_56 : i32
    %add3A_58 = arith.constant 80 : i32
    %add3A_59 = arith.addi %mul3A_57, %add3A_58 : i32
    "tpu.region"() ({
      %run_scoped3A_133 = tpu.sem_alloc : memref<!tpu.dma_semaphore, #tpu.memory_space<semaphore_mem>>
      %dma_start3A_134 = arith.constant 0 : i32
      %dma_start3A_135 = tpu.memref_slice %arg13[%add3A_59, %dma_start3A_134] : memref<10240x128xf32, #tpu.memory_space<vmem_shared>> -> memref<80x128xf32, #tpu.memory_space<vmem_shared>>
      %dma_start3A_136 = arith.constant 0 : i32
      %dma_start3A_137 = tpu.memref_slice %arg13[%add3A_59, %dma_start3A_136] : memref<10240x128xf32, #tpu.memory_space<vmem_shared>> -> memref<80x128xf32, #tpu.memory_space<vmem_shared>>
      tpu.enqueue_dma source(%dma_start3A_137 : memref<80x128xf32, #tpu.memory_space<vmem_shared>>) target(%arg11 : memref<80x128xf32, #tpu.memory_space<vmem>>) target_semaphore(%run_scoped3A_133 : memref<!tpu.dma_semaphore, #tpu.memory_space<semaphore_mem>>)
      %dma_wait3A_138 = arith.constant 0 : i32
      %dma_wait3A_139 = tpu.memref_slice %arg13[%add3A_59, %dma_wait3A_138] : memref<10240x128xf32, #tpu.memory_space<vmem_shared>> -> memref<80x128xf32, #tpu.memory_space<vmem_shared>>
      %dma_wait3A_140 = arith.constant 0 : i32
      %dma_wait3A_141 = tpu.memref_slice %arg13[%add3A_59, %dma_wait3A_140] : memref<10240x128xf32, #tpu.memory_space<vmem_shared>> -> memref<80x128xf32, #tpu.memory_space<vmem_shared>>
      tpu.wait_dma2 semaphore(%run_scoped3A_133 : memref<!tpu.dma_semaphore, #tpu.memory_space<semaphore_mem>>) src(%dma_wait3A_141 : memref<80x128xf32, #tpu.memory_space<vmem_shared>>) dst(%arg11 : memref<80x128xf32, #tpu.memory_space<vmem>>)
      tpu.yield
    }) : () -> ()
    %mul3A_60 = arith.constant 10240 : i32
    %mul3A_61 = arith.muli %arg0, %mul3A_60 : i32
    %mul3A_62 = arith.constant 640 : i32
    %mul3A_63 = arith.muli %arg1, %mul3A_62 : i32
    %add3A_64 = arith.addi %mul3A_61, %mul3A_63 : i32
    %add3A_65 = arith.constant 80 : i32
    %add3A_66 = arith.addi %add3A_64, %add3A_65 : i32
    "tpu.region"() ({
      %run_scoped3A_133 = tpu.sem_alloc : memref<!tpu.dma_semaphore, #tpu.memory_space<semaphore_mem>>
      %dma_start3A_134 = arith.constant 0 : i32
      %dma_start3A_135 = tpu.memref_slice %arg7[%add3A_66, %dma_start3A_134] : memref<20480x128xf32, #tpu.memory_space<hbm>> -> memref<80x128xf32, #tpu.memory_space<hbm>>
      %dma_start3A_136 = arith.constant 0 : i32
      %dma_start3A_137 = tpu.memref_slice %arg7[%add3A_66, %dma_start3A_136] : memref<20480x128xf32, #tpu.memory_space<hbm>> -> memref<80x128xf32, #tpu.memory_space<hbm>>
      tpu.enqueue_dma source(%arg11 : memref<80x128xf32, #tpu.memory_space<vmem>>) target(%dma_start3A_137 : memref<80x128xf32, #tpu.memory_space<hbm>>) target_semaphore(%run_scoped3A_133 : memref<!tpu.dma_semaphore, #tpu.memory_space<semaphore_mem>>)
      %dma_wait3A_138 = arith.constant 0 : i32
      %dma_wait3A_139 = tpu.memref_slice %arg7[%add3A_66, %dma_wait3A_138] : memref<20480x128xf32, #tpu.memory_space<hbm>> -> memref<80x128xf32, #tpu.memory_space<hbm>>
      %dma_wait3A_140 = arith.constant 0 : i32
      %dma_wait3A_141 = tpu.memref_slice %arg7[%add3A_66, %dma_wait3A_140] : memref<20480x128xf32, #tpu.memory_space<hbm>> -> memref<80x128xf32, #tpu.memory_space<hbm>>
      tpu.wait_dma2 semaphore(%run_scoped3A_133 : memref<!tpu.dma_semaphore, #tpu.memory_space<semaphore_mem>>) src(%arg11 : memref<80x128xf32, #tpu.memory_space<vmem>>) dst(%dma_wait3A_141 : memref<80x128xf32, #tpu.memory_space<hbm>>)
      tpu.yield
    }) : () -> ()
    %mul3A_67 = arith.constant 640 : i32
    %mul3A_68 = arith.muli %arg1, %mul3A_67 : i32
    %add3A_69 = arith.constant 160 : i32
    %add3A_70 = arith.addi %mul3A_68, %add3A_69 : i32
    "tpu.region"() ({
      %run_scoped3A_133 = tpu.sem_alloc : memref<!tpu.dma_semaphore, #tpu.memory_space<semaphore_mem>>
      %dma_start3A_134 = arith.constant 0 : i32
      %dma_start3A_135 = tpu.memref_slice %arg13[%add3A_70, %dma_start3A_134] : memref<10240x128xf32, #tpu.memory_space<vmem_shared>> -> memref<80x128xf32, #tpu.memory_space<vmem_shared>>
      %dma_start3A_136 = arith.constant 0 : i32
      %dma_start3A_137 = tpu.memref_slice %arg13[%add3A_70, %dma_start3A_136] : memref<10240x128xf32, #tpu.memory_space<vmem_shared>> -> memref<80x128xf32, #tpu.memory_space<vmem_shared>>
      tpu.enqueue_dma source(%dma_start3A_137 : memref<80x128xf32, #tpu.memory_space<vmem_shared>>) target(%arg11 : memref<80x128xf32, #tpu.memory_space<vmem>>) target_semaphore(%run_scoped3A_133 : memref<!tpu.dma_semaphore, #tpu.memory_space<semaphore_mem>>)
      %dma_wait3A_138 = arith.constant 0 : i32
      %dma_wait3A_139 = tpu.memref_slice %arg13[%add3A_70, %dma_wait3A_138] : memref<10240x128xf32, #tpu.memory_space<vmem_shared>> -> memref<80x128xf32, #tpu.memory_space<vmem_shared>>
      %dma_wait3A_140 = arith.constant 0 : i32
      %dma_wait3A_141 = tpu.memref_slice %arg13[%add3A_70, %dma_wait3A_140] : memref<10240x128xf32, #tpu.memory_space<vmem_shared>> -> memref<80x128xf32, #tpu.memory_space<vmem_shared>>
      tpu.wait_dma2 semaphore(%run_scoped3A_133 : memref<!tpu.dma_semaphore, #tpu.memory_space<semaphore_mem>>) src(%dma_wait3A_141 : memref<80x128xf32, #tpu.memory_space<vmem_shared>>) dst(%arg11 : memref<80x128xf32, #tpu.memory_space<vmem>>)
      tpu.yield
    }) : () -> ()
    %mul3A_71 = arith.constant 10240 : i32
    %mul3A_72 = arith.muli %arg0, %mul3A_71 : i32
    %mul3A_73 = arith.constant 640 : i32
    %mul3A_74 = arith.muli %arg1, %mul3A_73 : i32
    %add3A_75 = arith.addi %mul3A_72, %mul3A_74 : i32
    %add3A_76 = arith.constant 160 : i32
    %add3A_77 = arith.addi %add3A_75, %add3A_76 : i32
    "tpu.region"() ({
      %run_scoped3A_133 = tpu.sem_alloc : memref<!tpu.dma_semaphore, #tpu.memory_space<semaphore_mem>>
      %dma_start3A_134 = arith.constant 0 : i32
      %dma_start3A_135 = tpu.memref_slice %arg7[%add3A_77, %dma_start3A_134] : memref<20480x128xf32, #tpu.memory_space<hbm>> -> memref<80x128xf32, #tpu.memory_space<hbm>>
      %dma_start3A_136 = arith.constant 0 : i32
      %dma_start3A_137 = tpu.memref_slice %arg7[%add3A_77, %dma_start3A_136] : memref<20480x128xf32, #tpu.memory_space<hbm>> -> memref<80x128xf32, #tpu.memory_space<hbm>>
      tpu.enqueue_dma source(%arg11 : memref<80x128xf32, #tpu.memory_space<vmem>>) target(%dma_start3A_137 : memref<80x128xf32, #tpu.memory_space<hbm>>) target_semaphore(%run_scoped3A_133 : memref<!tpu.dma_semaphore, #tpu.memory_space<semaphore_mem>>)
      %dma_wait3A_138 = arith.constant 0 : i32
      %dma_wait3A_139 = tpu.memref_slice %arg7[%add3A_77, %dma_wait3A_138] : memref<20480x128xf32, #tpu.memory_space<hbm>> -> memref<80x128xf32, #tpu.memory_space<hbm>>
      %dma_wait3A_140 = arith.constant 0 : i32
      %dma_wait3A_141 = tpu.memref_slice %arg7[%add3A_77, %dma_wait3A_140] : memref<20480x128xf32, #tpu.memory_space<hbm>> -> memref<80x128xf32, #tpu.memory_space<hbm>>
      tpu.wait_dma2 semaphore(%run_scoped3A_133 : memref<!tpu.dma_semaphore, #tpu.memory_space<semaphore_mem>>) src(%arg11 : memref<80x128xf32, #tpu.memory_space<vmem>>) dst(%dma_wait3A_141 : memref<80x128xf32, #tpu.memory_space<hbm>>)
      tpu.yield
    }) : () -> ()
    %mul3A_78 = arith.constant 640 : i32
    %mul3A_79 = arith.muli %arg1, %mul3A_78 : i32
    %add3A_80 = arith.constant 240 : i32
    %add3A_81 = arith.addi %mul3A_79, %add3A_80 : i32
    "tpu.region"() ({
      %run_scoped3A_133 = tpu.sem_alloc : memref<!tpu.dma_semaphore, #tpu.memory_space<semaphore_mem>>
      %dma_start3A_134 = arith.constant 0 : i32
      %dma_start3A_135 = tpu.memref_slice %arg13[%add3A_81, %dma_start3A_134] : memref<10240x128xf32, #tpu.memory_space<vmem_shared>> -> memref<80x128xf32, #tpu.memory_space<vmem_shared>>
      %dma_start3A_136 = arith.constant 0 : i32
      %dma_start3A_137 = tpu.memref_slice %arg13[%add3A_81, %dma_start3A_136] : memref<10240x128xf32, #tpu.memory_space<vmem_shared>> -> memref<80x128xf32, #tpu.memory_space<vmem_shared>>
      tpu.enqueue_dma source(%dma_start3A_137 : memref<80x128xf32, #tpu.memory_space<vmem_shared>>) target(%arg11 : memref<80x128xf32, #tpu.memory_space<vmem>>) target_semaphore(%run_scoped3A_133 : memref<!tpu.dma_semaphore, #tpu.memory_space<semaphore_mem>>)
      %dma_wait3A_138 = arith.constant 0 : i32
      %dma_wait3A_139 = tpu.memref_slice %arg13[%add3A_81, %dma_wait3A_138] : memref<10240x128xf32, #tpu.memory_space<vmem_shared>> -> memref<80x128xf32, #tpu.memory_space<vmem_shared>>
      %dma_wait3A_140 = arith.constant 0 : i32
      %dma_wait3A_141 = tpu.memref_slice %arg13[%add3A_81, %dma_wait3A_140] : memref<10240x128xf32, #tpu.memory_space<vmem_shared>> -> memref<80x128xf32, #tpu.memory_space<vmem_shared>>
      tpu.wait_dma2 semaphore(%run_scoped3A_133 : memref<!tpu.dma_semaphore, #tpu.memory_space<semaphore_mem>>) src(%dma_wait3A_141 : memref<80x128xf32, #tpu.memory_space<vmem_shared>>) dst(%arg11 : memref<80x128xf32, #tpu.memory_space<vmem>>)
      tpu.yield
    }) : () -> ()
    %mul3A_82 = arith.constant 10240 : i32
    %mul3A_83 = arith.muli %arg0, %mul3A_82 : i32
    %mul3A_84 = arith.constant 640 : i32
    %mul3A_85 = arith.muli %arg1, %mul3A_84 : i32
    %add3A_86 = arith.addi %mul3A_83, %mul3A_85 : i32
    %add3A_87 = arith.constant 240 : i32
    %add3A_88 = arith.addi %add3A_86, %add3A_87 : i32
    "tpu.region"() ({
      %run_scoped3A_133 = tpu.sem_alloc : memref<!tpu.dma_semaphore, #tpu.memory_space<semaphore_mem>>
      %dma_start3A_134 = arith.constant 0 : i32
      %dma_start3A_135 = tpu.memref_slice %arg7[%add3A_88, %dma_start3A_134] : memref<20480x128xf32, #tpu.memory_space<hbm>> -> memref<80x128xf32, #tpu.memory_space<hbm>>
      %dma_start3A_136 = arith.constant 0 : i32
      %dma_start3A_137 = tpu.memref_slice %arg7[%add3A_88, %dma_start3A_136] : memref<20480x128xf32, #tpu.memory_space<hbm>> -> memref<80x128xf32, #tpu.memory_space<hbm>>
      tpu.enqueue_dma source(%arg11 : memref<80x128xf32, #tpu.memory_space<vmem>>) target(%dma_start3A_137 : memref<80x128xf32, #tpu.memory_space<hbm>>) target_semaphore(%run_scoped3A_133 : memref<!tpu.dma_semaphore, #tpu.memory_space<semaphore_mem>>)
      %dma_wait3A_138 = arith.constant 0 : i32
      %dma_wait3A_139 = tpu.memref_slice %arg7[%add3A_88, %dma_wait3A_138] : memref<20480x128xf32, #tpu.memory_space<hbm>> -> memref<80x128xf32, #tpu.memory_space<hbm>>
      %dma_wait3A_140 = arith.constant 0 : i32
      %dma_wait3A_141 = tpu.memref_slice %arg7[%add3A_88, %dma_wait3A_140] : memref<20480x128xf32, #tpu.memory_space<hbm>> -> memref<80x128xf32, #tpu.memory_space<hbm>>
      tpu.wait_dma2 semaphore(%run_scoped3A_133 : memref<!tpu.dma_semaphore, #tpu.memory_space<semaphore_mem>>) src(%arg11 : memref<80x128xf32, #tpu.memory_space<vmem>>) dst(%dma_wait3A_141 : memref<80x128xf32, #tpu.memory_space<hbm>>)
      tpu.yield
    }) : () -> ()
    %mul3A_89 = arith.constant 640 : i32
    %mul3A_90 = arith.muli %arg1, %mul3A_89 : i32
    %add3A_91 = arith.constant 320 : i32
    %add3A_92 = arith.addi %mul3A_90, %add3A_91 : i32
    "tpu.region"() ({
      %run_scoped3A_133 = tpu.sem_alloc : memref<!tpu.dma_semaphore, #tpu.memory_space<semaphore_mem>>
      %dma_start3A_134 = arith.constant 0 : i32
      %dma_start3A_135 = tpu.memref_slice %arg13[%add3A_92, %dma_start3A_134] : memref<10240x128xf32, #tpu.memory_space<vmem_shared>> -> memref<80x128xf32, #tpu.memory_space<vmem_shared>>
      %dma_start3A_136 = arith.constant 0 : i32
      %dma_start3A_137 = tpu.memref_slice %arg13[%add3A_92, %dma_start3A_136] : memref<10240x128xf32, #tpu.memory_space<vmem_shared>> -> memref<80x128xf32, #tpu.memory_space<vmem_shared>>
      tpu.enqueue_dma source(%dma_start3A_137 : memref<80x128xf32, #tpu.memory_space<vmem_shared>>) target(%arg11 : memref<80x128xf32, #tpu.memory_space<vmem>>) target_semaphore(%run_scoped3A_133 : memref<!tpu.dma_semaphore, #tpu.memory_space<semaphore_mem>>)
      %dma_wait3A_138 = arith.constant 0 : i32
      %dma_wait3A_139 = tpu.memref_slice %arg13[%add3A_92, %dma_wait3A_138] : memref<10240x128xf32, #tpu.memory_space<vmem_shared>> -> memref<80x128xf32, #tpu.memory_space<vmem_shared>>
      %dma_wait3A_140 = arith.constant 0 : i32
      %dma_wait3A_141 = tpu.memref_slice %arg13[%add3A_92, %dma_wait3A_140] : memref<10240x128xf32, #tpu.memory_space<vmem_shared>> -> memref<80x128xf32, #tpu.memory_space<vmem_shared>>
      tpu.wait_dma2 semaphore(%run_scoped3A_133 : memref<!tpu.dma_semaphore, #tpu.memory_space<semaphore_mem>>) src(%dma_wait3A_141 : memref<80x128xf32, #tpu.memory_space<vmem_shared>>) dst(%arg11 : memref<80x128xf32, #tpu.memory_space<vmem>>)
      tpu.yield
    }) : () -> ()
    %mul3A_93 = arith.constant 10240 : i32
    %mul3A_94 = arith.muli %arg0, %mul3A_93 : i32
    %mul3A_95 = arith.constant 640 : i32
    %mul3A_96 = arith.muli %arg1, %mul3A_95 : i32
    %add3A_97 = arith.addi %mul3A_94, %mul3A_96 : i32
    %add3A_98 = arith.constant 320 : i32
    %add3A_99 = arith.addi %add3A_97, %add3A_98 : i32
    "tpu.region"() ({
      %run_scoped3A_133 = tpu.sem_alloc : memref<!tpu.dma_semaphore, #tpu.memory_space<semaphore_mem>>
      %dma_start3A_134 = arith.constant 0 : i32
      %dma_start3A_135 = tpu.memref_slice %arg7[%add3A_99, %dma_start3A_134] : memref<20480x128xf32, #tpu.memory_space<hbm>> -> memref<80x128xf32, #tpu.memory_space<hbm>>
      %dma_start3A_136 = arith.constant 0 : i32
      %dma_start3A_137 = tpu.memref_slice %arg7[%add3A_99, %dma_start3A_136] : memref<20480x128xf32, #tpu.memory_space<hbm>> -> memref<80x128xf32, #tpu.memory_space<hbm>>
      tpu.enqueue_dma source(%arg11 : memref<80x128xf32, #tpu.memory_space<vmem>>) target(%dma_start3A_137 : memref<80x128xf32, #tpu.memory_space<hbm>>) target_semaphore(%run_scoped3A_133 : memref<!tpu.dma_semaphore, #tpu.memory_space<semaphore_mem>>)
      %dma_wait3A_138 = arith.constant 0 : i32
      %dma_wait3A_139 = tpu.memref_slice %arg7[%add3A_99, %dma_wait3A_138] : memref<20480x128xf32, #tpu.memory_space<hbm>> -> memref<80x128xf32, #tpu.memory_space<hbm>>
      %dma_wait3A_140 = arith.constant 0 : i32
      %dma_wait3A_141 = tpu.memref_slice %arg7[%add3A_99, %dma_wait3A_140] : memref<20480x128xf32, #tpu.memory_space<hbm>> -> memref<80x128xf32, #tpu.memory_space<hbm>>
      tpu.wait_dma2 semaphore(%run_scoped3A_133 : memref<!tpu.dma_semaphore, #tpu.memory_space<semaphore_mem>>) src(%arg11 : memref<80x128xf32, #tpu.memory_space<vmem>>) dst(%dma_wait3A_141 : memref<80x128xf32, #tpu.memory_space<hbm>>)
      tpu.yield
    }) : () -> ()
    %mul3A_100 = arith.constant 640 : i32
    %mul3A_101 = arith.muli %arg1, %mul3A_100 : i32
    %add3A_102 = arith.constant 400 : i32
    %add3A_103 = arith.addi %mul3A_101, %add3A_102 : i32
    "tpu.region"() ({
      %run_scoped3A_133 = tpu.sem_alloc : memref<!tpu.dma_semaphore, #tpu.memory_space<semaphore_mem>>
      %dma_start3A_134 = arith.constant 0 : i32
      %dma_start3A_135 = tpu.memref_slice %arg13[%add3A_103, %dma_start3A_134] : memref<10240x128xf32, #tpu.memory_space<vmem_shared>> -> memref<80x128xf32, #tpu.memory_space<vmem_shared>>
      %dma_start3A_136 = arith.constant 0 : i32
      %dma_start3A_137 = tpu.memref_slice %arg13[%add3A_103, %dma_start3A_136] : memref<10240x128xf32, #tpu.memory_space<vmem_shared>> -> memref<80x128xf32, #tpu.memory_space<vmem_shared>>
      tpu.enqueue_dma source(%dma_start3A_137 : memref<80x128xf32, #tpu.memory_space<vmem_shared>>) target(%arg11 : memref<80x128xf32, #tpu.memory_space<vmem>>) target_semaphore(%run_scoped3A_133 : memref<!tpu.dma_semaphore, #tpu.memory_space<semaphore_mem>>)
      %dma_wait3A_138 = arith.constant 0 : i32
      %dma_wait3A_139 = tpu.memref_slice %arg13[%add3A_103, %dma_wait3A_138] : memref<10240x128xf32, #tpu.memory_space<vmem_shared>> -> memref<80x128xf32, #tpu.memory_space<vmem_shared>>
      %dma_wait3A_140 = arith.constant 0 : i32
      %dma_wait3A_141 = tpu.memref_slice %arg13[%add3A_103, %dma_wait3A_140] : memref<10240x128xf32, #tpu.memory_space<vmem_shared>> -> memref<80x128xf32, #tpu.memory_space<vmem_shared>>
      tpu.wait_dma2 semaphore(%run_scoped3A_133 : memref<!tpu.dma_semaphore, #tpu.memory_space<semaphore_mem>>) src(%dma_wait3A_141 : memref<80x128xf32, #tpu.memory_space<vmem_shared>>) dst(%arg11 : memref<80x128xf32, #tpu.memory_space<vmem>>)
      tpu.yield
    }) : () -> ()
    %mul3A_104 = arith.constant 10240 : i32
    %mul3A_105 = arith.muli %arg0, %mul3A_104 : i32
    %mul3A_106 = arith.constant 640 : i32
    %mul3A_107 = arith.muli %arg1, %mul3A_106 : i32
    %add3A_108 = arith.addi %mul3A_105, %mul3A_107 : i32
    %add3A_109 = arith.constant 400 : i32
    %add3A_110 = arith.addi %add3A_108, %add3A_109 : i32
    "tpu.region"() ({
      %run_scoped3A_133 = tpu.sem_alloc : memref<!tpu.dma_semaphore, #tpu.memory_space<semaphore_mem>>
      %dma_start3A_134 = arith.constant 0 : i32
      %dma_start3A_135 = tpu.memref_slice %arg7[%add3A_110, %dma_start3A_134] : memref<20480x128xf32, #tpu.memory_space<hbm>> -> memref<80x128xf32, #tpu.memory_space<hbm>>
      %dma_start3A_136 = arith.constant 0 : i32
      %dma_start3A_137 = tpu.memref_slice %arg7[%add3A_110, %dma_start3A_136] : memref<20480x128xf32, #tpu.memory_space<hbm>> -> memref<80x128xf32, #tpu.memory_space<hbm>>
      tpu.enqueue_dma source(%arg11 : memref<80x128xf32, #tpu.memory_space<vmem>>) target(%dma_start3A_137 : memref<80x128xf32, #tpu.memory_space<hbm>>) target_semaphore(%run_scoped3A_133 : memref<!tpu.dma_semaphore, #tpu.memory_space<semaphore_mem>>)
      %dma_wait3A_138 = arith.constant 0 : i32
      %dma_wait3A_139 = tpu.memref_slice %arg7[%add3A_110, %dma_wait3A_138] : memref<20480x128xf32, #tpu.memory_space<hbm>> -> memref<80x128xf32, #tpu.memory_space<hbm>>
      %dma_wait3A_140 = arith.constant 0 : i32
      %dma_wait3A_141 = tpu.memref_slice %arg7[%add3A_110, %dma_wait3A_140] : memref<20480x128xf32, #tpu.memory_space<hbm>> -> memref<80x128xf32, #tpu.memory_space<hbm>>
      tpu.wait_dma2 semaphore(%run_scoped3A_133 : memref<!tpu.dma_semaphore, #tpu.memory_space<semaphore_mem>>) src(%arg11 : memref<80x128xf32, #tpu.memory_space<vmem>>) dst(%dma_wait3A_141 : memref<80x128xf32, #tpu.memory_space<hbm>>)
      tpu.yield
    }) : () -> ()
    %mul3A_111 = arith.constant 640 : i32
    %mul3A_112 = arith.muli %arg1, %mul3A_111 : i32
    %add3A_113 = arith.constant 480 : i32
    %add3A_114 = arith.addi %mul3A_112, %add3A_113 : i32
    "tpu.region"() ({
      %run_scoped3A_133 = tpu.sem_alloc : memref<!tpu.dma_semaphore, #tpu.memory_space<semaphore_mem>>
      %dma_start3A_134 = arith.constant 0 : i32
      %dma_start3A_135 = tpu.memref_slice %arg13[%add3A_114, %dma_start3A_134] : memref<10240x128xf32, #tpu.memory_space<vmem_shared>> -> memref<80x128xf32, #tpu.memory_space<vmem_shared>>
      %dma_start3A_136 = arith.constant 0 : i32
      %dma_start3A_137 = tpu.memref_slice %arg13[%add3A_114, %dma_start3A_136] : memref<10240x128xf32, #tpu.memory_space<vmem_shared>> -> memref<80x128xf32, #tpu.memory_space<vmem_shared>>
      tpu.enqueue_dma source(%dma_start3A_137 : memref<80x128xf32, #tpu.memory_space<vmem_shared>>) target(%arg11 : memref<80x128xf32, #tpu.memory_space<vmem>>) target_semaphore(%run_scoped3A_133 : memref<!tpu.dma_semaphore, #tpu.memory_space<semaphore_mem>>)
      %dma_wait3A_138 = arith.constant 0 : i32
      %dma_wait3A_139 = tpu.memref_slice %arg13[%add3A_114, %dma_wait3A_138] : memref<10240x128xf32, #tpu.memory_space<vmem_shared>> -> memref<80x128xf32, #tpu.memory_space<vmem_shared>>
      %dma_wait3A_140 = arith.constant 0 : i32
      %dma_wait3A_141 = tpu.memref_slice %arg13[%add3A_114, %dma_wait3A_140] : memref<10240x128xf32, #tpu.memory_space<vmem_shared>> -> memref<80x128xf32, #tpu.memory_space<vmem_shared>>
      tpu.wait_dma2 semaphore(%run_scoped3A_133 : memref<!tpu.dma_semaphore, #tpu.memory_space<semaphore_mem>>) src(%dma_wait3A_141 : memref<80x128xf32, #tpu.memory_space<vmem_shared>>) dst(%arg11 : memref<80x128xf32, #tpu.memory_space<vmem>>)
      tpu.yield
    }) : () -> ()
    %mul3A_115 = arith.constant 10240 : i32
    %mul3A_116 = arith.muli %arg0, %mul3A_115 : i32
    %mul3A_117 = arith.constant 640 : i32
    %mul3A_118 = arith.muli %arg1, %mul3A_117 : i32
    %add3A_119 = arith.addi %mul3A_116, %mul3A_118 : i32
    %add3A_120 = arith.constant 480 : i32
    %add3A_121 = arith.addi %add3A_119, %add3A_120 : i32
    "tpu.region"() ({
      %run_scoped3A_133 = tpu.sem_alloc : memref<!tpu.dma_semaphore, #tpu.memory_space<semaphore_mem>>
      %dma_start3A_134 = arith.constant 0 : i32
      %dma_start3A_135 = tpu.memref_slice %arg7[%add3A_121, %dma_start3A_134] : memref<20480x128xf32, #tpu.memory_space<hbm>> -> memref<80x128xf32, #tpu.memory_space<hbm>>
      %dma_start3A_136 = arith.constant 0 : i32
      %dma_start3A_137 = tpu.memref_slice %arg7[%add3A_121, %dma_start3A_136] : memref<20480x128xf32, #tpu.memory_space<hbm>> -> memref<80x128xf32, #tpu.memory_space<hbm>>
      tpu.enqueue_dma source(%arg11 : memref<80x128xf32, #tpu.memory_space<vmem>>) target(%dma_start3A_137 : memref<80x128xf32, #tpu.memory_space<hbm>>) target_semaphore(%run_scoped3A_133 : memref<!tpu.dma_semaphore, #tpu.memory_space<semaphore_mem>>)
      %dma_wait3A_138 = arith.constant 0 : i32
      %dma_wait3A_139 = tpu.memref_slice %arg7[%add3A_121, %dma_wait3A_138] : memref<20480x128xf32, #tpu.memory_space<hbm>> -> memref<80x128xf32, #tpu.memory_space<hbm>>
      %dma_wait3A_140 = arith.constant 0 : i32
      %dma_wait3A_141 = tpu.memref_slice %arg7[%add3A_121, %dma_wait3A_140] : memref<20480x128xf32, #tpu.memory_space<hbm>> -> memref<80x128xf32, #tpu.memory_space<hbm>>
      tpu.wait_dma2 semaphore(%run_scoped3A_133 : memref<!tpu.dma_semaphore, #tpu.memory_space<semaphore_mem>>) src(%arg11 : memref<80x128xf32, #tpu.memory_space<vmem>>) dst(%dma_wait3A_141 : memref<80x128xf32, #tpu.memory_space<hbm>>)
      tpu.yield
    }) : () -> ()
    %mul3A_122 = arith.constant 640 : i32
    %mul3A_123 = arith.muli %arg1, %mul3A_122 : i32
    %add3A_124 = arith.constant 560 : i32
    %add3A_125 = arith.addi %mul3A_123, %add3A_124 : i32
    "tpu.region"() ({
      %run_scoped3A_133 = tpu.sem_alloc : memref<!tpu.dma_semaphore, #tpu.memory_space<semaphore_mem>>
      %dma_start3A_134 = arith.constant 0 : i32
      %dma_start3A_135 = tpu.memref_slice %arg13[%add3A_125, %dma_start3A_134] : memref<10240x128xf32, #tpu.memory_space<vmem_shared>> -> memref<80x128xf32, #tpu.memory_space<vmem_shared>>
      %dma_start3A_136 = arith.constant 0 : i32
      %dma_start3A_137 = tpu.memref_slice %arg13[%add3A_125, %dma_start3A_136] : memref<10240x128xf32, #tpu.memory_space<vmem_shared>> -> memref<80x128xf32, #tpu.memory_space<vmem_shared>>
      tpu.enqueue_dma source(%dma_start3A_137 : memref<80x128xf32, #tpu.memory_space<vmem_shared>>) target(%arg11 : memref<80x128xf32, #tpu.memory_space<vmem>>) target_semaphore(%run_scoped3A_133 : memref<!tpu.dma_semaphore, #tpu.memory_space<semaphore_mem>>)
      %dma_wait3A_138 = arith.constant 0 : i32
      %dma_wait3A_139 = tpu.memref_slice %arg13[%add3A_125, %dma_wait3A_138] : memref<10240x128xf32, #tpu.memory_space<vmem_shared>> -> memref<80x128xf32, #tpu.memory_space<vmem_shared>>
      %dma_wait3A_140 = arith.constant 0 : i32
      %dma_wait3A_141 = tpu.memref_slice %arg13[%add3A_125, %dma_wait3A_140] : memref<10240x128xf32, #tpu.memory_space<vmem_shared>> -> memref<80x128xf32, #tpu.memory_space<vmem_shared>>
      tpu.wait_dma2 semaphore(%run_scoped3A_133 : memref<!tpu.dma_semaphore, #tpu.memory_space<semaphore_mem>>) src(%dma_wait3A_141 : memref<80x128xf32, #tpu.memory_space<vmem_shared>>) dst(%arg11 : memref<80x128xf32, #tpu.memory_space<vmem>>)
      tpu.yield
    }) : () -> ()
    %mul3A_126 = arith.constant 10240 : i32
    %mul3A_127 = arith.muli %arg0, %mul3A_126 : i32
    %mul3A_128 = arith.constant 640 : i32
    %mul3A_129 = arith.muli %arg1, %mul3A_128 : i32
    %add3A_130 = arith.addi %mul3A_127, %mul3A_129 : i32
    %add3A_131 = arith.constant 560 : i32
    %add3A_132 = arith.addi %add3A_130, %add3A_131 : i32
    "tpu.region"() ({
      %run_scoped3A_133 = tpu.sem_alloc : memref<!tpu.dma_semaphore, #tpu.memory_space<semaphore_mem>>
      %dma_start3A_134 = arith.constant 0 : i32
      %dma_start3A_135 = tpu.memref_slice %arg7[%add3A_132, %dma_start3A_134] : memref<20480x128xf32, #tpu.memory_space<hbm>> -> memref<80x128xf32, #tpu.memory_space<hbm>>
      %dma_start3A_136 = arith.constant 0 : i32
      %dma_start3A_137 = tpu.memref_slice %arg7[%add3A_132, %dma_start3A_136] : memref<20480x128xf32, #tpu.memory_space<hbm>> -> memref<80x128xf32, #tpu.memory_space<hbm>>
      tpu.enqueue_dma source(%arg11 : memref<80x128xf32, #tpu.memory_space<vmem>>) target(%dma_start3A_137 : memref<80x128xf32, #tpu.memory_space<hbm>>) target_semaphore(%run_scoped3A_133 : memref<!tpu.dma_semaphore, #tpu.memory_space<semaphore_mem>>)
      %dma_wait3A_138 = arith.constant 0 : i32
      %dma_wait3A_139 = tpu.memref_slice %arg7[%add3A_132, %dma_wait3A_138] : memref<20480x128xf32, #tpu.memory_space<hbm>> -> memref<80x128xf32, #tpu.memory_space<hbm>>
      %dma_wait3A_140 = arith.constant 0 : i32
      %dma_wait3A_141 = tpu.memref_slice %arg7[%add3A_132, %dma_wait3A_140] : memref<20480x128xf32, #tpu.memory_space<hbm>> -> memref<80x128xf32, #tpu.memory_space<hbm>>
      tpu.wait_dma2 semaphore(%run_scoped3A_133 : memref<!tpu.dma_semaphore, #tpu.memory_space<semaphore_mem>>) src(%arg11 : memref<80x128xf32, #tpu.memory_space<vmem>>) dst(%dma_wait3A_141 : memref<80x128xf32, #tpu.memory_space<hbm>>)
      tpu.yield
    }) : () -> ()
    return
  }
}

#map = affine_map<(d0, d1) -> (0, 0)>
#map1 = affine_map<(d0, d1) -> (0, 0, 0)>
module attributes {stable_mosaic.version = 14 : i64} {
  func.func @body(%arg0: i32, %arg1: i32, %arg2: memref<10240x128xf32, #tpu.memory_space<hbm>>, %arg3: memref<32x125x80xi32, #tpu.memory_space<hbm>>, %arg4: memref<32x125x80xi32, #tpu.memory_space<hbm>>, %arg5: memref<80x128xf32, #tpu.memory_space<hbm>>, %arg6: memref<80x128xf32, #tpu.memory_space<hbm>>, %arg7: memref<20480x128xf32, #tpu.memory_space<hbm>>, %arg8: memref<80xi32, #tpu.memory_space<vmem>>, %arg9: memref<80xi32, #tpu.memory_space<vmem>>, %arg10: memref<125x80xi32, #tpu.memory_space<vmem>>, %arg11: memref<80x128xf32, #tpu.memory_space<vmem>>, %arg12: memref<80x128xf32, #tpu.memory_space<vmem>>, %arg13: memref<10240x128xf32, #tpu.memory_space<vmem_shared>>, %arg14: memref<!tpu.dma_semaphore, #tpu.memory_space<semaphore_mem>>, %arg15: memref<!tpu.dma_semaphore, #tpu.memory_space<semaphore_mem>>) attributes {dimension_semantics = [#tpu.dimension_semantics<core_parallel>, #tpu.dimension_semantics<subcore_parallel>], iteration_bounds = array<i64: 2, 16>, scalar_prefetch = 0 : i64, scratch_operands = 8 : i64, tpu.core_type = #tpu.core_type<sc_vector_subcore>, window_params = [{transform_indices = #map}, {transform_indices = #map1}, {transform_indices = #map1}, {transform_indices = #map}, {transform_indices = #map}, {transform_indices = #map}]} {
    %mul3A = arith.constant 2 : i32
    %mul3A_0 = arith.muli %arg1, %mul3A : i32
    %add3A = arith.addi %mul3A_0, %arg0 : i32
    "tpu.region"() ({
      %run_scoped3A_133 = tpu.sem_alloc : memref<!tpu.dma_semaphore, #tpu.memory_space<semaphore_mem>>
      tpu.enqueue_dma source(%arg5 : memref<80x128xf32, #tpu.memory_space<hbm>>) target(%arg11 : memref<80x128xf32, #tpu.memory_space<vmem>>) target_semaphore(%run_scoped3A_133 : memref<!tpu.dma_semaphore, #tpu.memory_space<semaphore_mem>>)
      tpu.wait_dma2 semaphore(%run_scoped3A_133 : memref<!tpu.dma_semaphore, #tpu.memory_space<semaphore_mem>>) src(%arg5 : memref<80x128xf32, #tpu.memory_space<hbm>>) dst(%arg11 : memref<80x128xf32, #tpu.memory_space<vmem>>)
      tpu.yield
    }) : () -> ()
    %mul3A_1 = arith.constant 640 : i32
    %mul3A_2 = arith.muli %arg1, %mul3A_1 : i32
    %add3A_3 = arith.constant 0 : i32
    %add3A_4 = arith.addi %mul3A_2, %add3A_3 : i32
    "tpu.region"() ({
      %run_scoped3A_133 = tpu.sem_alloc : memref<!tpu.dma_semaphore, #tpu.memory_space<semaphore_mem>>
      %dma_start3A_134 = arith.constant 0 : i32
      %dma_start3A_135 = tpu.memref_slice %arg13[%add3A_4, %dma_start3A_134] : memref<10240x128xf32, #tpu.memory_space<vmem_shared>> -> memref<80x128xf32, #tpu.memory_space<vmem_shared>>
      %dma_start3A_136 = arith.constant 0 : i32
      %dma_start3A_137 = tpu.memref_slice %arg13[%add3A_4, %dma_start3A_136] : memref<10240x128xf32, #tpu.memory_space<vmem_shared>> -> memref<80x128xf32, #tpu.memory_space<vmem_shared>>
      tpu.enqueue_dma source(%arg11 : memref<80x128xf32, #tpu.memory_space<vmem>>) target(%dma_start3A_137 : memref<80x128xf32, #tpu.memory_space<vmem_shared>>) target_semaphore(%run_scoped3A_133 : memref<!tpu.dma_semaphore, #tpu.memory_space<semaphore_mem>>)
      %dma_wait3A_138 = arith.constant 0 : i32
      %dma_wait3A_139 = tpu.memref_slice %arg13[%add3A_4, %dma_wait3A_138] : memref<10240x128xf32, #tpu.memory_space<vmem_shared>> -> memref<80x128xf32, #tpu.memory_space<vmem_shared>>
      %dma_wait3A_140 = arith.constant 0 : i32
      %dma_wait3A_141 = tpu.memref_slice %arg13[%add3A_4, %dma_wait3A_140] : memref<10240x128xf32, #tpu.memory_space<vmem_shared>> -> memref<80x128xf32, #tpu.memory_space<vmem_shared>>
      tpu.wait_dma2 semaphore(%run_scoped3A_133 : memref<!tpu.dma_semaphore, #tpu.memory_space<semaphore_mem>>) src(%arg11 : memref<80x128xf32, #tpu.memory_space<vmem>>) dst(%dma_wait3A_141 : memref<80x128xf32, #tpu.memory_space<vmem_shared>>)
      tpu.yield
    }) : () -> ()
    %mul3A_5 = arith.constant 640 : i32
    %mul3A_6 = arith.muli %arg1, %mul3A_5 : i32
    %add3A_7 = arith.constant 80 : i32
    %add3A_8 = arith.addi %mul3A_6, %add3A_7 : i32
    "tpu.region"() ({
      %run_scoped3A_133 = tpu.sem_alloc : memref<!tpu.dma_semaphore, #tpu.memory_space<semaphore_mem>>
      %dma_start3A_134 = arith.constant 0 : i32
      %dma_start3A_135 = tpu.memref_slice %arg13[%add3A_8, %dma_start3A_134] : memref<10240x128xf32, #tpu.memory_space<vmem_shared>> -> memref<80x128xf32, #tpu.memory_space<vmem_shared>>
      %dma_start3A_136 = arith.constant 0 : i32
      %dma_start3A_137 = tpu.memref_slice %arg13[%add3A_8, %dma_start3A_136] : memref<10240x128xf32, #tpu.memory_space<vmem_shared>> -> memref<80x128xf32, #tpu.memory_space<vmem_shared>>
      tpu.enqueue_dma source(%arg11 : memref<80x128xf32, #tpu.memory_space<vmem>>) target(%dma_start3A_137 : memref<80x128xf32, #tpu.memory_space<vmem_shared>>) target_semaphore(%run_scoped3A_133 : memref<!tpu.dma_semaphore, #tpu.memory_space<semaphore_mem>>)
      %dma_wait3A_138 = arith.constant 0 : i32
      %dma_wait3A_139 = tpu.memref_slice %arg13[%add3A_8, %dma_wait3A_138] : memref<10240x128xf32, #tpu.memory_space<vmem_shared>> -> memref<80x128xf32, #tpu.memory_space<vmem_shared>>
      %dma_wait3A_140 = arith.constant 0 : i32
      %dma_wait3A_141 = tpu.memref_slice %arg13[%add3A_8, %dma_wait3A_140] : memref<10240x128xf32, #tpu.memory_space<vmem_shared>> -> memref<80x128xf32, #tpu.memory_space<vmem_shared>>
      tpu.wait_dma2 semaphore(%run_scoped3A_133 : memref<!tpu.dma_semaphore, #tpu.memory_space<semaphore_mem>>) src(%arg11 : memref<80x128xf32, #tpu.memory_space<vmem>>) dst(%dma_wait3A_141 : memref<80x128xf32, #tpu.memory_space<vmem_shared>>)
      tpu.yield
    }) : () -> ()
    %mul3A_9 = arith.constant 640 : i32
    %mul3A_10 = arith.muli %arg1, %mul3A_9 : i32
    %add3A_11 = arith.constant 160 : i32
    %add3A_12 = arith.addi %mul3A_10, %add3A_11 : i32
    "tpu.region"() ({
      %run_scoped3A_133 = tpu.sem_alloc : memref<!tpu.dma_semaphore, #tpu.memory_space<semaphore_mem>>
      %dma_start3A_134 = arith.constant 0 : i32
      %dma_start3A_135 = tpu.memref_slice %arg13[%add3A_12, %dma_start3A_134] : memref<10240x128xf32, #tpu.memory_space<vmem_shared>> -> memref<80x128xf32, #tpu.memory_space<vmem_shared>>
      %dma_start3A_136 = arith.constant 0 : i32
      %dma_start3A_137 = tpu.memref_slice %arg13[%add3A_12, %dma_start3A_136] : memref<10240x128xf32, #tpu.memory_space<vmem_shared>> -> memref<80x128xf32, #tpu.memory_space<vmem_shared>>
      tpu.enqueue_dma source(%arg11 : memref<80x128xf32, #tpu.memory_space<vmem>>) target(%dma_start3A_137 : memref<80x128xf32, #tpu.memory_space<vmem_shared>>) target_semaphore(%run_scoped3A_133 : memref<!tpu.dma_semaphore, #tpu.memory_space<semaphore_mem>>)
      %dma_wait3A_138 = arith.constant 0 : i32
      %dma_wait3A_139 = tpu.memref_slice %arg13[%add3A_12, %dma_wait3A_138] : memref<10240x128xf32, #tpu.memory_space<vmem_shared>> -> memref<80x128xf32, #tpu.memory_space<vmem_shared>>
      %dma_wait3A_140 = arith.constant 0 : i32
      %dma_wait3A_141 = tpu.memref_slice %arg13[%add3A_12, %dma_wait3A_140] : memref<10240x128xf32, #tpu.memory_space<vmem_shared>> -> memref<80x128xf32, #tpu.memory_space<vmem_shared>>
      tpu.wait_dma2 semaphore(%run_scoped3A_133 : memref<!tpu.dma_semaphore, #tpu.memory_space<semaphore_mem>>) src(%arg11 : memref<80x128xf32, #tpu.memory_space<vmem>>) dst(%dma_wait3A_141 : memref<80x128xf32, #tpu.memory_space<vmem_shared>>)
      tpu.yield
    }) : () -> ()
    %mul3A_13 = arith.constant 640 : i32
    %mul3A_14 = arith.muli %arg1, %mul3A_13 : i32
    %add3A_15 = arith.constant 240 : i32
    %add3A_16 = arith.addi %mul3A_14, %add3A_15 : i32
    "tpu.region"() ({
      %run_scoped3A_133 = tpu.sem_alloc : memref<!tpu.dma_semaphore, #tpu.memory_space<semaphore_mem>>
      %dma_start3A_134 = arith.constant 0 : i32
      %dma_start3A_135 = tpu.memref_slice %arg13[%add3A_16, %dma_start3A_134] : memref<10240x128xf32, #tpu.memory_space<vmem_shared>> -> memref<80x128xf32, #tpu.memory_space<vmem_shared>>
      %dma_start3A_136 = arith.constant 0 : i32
      %dma_start3A_137 = tpu.memref_slice %arg13[%add3A_16, %dma_start3A_136] : memref<10240x128xf32, #tpu.memory_space<vmem_shared>> -> memref<80x128xf32, #tpu.memory_space<vmem_shared>>
      tpu.enqueue_dma source(%arg11 : memref<80x128xf32, #tpu.memory_space<vmem>>) target(%dma_start3A_137 : memref<80x128xf32, #tpu.memory_space<vmem_shared>>) target_semaphore(%run_scoped3A_133 : memref<!tpu.dma_semaphore, #tpu.memory_space<semaphore_mem>>)
      %dma_wait3A_138 = arith.constant 0 : i32
      %dma_wait3A_139 = tpu.memref_slice %arg13[%add3A_16, %dma_wait3A_138] : memref<10240x128xf32, #tpu.memory_space<vmem_shared>> -> memref<80x128xf32, #tpu.memory_space<vmem_shared>>
      %dma_wait3A_140 = arith.constant 0 : i32
      %dma_wait3A_141 = tpu.memref_slice %arg13[%add3A_16, %dma_wait3A_140] : memref<10240x128xf32, #tpu.memory_space<vmem_shared>> -> memref<80x128xf32, #tpu.memory_space<vmem_shared>>
      tpu.wait_dma2 semaphore(%run_scoped3A_133 : memref<!tpu.dma_semaphore, #tpu.memory_space<semaphore_mem>>) src(%arg11 : memref<80x128xf32, #tpu.memory_space<vmem>>) dst(%dma_wait3A_141 : memref<80x128xf32, #tpu.memory_space<vmem_shared>>)
      tpu.yield
    }) : () -> ()
    %mul3A_17 = arith.constant 640 : i32
    %mul3A_18 = arith.muli %arg1, %mul3A_17 : i32
    %add3A_19 = arith.constant 320 : i32
    %add3A_20 = arith.addi %mul3A_18, %add3A_19 : i32
    "tpu.region"() ({
      %run_scoped3A_133 = tpu.sem_alloc : memref<!tpu.dma_semaphore, #tpu.memory_space<semaphore_mem>>
      %dma_start3A_134 = arith.constant 0 : i32
      %dma_start3A_135 = tpu.memref_slice %arg13[%add3A_20, %dma_start3A_134] : memref<10240x128xf32, #tpu.memory_space<vmem_shared>> -> memref<80x128xf32, #tpu.memory_space<vmem_shared>>
      %dma_start3A_136 = arith.constant 0 : i32
      %dma_start3A_137 = tpu.memref_slice %arg13[%add3A_20, %dma_start3A_136] : memref<10240x128xf32, #tpu.memory_space<vmem_shared>> -> memref<80x128xf32, #tpu.memory_space<vmem_shared>>
      tpu.enqueue_dma source(%arg11 : memref<80x128xf32, #tpu.memory_space<vmem>>) target(%dma_start3A_137 : memref<80x128xf32, #tpu.memory_space<vmem_shared>>) target_semaphore(%run_scoped3A_133 : memref<!tpu.dma_semaphore, #tpu.memory_space<semaphore_mem>>)
      %dma_wait3A_138 = arith.constant 0 : i32
      %dma_wait3A_139 = tpu.memref_slice %arg13[%add3A_20, %dma_wait3A_138] : memref<10240x128xf32, #tpu.memory_space<vmem_shared>> -> memref<80x128xf32, #tpu.memory_space<vmem_shared>>
      %dma_wait3A_140 = arith.constant 0 : i32
      %dma_wait3A_141 = tpu.memref_slice %arg13[%add3A_20, %dma_wait3A_140] : memref<10240x128xf32, #tpu.memory_space<vmem_shared>> -> memref<80x128xf32, #tpu.memory_space<vmem_shared>>
      tpu.wait_dma2 semaphore(%run_scoped3A_133 : memref<!tpu.dma_semaphore, #tpu.memory_space<semaphore_mem>>) src(%arg11 : memref<80x128xf32, #tpu.memory_space<vmem>>) dst(%dma_wait3A_141 : memref<80x128xf32, #tpu.memory_space<vmem_shared>>)
      tpu.yield
    }) : () -> ()
    %mul3A_21 = arith.constant 640 : i32
    %mul3A_22 = arith.muli %arg1, %mul3A_21 : i32
    %add3A_23 = arith.constant 400 : i32
    %add3A_24 = arith.addi %mul3A_22, %add3A_23 : i32
    "tpu.region"() ({
      %run_scoped3A_133 = tpu.sem_alloc : memref<!tpu.dma_semaphore, #tpu.memory_space<semaphore_mem>>
      %dma_start3A_134 = arith.constant 0 : i32
      %dma_start3A_135 = tpu.memref_slice %arg13[%add3A_24, %dma_start3A_134] : memref<10240x128xf32, #tpu.memory_space<vmem_shared>> -> memref<80x128xf32, #tpu.memory_space<vmem_shared>>
      %dma_start3A_136 = arith.constant 0 : i32
      %dma_start3A_137 = tpu.memref_slice %arg13[%add3A_24, %dma_start3A_136] : memref<10240x128xf32, #tpu.memory_space<vmem_shared>> -> memref<80x128xf32, #tpu.memory_space<vmem_shared>>
      tpu.enqueue_dma source(%arg11 : memref<80x128xf32, #tpu.memory_space<vmem>>) target(%dma_start3A_137 : memref<80x128xf32, #tpu.memory_space<vmem_shared>>) target_semaphore(%run_scoped3A_133 : memref<!tpu.dma_semaphore, #tpu.memory_space<semaphore_mem>>)
      %dma_wait3A_138 = arith.constant 0 : i32
      %dma_wait3A_139 = tpu.memref_slice %arg13[%add3A_24, %dma_wait3A_138] : memref<10240x128xf32, #tpu.memory_space<vmem_shared>> -> memref<80x128xf32, #tpu.memory_space<vmem_shared>>
      %dma_wait3A_140 = arith.constant 0 : i32
      %dma_wait3A_141 = tpu.memref_slice %arg13[%add3A_24, %dma_wait3A_140] : memref<10240x128xf32, #tpu.memory_space<vmem_shared>> -> memref<80x128xf32, #tpu.memory_space<vmem_shared>>
      tpu.wait_dma2 semaphore(%run_scoped3A_133 : memref<!tpu.dma_semaphore, #tpu.memory_space<semaphore_mem>>) src(%arg11 : memref<80x128xf32, #tpu.memory_space<vmem>>) dst(%dma_wait3A_141 : memref<80x128xf32, #tpu.memory_space<vmem_shared>>)
      tpu.yield
    }) : () -> ()
    %mul3A_25 = arith.constant 640 : i32
    %mul3A_26 = arith.muli %arg1, %mul3A_25 : i32
    %add3A_27 = arith.constant 480 : i32
    %add3A_28 = arith.addi %mul3A_26, %add3A_27 : i32
    "tpu.region"() ({
      %run_scoped3A_133 = tpu.sem_alloc : memref<!tpu.dma_semaphore, #tpu.memory_space<semaphore_mem>>
      %dma_start3A_134 = arith.constant 0 : i32
      %dma_start3A_135 = tpu.memref_slice %arg13[%add3A_28, %dma_start3A_134] : memref<10240x128xf32, #tpu.memory_space<vmem_shared>> -> memref<80x128xf32, #tpu.memory_space<vmem_shared>>
      %dma_start3A_136 = arith.constant 0 : i32
      %dma_start3A_137 = tpu.memref_slice %arg13[%add3A_28, %dma_start3A_136] : memref<10240x128xf32, #tpu.memory_space<vmem_shared>> -> memref<80x128xf32, #tpu.memory_space<vmem_shared>>
      tpu.enqueue_dma source(%arg11 : memref<80x128xf32, #tpu.memory_space<vmem>>) target(%dma_start3A_137 : memref<80x128xf32, #tpu.memory_space<vmem_shared>>) target_semaphore(%run_scoped3A_133 : memref<!tpu.dma_semaphore, #tpu.memory_space<semaphore_mem>>)
      %dma_wait3A_138 = arith.constant 0 : i32
      %dma_wait3A_139 = tpu.memref_slice %arg13[%add3A_28, %dma_wait3A_138] : memref<10240x128xf32, #tpu.memory_space<vmem_shared>> -> memref<80x128xf32, #tpu.memory_space<vmem_shared>>
      %dma_wait3A_140 = arith.constant 0 : i32
      %dma_wait3A_141 = tpu.memref_slice %arg13[%add3A_28, %dma_wait3A_140] : memref<10240x128xf32, #tpu.memory_space<vmem_shared>> -> memref<80x128xf32, #tpu.memory_space<vmem_shared>>
      tpu.wait_dma2 semaphore(%run_scoped3A_133 : memref<!tpu.dma_semaphore, #tpu.memory_space<semaphore_mem>>) src(%arg11 : memref<80x128xf32, #tpu.memory_space<vmem>>) dst(%dma_wait3A_141 : memref<80x128xf32, #tpu.memory_space<vmem_shared>>)
      tpu.yield
    }) : () -> ()
    %mul3A_29 = arith.constant 640 : i32
    %mul3A_30 = arith.muli %arg1, %mul3A_29 : i32
    %add3A_31 = arith.constant 560 : i32
    %add3A_32 = arith.addi %mul3A_30, %add3A_31 : i32
    "tpu.region"() ({
      %run_scoped3A_133 = tpu.sem_alloc : memref<!tpu.dma_semaphore, #tpu.memory_space<semaphore_mem>>
      %dma_start3A_134 = arith.constant 0 : i32
      %dma_start3A_135 = tpu.memref_slice %arg13[%add3A_32, %dma_start3A_134] : memref<10240x128xf32, #tpu.memory_space<vmem_shared>> -> memref<80x128xf32, #tpu.memory_space<vmem_shared>>
      %dma_start3A_136 = arith.constant 0 : i32
      %dma_start3A_137 = tpu.memref_slice %arg13[%add3A_32, %dma_start3A_136] : memref<10240x128xf32, #tpu.memory_space<vmem_shared>> -> memref<80x128xf32, #tpu.memory_space<vmem_shared>>
      tpu.enqueue_dma source(%arg11 : memref<80x128xf32, #tpu.memory_space<vmem>>) target(%dma_start3A_137 : memref<80x128xf32, #tpu.memory_space<vmem_shared>>) target_semaphore(%run_scoped3A_133 : memref<!tpu.dma_semaphore, #tpu.memory_space<semaphore_mem>>)
      %dma_wait3A_138 = arith.constant 0 : i32
      %dma_wait3A_139 = tpu.memref_slice %arg13[%add3A_32, %dma_wait3A_138] : memref<10240x128xf32, #tpu.memory_space<vmem_shared>> -> memref<80x128xf32, #tpu.memory_space<vmem_shared>>
      %dma_wait3A_140 = arith.constant 0 : i32
      %dma_wait3A_141 = tpu.memref_slice %arg13[%add3A_32, %dma_wait3A_140] : memref<10240x128xf32, #tpu.memory_space<vmem_shared>> -> memref<80x128xf32, #tpu.memory_space<vmem_shared>>
      tpu.wait_dma2 semaphore(%run_scoped3A_133 : memref<!tpu.dma_semaphore, #tpu.memory_space<semaphore_mem>>) src(%arg11 : memref<80x128xf32, #tpu.memory_space<vmem>>) dst(%dma_wait3A_141 : memref<80x128xf32, #tpu.memory_space<vmem_shared>>)
      tpu.yield
    }) : () -> ()
    "tpu.region"() ({
      %run_scoped3A_133 = tpu.sem_alloc : memref<!tpu.dma_semaphore, #tpu.memory_space<semaphore_mem>>
      %dma_start3A_134 = arith.constant 0 : i32
      %dma_start3A_135 = arith.constant 0 : i32
      %dma_start3A_136 = tpu.memref_slice %arg4[%add3A, %dma_start3A_134, %dma_start3A_135] : memref<32x125x80xi32, #tpu.memory_space<hbm>> -> memref<1x125x80xi32, #tpu.memory_space<hbm>>
      %dma_start3A_137 = tpu.memref_squeeze %dma_start3A_136 : memref<1x125x80xi32, #tpu.memory_space<hbm>> -> memref<125x80xi32, #tpu.memory_space<hbm>>
      %dma_start3A_138 = arith.constant 0 : i32
      %dma_start3A_139 = arith.constant 0 : i32
      %dma_start3A_140 = tpu.memref_slice %arg4[%add3A, %dma_start3A_138, %dma_start3A_139] : memref<32x125x80xi32, #tpu.memory_space<hbm>> -> memref<1x125x80xi32, #tpu.memory_space<hbm>>
      %dma_start3A_141 = tpu.memref_squeeze %dma_start3A_140 : memref<1x125x80xi32, #tpu.memory_space<hbm>> -> memref<125x80xi32, #tpu.memory_space<hbm>>
      tpu.enqueue_dma source(%dma_start3A_141 : memref<125x80xi32, #tpu.memory_space<hbm>>) target(%arg10 : memref<125x80xi32, #tpu.memory_space<vmem>>) target_semaphore(%run_scoped3A_133 : memref<!tpu.dma_semaphore, #tpu.memory_space<semaphore_mem>>)
      %dma_wait3A_142 = arith.constant 0 : i32
      %dma_wait3A_143 = arith.constant 0 : i32
      %dma_wait3A_144 = tpu.memref_slice %arg4[%add3A, %dma_wait3A_142, %dma_wait3A_143] : memref<32x125x80xi32, #tpu.memory_space<hbm>> -> memref<1x125x80xi32, #tpu.memory_space<hbm>>
      %dma_wait3A_145 = tpu.memref_squeeze %dma_wait3A_144 : memref<1x125x80xi32, #tpu.memory_space<hbm>> -> memref<125x80xi32, #tpu.memory_space<hbm>>
      %dma_wait3A_146 = arith.constant 0 : i32
      %dma_wait3A_147 = arith.constant 0 : i32
      %dma_wait3A_148 = tpu.memref_slice %arg4[%add3A, %dma_wait3A_146, %dma_wait3A_147] : memref<32x125x80xi32, #tpu.memory_space<hbm>> -> memref<1x125x80xi32, #tpu.memory_space<hbm>>
      %dma_wait3A_149 = tpu.memref_squeeze %dma_wait3A_148 : memref<1x125x80xi32, #tpu.memory_space<hbm>> -> memref<125x80xi32, #tpu.memory_space<hbm>>
      tpu.wait_dma2 semaphore(%run_scoped3A_133 : memref<!tpu.dma_semaphore, #tpu.memory_space<semaphore_mem>>) src(%dma_wait3A_149 : memref<125x80xi32, #tpu.memory_space<hbm>>) dst(%arg10 : memref<125x80xi32, #tpu.memory_space<vmem>>)
      tpu.yield
    }) : () -> ()
    %barrier3A = arith.constant 0 : index
    tpu.barrier barrier_id(%barrier3A)
    %run_scoped3A = arith.constant 0 : i32
    "tpu.region"() ({
      %run_scoped3A_133 = tpu.sem_alloc : memref<!tpu.dma_semaphore, #tpu.memory_space<semaphore_mem>>
      %dma_start3A_134 = arith.constant 0 : i32
      %dma_start3A_135 = tpu.memref_slice %arg3[%add3A, %run_scoped3A, %dma_start3A_134] : memref<32x125x80xi32, #tpu.memory_space<hbm>> -> memref<1x1x80xi32, #tpu.memory_space<hbm>>
      %dma_start3A_136 = tpu.memref_squeeze %dma_start3A_135 : memref<1x1x80xi32, #tpu.memory_space<hbm>> -> memref<80xi32, #tpu.memory_space<hbm>>
      %dma_start3A_137 = arith.constant 0 : i32
      %dma_start3A_138 = tpu.memref_slice %arg3[%add3A, %run_scoped3A, %dma_start3A_137] : memref<32x125x80xi32, #tpu.memory_space<hbm>> -> memref<1x1x80xi32, #tpu.memory_space<hbm>>
      %dma_start3A_139 = tpu.memref_squeeze %dma_start3A_138 : memref<1x1x80xi32, #tpu.memory_space<hbm>> -> memref<80xi32, #tpu.memory_space<hbm>>
      tpu.enqueue_dma source(%dma_start3A_139 : memref<80xi32, #tpu.memory_space<hbm>>) target(%arg8 : memref<80xi32, #tpu.memory_space<vmem>>) target_semaphore(%run_scoped3A_133 : memref<!tpu.dma_semaphore, #tpu.memory_space<semaphore_mem>>)
      %dma_wait3A_140 = arith.constant 0 : i32
      %dma_wait3A_141 = tpu.memref_slice %arg3[%add3A, %run_scoped3A, %dma_wait3A_140] : memref<32x125x80xi32, #tpu.memory_space<hbm>> -> memref<1x1x80xi32, #tpu.memory_space<hbm>>
      %dma_wait3A_142 = tpu.memref_squeeze %dma_wait3A_141 : memref<1x1x80xi32, #tpu.memory_space<hbm>> -> memref<80xi32, #tpu.memory_space<hbm>>
      %dma_wait3A_143 = arith.constant 0 : i32
      %dma_wait3A_144 = tpu.memref_slice %arg3[%add3A, %run_scoped3A, %dma_wait3A_143] : memref<32x125x80xi32, #tpu.memory_space<hbm>> -> memref<1x1x80xi32, #tpu.memory_space<hbm>>
      %dma_wait3A_145 = tpu.memref_squeeze %dma_wait3A_144 : memref<1x1x80xi32, #tpu.memory_space<hbm>> -> memref<80xi32, #tpu.memory_space<hbm>>
      tpu.wait_dma2 semaphore(%run_scoped3A_133 : memref<!tpu.dma_semaphore, #tpu.memory_space<semaphore_mem>>) src(%dma_wait3A_145 : memref<80xi32, #tpu.memory_space<hbm>>) dst(%arg8 : memref<80xi32, #tpu.memory_space<vmem>>)
      tpu.yield
    }) : () -> ()
    %dma_start3A = arith.constant 0 : i32
    %dma_start3A_33 = arith.constant 0 : i32
    %dma_start3A_34 = tpu.memref_slice %arg2[%dma_start3A, %dma_start3A_33] : memref<10240x128xf32, #tpu.memory_space<hbm>> -> memref<10240x128xf32, #tpu.memory_space<hbm>>
    tpu.enqueue_indirect_dma source(%dma_start3A_34 : memref<10240x128xf32, #tpu.memory_space<hbm>>) target(%arg11 : memref<80x128xf32, #tpu.memory_space<vmem>>) offsets(%arg8 : memref<80xi32, #tpu.memory_space<vmem>>) semaphore(%arg14 : memref<!tpu.dma_semaphore, #tpu.memory_space<semaphore_mem>>)
    %scan3A = arith.constant 0 : i32
    %scan3A_35 = arith.constant 0 : i32
    %scan3A_36 = arith.constant 62 : i32
    %scan3A_37 = arith.addi %scan3A_35, %scan3A_36 : i32
    %scan3A_38 = arith.constant 1 : i32
    %scan3A_39 = scf.for %scan3A_133 = %scan3A_35 to %scan3A_37 step %scan3A_38 iter_args(%scan3A_134 = %scan3A) -> (i32)  : i32 {
      %mul3A_135 = arith.constant 2 : i32
      %mul3A_136 = arith.muli %mul3A_135, %scan3A_133 : i32
      %add3A_137 = arith.constant 1 : i32
      %add3A_138 = arith.addi %mul3A_136, %add3A_137 : i32
      "tpu.region"() ({
        %run_scoped3A_156 = tpu.sem_alloc : memref<!tpu.dma_semaphore, #tpu.memory_space<semaphore_mem>>
        %dma_start3A_157 = arith.constant 0 : i32
        %dma_start3A_158 = tpu.memref_slice %arg3[%add3A, %add3A_138, %dma_start3A_157] : memref<32x125x80xi32, #tpu.memory_space<hbm>> -> memref<1x1x80xi32, #tpu.memory_space<hbm>>
        %dma_start3A_159 = tpu.memref_squeeze %dma_start3A_158 : memref<1x1x80xi32, #tpu.memory_space<hbm>> -> memref<80xi32, #tpu.memory_space<hbm>>
        %dma_start3A_160 = arith.constant 0 : i32
        %dma_start3A_161 = tpu.memref_slice %arg3[%add3A, %add3A_138, %dma_start3A_160] : memref<32x125x80xi32, #tpu.memory_space<hbm>> -> memref<1x1x80xi32, #tpu.memory_space<hbm>>
        %dma_start3A_162 = tpu.memref_squeeze %dma_start3A_161 : memref<1x1x80xi32, #tpu.memory_space<hbm>> -> memref<80xi32, #tpu.memory_space<hbm>>
        tpu.enqueue_dma source(%dma_start3A_162 : memref<80xi32, #tpu.memory_space<hbm>>) target(%arg9 : memref<80xi32, #tpu.memory_space<vmem>>) target_semaphore(%run_scoped3A_156 : memref<!tpu.dma_semaphore, #tpu.memory_space<semaphore_mem>>)
        %dma_wait3A_163 = arith.constant 0 : i32
        %dma_wait3A_164 = tpu.memref_slice %arg3[%add3A, %add3A_138, %dma_wait3A_163] : memref<32x125x80xi32, #tpu.memory_space<hbm>> -> memref<1x1x80xi32, #tpu.memory_space<hbm>>
        %dma_wait3A_165 = tpu.memref_squeeze %dma_wait3A_164 : memref<1x1x80xi32, #tpu.memory_space<hbm>> -> memref<80xi32, #tpu.memory_space<hbm>>
        %dma_wait3A_166 = arith.constant 0 : i32
        %dma_wait3A_167 = tpu.memref_slice %arg3[%add3A, %add3A_138, %dma_wait3A_166] : memref<32x125x80xi32, #tpu.memory_space<hbm>> -> memref<1x1x80xi32, #tpu.memory_space<hbm>>
        %dma_wait3A_168 = tpu.memref_squeeze %dma_wait3A_167 : memref<1x1x80xi32, #tpu.memory_space<hbm>> -> memref<80xi32, #tpu.memory_space<hbm>>
        tpu.wait_dma2 semaphore(%run_scoped3A_156 : memref<!tpu.dma_semaphore, #tpu.memory_space<semaphore_mem>>) src(%dma_wait3A_168 : memref<80xi32, #tpu.memory_space<hbm>>) dst(%arg9 : memref<80xi32, #tpu.memory_space<vmem>>)
        tpu.yield
      }) : () -> ()
      %dma_start3A_139 = arith.constant 0 : i32
      %dma_start3A_140 = arith.constant 0 : i32
      %dma_start3A_141 = tpu.memref_slice %arg2[%dma_start3A_139, %dma_start3A_140] : memref<10240x128xf32, #tpu.memory_space<hbm>> -> memref<10240x128xf32, #tpu.memory_space<hbm>>
      tpu.enqueue_indirect_dma source(%dma_start3A_141 : memref<10240x128xf32, #tpu.memory_space<hbm>>) target(%arg12 : memref<80x128xf32, #tpu.memory_space<vmem>>) offsets(%arg9 : memref<80xi32, #tpu.memory_space<vmem>>) semaphore(%arg15 : memref<!tpu.dma_semaphore, #tpu.memory_space<semaphore_mem>>)
      %dma_wait3A_142 = arith.constant 0 : i32
      %dma_wait3A_143 = arith.constant 0 : i32
      %dma_wait3A_144 = tpu.memref_slice %arg2[%dma_wait3A_142, %dma_wait3A_143] : memref<10240x128xf32, #tpu.memory_space<hbm>> -> memref<10240x128xf32, #tpu.memory_space<hbm>>
      tpu.wait_indirect_dma semaphore(%arg14 : memref<!tpu.dma_semaphore, #tpu.memory_space<semaphore_mem>>) src(%dma_wait3A_144 : memref<10240x128xf32, #tpu.memory_space<hbm>>) dst(%arg11 : memref<80x128xf32, #tpu.memory_space<vmem>>)
      "tpu.region"() ({
        %run_scoped3A_156 = tpu.sem_alloc : memref<!tpu.dma_semaphore, #tpu.memory_space<semaphore_mem>>
        %dma_start3A_157 = arith.constant 0 : i32
        %dma_start3A_158 = tpu.memref_slice %arg10[%mul3A_136, %dma_start3A_157] : memref<125x80xi32, #tpu.memory_space<vmem>> -> memref<1x80xi32, #tpu.memory_space<vmem>>
        %dma_start3A_159 = tpu.memref_squeeze %dma_start3A_158 : memref<1x80xi32, #tpu.memory_space<vmem>> -> memref<80xi32, #tpu.memory_space<vmem>>
        %dma_start3A_160 = arith.constant 0 : i32
        %dma_start3A_161 = arith.constant 0 : i32
        %dma_start3A_162 = tpu.memref_slice %arg13[%dma_start3A_160, %dma_start3A_161] : memref<10240x128xf32, #tpu.memory_space<vmem_shared>> -> memref<10240x128xf32, #tpu.memory_space<vmem_shared>>
        tpu.enqueue_indirect_dma source(%arg11 : memref<80x128xf32, #tpu.memory_space<vmem>>) target(%dma_start3A_162 : memref<10240x128xf32, #tpu.memory_space<vmem_shared>>) offsets(%dma_start3A_159 : memref<80xi32, #tpu.memory_space<vmem>>) semaphore(%run_scoped3A_156 : memref<!tpu.dma_semaphore, #tpu.memory_space<semaphore_mem>>) {add = true}
        %dma_wait3A_163 = arith.constant 0 : i32
        %dma_wait3A_164 = tpu.memref_slice %arg10[%mul3A_136, %dma_wait3A_163] : memref<125x80xi32, #tpu.memory_space<vmem>> -> memref<1x80xi32, #tpu.memory_space<vmem>>
        %dma_wait3A_165 = tpu.memref_squeeze %dma_wait3A_164 : memref<1x80xi32, #tpu.memory_space<vmem>> -> memref<80xi32, #tpu.memory_space<vmem>>
        %dma_wait3A_166 = arith.constant 0 : i32
        %dma_wait3A_167 = arith.constant 0 : i32
        %dma_wait3A_168 = tpu.memref_slice %arg13[%dma_wait3A_166, %dma_wait3A_167] : memref<10240x128xf32, #tpu.memory_space<vmem_shared>> -> memref<10240x128xf32, #tpu.memory_space<vmem_shared>>
        tpu.wait_indirect_dma semaphore(%run_scoped3A_156 : memref<!tpu.dma_semaphore, #tpu.memory_space<semaphore_mem>>) src(%arg11 : memref<80x128xf32, #tpu.memory_space<vmem>>) dst(%dma_wait3A_168 : memref<10240x128xf32, #tpu.memory_space<vmem_shared>>)
        tpu.yield
      }) : () -> ()
      %add3A_145 = arith.constant 2 : i32
      %add3A_146 = arith.addi %mul3A_136, %add3A_145 : i32
      "tpu.region"() ({
        %run_scoped3A_156 = tpu.sem_alloc : memref<!tpu.dma_semaphore, #tpu.memory_space<semaphore_mem>>
        %dma_start3A_157 = arith.constant 0 : i32
        %dma_start3A_158 = tpu.memref_slice %arg3[%add3A, %add3A_146, %dma_start3A_157] : memref<32x125x80xi32, #tpu.memory_space<hbm>> -> memref<1x1x80xi32, #tpu.memory_space<hbm>>
        %dma_start3A_159 = tpu.memref_squeeze %dma_start3A_158 : memref<1x1x80xi32, #tpu.memory_space<hbm>> -> memref<80xi32, #tpu.memory_space<hbm>>
        %dma_start3A_160 = arith.constant 0 : i32
        %dma_start3A_161 = tpu.memref_slice %arg3[%add3A, %add3A_146, %dma_start3A_160] : memref<32x125x80xi32, #tpu.memory_space<hbm>> -> memref<1x1x80xi32, #tpu.memory_space<hbm>>
        %dma_start3A_162 = tpu.memref_squeeze %dma_start3A_161 : memref<1x1x80xi32, #tpu.memory_space<hbm>> -> memref<80xi32, #tpu.memory_space<hbm>>
        tpu.enqueue_dma source(%dma_start3A_162 : memref<80xi32, #tpu.memory_space<hbm>>) target(%arg8 : memref<80xi32, #tpu.memory_space<vmem>>) target_semaphore(%run_scoped3A_156 : memref<!tpu.dma_semaphore, #tpu.memory_space<semaphore_mem>>)
        %dma_wait3A_163 = arith.constant 0 : i32
        %dma_wait3A_164 = tpu.memref_slice %arg3[%add3A, %add3A_146, %dma_wait3A_163] : memref<32x125x80xi32, #tpu.memory_space<hbm>> -> memref<1x1x80xi32, #tpu.memory_space<hbm>>
        %dma_wait3A_165 = tpu.memref_squeeze %dma_wait3A_164 : memref<1x1x80xi32, #tpu.memory_space<hbm>> -> memref<80xi32, #tpu.memory_space<hbm>>
        %dma_wait3A_166 = arith.constant 0 : i32
        %dma_wait3A_167 = tpu.memref_slice %arg3[%add3A, %add3A_146, %dma_wait3A_166] : memref<32x125x80xi32, #tpu.memory_space<hbm>> -> memref<1x1x80xi32, #tpu.memory_space<hbm>>
        %dma_wait3A_168 = tpu.memref_squeeze %dma_wait3A_167 : memref<1x1x80xi32, #tpu.memory_space<hbm>> -> memref<80xi32, #tpu.memory_space<hbm>>
        tpu.wait_dma2 semaphore(%run_scoped3A_156 : memref<!tpu.dma_semaphore, #tpu.memory_space<semaphore_mem>>) src(%dma_wait3A_168 : memref<80xi32, #tpu.memory_space<hbm>>) dst(%arg8 : memref<80xi32, #tpu.memory_space<vmem>>)
        tpu.yield
      }) : () -> ()
      %dma_start3A_147 = arith.constant 0 : i32
      %dma_start3A_148 = arith.constant 0 : i32
      %dma_start3A_149 = tpu.memref_slice %arg2[%dma_start3A_147, %dma_start3A_148] : memref<10240x128xf32, #tpu.memory_space<hbm>> -> memref<10240x128xf32, #tpu.memory_space<hbm>>
      tpu.enqueue_indirect_dma source(%dma_start3A_149 : memref<10240x128xf32, #tpu.memory_space<hbm>>) target(%arg11 : memref<80x128xf32, #tpu.memory_space<vmem>>) offsets(%arg8 : memref<80xi32, #tpu.memory_space<vmem>>) semaphore(%arg14 : memref<!tpu.dma_semaphore, #tpu.memory_space<semaphore_mem>>)
      %dma_wait3A_150 = arith.constant 0 : i32
      %dma_wait3A_151 = arith.constant 0 : i32
      %dma_wait3A_152 = tpu.memref_slice %arg2[%dma_wait3A_150, %dma_wait3A_151] : memref<10240x128xf32, #tpu.memory_space<hbm>> -> memref<10240x128xf32, #tpu.memory_space<hbm>>
      tpu.wait_indirect_dma semaphore(%arg15 : memref<!tpu.dma_semaphore, #tpu.memory_space<semaphore_mem>>) src(%dma_wait3A_152 : memref<10240x128xf32, #tpu.memory_space<hbm>>) dst(%arg12 : memref<80x128xf32, #tpu.memory_space<vmem>>)
      %add3A_153 = arith.constant 1 : i32
      %add3A_154 = arith.addi %mul3A_136, %add3A_153 : i32
      "tpu.region"() ({
        %run_scoped3A_156 = tpu.sem_alloc : memref<!tpu.dma_semaphore, #tpu.memory_space<semaphore_mem>>
        %dma_start3A_157 = arith.constant 0 : i32
        %dma_start3A_158 = tpu.memref_slice %arg10[%add3A_154, %dma_start3A_157] : memref<125x80xi32, #tpu.memory_space<vmem>> -> memref<1x80xi32, #tpu.memory_space<vmem>>
        %dma_start3A_159 = tpu.memref_squeeze %dma_start3A_158 : memref<1x80xi32, #tpu.memory_space<vmem>> -> memref<80xi32, #tpu.memory_space<vmem>>
        %dma_start3A_160 = arith.constant 0 : i32
        %dma_start3A_161 = arith.constant 0 : i32
        %dma_start3A_162 = tpu.memref_slice %arg13[%dma_start3A_160, %dma_start3A_161] : memref<10240x128xf32, #tpu.memory_space<vmem_shared>> -> memref<10240x128xf32, #tpu.memory_space<vmem_shared>>
        tpu.enqueue_indirect_dma source(%arg12 : memref<80x128xf32, #tpu.memory_space<vmem>>) target(%dma_start3A_162 : memref<10240x128xf32, #tpu.memory_space<vmem_shared>>) offsets(%dma_start3A_159 : memref<80xi32, #tpu.memory_space<vmem>>) semaphore(%run_scoped3A_156 : memref<!tpu.dma_semaphore, #tpu.memory_space<semaphore_mem>>) {add = true}
        %dma_wait3A_163 = arith.constant 0 : i32
        %dma_wait3A_164 = tpu.memref_slice %arg10[%add3A_154, %dma_wait3A_163] : memref<125x80xi32, #tpu.memory_space<vmem>> -> memref<1x80xi32, #tpu.memory_space<vmem>>
        %dma_wait3A_165 = tpu.memref_squeeze %dma_wait3A_164 : memref<1x80xi32, #tpu.memory_space<vmem>> -> memref<80xi32, #tpu.memory_space<vmem>>
        %dma_wait3A_166 = arith.constant 0 : i32
        %dma_wait3A_167 = arith.constant 0 : i32
        %dma_wait3A_168 = tpu.memref_slice %arg13[%dma_wait3A_166, %dma_wait3A_167] : memref<10240x128xf32, #tpu.memory_space<vmem_shared>> -> memref<10240x128xf32, #tpu.memory_space<vmem_shared>>
        tpu.wait_indirect_dma semaphore(%run_scoped3A_156 : memref<!tpu.dma_semaphore, #tpu.memory_space<semaphore_mem>>) src(%arg12 : memref<80x128xf32, #tpu.memory_space<vmem>>) dst(%dma_wait3A_168 : memref<10240x128xf32, #tpu.memory_space<vmem_shared>>)
        tpu.yield
      }) : () -> ()
      %scan3A_155 = arith.constant 0 : i32
      scf.yield %scan3A_155 : i32
    }
    %scan3A_40 = arith.constant 62 : i32
    %dma_wait3A = arith.constant 0 : i32
    %dma_wait3A_41 = arith.constant 0 : i32
    %dma_wait3A_42 = tpu.memref_slice %arg2[%dma_wait3A, %dma_wait3A_41] : memref<10240x128xf32, #tpu.memory_space<hbm>> -> memref<10240x128xf32, #tpu.memory_space<hbm>>
    tpu.wait_indirect_dma semaphore(%arg14 : memref<!tpu.dma_semaphore, #tpu.memory_space<semaphore_mem>>) src(%dma_wait3A_42 : memref<10240x128xf32, #tpu.memory_space<hbm>>) dst(%arg11 : memref<80x128xf32, #tpu.memory_space<vmem>>)
    %run_scoped3A_43 = arith.constant 124 : i32
    "tpu.region"() ({
      %run_scoped3A_133 = tpu.sem_alloc : memref<!tpu.dma_semaphore, #tpu.memory_space<semaphore_mem>>
      %dma_start3A_134 = arith.constant 0 : i32
      %dma_start3A_135 = tpu.memref_slice %arg10[%run_scoped3A_43, %dma_start3A_134] : memref<125x80xi32, #tpu.memory_space<vmem>> -> memref<1x80xi32, #tpu.memory_space<vmem>>
      %dma_start3A_136 = tpu.memref_squeeze %dma_start3A_135 : memref<1x80xi32, #tpu.memory_space<vmem>> -> memref<80xi32, #tpu.memory_space<vmem>>
      %dma_start3A_137 = arith.constant 0 : i32
      %dma_start3A_138 = arith.constant 0 : i32
      %dma_start3A_139 = tpu.memref_slice %arg13[%dma_start3A_137, %dma_start3A_138] : memref<10240x128xf32, #tpu.memory_space<vmem_shared>> -> memref<10240x128xf32, #tpu.memory_space<vmem_shared>>
      tpu.enqueue_indirect_dma source(%arg11 : memref<80x128xf32, #tpu.memory_space<vmem>>) target(%dma_start3A_139 : memref<10240x128xf32, #tpu.memory_space<vmem_shared>>) offsets(%dma_start3A_136 : memref<80xi32, #tpu.memory_space<vmem>>) semaphore(%run_scoped3A_133 : memref<!tpu.dma_semaphore, #tpu.memory_space<semaphore_mem>>) {add = true}
      %dma_wait3A_140 = arith.constant 0 : i32
      %dma_wait3A_141 = tpu.memref_slice %arg10[%run_scoped3A_43, %dma_wait3A_140] : memref<125x80xi32, #tpu.memory_space<vmem>> -> memref<1x80xi32, #tpu.memory_space<vmem>>
      %dma_wait3A_142 = tpu.memref_squeeze %dma_wait3A_141 : memref<1x80xi32, #tpu.memory_space<vmem>> -> memref<80xi32, #tpu.memory_space<vmem>>
      %dma_wait3A_143 = arith.constant 0 : i32
      %dma_wait3A_144 = arith.constant 0 : i32
      %dma_wait3A_145 = tpu.memref_slice %arg13[%dma_wait3A_143, %dma_wait3A_144] : memref<10240x128xf32, #tpu.memory_space<vmem_shared>> -> memref<10240x128xf32, #tpu.memory_space<vmem_shared>>
      tpu.wait_indirect_dma semaphore(%run_scoped3A_133 : memref<!tpu.dma_semaphore, #tpu.memory_space<semaphore_mem>>) src(%arg11 : memref<80x128xf32, #tpu.memory_space<vmem>>) dst(%dma_wait3A_145 : memref<10240x128xf32, #tpu.memory_space<vmem_shared>>)
      tpu.yield
    }) : () -> ()
    %barrier3A_44 = arith.constant 0 : index
    tpu.barrier barrier_id(%barrier3A_44)
    %mul3A_45 = arith.constant 640 : i32
    %mul3A_46 = arith.muli %arg1, %mul3A_45 : i32
    %add3A_47 = arith.constant 0 : i32
    %add3A_48 = arith.addi %mul3A_46, %add3A_47 : i32
    "tpu.region"() ({
      %run_scoped3A_133 = tpu.sem_alloc : memref<!tpu.dma_semaphore, #tpu.memory_space<semaphore_mem>>
      %dma_start3A_134 = arith.constant 0 : i32
      %dma_start3A_135 = tpu.memref_slice %arg13[%add3A_48, %dma_start3A_134] : memref<10240x128xf32, #tpu.memory_space<vmem_shared>> -> memref<80x128xf32, #tpu.memory_space<vmem_shared>>
      %dma_start3A_136 = arith.constant 0 : i32
      %dma_start3A_137 = tpu.memref_slice %arg13[%add3A_48, %dma_start3A_136] : memref<10240x128xf32, #tpu.memory_space<vmem_shared>> -> memref<80x128xf32, #tpu.memory_space<vmem_shared>>
      tpu.enqueue_dma source(%dma_start3A_137 : memref<80x128xf32, #tpu.memory_space<vmem_shared>>) target(%arg11 : memref<80x128xf32, #tpu.memory_space<vmem>>) target_semaphore(%run_scoped3A_133 : memref<!tpu.dma_semaphore, #tpu.memory_space<semaphore_mem>>)
      %dma_wait3A_138 = arith.constant 0 : i32
      %dma_wait3A_139 = tpu.memref_slice %arg13[%add3A_48, %dma_wait3A_138] : memref<10240x128xf32, #tpu.memory_space<vmem_shared>> -> memref<80x128xf32, #tpu.memory_space<vmem_shared>>
      %dma_wait3A_140 = arith.constant 0 : i32
      %dma_wait3A_141 = tpu.memref_slice %arg13[%add3A_48, %dma_wait3A_140] : memref<10240x128xf32, #tpu.memory_space<vmem_shared>> -> memref<80x128xf32, #tpu.memory_space<vmem_shared>>
      tpu.wait_dma2 semaphore(%run_scoped3A_133 : memref<!tpu.dma_semaphore, #tpu.memory_space<semaphore_mem>>) src(%dma_wait3A_141 : memref<80x128xf32, #tpu.memory_space<vmem_shared>>) dst(%arg11 : memref<80x128xf32, #tpu.memory_space<vmem>>)
      tpu.yield
    }) : () -> ()
    %mul3A_49 = arith.constant 10240 : i32
    %mul3A_50 = arith.muli %arg0, %mul3A_49 : i32
    %mul3A_51 = arith.constant 640 : i32
    %mul3A_52 = arith.muli %arg1, %mul3A_51 : i32
    %add3A_53 = arith.addi %mul3A_50, %mul3A_52 : i32
    %add3A_54 = arith.constant 0 : i32
    %add3A_55 = arith.addi %add3A_53, %add3A_54 : i32
    "tpu.region"() ({
      %run_scoped3A_133 = tpu.sem_alloc : memref<!tpu.dma_semaphore, #tpu.memory_space<semaphore_mem>>
      %dma_start3A_134 = arith.constant 0 : i32
      %dma_start3A_135 = tpu.memref_slice %arg7[%add3A_55, %dma_start3A_134] : memref<20480x128xf32, #tpu.memory_space<hbm>> -> memref<80x128xf32, #tpu.memory_space<hbm>>
      %dma_start3A_136 = arith.constant 0 : i32
      %dma_start3A_137 = tpu.memref_slice %arg7[%add3A_55, %dma_start3A_136] : memref<20480x128xf32, #tpu.memory_space<hbm>> -> memref<80x128xf32, #tpu.memory_space<hbm>>
      tpu.enqueue_dma source(%arg11 : memref<80x128xf32, #tpu.memory_space<vmem>>) target(%dma_start3A_137 : memref<80x128xf32, #tpu.memory_space<hbm>>) target_semaphore(%run_scoped3A_133 : memref<!tpu.dma_semaphore, #tpu.memory_space<semaphore_mem>>)
      %dma_wait3A_138 = arith.constant 0 : i32
      %dma_wait3A_139 = tpu.memref_slice %arg7[%add3A_55, %dma_wait3A_138] : memref<20480x128xf32, #tpu.memory_space<hbm>> -> memref<80x128xf32, #tpu.memory_space<hbm>>
      %dma_wait3A_140 = arith.constant 0 : i32
      %dma_wait3A_141 = tpu.memref_slice %arg7[%add3A_55, %dma_wait3A_140] : memref<20480x128xf32, #tpu.memory_space<hbm>> -> memref<80x128xf32, #tpu.memory_space<hbm>>
      tpu.wait_dma2 semaphore(%run_scoped3A_133 : memref<!tpu.dma_semaphore, #tpu.memory_space<semaphore_mem>>) src(%arg11 : memref<80x128xf32, #tpu.memory_space<vmem>>) dst(%dma_wait3A_141 : memref<80x128xf32, #tpu.memory_space<hbm>>)
      tpu.yield
    }) : () -> ()
    %mul3A_56 = arith.constant 640 : i32
    %mul3A_57 = arith.muli %arg1, %mul3A_56 : i32
    %add3A_58 = arith.constant 80 : i32
    %add3A_59 = arith.addi %mul3A_57, %add3A_58 : i32
    "tpu.region"() ({
      %run_scoped3A_133 = tpu.sem_alloc : memref<!tpu.dma_semaphore, #tpu.memory_space<semaphore_mem>>
      %dma_start3A_134 = arith.constant 0 : i32
      %dma_start3A_135 = tpu.memref_slice %arg13[%add3A_59, %dma_start3A_134] : memref<10240x128xf32, #tpu.memory_space<vmem_shared>> -> memref<80x128xf32, #tpu.memory_space<vmem_shared>>
      %dma_start3A_136 = arith.constant 0 : i32
      %dma_start3A_137 = tpu.memref_slice %arg13[%add3A_59, %dma_start3A_136] : memref<10240x128xf32, #tpu.memory_space<vmem_shared>> -> memref<80x128xf32, #tpu.memory_space<vmem_shared>>
      tpu.enqueue_dma source(%dma_start3A_137 : memref<80x128xf32, #tpu.memory_space<vmem_shared>>) target(%arg11 : memref<80x128xf32, #tpu.memory_space<vmem>>) target_semaphore(%run_scoped3A_133 : memref<!tpu.dma_semaphore, #tpu.memory_space<semaphore_mem>>)
      %dma_wait3A_138 = arith.constant 0 : i32
      %dma_wait3A_139 = tpu.memref_slice %arg13[%add3A_59, %dma_wait3A_138] : memref<10240x128xf32, #tpu.memory_space<vmem_shared>> -> memref<80x128xf32, #tpu.memory_space<vmem_shared>>
      %dma_wait3A_140 = arith.constant 0 : i32
      %dma_wait3A_141 = tpu.memref_slice %arg13[%add3A_59, %dma_wait3A_140] : memref<10240x128xf32, #tpu.memory_space<vmem_shared>> -> memref<80x128xf32, #tpu.memory_space<vmem_shared>>
      tpu.wait_dma2 semaphore(%run_scoped3A_133 : memref<!tpu.dma_semaphore, #tpu.memory_space<semaphore_mem>>) src(%dma_wait3A_141 : memref<80x128xf32, #tpu.memory_space<vmem_shared>>) dst(%arg11 : memref<80x128xf32, #tpu.memory_space<vmem>>)
      tpu.yield
    }) : () -> ()
    %mul3A_60 = arith.constant 10240 : i32
    %mul3A_61 = arith.muli %arg0, %mul3A_60 : i32
    %mul3A_62 = arith.constant 640 : i32
    %mul3A_63 = arith.muli %arg1, %mul3A_62 : i32
    %add3A_64 = arith.addi %mul3A_61, %mul3A_63 : i32
    %add3A_65 = arith.constant 80 : i32
    %add3A_66 = arith.addi %add3A_64, %add3A_65 : i32
    "tpu.region"() ({
      %run_scoped3A_133 = tpu.sem_alloc : memref<!tpu.dma_semaphore, #tpu.memory_space<semaphore_mem>>
      %dma_start3A_134 = arith.constant 0 : i32
      %dma_start3A_135 = tpu.memref_slice %arg7[%add3A_66, %dma_start3A_134] : memref<20480x128xf32, #tpu.memory_space<hbm>> -> memref<80x128xf32, #tpu.memory_space<hbm>>
      %dma_start3A_136 = arith.constant 0 : i32
      %dma_start3A_137 = tpu.memref_slice %arg7[%add3A_66, %dma_start3A_136] : memref<20480x128xf32, #tpu.memory_space<hbm>> -> memref<80x128xf32, #tpu.memory_space<hbm>>
      tpu.enqueue_dma source(%arg11 : memref<80x128xf32, #tpu.memory_space<vmem>>) target(%dma_start3A_137 : memref<80x128xf32, #tpu.memory_space<hbm>>) target_semaphore(%run_scoped3A_133 : memref<!tpu.dma_semaphore, #tpu.memory_space<semaphore_mem>>)
      %dma_wait3A_138 = arith.constant 0 : i32
      %dma_wait3A_139 = tpu.memref_slice %arg7[%add3A_66, %dma_wait3A_138] : memref<20480x128xf32, #tpu.memory_space<hbm>> -> memref<80x128xf32, #tpu.memory_space<hbm>>
      %dma_wait3A_140 = arith.constant 0 : i32
      %dma_wait3A_141 = tpu.memref_slice %arg7[%add3A_66, %dma_wait3A_140] : memref<20480x128xf32, #tpu.memory_space<hbm>> -> memref<80x128xf32, #tpu.memory_space<hbm>>
      tpu.wait_dma2 semaphore(%run_scoped3A_133 : memref<!tpu.dma_semaphore, #tpu.memory_space<semaphore_mem>>) src(%arg11 : memref<80x128xf32, #tpu.memory_space<vmem>>) dst(%dma_wait3A_141 : memref<80x128xf32, #tpu.memory_space<hbm>>)
      tpu.yield
    }) : () -> ()
    %mul3A_67 = arith.constant 640 : i32
    %mul3A_68 = arith.muli %arg1, %mul3A_67 : i32
    %add3A_69 = arith.constant 160 : i32
    %add3A_70 = arith.addi %mul3A_68, %add3A_69 : i32
    "tpu.region"() ({
      %run_scoped3A_133 = tpu.sem_alloc : memref<!tpu.dma_semaphore, #tpu.memory_space<semaphore_mem>>
      %dma_start3A_134 = arith.constant 0 : i32
      %dma_start3A_135 = tpu.memref_slice %arg13[%add3A_70, %dma_start3A_134] : memref<10240x128xf32, #tpu.memory_space<vmem_shared>> -> memref<80x128xf32, #tpu.memory_space<vmem_shared>>
      %dma_start3A_136 = arith.constant 0 : i32
      %dma_start3A_137 = tpu.memref_slice %arg13[%add3A_70, %dma_start3A_136] : memref<10240x128xf32, #tpu.memory_space<vmem_shared>> -> memref<80x128xf32, #tpu.memory_space<vmem_shared>>
      tpu.enqueue_dma source(%dma_start3A_137 : memref<80x128xf32, #tpu.memory_space<vmem_shared>>) target(%arg11 : memref<80x128xf32, #tpu.memory_space<vmem>>) target_semaphore(%run_scoped3A_133 : memref<!tpu.dma_semaphore, #tpu.memory_space<semaphore_mem>>)
      %dma_wait3A_138 = arith.constant 0 : i32
      %dma_wait3A_139 = tpu.memref_slice %arg13[%add3A_70, %dma_wait3A_138] : memref<10240x128xf32, #tpu.memory_space<vmem_shared>> -> memref<80x128xf32, #tpu.memory_space<vmem_shared>>
      %dma_wait3A_140 = arith.constant 0 : i32
      %dma_wait3A_141 = tpu.memref_slice %arg13[%add3A_70, %dma_wait3A_140] : memref<10240x128xf32, #tpu.memory_space<vmem_shared>> -> memref<80x128xf32, #tpu.memory_space<vmem_shared>>
      tpu.wait_dma2 semaphore(%run_scoped3A_133 : memref<!tpu.dma_semaphore, #tpu.memory_space<semaphore_mem>>) src(%dma_wait3A_141 : memref<80x128xf32, #tpu.memory_space<vmem_shared>>) dst(%arg11 : memref<80x128xf32, #tpu.memory_space<vmem>>)
      tpu.yield
    }) : () -> ()
    %mul3A_71 = arith.constant 10240 : i32
    %mul3A_72 = arith.muli %arg0, %mul3A_71 : i32
    %mul3A_73 = arith.constant 640 : i32
    %mul3A_74 = arith.muli %arg1, %mul3A_73 : i32
    %add3A_75 = arith.addi %mul3A_72, %mul3A_74 : i32
    %add3A_76 = arith.constant 160 : i32
    %add3A_77 = arith.addi %add3A_75, %add3A_76 : i32
    "tpu.region"() ({
      %run_scoped3A_133 = tpu.sem_alloc : memref<!tpu.dma_semaphore, #tpu.memory_space<semaphore_mem>>
      %dma_start3A_134 = arith.constant 0 : i32
      %dma_start3A_135 = tpu.memref_slice %arg7[%add3A_77, %dma_start3A_134] : memref<20480x128xf32, #tpu.memory_space<hbm>> -> memref<80x128xf32, #tpu.memory_space<hbm>>
      %dma_start3A_136 = arith.constant 0 : i32
      %dma_start3A_137 = tpu.memref_slice %arg7[%add3A_77, %dma_start3A_136] : memref<20480x128xf32, #tpu.memory_space<hbm>> -> memref<80x128xf32, #tpu.memory_space<hbm>>
      tpu.enqueue_dma source(%arg11 : memref<80x128xf32, #tpu.memory_space<vmem>>) target(%dma_start3A_137 : memref<80x128xf32, #tpu.memory_space<hbm>>) target_semaphore(%run_scoped3A_133 : memref<!tpu.dma_semaphore, #tpu.memory_space<semaphore_mem>>)
      %dma_wait3A_138 = arith.constant 0 : i32
      %dma_wait3A_139 = tpu.memref_slice %arg7[%add3A_77, %dma_wait3A_138] : memref<20480x128xf32, #tpu.memory_space<hbm>> -> memref<80x128xf32, #tpu.memory_space<hbm>>
      %dma_wait3A_140 = arith.constant 0 : i32
      %dma_wait3A_141 = tpu.memref_slice %arg7[%add3A_77, %dma_wait3A_140] : memref<20480x128xf32, #tpu.memory_space<hbm>> -> memref<80x128xf32, #tpu.memory_space<hbm>>
      tpu.wait_dma2 semaphore(%run_scoped3A_133 : memref<!tpu.dma_semaphore, #tpu.memory_space<semaphore_mem>>) src(%arg11 : memref<80x128xf32, #tpu.memory_space<vmem>>) dst(%dma_wait3A_141 : memref<80x128xf32, #tpu.memory_space<hbm>>)
      tpu.yield
    }) : () -> ()
    %mul3A_78 = arith.constant 640 : i32
    %mul3A_79 = arith.muli %arg1, %mul3A_78 : i32
    %add3A_80 = arith.constant 240 : i32
    %add3A_81 = arith.addi %mul3A_79, %add3A_80 : i32
    "tpu.region"() ({
      %run_scoped3A_133 = tpu.sem_alloc : memref<!tpu.dma_semaphore, #tpu.memory_space<semaphore_mem>>
      %dma_start3A_134 = arith.constant 0 : i32
      %dma_start3A_135 = tpu.memref_slice %arg13[%add3A_81, %dma_start3A_134] : memref<10240x128xf32, #tpu.memory_space<vmem_shared>> -> memref<80x128xf32, #tpu.memory_space<vmem_shared>>
      %dma_start3A_136 = arith.constant 0 : i32
      %dma_start3A_137 = tpu.memref_slice %arg13[%add3A_81, %dma_start3A_136] : memref<10240x128xf32, #tpu.memory_space<vmem_shared>> -> memref<80x128xf32, #tpu.memory_space<vmem_shared>>
      tpu.enqueue_dma source(%dma_start3A_137 : memref<80x128xf32, #tpu.memory_space<vmem_shared>>) target(%arg11 : memref<80x128xf32, #tpu.memory_space<vmem>>) target_semaphore(%run_scoped3A_133 : memref<!tpu.dma_semaphore, #tpu.memory_space<semaphore_mem>>)
      %dma_wait3A_138 = arith.constant 0 : i32
      %dma_wait3A_139 = tpu.memref_slice %arg13[%add3A_81, %dma_wait3A_138] : memref<10240x128xf32, #tpu.memory_space<vmem_shared>> -> memref<80x128xf32, #tpu.memory_space<vmem_shared>>
      %dma_wait3A_140 = arith.constant 0 : i32
      %dma_wait3A_141 = tpu.memref_slice %arg13[%add3A_81, %dma_wait3A_140] : memref<10240x128xf32, #tpu.memory_space<vmem_shared>> -> memref<80x128xf32, #tpu.memory_space<vmem_shared>>
      tpu.wait_dma2 semaphore(%run_scoped3A_133 : memref<!tpu.dma_semaphore, #tpu.memory_space<semaphore_mem>>) src(%dma_wait3A_141 : memref<80x128xf32, #tpu.memory_space<vmem_shared>>) dst(%arg11 : memref<80x128xf32, #tpu.memory_space<vmem>>)
      tpu.yield
    }) : () -> ()
    %mul3A_82 = arith.constant 10240 : i32
    %mul3A_83 = arith.muli %arg0, %mul3A_82 : i32
    %mul3A_84 = arith.constant 640 : i32
    %mul3A_85 = arith.muli %arg1, %mul3A_84 : i32
    %add3A_86 = arith.addi %mul3A_83, %mul3A_85 : i32
    %add3A_87 = arith.constant 240 : i32
    %add3A_88 = arith.addi %add3A_86, %add3A_87 : i32
    "tpu.region"() ({
      %run_scoped3A_133 = tpu.sem_alloc : memref<!tpu.dma_semaphore, #tpu.memory_space<semaphore_mem>>
      %dma_start3A_134 = arith.constant 0 : i32
      %dma_start3A_135 = tpu.memref_slice %arg7[%add3A_88, %dma_start3A_134] : memref<20480x128xf32, #tpu.memory_space<hbm>> -> memref<80x128xf32, #tpu.memory_space<hbm>>
      %dma_start3A_136 = arith.constant 0 : i32
      %dma_start3A_137 = tpu.memref_slice %arg7[%add3A_88, %dma_start3A_136] : memref<20480x128xf32, #tpu.memory_space<hbm>> -> memref<80x128xf32, #tpu.memory_space<hbm>>
      tpu.enqueue_dma source(%arg11 : memref<80x128xf32, #tpu.memory_space<vmem>>) target(%dma_start3A_137 : memref<80x128xf32, #tpu.memory_space<hbm>>) target_semaphore(%run_scoped3A_133 : memref<!tpu.dma_semaphore, #tpu.memory_space<semaphore_mem>>)
      %dma_wait3A_138 = arith.constant 0 : i32
      %dma_wait3A_139 = tpu.memref_slice %arg7[%add3A_88, %dma_wait3A_138] : memref<20480x128xf32, #tpu.memory_space<hbm>> -> memref<80x128xf32, #tpu.memory_space<hbm>>
      %dma_wait3A_140 = arith.constant 0 : i32
      %dma_wait3A_141 = tpu.memref_slice %arg7[%add3A_88, %dma_wait3A_140] : memref<20480x128xf32, #tpu.memory_space<hbm>> -> memref<80x128xf32, #tpu.memory_space<hbm>>
      tpu.wait_dma2 semaphore(%run_scoped3A_133 : memref<!tpu.dma_semaphore, #tpu.memory_space<semaphore_mem>>) src(%arg11 : memref<80x128xf32, #tpu.memory_space<vmem>>) dst(%dma_wait3A_141 : memref<80x128xf32, #tpu.memory_space<hbm>>)
      tpu.yield
    }) : () -> ()
    %mul3A_89 = arith.constant 640 : i32
    %mul3A_90 = arith.muli %arg1, %mul3A_89 : i32
    %add3A_91 = arith.constant 320 : i32
    %add3A_92 = arith.addi %mul3A_90, %add3A_91 : i32
    "tpu.region"() ({
      %run_scoped3A_133 = tpu.sem_alloc : memref<!tpu.dma_semaphore, #tpu.memory_space<semaphore_mem>>
      %dma_start3A_134 = arith.constant 0 : i32
      %dma_start3A_135 = tpu.memref_slice %arg13[%add3A_92, %dma_start3A_134] : memref<10240x128xf32, #tpu.memory_space<vmem_shared>> -> memref<80x128xf32, #tpu.memory_space<vmem_shared>>
      %dma_start3A_136 = arith.constant 0 : i32
      %dma_start3A_137 = tpu.memref_slice %arg13[%add3A_92, %dma_start3A_136] : memref<10240x128xf32, #tpu.memory_space<vmem_shared>> -> memref<80x128xf32, #tpu.memory_space<vmem_shared>>
      tpu.enqueue_dma source(%dma_start3A_137 : memref<80x128xf32, #tpu.memory_space<vmem_shared>>) target(%arg11 : memref<80x128xf32, #tpu.memory_space<vmem>>) target_semaphore(%run_scoped3A_133 : memref<!tpu.dma_semaphore, #tpu.memory_space<semaphore_mem>>)
      %dma_wait3A_138 = arith.constant 0 : i32
      %dma_wait3A_139 = tpu.memref_slice %arg13[%add3A_92, %dma_wait3A_138] : memref<10240x128xf32, #tpu.memory_space<vmem_shared>> -> memref<80x128xf32, #tpu.memory_space<vmem_shared>>
      %dma_wait3A_140 = arith.constant 0 : i32
      %dma_wait3A_141 = tpu.memref_slice %arg13[%add3A_92, %dma_wait3A_140] : memref<10240x128xf32, #tpu.memory_space<vmem_shared>> -> memref<80x128xf32, #tpu.memory_space<vmem_shared>>
      tpu.wait_dma2 semaphore(%run_scoped3A_133 : memref<!tpu.dma_semaphore, #tpu.memory_space<semaphore_mem>>) src(%dma_wait3A_141 : memref<80x128xf32, #tpu.memory_space<vmem_shared>>) dst(%arg11 : memref<80x128xf32, #tpu.memory_space<vmem>>)
      tpu.yield
    }) : () -> ()
    %mul3A_93 = arith.constant 10240 : i32
    %mul3A_94 = arith.muli %arg0, %mul3A_93 : i32
    %mul3A_95 = arith.constant 640 : i32
    %mul3A_96 = arith.muli %arg1, %mul3A_95 : i32
    %add3A_97 = arith.addi %mul3A_94, %mul3A_96 : i32
    %add3A_98 = arith.constant 320 : i32
    %add3A_99 = arith.addi %add3A_97, %add3A_98 : i32
    "tpu.region"() ({
      %run_scoped3A_133 = tpu.sem_alloc : memref<!tpu.dma_semaphore, #tpu.memory_space<semaphore_mem>>
      %dma_start3A_134 = arith.constant 0 : i32
      %dma_start3A_135 = tpu.memref_slice %arg7[%add3A_99, %dma_start3A_134] : memref<20480x128xf32, #tpu.memory_space<hbm>> -> memref<80x128xf32, #tpu.memory_space<hbm>>
      %dma_start3A_136 = arith.constant 0 : i32
      %dma_start3A_137 = tpu.memref_slice %arg7[%add3A_99, %dma_start3A_136] : memref<20480x128xf32, #tpu.memory_space<hbm>> -> memref<80x128xf32, #tpu.memory_space<hbm>>
      tpu.enqueue_dma source(%arg11 : memref<80x128xf32, #tpu.memory_space<vmem>>) target(%dma_start3A_137 : memref<80x128xf32, #tpu.memory_space<hbm>>) target_semaphore(%run_scoped3A_133 : memref<!tpu.dma_semaphore, #tpu.memory_space<semaphore_mem>>)
      %dma_wait3A_138 = arith.constant 0 : i32
      %dma_wait3A_139 = tpu.memref_slice %arg7[%add3A_99, %dma_wait3A_138] : memref<20480x128xf32, #tpu.memory_space<hbm>> -> memref<80x128xf32, #tpu.memory_space<hbm>>
      %dma_wait3A_140 = arith.constant 0 : i32
      %dma_wait3A_141 = tpu.memref_slice %arg7[%add3A_99, %dma_wait3A_140] : memref<20480x128xf32, #tpu.memory_space<hbm>> -> memref<80x128xf32, #tpu.memory_space<hbm>>
      tpu.wait_dma2 semaphore(%run_scoped3A_133 : memref<!tpu.dma_semaphore, #tpu.memory_space<semaphore_mem>>) src(%arg11 : memref<80x128xf32, #tpu.memory_space<vmem>>) dst(%dma_wait3A_141 : memref<80x128xf32, #tpu.memory_space<hbm>>)
      tpu.yield
    }) : () -> ()
    %mul3A_100 = arith.constant 640 : i32
    %mul3A_101 = arith.muli %arg1, %mul3A_100 : i32
    %add3A_102 = arith.constant 400 : i32
    %add3A_103 = arith.addi %mul3A_101, %add3A_102 : i32
    "tpu.region"() ({
      %run_scoped3A_133 = tpu.sem_alloc : memref<!tpu.dma_semaphore, #tpu.memory_space<semaphore_mem>>
      %dma_start3A_134 = arith.constant 0 : i32
      %dma_start3A_135 = tpu.memref_slice %arg13[%add3A_103, %dma_start3A_134] : memref<10240x128xf32, #tpu.memory_space<vmem_shared>> -> memref<80x128xf32, #tpu.memory_space<vmem_shared>>
      %dma_start3A_136 = arith.constant 0 : i32
      %dma_start3A_137 = tpu.memref_slice %arg13[%add3A_103, %dma_start3A_136] : memref<10240x128xf32, #tpu.memory_space<vmem_shared>> -> memref<80x128xf32, #tpu.memory_space<vmem_shared>>
      tpu.enqueue_dma source(%dma_start3A_137 : memref<80x128xf32, #tpu.memory_space<vmem_shared>>) target(%arg11 : memref<80x128xf32, #tpu.memory_space<vmem>>) target_semaphore(%run_scoped3A_133 : memref<!tpu.dma_semaphore, #tpu.memory_space<semaphore_mem>>)
      %dma_wait3A_138 = arith.constant 0 : i32
      %dma_wait3A_139 = tpu.memref_slice %arg13[%add3A_103, %dma_wait3A_138] : memref<10240x128xf32, #tpu.memory_space<vmem_shared>> -> memref<80x128xf32, #tpu.memory_space<vmem_shared>>
      %dma_wait3A_140 = arith.constant 0 : i32
      %dma_wait3A_141 = tpu.memref_slice %arg13[%add3A_103, %dma_wait3A_140] : memref<10240x128xf32, #tpu.memory_space<vmem_shared>> -> memref<80x128xf32, #tpu.memory_space<vmem_shared>>
      tpu.wait_dma2 semaphore(%run_scoped3A_133 : memref<!tpu.dma_semaphore, #tpu.memory_space<semaphore_mem>>) src(%dma_wait3A_141 : memref<80x128xf32, #tpu.memory_space<vmem_shared>>) dst(%arg11 : memref<80x128xf32, #tpu.memory_space<vmem>>)
      tpu.yield
    }) : () -> ()
    %mul3A_104 = arith.constant 10240 : i32
    %mul3A_105 = arith.muli %arg0, %mul3A_104 : i32
    %mul3A_106 = arith.constant 640 : i32
    %mul3A_107 = arith.muli %arg1, %mul3A_106 : i32
    %add3A_108 = arith.addi %mul3A_105, %mul3A_107 : i32
    %add3A_109 = arith.constant 400 : i32
    %add3A_110 = arith.addi %add3A_108, %add3A_109 : i32
    "tpu.region"() ({
      %run_scoped3A_133 = tpu.sem_alloc : memref<!tpu.dma_semaphore, #tpu.memory_space<semaphore_mem>>
      %dma_start3A_134 = arith.constant 0 : i32
      %dma_start3A_135 = tpu.memref_slice %arg7[%add3A_110, %dma_start3A_134] : memref<20480x128xf32, #tpu.memory_space<hbm>> -> memref<80x128xf32, #tpu.memory_space<hbm>>
      %dma_start3A_136 = arith.constant 0 : i32
      %dma_start3A_137 = tpu.memref_slice %arg7[%add3A_110, %dma_start3A_136] : memref<20480x128xf32, #tpu.memory_space<hbm>> -> memref<80x128xf32, #tpu.memory_space<hbm>>
      tpu.enqueue_dma source(%arg11 : memref<80x128xf32, #tpu.memory_space<vmem>>) target(%dma_start3A_137 : memref<80x128xf32, #tpu.memory_space<hbm>>) target_semaphore(%run_scoped3A_133 : memref<!tpu.dma_semaphore, #tpu.memory_space<semaphore_mem>>)
      %dma_wait3A_138 = arith.constant 0 : i32
      %dma_wait3A_139 = tpu.memref_slice %arg7[%add3A_110, %dma_wait3A_138] : memref<20480x128xf32, #tpu.memory_space<hbm>> -> memref<80x128xf32, #tpu.memory_space<hbm>>
      %dma_wait3A_140 = arith.constant 0 : i32
      %dma_wait3A_141 = tpu.memref_slice %arg7[%add3A_110, %dma_wait3A_140] : memref<20480x128xf32, #tpu.memory_space<hbm>> -> memref<80x128xf32, #tpu.memory_space<hbm>>
      tpu.wait_dma2 semaphore(%run_scoped3A_133 : memref<!tpu.dma_semaphore, #tpu.memory_space<semaphore_mem>>) src(%arg11 : memref<80x128xf32, #tpu.memory_space<vmem>>) dst(%dma_wait3A_141 : memref<80x128xf32, #tpu.memory_space<hbm>>)
      tpu.yield
    }) : () -> ()
    %mul3A_111 = arith.constant 640 : i32
    %mul3A_112 = arith.muli %arg1, %mul3A_111 : i32
    %add3A_113 = arith.constant 480 : i32
    %add3A_114 = arith.addi %mul3A_112, %add3A_113 : i32
    "tpu.region"() ({
      %run_scoped3A_133 = tpu.sem_alloc : memref<!tpu.dma_semaphore, #tpu.memory_space<semaphore_mem>>
      %dma_start3A_134 = arith.constant 0 : i32
      %dma_start3A_135 = tpu.memref_slice %arg13[%add3A_114, %dma_start3A_134] : memref<10240x128xf32, #tpu.memory_space<vmem_shared>> -> memref<80x128xf32, #tpu.memory_space<vmem_shared>>
      %dma_start3A_136 = arith.constant 0 : i32
      %dma_start3A_137 = tpu.memref_slice %arg13[%add3A_114, %dma_start3A_136] : memref<10240x128xf32, #tpu.memory_space<vmem_shared>> -> memref<80x128xf32, #tpu.memory_space<vmem_shared>>
      tpu.enqueue_dma source(%dma_start3A_137 : memref<80x128xf32, #tpu.memory_space<vmem_shared>>) target(%arg11 : memref<80x128xf32, #tpu.memory_space<vmem>>) target_semaphore(%run_scoped3A_133 : memref<!tpu.dma_semaphore, #tpu.memory_space<semaphore_mem>>)
      %dma_wait3A_138 = arith.constant 0 : i32
      %dma_wait3A_139 = tpu.memref_slice %arg13[%add3A_114, %dma_wait3A_138] : memref<10240x128xf32, #tpu.memory_space<vmem_shared>> -> memref<80x128xf32, #tpu.memory_space<vmem_shared>>
      %dma_wait3A_140 = arith.constant 0 : i32
      %dma_wait3A_141 = tpu.memref_slice %arg13[%add3A_114, %dma_wait3A_140] : memref<10240x128xf32, #tpu.memory_space<vmem_shared>> -> memref<80x128xf32, #tpu.memory_space<vmem_shared>>
      tpu.wait_dma2 semaphore(%run_scoped3A_133 : memref<!tpu.dma_semaphore, #tpu.memory_space<semaphore_mem>>) src(%dma_wait3A_141 : memref<80x128xf32, #tpu.memory_space<vmem_shared>>) dst(%arg11 : memref<80x128xf32, #tpu.memory_space<vmem>>)
      tpu.yield
    }) : () -> ()
    %mul3A_115 = arith.constant 10240 : i32
    %mul3A_116 = arith.muli %arg0, %mul3A_115 : i32
    %mul3A_117 = arith.constant 640 : i32
    %mul3A_118 = arith.muli %arg1, %mul3A_117 : i32
    %add3A_119 = arith.addi %mul3A_116, %mul3A_118 : i32
    %add3A_120 = arith.constant 480 : i32
    %add3A_121 = arith.addi %add3A_119, %add3A_120 : i32
    "tpu.region"() ({
      %run_scoped3A_133 = tpu.sem_alloc : memref<!tpu.dma_semaphore, #tpu.memory_space<semaphore_mem>>
      %dma_start3A_134 = arith.constant 0 : i32
      %dma_start3A_135 = tpu.memref_slice %arg7[%add3A_121, %dma_start3A_134] : memref<20480x128xf32, #tpu.memory_space<hbm>> -> memref<80x128xf32, #tpu.memory_space<hbm>>
      %dma_start3A_136 = arith.constant 0 : i32
      %dma_start3A_137 = tpu.memref_slice %arg7[%add3A_121, %dma_start3A_136] : memref<20480x128xf32, #tpu.memory_space<hbm>> -> memref<80x128xf32, #tpu.memory_space<hbm>>
      tpu.enqueue_dma source(%arg11 : memref<80x128xf32, #tpu.memory_space<vmem>>) target(%dma_start3A_137 : memref<80x128xf32, #tpu.memory_space<hbm>>) target_semaphore(%run_scoped3A_133 : memref<!tpu.dma_semaphore, #tpu.memory_space<semaphore_mem>>)
      %dma_wait3A_138 = arith.constant 0 : i32
      %dma_wait3A_139 = tpu.memref_slice %arg7[%add3A_121, %dma_wait3A_138] : memref<20480x128xf32, #tpu.memory_space<hbm>> -> memref<80x128xf32, #tpu.memory_space<hbm>>
      %dma_wait3A_140 = arith.constant 0 : i32
      %dma_wait3A_141 = tpu.memref_slice %arg7[%add3A_121, %dma_wait3A_140] : memref<20480x128xf32, #tpu.memory_space<hbm>> -> memref<80x128xf32, #tpu.memory_space<hbm>>
      tpu.wait_dma2 semaphore(%run_scoped3A_133 : memref<!tpu.dma_semaphore, #tpu.memory_space<semaphore_mem>>) src(%arg11 : memref<80x128xf32, #tpu.memory_space<vmem>>) dst(%dma_wait3A_141 : memref<80x128xf32, #tpu.memory_space<hbm>>)
      tpu.yield
    }) : () -> ()
    %mul3A_122 = arith.constant 640 : i32
    %mul3A_123 = arith.muli %arg1, %mul3A_122 : i32
    %add3A_124 = arith.constant 560 : i32
    %add3A_125 = arith.addi %mul3A_123, %add3A_124 : i32
    "tpu.region"() ({
      %run_scoped3A_133 = tpu.sem_alloc : memref<!tpu.dma_semaphore, #tpu.memory_space<semaphore_mem>>
      %dma_start3A_134 = arith.constant 0 : i32
      %dma_start3A_135 = tpu.memref_slice %arg13[%add3A_125, %dma_start3A_134] : memref<10240x128xf32, #tpu.memory_space<vmem_shared>> -> memref<80x128xf32, #tpu.memory_space<vmem_shared>>
      %dma_start3A_136 = arith.constant 0 : i32
      %dma_start3A_137 = tpu.memref_slice %arg13[%add3A_125, %dma_start3A_136] : memref<10240x128xf32, #tpu.memory_space<vmem_shared>> -> memref<80x128xf32, #tpu.memory_space<vmem_shared>>
      tpu.enqueue_dma source(%dma_start3A_137 : memref<80x128xf32, #tpu.memory_space<vmem_shared>>) target(%arg11 : memref<80x128xf32, #tpu.memory_space<vmem>>) target_semaphore(%run_scoped3A_133 : memref<!tpu.dma_semaphore, #tpu.memory_space<semaphore_mem>>)
      %dma_wait3A_138 = arith.constant 0 : i32
      %dma_wait3A_139 = tpu.memref_slice %arg13[%add3A_125, %dma_wait3A_138] : memref<10240x128xf32, #tpu.memory_space<vmem_shared>> -> memref<80x128xf32, #tpu.memory_space<vmem_shared>>
      %dma_wait3A_140 = arith.constant 0 : i32
      %dma_wait3A_141 = tpu.memref_slice %arg13[%add3A_125, %dma_wait3A_140] : memref<10240x128xf32, #tpu.memory_space<vmem_shared>> -> memref<80x128xf32, #tpu.memory_space<vmem_shared>>
      tpu.wait_dma2 semaphore(%run_scoped3A_133 : memref<!tpu.dma_semaphore, #tpu.memory_space<semaphore_mem>>) src(%dma_wait3A_141 : memref<80x128xf32, #tpu.memory_space<vmem_shared>>) dst(%arg11 : memref<80x128xf32, #tpu.memory_space<vmem>>)
      tpu.yield
    }) : () -> ()
    %mul3A_126 = arith.constant 10240 : i32
    %mul3A_127 = arith.muli %arg0, %mul3A_126 : i32
    %mul3A_128 = arith.constant 640 : i32
    %mul3A_129 = arith.muli %arg1, %mul3A_128 : i32
    %add3A_130 = arith.addi %mul3A_127, %mul3A_129 : i32
    %add3A_131 = arith.constant 560 : i32
    %add3A_132 = arith.addi %add3A_130, %add3A_131 : i32
    "tpu.region"() ({
      %run_scoped3A_133 = tpu.sem_alloc : memref<!tpu.dma_semaphore, #tpu.memory_space<semaphore_mem>>
      %dma_start3A_134 = arith.constant 0 : i32
      %dma_start3A_135 = tpu.memref_slice %arg7[%add3A_132, %dma_start3A_134] : memref<20480x128xf32, #tpu.memory_space<hbm>> -> memref<80x128xf32, #tpu.memory_space<hbm>>
      %dma_start3A_136 = arith.constant 0 : i32
      %dma_start3A_137 = tpu.memref_slice %arg7[%add3A_132, %dma_start3A_136] : memref<20480x128xf32, #tpu.memory_space<hbm>> -> memref<80x128xf32, #tpu.memory_space<hbm>>
      tpu.enqueue_dma source(%arg11 : memref<80x128xf32, #tpu.memory_space<vmem>>) target(%dma_start3A_137 : memref<80x128xf32, #tpu.memory_space<hbm>>) target_semaphore(%run_scoped3A_133 : memref<!tpu.dma_semaphore, #tpu.memory_space<semaphore_mem>>)
      %dma_wait3A_138 = arith.constant 0 : i32
      %dma_wait3A_139 = tpu.memref_slice %arg7[%add3A_132, %dma_wait3A_138] : memref<20480x128xf32, #tpu.memory_space<hbm>> -> memref<80x128xf32, #tpu.memory_space<hbm>>
      %dma_wait3A_140 = arith.constant 0 : i32
      %dma_wait3A_141 = tpu.memref_slice %arg7[%add3A_132, %dma_wait3A_140] : memref<20480x128xf32, #tpu.memory_space<hbm>> -> memref<80x128xf32, #tpu.memory_space<hbm>>
      tpu.wait_dma2 semaphore(%run_scoped3A_133 : memref<!tpu.dma_semaphore, #tpu.memory_space<semaphore_mem>>) src(%arg11 : memref<80x128xf32, #tpu.memory_space<vmem>>) dst(%dma_wait3A_141 : memref<80x128xf32, #tpu.memory_space<hbm>>)
      tpu.yield
    }) : () -> ()
    return
  }
}

module attributes {stable_mosaic.version = 14 : i64} {
  func.func @_tc1_body(%arg0: i32, %arg1: memref<1024x128xf32, #tpu.memory_space<vmem>>, %arg2: memref<1024x128xf32, #tpu.memory_space<vmem>>, %arg3: memref<1024x128xf32, #tpu.memory_space<vmem>>, %arg4: memref<128x128xf32, #tpu.memory_space<vmem>>, %arg5: memref<1024x128xf32, #tpu.memory_space<vmem>>) attributes {dimension_semantics = [#tpu.dimension_semantics<arbitrary>], iteration_bounds = array<i64: 10>, scalar_prefetch = 0 : i64, scratch_operands = 0 : i64, tpu.core_type = #tpu.core_type<tc>, window_params = [{transform_indices = @transform_0, window_bounds = array<i64: 1024, 128>}, {transform_indices = @transform_1, window_bounds = array<i64: 1024, 128>}, {transform_indices = @transform_2, window_bounds = array<i64: 1024, 128>}, {pipeline_mode = #tpu.pipeline_mode<synchronous>, transform_indices = @transform_3, window_bounds = array<i64: 128, 128>}, {transform_indices = @transform_4, window_bounds = array<i64: 1024, 128>}]} {
    %get3A = arith.constant 0 : index
    %get3A_0 = arith.constant 0 : index
    %get3A_1 = vector.load %arg1[%get3A, %get3A_0] : memref<1024x128xf32, #tpu.memory_space<vmem>>, vector<1024x1xf32>
    %get3A_2 = arith.constant 0 : index
    %get3A_3 = arith.constant 0 : index
    %get3A_4 = vector.load %arg2[%get3A_2, %get3A_3] : memref<1024x128xf32, #tpu.memory_space<vmem>>, vector<1024x1xf32>
    %add3A = arith.addf %get3A_1, %get3A_4 : vector<1024x1xf32>
    %add3A_5 = arith.constant 1.000000e+00 : f32
    %add3A_6 = vector.broadcast %add3A_5 : f32 to vector<1024x1xf32>
    %add3A_7 = arith.addf %add3A, %add3A_6 : vector<1024x1xf32>
    %rsqrt3A = math.rsqrt %add3A_7 : vector<1024x1xf32>
    %get3A_8 = arith.constant 0 : index
    %get3A_9 = arith.constant 0 : index
    %get3A_10 = vector.load %arg3[%get3A_8, %get3A_9] : memref<1024x128xf32, #tpu.memory_space<vmem>>, vector<1024x128xf32>
    %get3A_11 = arith.constant 0 : index
    %get3A_12 = arith.constant 0 : index
    %get3A_13 = vector.load %arg4[%get3A_11, %get3A_12] : memref<128x128xf32, #tpu.memory_space<vmem>>, vector<128x128xf32>
    %dot_general3A = arith.constant dense<0.000000e+00> : vector<1024x128xf32>
    %dot_general3A_14 = tpu.matmul %get3A_10, %get3A_13, %dot_general3A {dimension_numbers = #tpu.dot_dimension_numbers<[1], [0], [0], [1], [0, 0, 1, 1], [], []>, transpose_lhs_hint = false} : vector<1024x128xf32>, vector<128x128xf32>, vector<1024x128xf32> -> vector<1024x128xf32>
    %mul3A = vector.broadcast %rsqrt3A : vector<1024x1xf32> to vector<1024x128xf32>
    %mul3A_15 = arith.mulf %dot_general3A_14, %mul3A : vector<1024x128xf32>
    %swap3A = arith.constant 0 : index
    %swap3A_16 = arith.constant 0 : index
    %swap3A_17 = vector.load %arg5[%swap3A, %swap3A_16] : memref<1024x128xf32, #tpu.memory_space<vmem>>, vector<1024x128xf32>
    tpu.vector_store %arg5[%swap3A, %swap3A_16], %mul3A_15 {strides = array<i32>} : memref<1024x128xf32, #tpu.memory_space<vmem>>, vector<1024x128xf32>,
    return
  }
  func.func @transform_0(%arg0: i32) -> (i32, i32) {
    %c0_i32 = arith.constant 0 : i32
    %c0_i32_0 = arith.constant 0 : i32
    return %arg0, %c0_i32 : i32, i32
  }
  func.func @transform_1(%arg0: i32) -> (i32, i32) {
    %c0_i32 = arith.constant 0 : i32
    %c0_i32_0 = arith.constant 0 : i32
    return %arg0, %c0_i32 : i32, i32
  }
  func.func @transform_2(%arg0: i32) -> (i32, i32) {
    %c0_i32 = arith.constant 0 : i32
    %c0_i32_0 = arith.constant 0 : i32
    return %arg0, %c0_i32 : i32, i32
  }
  func.func @transform_3(%arg0: i32) -> (i32, i32) {
    %c0_i32 = arith.constant 0 : i32
    %c0_i32_0 = arith.constant 0 : i32
    %c0_i32_1 = arith.constant 0 : i32
    return %c0_i32, %c0_i32_0 : i32, i32
  }
  func.func @transform_4(%arg0: i32) -> (i32, i32) {
    %c0_i32 = arith.constant 0 : i32
    %c0_i32_0 = arith.constant 0 : i32
    return %arg0, %c0_i32 : i32, i32
  }
}

module attributes {stable_mosaic.version = 14 : i64} {
  func.func @_tc_mid_body(%arg0: i32, %arg1: memref<1024x128xf32, #tpu.memory_space<vmem>>, %arg2: memref<1024x128xf32, #tpu.memory_space<vmem>>, %arg3: memref<1024x128xf32, #tpu.memory_space<vmem>>, %arg4: memref<1024x128xf32, #tpu.memory_space<vmem>>, %arg5: memref<1024x128xf32, #tpu.memory_space<vmem>>, %arg6: memref<1x128xf32, #tpu.memory_space<vmem>>, %arg7: memref<128x128xf32, #tpu.memory_space<vmem>>, %arg8: memref<1024x128xf32, #tpu.memory_space<vmem>>) attributes {dimension_semantics = [#tpu.dimension_semantics<arbitrary>], iteration_bounds = array<i64: 10>, scalar_prefetch = 0 : i64, scratch_operands = 0 : i64, tpu.core_type = #tpu.core_type<tc>, window_params = [{transform_indices = @transform_0, window_bounds = array<i64: 1024, 128>}, {transform_indices = @transform_1, window_bounds = array<i64: 1024, 128>}, {transform_indices = @transform_2, window_bounds = array<i64: 1024, 128>}, {transform_indices = @transform_3, window_bounds = array<i64: 1024, 128>}, {transform_indices = @transform_4, window_bounds = array<i64: 1024, 128>}, {pipeline_mode = #tpu.pipeline_mode<synchronous>, transform_indices = @transform_5, window_bounds = array<i64: 1, 128>}, {pipeline_mode = #tpu.pipeline_mode<synchronous>, transform_indices = @transform_6, window_bounds = array<i64: 128, 128>}, {transform_indices = @transform_7, window_bounds = array<i64: 1024, 128>}]} {
    %get3A = arith.constant 0 : index
    %get3A_0 = arith.constant 0 : index
    %get3A_1 = vector.load %arg1[%get3A, %get3A_0] : memref<1024x128xf32, #tpu.memory_space<vmem>>, vector<1024x1xf32>
    %get3A_2 = arith.constant 0 : index
    %get3A_3 = arith.constant 0 : index
    %get3A_4 = vector.load %arg2[%get3A_2, %get3A_3] : memref<1024x128xf32, #tpu.memory_space<vmem>>, vector<1024x1xf32>
    %add3A = arith.addf %get3A_1, %get3A_4 : vector<1024x1xf32>
    %add3A_5 = arith.constant 1.000000e+00 : f32
    %add3A_6 = vector.broadcast %add3A_5 : f32 to vector<1024x1xf32>
    %add3A_7 = arith.addf %add3A, %add3A_6 : vector<1024x1xf32>
    %rsqrt3A = math.rsqrt %add3A_7 : vector<1024x1xf32>
    %get3A_8 = arith.constant 0 : index
    %get3A_9 = arith.constant 0 : index
    %get3A_10 = vector.load %arg3[%get3A_8, %get3A_9] : memref<1024x128xf32, #tpu.memory_space<vmem>>, vector<1024x128xf32>
    %get3A_11 = arith.constant 0 : index
    %get3A_12 = arith.constant 0 : index
    %get3A_13 = vector.load %arg4[%get3A_11, %get3A_12] : memref<1024x128xf32, #tpu.memory_space<vmem>>, vector<1024x128xf32>
    %add3A_14 = arith.addf %get3A_10, %get3A_13 : vector<1024x128xf32>
    %get3A_15 = arith.constant 0 : index
    %get3A_16 = arith.constant 0 : index
    %get3A_17 = vector.load %arg5[%get3A_15, %get3A_16] : memref<1024x128xf32, #tpu.memory_space<vmem>>, vector<1024x128xf32>
    %add3A_18 = arith.addf %add3A_14, %get3A_17 : vector<1024x128xf32>
    %mul3A = vector.broadcast %rsqrt3A : vector<1024x1xf32> to vector<1024x128xf32>
    %mul3A_19 = arith.mulf %mul3A, %add3A_18 : vector<1024x128xf32>
    %get3A_20 = arith.constant 0 : index
    %get3A_21 = arith.constant 0 : index
    %get3A_22 = vector.load %arg6[%get3A_20, %get3A_21] : memref<1x128xf32, #tpu.memory_space<vmem>>, vector<1x128xf32>
    %add3A_23 = vector.broadcast %get3A_22 : vector<1x128xf32> to vector<1024x128xf32>
    %add3A_24 = arith.addf %mul3A_19, %add3A_23 : vector<1024x128xf32>
    %max3A = arith.constant 0.000000e+00 : f32
    %max3A_25 = vector.broadcast %max3A : f32 to vector<1024x128xf32>
    %max3A_26 = arith.maximumf %add3A_24, %max3A_25 : vector<1024x128xf32>
    %get3A_27 = arith.constant 0 : index
    %get3A_28 = arith.constant 0 : index
    %get3A_29 = vector.load %arg7[%get3A_27, %get3A_28] : memref<128x128xf32, #tpu.memory_space<vmem>>, vector<128x128xf32>
    %dot_general3A = arith.constant dense<0.000000e+00> : vector<1024x128xf32>
    %dot_general3A_30 = tpu.matmul %max3A_26, %get3A_29, %dot_general3A {dimension_numbers = #tpu.dot_dimension_numbers<[1], [0], [0], [1], [0, 0, 1, 1], [], []>, transpose_lhs_hint = false} : vector<1024x128xf32>, vector<128x128xf32>, vector<1024x128xf32> -> vector<1024x128xf32>
    %mul3A_31 = vector.broadcast %rsqrt3A : vector<1024x1xf32> to vector<1024x128xf32>
    %mul3A_32 = arith.mulf %mul3A_31, %dot_general3A_30 : vector<1024x128xf32>
    %swap3A = arith.constant 0 : index
    %swap3A_33 = arith.constant 0 : index
    %swap3A_34 = vector.load %arg8[%swap3A, %swap3A_33] : memref<1024x128xf32, #tpu.memory_space<vmem>>, vector<1024x128xf32>
    tpu.vector_store %arg8[%swap3A, %swap3A_33], %mul3A_32 {strides = array<i32>} : memref<1024x128xf32, #tpu.memory_space<vmem>>, vector<1024x128xf32>,
    return
  }
  func.func @transform_0(%arg0: i32) -> (i32, i32) {
    %c0_i32 = arith.constant 0 : i32
    %c0_i32_0 = arith.constant 0 : i32
    return %arg0, %c0_i32 : i32, i32
  }
  func.func @transform_1(%arg0: i32) -> (i32, i32) {
    %c0_i32 = arith.constant 0 : i32
    %c0_i32_0 = arith.constant 0 : i32
    return %arg0, %c0_i32 : i32, i32
  }
  func.func @transform_2(%arg0: i32) -> (i32, i32) {
    %c0_i32 = arith.constant 0 : i32
    %c0_i32_0 = arith.constant 0 : i32
    return %arg0, %c0_i32 : i32, i32
  }
  func.func @transform_3(%arg0: i32) -> (i32, i32) {
    %c0_i32 = arith.constant 0 : i32
    %c0_i32_0 = arith.constant 0 : i32
    return %arg0, %c0_i32 : i32, i32
  }
  func.func @transform_4(%arg0: i32) -> (i32, i32) {
    %c0_i32 = arith.constant 0 : i32
    %c0_i32_0 = arith.constant 0 : i32
    return %arg0, %c0_i32 : i32, i32
  }
  func.func @transform_5(%arg0: i32) -> (i32, i32) {
    %c0_i32 = arith.constant 0 : i32
    %c0_i32_0 = arith.constant 0 : i32
    %c0_i32_1 = arith.constant 0 : i32
    return %c0_i32, %c0_i32_0 : i32, i32
  }
  func.func @transform_6(%arg0: i32) -> (i32, i32) {
    %c0_i32 = arith.constant 0 : i32
    %c0_i32_0 = arith.constant 0 : i32
    %c0_i32_1 = arith.constant 0 : i32
    return %c0_i32, %c0_i32_0 : i32, i32
  }
  func.func @transform_7(%arg0: i32) -> (i32, i32) {
    %c0_i32 = arith.constant 0 : i32
    %c0_i32_0 = arith.constant 0 : i32
    return %arg0, %c0_i32 : i32, i32
  }
}

module attributes {stable_mosaic.version = 14 : i64} {
  func.func @_tc_head_body(%arg0: i32, %arg1: memref<1024x128xf32, #tpu.memory_space<vmem>>, %arg2: memref<1024x128xf32, #tpu.memory_space<vmem>>, %arg3: memref<1024x128xf32, #tpu.memory_space<vmem>>, %arg4: memref<1024x128xf32, #tpu.memory_space<vmem>>, %arg5: memref<1024x128xf32, #tpu.memory_space<vmem>>, %arg6: memref<1x128xf32, #tpu.memory_space<vmem>>, %arg7: memref<1x1x1024xi32, #tpu.memory_space<vmem>>, %arg8: memref<128x128xf32, #tpu.memory_space<vmem>>, %arg9: memref<1x128xf32, #tpu.memory_space<vmem>>, %arg10: memref<128x128xf32, #tpu.memory_space<vmem>>, %arg11: memref<1x128xf32, #tpu.memory_space<vmem>>, %arg12: memref<64x128xf32, #tpu.memory_space<vmem>>, %arg13: memref<64x128xf32, #tpu.memory_space<vmem>>, %arg14: memref<64x128xf32, #tpu.memory_space<vmem>>) attributes {dimension_semantics = [#tpu.dimension_semantics<arbitrary>], iteration_bounds = array<i64: 10>, scalar_prefetch = 0 : i64, scratch_operands = 2 : i64, tpu.core_type = #tpu.core_type<tc>, window_params = [{transform_indices = @transform_0, window_bounds = array<i64: 1024, 128>}, {transform_indices = @transform_1, window_bounds = array<i64: 1024, 128>}, {transform_indices = @transform_2, window_bounds = array<i64: 1024, 128>}, {transform_indices = @transform_3, window_bounds = array<i64: 1024, 128>}, {transform_indices = @transform_4, window_bounds = array<i64: 1024, 128>}, {pipeline_mode = #tpu.pipeline_mode<synchronous>, transform_indices = @transform_5, window_bounds = array<i64: 1, 128>}, {transform_indices = @transform_6, window_bounds = array<i64: 1, 1, 1024>}, {pipeline_mode = #tpu.pipeline_mode<synchronous>, transform_indices = @transform_7, window_bounds = array<i64: 128, 128>}, {pipeline_mode = #tpu.pipeline_mode<synchronous>, transform_indices = @transform_8, window_bounds = array<i64: 1, 128>}, {pipeline_mode = #tpu.pipeline_mode<synchronous>, transform_indices = @transform_9, window_bounds = array<i64: 128, 128>}, {pipeline_mode = #tpu.pipeline_mode<synchronous>, transform_indices = @transform_10, window_bounds = array<i64: 1, 128>}, {pipeline_mode = #tpu.pipeline_mode<synchronous>, transform_indices = @transform_11, window_bounds = array<i64: 64, 128>}]} {
    %eq3A = arith.constant 0 : i32
    %eq3A_0 = arith.cmpi eq, %arg0, %eq3A : i32
    %convert_element_type3A = arith.extui %eq3A_0 : i1 to i32
    %cond3A = arith.constant 0 : i32
    %cond3A_1 = arith.cmpi ne, %convert_element_type3A, %cond3A : i32
    scf.if %cond3A_1 {
      %broadcast_in_dim3A_61 = arith.constant 0.000000e+00 : f32
      %broadcast_in_dim3A_62 = vector.broadcast %broadcast_in_dim3A_61 : f32 to vector<64x128xf32>
      %swap3A_63 = arith.constant 0 : index
      %swap3A_64 = arith.constant 0 : index
      %swap3A_65 = vector.load %arg13[%swap3A_63, %swap3A_64] : memref<64x128xf32, #tpu.memory_space<vmem>>, vector<64x128xf32>
      tpu.vector_store %arg13[%swap3A_63, %swap3A_64], %broadcast_in_dim3A_62 {strides = array<i32>} : memref<64x128xf32, #tpu.memory_space<vmem>>, vector<64x128xf32>,
      %broadcast_in_dim3A_66 = arith.constant 0.000000e+00 : f32
      %broadcast_in_dim3A_67 = vector.broadcast %broadcast_in_dim3A_66 : f32 to vector<64x128xf32>
      %swap3A_68 = arith.constant 0 : index
      %swap3A_69 = arith.constant 0 : index
      %swap3A_70 = vector.load %arg14[%swap3A_68, %swap3A_69] : memref<64x128xf32, #tpu.memory_space<vmem>>, vector<64x128xf32>
      tpu.vector_store %arg14[%swap3A_68, %swap3A_69], %broadcast_in_dim3A_67 {strides = array<i32>} : memref<64x128xf32, #tpu.memory_space<vmem>>, vector<64x128xf32>,
    } else {
    }
    %get3A = arith.constant 0 : index
    %get3A_2 = arith.constant 0 : index
    %get3A_3 = vector.load %arg1[%get3A, %get3A_2] : memref<1024x128xf32, #tpu.memory_space<vmem>>, vector<1024x1xf32>
    %get3A_4 = arith.constant 0 : index
    %get3A_5 = arith.constant 0 : index
    %get3A_6 = vector.load %arg2[%get3A_4, %get3A_5] : memref<1024x128xf32, #tpu.memory_space<vmem>>, vector<1024x1xf32>
    %add3A = arith.addf %get3A_3, %get3A_6 : vector<1024x1xf32>
    %add3A_7 = arith.constant 1.000000e+00 : f32
    %add3A_8 = vector.broadcast %add3A_7 : f32 to vector<1024x1xf32>
    %add3A_9 = arith.addf %add3A, %add3A_8 : vector<1024x1xf32>
    %rsqrt3A = math.rsqrt %add3A_9 : vector<1024x1xf32>
    %get3A_10 = arith.constant 0 : index
    %get3A_11 = arith.constant 0 : index
    %get3A_12 = vector.load %arg3[%get3A_10, %get3A_11] : memref<1024x128xf32, #tpu.memory_space<vmem>>, vector<1024x128xf32>
    %get3A_13 = arith.constant 0 : index
    %get3A_14 = arith.constant 0 : index
    %get3A_15 = vector.load %arg4[%get3A_13, %get3A_14] : memref<1024x128xf32, #tpu.memory_space<vmem>>, vector<1024x128xf32>
    %add3A_16 = arith.addf %get3A_12, %get3A_15 : vector<1024x128xf32>
    %get3A_17 = arith.constant 0 : index
    %get3A_18 = arith.constant 0 : index
    %get3A_19 = vector.load %arg5[%get3A_17, %get3A_18] : memref<1024x128xf32, #tpu.memory_space<vmem>>, vector<1024x128xf32>
    %add3A_20 = arith.addf %add3A_16, %get3A_19 : vector<1024x128xf32>
    %mul3A = vector.broadcast %rsqrt3A : vector<1024x1xf32> to vector<1024x128xf32>
    %mul3A_21 = arith.mulf %mul3A, %add3A_20 : vector<1024x128xf32>
    %get3A_22 = arith.constant 0 : index
    %get3A_23 = arith.constant 0 : index
    %get3A_24 = vector.load %arg6[%get3A_22, %get3A_23] : memref<1x128xf32, #tpu.memory_space<vmem>>, vector<1x128xf32>
    %add3A_25 = vector.broadcast %get3A_24 : vector<1x128xf32> to vector<1024x128xf32>
    %add3A_26 = arith.addf %mul3A_21, %add3A_25 : vector<1024x128xf32>
    %max3A = arith.constant 0.000000e+00 : f32
    %max3A_27 = vector.broadcast %max3A : f32 to vector<1024x128xf32>
    %max3A_28 = arith.maximumf %add3A_26, %max3A_27 : vector<1024x128xf32>
    %get3A_29 = arith.constant 0 : index
    %get3A_30 = arith.constant 0 : index
    %get3A_31 = arith.constant 0 : index
    %get3A_32 = vector.load %arg7[%get3A_29, %get3A_30, %get3A_31] : memref<1x1x1024xi32, #tpu.memory_space<vmem>>, vector<1x1x1024xi32>
    %get3A_33 = vector.shape_cast %get3A_32 : vector<1x1x1024xi32> to vector<1x1024xi32>
    %iota3A = tpu.iota {dimensions = array<i32: 0>} : vector<64x1024xi32>
    %broadcast_in_dim3A = vector.shape_cast %get3A_33 : vector<1x1024xi32> to vector<1x1024xi32>
    %broadcast_in_dim3A_34 = vector.broadcast %broadcast_in_dim3A : vector<1x1024xi32> to vector<64x1024xi32>
    %eq3A_35 = arith.cmpi eq, %iota3A, %broadcast_in_dim3A_34 : vector<64x1024xi32>
    %convert_element_type3A_36 = arith.extui %eq3A_35 : vector<64x1024xi1> to vector<64x1024xi32>
    %convert_element_type3A_37 = arith.sitofp %convert_element_type3A_36 : vector<64x1024xi32> to vector<64x1024xf32>
    %get3A_38 = arith.constant 0 : index
    %get3A_39 = arith.constant 0 : index
    %get3A_40 = vector.load %arg13[%get3A_38, %get3A_39] : memref<64x128xf32, #tpu.memory_space<vmem>>, vector<64x128xf32>
    %dot_general3A = arith.constant dense<0.000000e+00> : vector<64x128xf32>
    %dot_general3A_41 = tpu.matmul %convert_element_type3A_37, %max3A_28, %dot_general3A {dimension_numbers = #tpu.dot_dimension_numbers<[1], [0], [0], [1], [0, 0, 1, 1], [], []>, transpose_lhs_hint = false} : vector<64x1024xf32>, vector<1024x128xf32>, vector<64x128xf32> -> vector<64x128xf32>
    %add3A_42 = arith.addf %get3A_40, %dot_general3A_41 : vector<64x128xf32>
    %swap3A = arith.constant 0 : index
    %swap3A_43 = arith.constant 0 : index
    %swap3A_44 = vector.load %arg13[%swap3A, %swap3A_43] : memref<64x128xf32, #tpu.memory_space<vmem>>, vector<64x128xf32>
    tpu.vector_store %arg13[%swap3A, %swap3A_43], %add3A_42 {strides = array<i32>} : memref<64x128xf32, #tpu.memory_space<vmem>>, vector<64x128xf32>,
    %get3A_45 = arith.constant 0 : index
    %get3A_46 = arith.constant 0 : index
    %get3A_47 = vector.load %arg14[%get3A_45, %get3A_46] : memref<64x128xf32, #tpu.memory_space<vmem>>, vector<64x128xf32>
    %reduce_sum3A = arith.constant dense<0.000000e+00> : vector<64xf32>
    %reduce_sum3A_48 = vector.multi_reduction <add>, %convert_element_type3A_37, %reduce_sum3A [1] : vector<64x1024xf32> to vector<64xf32>
    %broadcast_in_dim3A_49 = vector.shape_cast %reduce_sum3A_48 : vector<64xf32> to vector<64x1xf32>
    %broadcast_in_dim3A_50 = vector.shape_cast %broadcast_in_dim3A_49 : vector<64x1xf32> to vector<64x1xf32>
    %broadcast_in_dim3A_51 = vector.broadcast %broadcast_in_dim3A_50 : vector<64x1xf32> to vector<64x128xf32>
    %add3A_52 = arith.addf %get3A_47, %broadcast_in_dim3A_51 : vector<64x128xf32>
    %swap3A_53 = arith.constant 0 : index
    %swap3A_54 = arith.constant 0 : index
    %swap3A_55 = vector.load %arg14[%swap3A_53, %swap3A_54] : memref<64x128xf32, #tpu.memory_space<vmem>>, vector<64x128xf32>
    tpu.vector_store %arg14[%swap3A_53, %swap3A_54], %add3A_52 {strides = array<i32>} : memref<64x128xf32, #tpu.memory_space<vmem>>, vector<64x128xf32>,
    %eq3A_56 = arith.constant 9 : i32
    %eq3A_57 = arith.cmpi eq, %arg0, %eq3A_56 : i32
    %convert_element_type3A_58 = arith.extui %eq3A_57 : i1 to i32
    %cond3A_59 = arith.constant 0 : i32
    %cond3A_60 = arith.cmpi ne, %convert_element_type3A_58, %cond3A_59 : i32
    scf.if %cond3A_60 {
      %get3A_61 = arith.constant 0 : index
      %get3A_62 = arith.constant 0 : index
      %get3A_63 = vector.load %arg13[%get3A_61, %get3A_62] : memref<64x128xf32, #tpu.memory_space<vmem>>, vector<64x128xf32>
      %get3A_64 = arith.constant 0 : index
      %get3A_65 = arith.constant 0 : index
      %get3A_66 = vector.load %arg14[%get3A_64, %get3A_65] : memref<64x128xf32, #tpu.memory_space<vmem>>, vector<64x128xf32>
      %max3A_67 = arith.constant 1.000000e+00 : f32
      %max3A_68 = vector.broadcast %max3A_67 : f32 to vector<64x128xf32>
      %max3A_69 = arith.maximumf %get3A_66, %max3A_68 : vector<64x128xf32>
      %div3A = arith.divf %get3A_63, %max3A_69 : vector<64x128xf32>
      %get3A_70 = arith.constant 0 : index
      %get3A_71 = arith.constant 0 : index
      %get3A_72 = vector.load %arg8[%get3A_70, %get3A_71] : memref<128x128xf32, #tpu.memory_space<vmem>>, vector<128x128xf32>
      %dot_general3A_73 = arith.constant dense<0.000000e+00> : vector<64x128xf32>
      %dot_general3A_74 = tpu.matmul %div3A, %get3A_72, %dot_general3A_73 {dimension_numbers = #tpu.dot_dimension_numbers<[1], [0], [0], [1], [0, 0, 1, 1], [], []>, transpose_lhs_hint = false} : vector<64x128xf32>, vector<128x128xf32>, vector<64x128xf32> -> vector<64x128xf32>
      %get3A_75 = arith.constant 0 : index
      %get3A_76 = arith.constant 0 : index
      %get3A_77 = vector.load %arg9[%get3A_75, %get3A_76] : memref<1x128xf32, #tpu.memory_space<vmem>>, vector<1x128xf32>
      %add3A_78 = vector.broadcast %get3A_77 : vector<1x128xf32> to vector<64x128xf32>
      %add3A_79 = arith.addf %dot_general3A_74, %add3A_78 : vector<64x128xf32>
      %max3A_80 = arith.constant 0.000000e+00 : f32
      %max3A_81 = vector.broadcast %max3A_80 : f32 to vector<64x128xf32>
      %max3A_82 = arith.maximumf %add3A_79, %max3A_81 : vector<64x128xf32>
      %get3A_83 = arith.constant 0 : index
      %get3A_84 = arith.constant 0 : index
      %get3A_85 = vector.load %arg10[%get3A_83, %get3A_84] : memref<128x128xf32, #tpu.memory_space<vmem>>, vector<128x128xf32>
      %dot_general3A_86 = arith.constant dense<0.000000e+00> : vector<64x128xf32>
      %dot_general3A_87 = tpu.matmul %max3A_82, %get3A_85, %dot_general3A_86 {dimension_numbers = #tpu.dot_dimension_numbers<[1], [0], [0], [1], [0, 0, 1, 1], [], []>, transpose_lhs_hint = false} : vector<64x128xf32>, vector<128x128xf32>, vector<64x128xf32> -> vector<64x128xf32>
      %get3A_88 = arith.constant 0 : index
      %get3A_89 = arith.constant 0 : index
      %get3A_90 = vector.load %arg11[%get3A_88, %get3A_89] : memref<1x128xf32, #tpu.memory_space<vmem>>, vector<1x128xf32>
      %add3A_91 = vector.broadcast %get3A_90 : vector<1x128xf32> to vector<64x128xf32>
      %add3A_92 = arith.addf %dot_general3A_87, %add3A_91 : vector<64x128xf32>
      %swap3A_93 = arith.constant 0 : index
      %swap3A_94 = arith.constant 0 : index
      %swap3A_95 = vector.load %arg12[%swap3A_93, %swap3A_94] : memref<64x128xf32, #tpu.memory_space<vmem>>, vector<64x128xf32>
      tpu.vector_store %arg12[%swap3A_93, %swap3A_94], %add3A_92 {strides = array<i32>} : memref<64x128xf32, #tpu.memory_space<vmem>>, vector<64x128xf32>,
    } else {
    }
    return
  }
  func.func @transform_0(%arg0: i32) -> (i32, i32) {
    %c0_i32 = arith.constant 0 : i32
    %c0_i32_0 = arith.constant 0 : i32
    return %arg0, %c0_i32 : i32, i32
  }
  func.func @transform_1(%arg0: i32) -> (i32, i32) {
    %c0_i32 = arith.constant 0 : i32
    %c0_i32_0 = arith.constant 0 : i32
    return %arg0, %c0_i32 : i32, i32
  }
  func.func @transform_2(%arg0: i32) -> (i32, i32) {
    %c0_i32 = arith.constant 0 : i32
    %c0_i32_0 = arith.constant 0 : i32
    return %arg0, %c0_i32 : i32, i32
  }
  func.func @transform_3(%arg0: i32) -> (i32, i32) {
    %c0_i32 = arith.constant 0 : i32
    %c0_i32_0 = arith.constant 0 : i32
    return %arg0, %c0_i32 : i32, i32
  }
  func.func @transform_4(%arg0: i32) -> (i32, i32) {
    %c0_i32 = arith.constant 0 : i32
    %c0_i32_0 = arith.constant 0 : i32
    return %arg0, %c0_i32 : i32, i32
  }
  func.func @transform_5(%arg0: i32) -> (i32, i32) {
    %c0_i32 = arith.constant 0 : i32
    %c0_i32_0 = arith.constant 0 : i32
    %c0_i32_1 = arith.constant 0 : i32
    return %c0_i32, %c0_i32_0 : i32, i32
  }
  func.func @transform_6(%arg0: i32) -> (i32, i32, i32) {
    %c0_i32 = arith.constant 0 : i32
    %c0_i32_0 = arith.constant 0 : i32
    %c0_i32_1 = arith.constant 0 : i32
    return %arg0, %c0_i32, %c0_i32_0 : i32, i32, i32
  }
  func.func @transform_7(%arg0: i32) -> (i32, i32) {
    %c0_i32 = arith.constant 0 : i32
    %c0_i32_0 = arith.constant 0 : i32
    %c0_i32_1 = arith.constant 0 : i32
    return %c0_i32, %c0_i32_0 : i32, i32
  }
  func.func @transform_8(%arg0: i32) -> (i32, i32) {
    %c0_i32 = arith.constant 0 : i32
    %c0_i32_0 = arith.constant 0 : i32
    %c0_i32_1 = arith.constant 0 : i32
    return %c0_i32, %c0_i32_0 : i32, i32
  }
  func.func @transform_9(%arg0: i32) -> (i32, i32) {
    %c0_i32 = arith.constant 0 : i32
    %c0_i32_0 = arith.constant 0 : i32
    %c0_i32_1 = arith.constant 0 : i32
    return %c0_i32, %c0_i32_0 : i32, i32
  }
  func.func @transform_10(%arg0: i32) -> (i32, i32) {
    %c0_i32 = arith.constant 0 : i32
    %c0_i32_0 = arith.constant 0 : i32
    %c0_i32_1 = arith.constant 0 : i32
    return %c0_i32, %c0_i32_0 : i32, i32
  }
  func.func @transform_11(%arg0: i32) -> (i32, i32) {
    %c0_i32 = arith.constant 0 : i32
    %c0_i32_0 = arith.constant 0 : i32
    %c0_i32_1 = arith.constant 0 : i32
    return %c0_i32, %c0_i32_0 : i32, i32
  }
}

</mosaic_0001>

<sc_bundles>
// kernel: kernel.10.cloned.1.call-start
scs
__scs_entry_jumppad:
0x0: {  	(pc) =	sbr.rel $0x88, $3  }
0x1: {  	(tag) =	ssettag $0x0;
	lr =	simm.s32 $0x1  }
0x2: {  	[smem:$0x3F94] =	sst lr;
	_ =	strace $0xD0000000  }
0x3: {  	_ = 	snop  }
0x4: {  	_ = 	snop  }
0x5: {  	_ = 	snop  }
0x6: {  	_ = 	snop  }
0x7: {  	_ = 	snop  }
__scs_overlays_trampoline_lowered:
0x8: {  	[smem:$0x3FA3] =	sst s0  }
0x9: {  	[smem:$0x3FA4] =	sst s1  }
0xa: {  	[smem:$0x3FA5] =	sst s2  }
0xb: {  	[smem:$0x3FA6] =	sst s3  }
0xc: {  	[smem:$0x3FA7] =	sst s4  }
0xd: {  	[smem:$0x3FA8] =	sst s5  }
0xe: {  	[smem:$0x3FA9] =	sst s6  }
0xf: {  	[smem:$0x3FAA] =	sst s7  }
0x10: {  	[smem:$0x3FAB] =	sst s8  }
0x11: {  	[smem:$0x3FAC] =	sst s9;
	s0 =	simm.s32 @!p0 $0x0  }
0x12: {  	s1 =	sld [smem:$0x3F92];
	s0 =	simm.s32 @p0 $0x1  }
0x13: {  	[smem:$0x3FAD] =	sst s0;
	s0 =	simm.s32 @!p1 $0x0  }
0x14: {  	s2 =	sld [smem:$0x3F91];
	s0 =	simm.s32 @p1 $0x1  }
0x15: {  	[smem:$0x3FAE] =	sst s0;
	s0 =	simm.s32 @!p2 $0x0  }
0x16: {  	s3 =	sld [smem:$0x3FDB];
	s0 =	simm.s32 @p2 $0x1  }
0x17: {  	s4 =	simm.s32 $0x1BF5;
	[smem:$0x3FB0] =	sst s0  }
0x18: {  	s0 =	sld [smem:$0x3F93];
	_ =	swait.ge [sflag:s4], $0x0  }
0x19: {  	s7 =	sld [smem:$0x3F94]  }
0x1a: {  	s8 =	sadd.s32 $0xFFFFE003, lr  }
0x1b: {  	s9 =	sadd.s32 $0xFFFFFEF7, lr;
	s5 =	simm.s32 $0xFFFFFFFF;
	p2 =	slt.u32 s8, $0xFFFFF086  }
0x1c: {  	p1 =	slt.u32 s9, $0xF7A;
	s5 =	simm.s32 @!p2 $0x0  }
0x1d: {  	s5 =	simm.s32 @p1 $0x1;
	p0 =	seq.s32 s7, s2  }
0x1e: {  	s7 =	smul.u32 @!p0 $0xF7A, s2;
	p2 =	seq.s32 @!p0 s5, $0x0  }
0x1f: {  	s9 =	smul.u32 $0xF7A, s1;
	s8 =	simm.s32 @!p0 $0x1BF5;
	p2 =	por !p2, p0  }
0x20: {  	[sflag:s8] =	ssyncset.s32 @!p0 $0xFFFFF086;
	s6 =	sadd.s32 @!p0 s3, s7;
	s7 =	simm.s32 @!p0 $0x108  }
0x21: {  	s3 =	sadd.s32 s3, s9;
	s6 =	sadd.s32 @!p0 $0x88, s6;
	s7 =	simm.s32 @p2 $0x1082  }
0x22: {  	[simem:s7], [sflag:s8] =	dma.local @!p0 [hbm:s6], $0xF7A  }
0x23: {  	s9 =	sor.u32 $0xD0000000, s2;
	s6 =	simm.s32 $0x108;
	_ =	swait.ge @!p0 [sflag:s8], $0x0  }
0x24: {  	s3 =	sadd.s32 $0x88, s3;
	s6 =	simm.s32 @!p1 $0x1082;
	[sflag:s4] =	ssyncset.s32 $0xFFFFF086  }
0x25: {  	[simem:s6], [sflag:s4] =	dma.local [hbm:s3], $0xF7A  }
0x26: {  	[smem:$0x3F94] =	sst s1;
	(tag) =	ssettag s2;
	_ =	strace s9  }
0x27: {  	s1 =	sld [smem:$0x3FA4]  }
0x28: {  	s2 =	sld [smem:$0x3FA5]  }
0x29: {  	s4 =	sld [smem:$0x3FA7]  }
0x2a: {  	p0 =	seq.s32 s5, $0x0;
	s5 =	sld [smem:$0x3FA8]  }
0x2b: {  	s6 =	sld [smem:$0x3FA9]  }
0x2c: {  	s7 =	sld [smem:$0x3FAA]  }
0x2d: {  	s3 =	simm.s32 $0x108;
	s8 =	sld [smem:$0x3FAB]  }
0x2e: {  	s3 =	simm.s32 @!p0 $0x1082;
	s9 =	sld [smem:$0x3FAC]  }
0x2f: {  	lr =	sadd.s32 s0, s3;
	s0 =	sld [smem:$0x3FA3]  }
0x30: {  	s3 =	sld [smem:$0x3FA6]  }
0x31: {  	[smem:$0x3FAF] =	sst s10  }
0x32: {  	s10 =	sld [smem:$0x3FAD];
	_ =	sdelay $0x3  }
0x33: {  	p0 =	seq.s32 s10, $0x1;
	s10 =	sld [smem:$0x3FAF];
	_ =	sdelay $0x3  }
0x34: {  	[smem:$0x3FAF] =	sst s10  }
0x35: {  	s10 =	sld [smem:$0x3FAE];
	_ =	sdelay $0x3  }
0x36: {  	p1 =	seq.s32 s10, $0x1;
	s10 =	sld [smem:$0x3FAF];
	_ =	sdelay $0x3  }
0x37: {  	[smem:$0x3FAF] =	sst s10  }
0x38: {  	s10 =	sld [smem:$0x3FB0]  }
0x39: {  	_ = 	snop;
	(pc) =	sbr.ind lr, $3  }
0x3a: {  	_ = 	snop  }
0x3b: {  	_ = 	snop  }
0x3c: {  	p2 =	seq.s32 s10, $0x1;
	s10 =	sld [smem:$0x3FAF]  }
0x3d: {  	_ =	shalt  }
0x3e: {  	_ =	shalt  }
0x3f: {  	_ =	shalt  }
0x40: {  	_ =	shalt  }
0x41: {  	_ =	shalt  }
0x42: {  	_ =	shalt  }
0x43: {  	_ =	shalt  }
0x44: {  	_ =	shalt  }
0x45: {  	_ =	shalt  }
0x46: {  	_ =	shalt  }
0x47: {  	_ =	shalt  }
0x48: {  	_ =	shalt  }
0x49: {  	_ =	shalt  }
0x4a: {  	_ =	shalt  }
0x4b: {  	_ =	shalt  }
0x4c: {  	_ =	shalt  }
0x4d: {  	_ =	shalt  }
0x4e: {  	_ =	shalt  }
0x4f: {  	_ =	shalt  }
0x50: {  	_ =	shalt  }
0x51: {  	_ =	shalt  }
0x52: {  	_ =	shalt  }
0x53: {  	_ =	shalt  }
0x54: {  	_ =	shalt  }
0x55: {  	_ =	shalt  }
0x56: {  	_ =	shalt  }
0x57: {  	_ =	shalt  }
0x58: {  	_ =	shalt  }
0x59: {  	_ =	shalt  }
0x5a: {  	_ =	shalt  }
0x5b: {  	_ =	shalt  }
0x5c: {  	_ =	shalt  }
0x5d: {  	_ =	shalt  }
0x5e: {  	_ =	shalt  }
0x5f: {  	_ =	shalt  }
0x60: {  	_ =	shalt  }
0x61: {  	_ =	shalt  }
0x62: {  	_ =	shalt  }
0x63: {  	_ =	shalt  }
0x64: {  	_ =	shalt  }
0x65: {  	_ =	shalt  }
0x66: {  	_ =	shalt  }
0x67: {  	_ =	shalt  }
0x68: {  	_ =	shalt  }
0x69: {  	_ =	shalt  }
0x6a: {  	_ =	shalt  }
0x6b: {  	_ =	shalt  }
0x6c: {  	_ =	shalt  }
0x6d: {  	_ =	shalt  }
0x6e: {  	_ =	shalt  }
0x6f: {  	_ =	shalt  }
0x70: {  	_ =	shalt  }
0x71: {  	_ =	shalt  }
0x72: {  	_ =	shalt  }
0x73: {  	_ =	shalt  }
0x74: {  	_ =	shalt  }
0x75: {  	_ =	shalt  }
0x76: {  	_ =	shalt  }
0x77: {  	_ =	shalt  }
0x78: {  	_ =	shalt  }
0x79: {  	_ =	shalt  }
0x7a: {  	_ =	shalt  }
0x7b: {  	_ =	shalt  }
0x7c: {  	_ =	shalt  }
0x7d: {  	_ =	shalt  }
0x7e: {  	_ =	shalt  }
0x7f: {  	_ =	shalt  }
0x80: {  	_ =	shalt  }
0x81: {  	_ =	shalt  }
0x82: {  	_ =	shalt  }
0x83: {  	_ =	shalt  }
0x84: {  	_ =	shalt  }
0x85: {  	_ =	shalt  }
0x86: {  	_ =	shalt  }
0x87: {  	_ =	shalt  }
.Lfunc_end0:
.L_simem_size_0:
called_computation_lowered:
.L_overlay_start_0:
0x88: {  	s2 =	sld [smem:$0x3FD9]  }
0x89: {  	s3 =	sld [smem:$0x3FFE];
	_ =	sdelay $0x1  }
0x8a: {  	s1 =	srdreg.scid  }
0x8b: {  	s0 =	sand.u32 $0x1, s1  }
0x8c: {  	s16 =	sshll.u32 s0, $0xA;
	s2 =	sadd.s32 s3, s2  }
0x8d: {  	s2 =	sadd.s32 s2, s16  }
0x8e: {  	[smem:$0x3FBB] =	sst s2  }
0x8f: {  	_ = 	snop  }
0x90: {  	(tm) =	ssettm $0x1  }
0x91: {  	s17 =	sld [smem:$0x3FFB];
	_ =	sdelay $0x3  }
0x92: {  	_ =	strace s17  }
0x93: {  	s2 =	sld [smem:$0x3FFC];
	_ =	sdelay $0x3  }
0x94: {  	_ =	strace s2  }
0x95: {  	s2 =	sld [smem:$0x3FFD];
	_ =	sdelay $0x3  }
0x96: {  	_ =	strace s2  }
0x97: {  	_ =	strace $0x8FFFFFFF  }
0x98: {  	s18 =	sld [smem:$0x3FDB];
	_ =	sdelay $0x1  }
0x99: {  	s19 =	simm.s32 $_scs_section_size  }
0x9a: {  	s4 =	simm.s32 $_size__tile_overlayer_lowered;
	s5 =	simm.s32 $_tile_overlayer_lowered  }
0x9b: {  	s22 =	simm.s32 $0x1BFF;
	s21 =	sshll.u32 s5, $0x1;
	s2 =	sadd.s32 s19, s18  }
0x9c: {  	s6 =	simm.s32 $0x0;
	s20 =	sshll.u32 s4, $0x1;
	s4 =	sadd.s32 s21, s2  }
0x9d: {  	[timem:s6], [sflag:s22] =	dma.local [hbm:s4], s20  }
0x9e: {  	_ =	swait.ge [sflag:s22], s20  }
0x9f: {  	s3 =	ssub.s32 $0x0, s20;
	[sflag:s22] =	ssyncset.done $0x0  }
0xa0: {  	[sflag:s22] =	ssyncadd.s32 s3;
	_ =	sdelay $0x1  }
0xa1: {  	s23 =	simm.s32 $0x1B8B  }
0xa2: {  	_ =	swait.ge [sflag:s23], $0x1  }
0xa3: {  	[sflag:s23] =	ssyncset.done $0x0  }
0xa4: {  	s25 =	simm.s32 $0x1B8E;
	s24 =	sld [smem:$0x3FFE];
	[sflag:s23] =	ssyncadd.s32 $0xFFFFFFFF  }
0xa5: {  	s26 =	simm.s32 $execute0_lowered;
	[smem:$0x3FD2] =	sst s25  }
0xa6: {  	s4 =	sshll.u32 s26, $0x1;
	_ =	strace $0x80000046;
	[dreg:$0x1] =	wrdreg $0xFFFFFFFF  }
0xa7: {  	s28 =	simm.s32 $_size_execute0_lowered;
	s2 =	sadd.s32 s2, s4;
	[dreg:$0x0] =	wrdreg $0x0  }
0xa8: {  	s4 =	sshll.u32 s28, $0x1;
	[dreg:$0x2] =	wrdreg s2  }
0xa9: {  	[dreg:$0x3] =	wrdreg s4  }
0xaa: {  	[dreg:$0x4] =	wrdreg $0xC0  }
0xab: {  	_ =	task [dreg:s6], $0x5FFFF  }
0xac: {  	[dreg:$0x1] =	wrdreg $0xFFFFFFFF  }
0xad: {  	[dreg:$0x0] =	wrdreg $0x60  }
0xae: {  	[dreg:$0x2] =	wrdreg s24  }
0xaf: {  	[dreg:$0x3] =	wrdreg $0x68000  }
0xb0: {  	[dreg:$0x4] =	wrdreg $0x9  }
0xb1: {  	_ =	task.clear_ibuf [dreg:s6], $0x5FFFF;
	_ =	strace $0x90000046  }
0xb2: {  	s29 =	simm.s32 $0x9;
	_ =	strace $0x80000048  }
0xb3: {  	_ =	swait.ge [sflag:s29], $0x1  }
0xb4: {  	[sflag:s29] =	ssyncadd.s32 $0xFFFFFFFF  }
0xb5: {  	_ =	strace $0x90000048  }
0xb6: {  	_ =	sfence  }
0xb7: {  	s30 =	sld [smem:$0x0];
	_ =	sdelay $0x2  }
0xb8: {  	s31 =	sshll.u32 s1, $0xD;
	s1 =	sshrl.u32 s1, $0x2  }
0xb9: {  	s3 =	sand.u32 $0x4000, s31;
	s1 =	sadd.s32 s1, s30  }
0xba: {  	s0 =	sor.u32 s3, s0;
	s1 =	sshll.u32 s1, $0x11  }
0xbb: {  	s0 =	sor.u32 s1, s0  }
0xbc: {  	s0 =	sadd.s32 $0x8F2B, s0  }
0xbd: {  	[sflag:s0] =	ssyncadd.remote.s32 $0x1  }
0xbe: {  	_ =	sfence.sel $0xFFFF  }
0xbf: {  	[dreg:$0x0] =	wrdreg $0xFFFFFFFF;
	(pc) =	sbr.abs _section_cstart, $3  }
0xc0: {  	[dreg:$0x1] =	wrdreg $0xFFFFFFFF  }
0xc1: {  	_ =	task.clear_ibuf [dreg:s6], $0x2FFFF;
	_ =	strace $0x9FFFFFFF  }
0xc2: {  	(tm) =	ssettm $0x7FFFFFFF  }
0xc3: {  	_ =	shalt  }
tec
execute0_lowered:
.L_overlay_start_1:
0x0: {  	(tag) =	ssettag $0x1  }
0x1: {  	s6 =	rddreg [dreg:$0x0]  }
0x2: {  	s2 =	rddreg [dreg:$0x1]  }
0x3: {  	s0 =	rddreg [dreg:$0x2];
	s3 =	simm.s32 $0x0;
	s4 =	srdreg.scid  }
0x4: {  	s1 =	stileid.u32;
	s24 =	simm.s32 $0x4000;
	s25 =	simm.s32 $0x1  }
0x5: {  	s26 =	simm.s32 $0x50;
	s28 =	simm.s32 $0x0;
	[smem:$0x7FF] =	sst s3  }
0x6: {  	s7 =	sand.u32 $0x1, s4;
	s8 =	smul.u32 $0x280, s1;
	s4 =	sadd.s32 $0x23400, s6  }
0x7: {  	s10 =	smul.u32 $0x50000, s1;
	s14 =	sshll.u32 s1, $0xC;
	_ =	strace $0x80000047  }
0x8: {  	s9 =	smul.u32 $0x2800, s7;
	s5 =	sshll.u32 s7, $0xB;
	s7 =	ssub.s32 $0x2, s7  }
0x9: {  	s13 =	sadd.s32 s5, s6;
	s5 =	sadd.s32 $0x23A00, s6;
	s30 =	sshrl.u32 s10, $0x2  }
0xa: {  	s31 =	sshrl.u32 s7, $0x1;
	s8 =	sadd.s32 s8, s9;
	s14 =	sadd.s32 s14, s13  }
0xb: {  	s23 =	ssub.s32 s7, s31;
	s8 =	sshll.u32 s8, $0x4;
	s14 =	sadd.s32 $0x13400, s14  }
0xc: {  	s23 =	smax.u32 s23, $0x1;
	s22 =	sadd.s32 s8, s6;
	s6 =	sadd.s32 s30, s2  }
0xd: {  	s7 =	sadd.s32 $0x2800, s6;
	s8 =	sadd.s32 $0x5000, s6;
	s9 =	sadd.s32 $0x7800, s6  }
0xe: {  	s10 =	sadd.s32 $0xA000, s6;
	s11 =	sadd.s32 $0xC800, s6;
	s12 =	sadd.s32 $0xF000, s6  }
0xf: {  	s13 =	sadd.s32 $0x11800, s6;
	s15 =	sadd.s32 $0x24000, s22;
	s16 =	sadd.s32 $0x24500, s22  }
0x10: {  	s17 =	sadd.s32 $0x24A00, s22;
	s18 =	sadd.s32 $0x24F00, s22;
	s19 =	sadd.s32 $0x25400, s22  }
0x11: {  	s20 =	sadd.s32 $0x25900, s22;
	s21 =	sadd.s32 $0x25E00, s22;
	s22 =	sadd.s32 $0x26300, s22  }
.LBB2_1:
0x12: {  	[tilespmem:s24], [sflag:$0x1] =	stream.linear.gather [hbm4b:s4+s3], $0x2800, $0x38;
	[tilespmem:$0x1A800] =	vst v63  }
0x13: {  	_ =	swait.ge [sflag:s25], $0x2800  }
0x14: {  	[sflag:s25] =	ssyncset.done $0x0  }
0x15: {  	[sflag:s25] =	ssyncadd.s32 $0xFFFFD800  }
0x16: {  	[spmem:s6] =	stream.linear.scatter [tilespmem:s24], [sflag:$0x1], $0x2800, $0x38;
	[tilespmem:$0x1A800] =	vst v63  }
0x17: {  	_ =	swait.ge [sflag:s25], $0x2800  }
0x18: {  	[sflag:s25] =	ssyncset.done $0x0  }
0x19: {  	[sflag:s25] =	ssyncadd.s32 $0xFFFFD800  }
0x1a: {  	[spmem:s7] =	stream.linear.scatter [tilespmem:s24], [sflag:$0x1], $0x2800, $0x38;
	[tilespmem:$0x1A800] =	vst v63  }
0x1b: {  	_ =	swait.ge [sflag:s25], $0x2800  }
0x1c: {  	[sflag:s25] =	ssyncset.done $0x0  }
0x1d: {  	[sflag:s25] =	ssyncadd.s32 $0xFFFFD800  }
0x1e: {  	[spmem:s8] =	stream.linear.scatter [tilespmem:s24], [sflag:$0x1], $0x2800, $0x38;
	[tilespmem:$0x1A800] =	vst v63  }
0x1f: {  	_ =	swait.ge [sflag:s25], $0x2800  }
0x20: {  	[sflag:s25] =	ssyncset.done $0x0  }
0x21: {  	[sflag:s25] =	ssyncadd.s32 $0xFFFFD800  }
0x22: {  	[spmem:s9] =	stream.linear.scatter [tilespmem:s24], [sflag:$0x1], $0x2800, $0x38;
	[tilespmem:$0x1A800] =	vst v63  }
0x23: {  	_ =	swait.ge [sflag:s25], $0x2800  }
0x24: {  	[sflag:s25] =	ssyncset.done $0x0  }
0x25: {  	[sflag:s25] =	ssyncadd.s32 $0xFFFFD800  }
0x26: {  	[spmem:s10] =	stream.linear.scatter [tilespmem:s24], [sflag:$0x1], $0x2800, $0x38;
	[tilespmem:$0x1A800] =	vst v63  }
0x27: {  	_ =	swait.ge [sflag:s25], $0x2800  }
0x28: {  	[sflag:s25] =	ssyncset.done $0x0  }
0x29: {  	[sflag:s25] =	ssyncadd.s32 $0xFFFFD800  }
0x2a: {  	[spmem:s11] =	stream.linear.scatter [tilespmem:s24], [sflag:$0x1], $0x2800, $0x38;
	[tilespmem:$0x1A800] =	vst v63  }
0x2b: {  	_ =	swait.ge [sflag:s25], $0x2800  }
0x2c: {  	[sflag:s25] =	ssyncset.done $0x0  }
0x2d: {  	[sflag:s25] =	ssyncadd.s32 $0xFFFFD800  }
0x2e: {  	[spmem:s12] =	stream.linear.scatter [tilespmem:s24], [sflag:$0x1], $0x2800, $0x38;
	[tilespmem:$0x1A800] =	vst v63  }
0x2f: {  	_ =	swait.ge [sflag:s25], $0x2800  }
0x30: {  	[sflag:s25] =	ssyncset.done $0x0  }
0x31: {  	[sflag:s25] =	ssyncadd.s32 $0xFFFFD800  }
0x32: {  	[spmem:s13] =	stream.linear.scatter [tilespmem:s24], [sflag:$0x1], $0x2800, $0x38;
	[tilespmem:$0x1A800] =	vst v63  }
0x33: {  	_ =	swait.ge [sflag:s25], $0x2800  }
0x34: {  	[sflag:s25] =	ssyncset.done $0x0  }
0x35: {  	[sflag:s25] =	ssyncadd.s32 $0xFFFFD800  }
0x36: {  	[tilespmem:s3], [sflag:$0x1] =	stream.linear.gather [hbm4b:s14+s3], $0x3E80, $0x38;
	[tilespmem:$0x1A800] =	vst v63  }
0x37: {  	_ =	swait.ge [sflag:s25], $0x3E80  }
0x38: {  	[sflag:s25] =	ssyncset.done $0x0  }
0x39: {  	[sflag:s25] =	ssyncadd.s32 $0xFFFFC180  }
0x3a: {  	[tilespmem:s24], [sflag:$0x1] =	stream.linear.gather [hbm4b:s5+s3], $0x2800, $0x38;
	[tilespmem:$0x1A800] =	vst v63  }
0x3b: {  	_ =	swait.ge [sflag:s25], $0x2800  }
0x3c: {  	[sflag:s25] =	ssyncset.done $0x0  }
0x3d: {  	[sflag:s25] =	ssyncadd.s32 $0xFFFFD800  }
0x3e: {  	s29 =	simm.s32 $0x0;
	[bflag:$0x0] =	sbarrier.arrive $0xFFFF  }
0x3f: {  	[spmem:s2] =	stream.indirect.scatter.add.f32 [tilespmem:s24], [sflag:$0x1], $0x80, s29, s26, $0xb8;
	[tilespmem:$0x1A800] =	vst v63  }
0x40: {  	_ =	swait.ge [sflag:s25], $0x2800  }
0x41: {  	s29 =	simm.s32 $0x200;
	[sflag:s25] =	ssyncset.done $0x0  }
.LBB2_2:
0x42: {  	s30 =	sshra.s32 s29, $0x2;
	[sflag:s25] =	ssyncadd.s32 $0xFFFFD800;
	p0 =	sne.s32 s29, $0xF800  }
0x43: {  	[spmem:s2] =	stream.indirect.scatter.add.f32 [tilespmem:s24], [sflag:$0x1], $0x80, s30, s26, $0xb8;
	[tilespmem:$0x1A800] =	vst v63  }
.Ltmp0:
0x44: {  	_ = 	snop;
	(pc) =	sbr.rel @p0 .LBB2_2-.Ltmp0, $4  }
0x45: {  	_ = 	snop  }
0x46: {  	s29 =	sadd.s32 $0x200, s29  }
0x47: {  	_ =	swait.ge [sflag:s25], $0x2800  }
0x48: {  	[sflag:s25] =	ssyncset.done $0x0  }
0x49: {  	[sflag:s25] =	ssyncadd.s32 $0xFFFFD800  }
0x4a: {  	[bflag:$0x0] =	sbarrier.arrive $0xFFFF  }
0x4b: {  	[tilespmem:s24], [sflag:$0x1] =	stream.linear.gather [spmem:s6], $0x2800, $0x38;
	[tilespmem:$0x1A800] =	vst v63  }
0x4c: {  	_ =	swait.ge [sflag:s25], $0x2800  }
0x4d: {  	[sflag:s25] =	ssyncset.done $0x0  }
0x4e: {  	[sflag:s25] =	ssyncadd.s32 $0xFFFFD800  }
0x4f: {  	[hbm4b:s15+s3] =	stream.linear.scatter [tilespmem:s24], [sflag:$0x1], $0x2800, $0x38;
	[tilespmem:$0x1A800] =	vst v63  }
0x50: {  	_ =	swait.ge [sflag:s25], $0x2800  }
0x51: {  	[sflag:s25] =	ssyncset.done $0x0  }
0x52: {  	[sflag:s25] =	ssyncadd.s32 $0xFFFFD800  }
0x53: {  	[tilespmem:s24], [sflag:$0x1] =	stream.linear.gather [spmem:s7], $0x2800, $0x38;
	[tilespmem:$0x1A800] =	vst v63  }
0x54: {  	_ =	swait.ge [sflag:s25], $0x2800  }
0x55: {  	[sflag:s25] =	ssyncset.done $0x0  }
0x56: {  	[sflag:s25] =	ssyncadd.s32 $0xFFFFD800  }
0x57: {  	[hbm4b:s16+s3] =	stream.linear.scatter [tilespmem:s24], [sflag:$0x1], $0x2800, $0x38;
	[tilespmem:$0x1A800] =	vst v63  }
0x58: {  	_ =	swait.ge [sflag:s25], $0x2800  }
0x59: {  	[sflag:s25] =	ssyncset.done $0x0  }
0x5a: {  	[sflag:s25] =	ssyncadd.s32 $0xFFFFD800  }
0x5b: {  	[tilespmem:s24], [sflag:$0x1] =	stream.linear.gather [spmem:s8], $0x2800, $0x38;
	[tilespmem:$0x1A800] =	vst v63  }
0x5c: {  	_ =	swait.ge [sflag:s25], $0x2800  }
0x5d: {  	[sflag:s25] =	ssyncset.done $0x0  }
0x5e: {  	[sflag:s25] =	ssyncadd.s32 $0xFFFFD800  }
0x5f: {  	[hbm4b:s17+s3] =	stream.linear.scatter [tilespmem:s24], [sflag:$0x1], $0x2800, $0x38;
	[tilespmem:$0x1A800] =	vst v63  }
0x60: {  	_ =	swait.ge [sflag:s25], $0x2800  }
0x61: {  	[sflag:s25] =	ssyncset.done $0x0  }
0x62: {  	[sflag:s25] =	ssyncadd.s32 $0xFFFFD800  }
0x63: {  	[tilespmem:s24], [sflag:$0x1] =	stream.linear.gather [spmem:s9], $0x2800, $0x38;
	[tilespmem:$0x1A800] =	vst v63  }
0x64: {  	_ =	swait.ge [sflag:s25], $0x2800  }
0x65: {  	[sflag:s25] =	ssyncset.done $0x0  }
0x66: {  	[sflag:s25] =	ssyncadd.s32 $0xFFFFD800  }
0x67: {  	[hbm4b:s18+s3] =	stream.linear.scatter [tilespmem:s24], [sflag:$0x1], $0x2800, $0x38;
	[tilespmem:$0x1A800] =	vst v63  }
0x68: {  	_ =	swait.ge [sflag:s25], $0x2800  }
0x69: {  	[sflag:s25] =	ssyncset.done $0x0  }
0x6a: {  	[sflag:s25] =	ssyncadd.s32 $0xFFFFD800  }
0x6b: {  	[tilespmem:s24], [sflag:$0x1] =	stream.linear.gather [spmem:s10], $0x2800, $0x38;
	[tilespmem:$0x1A800] =	vst v63  }
0x6c: {  	_ =	swait.ge [sflag:s25], $0x2800  }
0x6d: {  	[sflag:s25] =	ssyncset.done $0x0  }
0x6e: {  	[sflag:s25] =	ssyncadd.s32 $0xFFFFD800  }
0x6f: {  	[hbm4b:s19+s3] =	stream.linear.scatter [tilespmem:s24], [sflag:$0x1], $0x2800, $0x38;
	[tilespmem:$0x1A800] =	vst v63  }
0x70: {  	_ =	swait.ge [sflag:s25], $0x2800  }
0x71: {  	[sflag:s25] =	ssyncset.done $0x0  }
0x72: {  	[sflag:s25] =	ssyncadd.s32 $0xFFFFD800  }
0x73: {  	[tilespmem:s24], [sflag:$0x1] =	stream.linear.gather [spmem:s11], $0x2800, $0x38;
	[tilespmem:$0x1A800] =	vst v63  }
0x74: {  	_ =	swait.ge [sflag:s25], $0x2800  }
0x75: {  	[sflag:s25] =	ssyncset.done $0x0  }
0x76: {  	[sflag:s25] =	ssyncadd.s32 $0xFFFFD800  }
0x77: {  	[hbm4b:s20+s3] =	stream.linear.scatter [tilespmem:s24], [sflag:$0x1], $0x2800, $0x38;
	[tilespmem:$0x1A800] =	vst v63  }
0x78: {  	_ =	swait.ge [sflag:s25], $0x2800  }
0x79: {  	[sflag:s25] =	ssyncset.done $0x0  }
0x7a: {  	[sflag:s25] =	ssyncadd.s32 $0xFFFFD800  }
0x7b: {  	[tilespmem:s24], [sflag:$0x1] =	stream.linear.gather [spmem:s12], $0x2800, $0x38;
	[tilespmem:$0x1A800] =	vst v63  }
0x7c: {  	_ =	swait.ge [sflag:s25], $0x2800  }
0x7d: {  	[sflag:s25] =	ssyncset.done $0x0  }
0x7e: {  	[sflag:s25] =	ssyncadd.s32 $0xFFFFD800  }
0x7f: {  	[hbm4b:s21+s3] =	stream.linear.scatter [tilespmem:s24], [sflag:$0x1], $0x2800, $0x38;
	[tilespmem:$0x1A800] =	vst v63  }
0x80: {  	_ =	swait.ge [sflag:s25], $0x2800  }
0x81: {  	[sflag:s25] =	ssyncset.done $0x0  }
0x82: {  	[sflag:s25] =	ssyncadd.s32 $0xFFFFD800  }
0x83: {  	[tilespmem:s24], [sflag:$0x1] =	stream.linear.gather [spmem:s13], $0x2800, $0x38;
	[tilespmem:$0x1A800] =	vst v63  }
0x84: {  	s28 =	sadd.s32 $0x1, s28;
	_ =	swait.ge [sflag:s25], $0x2800  }
0x85: {  	p0 =	sne.s32 s28, s23;
	[sflag:s25] =	ssyncset.done $0x0  }
.Ltmp1:
0x86: {  	[sflag:s25] =	ssyncadd.s32 $0xFFFFD800;
	(pc) =	sbr.rel @p0 .LBB2_1-.Ltmp1, $4  }
0x87: {  	[hbm4b:s22+s3] =	stream.linear.scatter [tilespmem:s24], [sflag:$0x1], $0x2800, $0x38;
	[tilespmem:$0x1A800] =	vst v63  }
0x88: {  	_ =	swait.ge [sflag:s25], $0x2800  }
0x89: {  	[sflag:s25] =	ssyncset.done $0x0  }
0x8a: {  	[sflag:s25] =	ssyncadd.s32 $0xFFFFD800  }
0x8b: {  	_ =	sfence.sel $0x180000  }
0x8c: {  	[bflag:$0x0] =	sbarrier.arrive $0xFFFF  }
0x8d: {  	p0 =	sne.s32 s1, $0x0;
	_ =	strace $0x90000047  }
0x8e: {  	s0 =	sadd.s32 @!p0 $0x100000, s0;
	[bflag:$0x2] =	sbarrier.arrive $0xFFFF  }
0x8f: {  	[sflag:s0] =	ssyncadd.tile.s32 @!p0 $0x1;
	_ =	shalt  }
.Lfunc_end2:
_tile_overlayer_lowered:
.L_overlay_start_2:
0x90: {  	(tag) =	ssettag $0x2  }
0x91: {  	s0 =	rddreg [dreg:$0x0];
	s2 =	stileid.u32  }
0x92: {  	s1 =	rddreg [dreg:$0x1];
	p0 =	sne.s32 s2, $0x0  }
0x93: {  	s3 =	rddreg [dreg:$0x2];
	[bflag:$0x3] =	sbarrier.arrive $0xFFFF;
	s2 =	simm.s32 @!p0 $0x1C01  }
0x94: {  	[timem:s3], [sflag:s2] =	dma.local @!p0 [hbm:s0], s1  }
0x95: {  	s0 =	simm.s32 @!p0 $0x1  }
0x96: {  	_ =	swait.ge @!p0 [sflag:s0], s1  }
0x97: {  	s1 =	ssub.s32 @!p0 $0x0, s1;
	[sflag:s0] =	ssyncset.done @!p0 $0x0  }
0x98: {  	[sflag:s0] =	ssyncadd.s32 @!p0 s1  }
0x99: {  	[bflag:$0x3] =	sbarrier.arrive $0xFFFF  }
0x9a: {  	_ =	shalt  }

// kernel: kernel.13.cloned.1.call-start
scs
__scs_entry_jumppad:
0x0: {  	(pc) =	sbr.rel $0x88, $3  }
0x1: {  	(tag) =	ssettag $0x0;
	lr =	simm.s32 $0x1  }
0x2: {  	[smem:$0x3F94] =	sst lr;
	_ =	strace $0xD0000000  }
0x3: {  	_ = 	snop  }
0x4: {  	_ = 	snop  }
0x5: {  	_ = 	snop  }
0x6: {  	_ = 	snop  }
0x7: {  	_ = 	snop  }
__scs_overlays_trampoline_lowered:
0x8: {  	[smem:$0x3FA3] =	sst s0  }
0x9: {  	[smem:$0x3FA4] =	sst s1  }
0xa: {  	[smem:$0x3FA5] =	sst s2  }
0xb: {  	[smem:$0x3FA6] =	sst s3  }
0xc: {  	[smem:$0x3FA7] =	sst s4  }
0xd: {  	[smem:$0x3FA8] =	sst s5  }
0xe: {  	[smem:$0x3FA9] =	sst s6  }
0xf: {  	[smem:$0x3FAA] =	sst s7  }
0x10: {  	[smem:$0x3FAB] =	sst s8  }
0x11: {  	[smem:$0x3FAC] =	sst s9;
	s0 =	simm.s32 @!p0 $0x0  }
0x12: {  	s1 =	sld [smem:$0x3F92];
	s0 =	simm.s32 @p0 $0x1  }
0x13: {  	[smem:$0x3FAD] =	sst s0;
	s0 =	simm.s32 @!p1 $0x0  }
0x14: {  	s2 =	sld [smem:$0x3F91];
	s0 =	simm.s32 @p1 $0x1  }
0x15: {  	[smem:$0x3FAE] =	sst s0;
	s0 =	simm.s32 @!p2 $0x0  }
0x16: {  	s3 =	sld [smem:$0x3FDB];
	s0 =	simm.s32 @p2 $0x1  }
0x17: {  	s4 =	simm.s32 $0x1BF5;
	[smem:$0x3FB0] =	sst s0  }
0x18: {  	s0 =	sld [smem:$0x3F93];
	_ =	swait.ge [sflag:s4], $0x0  }
0x19: {  	s7 =	sld [smem:$0x3F94]  }
0x1a: {  	s8 =	sadd.s32 $0xFFFFE003, lr  }
0x1b: {  	s9 =	sadd.s32 $0xFFFFFEF7, lr;
	s5 =	simm.s32 $0xFFFFFFFF;
	p2 =	slt.u32 s8, $0xFFFFF086  }
0x1c: {  	p1 =	slt.u32 s9, $0xF7A;
	s5 =	simm.s32 @!p2 $0x0  }
0x1d: {  	s5 =	simm.s32 @p1 $0x1;
	p0 =	seq.s32 s7, s2  }
0x1e: {  	s7 =	smul.u32 @!p0 $0xF7A, s2;
	p2 =	seq.s32 @!p0 s5, $0x0  }
0x1f: {  	s9 =	smul.u32 $0xF7A, s1;
	s8 =	simm.s32 @!p0 $0x1BF5;
	p2 =	por !p2, p0  }
0x20: {  	[sflag:s8] =	ssyncset.s32 @!p0 $0xFFFFF086;
	s6 =	sadd.s32 @!p0 s3, s7;
	s7 =	simm.s32 @!p0 $0x108  }
0x21: {  	s3 =	sadd.s32 s3, s9;
	s6 =	sadd.s32 @!p0 $0x88, s6;
	s7 =	simm.s32 @p2 $0x1082  }
0x22: {  	[simem:s7], [sflag:s8] =	dma.local @!p0 [hbm:s6], $0xF7A  }
0x23: {  	s9 =	sor.u32 $0xD0000000, s2;
	s6 =	simm.s32 $0x108;
	_ =	swait.ge @!p0 [sflag:s8], $0x0  }
0x24: {  	s3 =	sadd.s32 $0x88, s3;
	s6 =	simm.s32 @!p1 $0x1082;
	[sflag:s4] =	ssyncset.s32 $0xFFFFF086  }
0x25: {  	[simem:s6], [sflag:s4] =	dma.local [hbm:s3], $0xF7A  }
0x26: {  	[smem:$0x3F94] =	sst s1;
	(tag) =	ssettag s2;
	_ =	strace s9  }
0x27: {  	s1 =	sld [smem:$0x3FA4]  }
0x28: {  	s2 =	sld [smem:$0x3FA5]  }
0x29: {  	s4 =	sld [smem:$0x3FA7]  }
0x2a: {  	p0 =	seq.s32 s5, $0x0;
	s5 =	sld [smem:$0x3FA8]  }
0x2b: {  	s6 =	sld [smem:$0x3FA9]  }
0x2c: {  	s7 =	sld [smem:$0x3FAA]  }
0x2d: {  	s3 =	simm.s32 $0x108;
	s8 =	sld [smem:$0x3FAB]  }
0x2e: {  	s3 =	simm.s32 @!p0 $0x1082;
	s9 =	sld [smem:$0x3FAC]  }
0x2f: {  	lr =	sadd.s32 s0, s3;
	s0 =	sld [smem:$0x3FA3]  }
0x30: {  	s3 =	sld [smem:$0x3FA6]  }
0x31: {  	[smem:$0x3FAF] =	sst s10  }
0x32: {  	s10 =	sld [smem:$0x3FAD];
	_ =	sdelay $0x3  }
0x33: {  	p0 =	seq.s32 s10, $0x1;
	s10 =	sld [smem:$0x3FAF];
	_ =	sdelay $0x3  }
0x34: {  	[smem:$0x3FAF] =	sst s10  }
0x35: {  	s10 =	sld [smem:$0x3FAE];
	_ =	sdelay $0x3  }
0x36: {  	p1 =	seq.s32 s10, $0x1;
	s10 =	sld [smem:$0x3FAF];
	_ =	sdelay $0x3  }
0x37: {  	[smem:$0x3FAF] =	sst s10  }
0x38: {  	s10 =	sld [smem:$0x3FB0]  }
0x39: {  	_ = 	snop;
	(pc) =	sbr.ind lr, $3  }
0x3a: {  	_ = 	snop  }
0x3b: {  	_ = 	snop  }
0x3c: {  	p2 =	seq.s32 s10, $0x1;
	s10 =	sld [smem:$0x3FAF]  }
0x3d: {  	_ =	shalt  }
0x3e: {  	_ =	shalt  }
0x3f: {  	_ =	shalt  }
0x40: {  	_ =	shalt  }
0x41: {  	_ =	shalt  }
0x42: {  	_ =	shalt  }
0x43: {  	_ =	shalt  }
0x44: {  	_ =	shalt  }
0x45: {  	_ =	shalt  }
0x46: {  	_ =	shalt  }
0x47: {  	_ =	shalt  }
0x48: {  	_ =	shalt  }
0x49: {  	_ =	shalt  }
0x4a: {  	_ =	shalt  }
0x4b: {  	_ =	shalt  }
0x4c: {  	_ =	shalt  }
0x4d: {  	_ =	shalt  }
0x4e: {  	_ =	shalt  }
0x4f: {  	_ =	shalt  }
0x50: {  	_ =	shalt  }
0x51: {  	_ =	shalt  }
0x52: {  	_ =	shalt  }
0x53: {  	_ =	shalt  }
0x54: {  	_ =	shalt  }
0x55: {  	_ =	shalt  }
0x56: {  	_ =	shalt  }
0x57: {  	_ =	shalt  }
0x58: {  	_ =	shalt  }
0x59: {  	_ =	shalt  }
0x5a: {  	_ =	shalt  }
0x5b: {  	_ =	shalt  }
0x5c: {  	_ =	shalt  }
0x5d: {  	_ =	shalt  }
0x5e: {  	_ =	shalt  }
0x5f: {  	_ =	shalt  }
0x60: {  	_ =	shalt  }
0x61: {  	_ =	shalt  }
0x62: {  	_ =	shalt  }
0x63: {  	_ =	shalt  }
0x64: {  	_ =	shalt  }
0x65: {  	_ =	shalt  }
0x66: {  	_ =	shalt  }
0x67: {  	_ =	shalt  }
0x68: {  	_ =	shalt  }
0x69: {  	_ =	shalt  }
0x6a: {  	_ =	shalt  }
0x6b: {  	_ =	shalt  }
0x6c: {  	_ =	shalt  }
0x6d: {  	_ =	shalt  }
0x6e: {  	_ =	shalt  }
0x6f: {  	_ =	shalt  }
0x70: {  	_ =	shalt  }
0x71: {  	_ =	shalt  }
0x72: {  	_ =	shalt  }
0x73: {  	_ =	shalt  }
0x74: {  	_ =	shalt  }
0x75: {  	_ =	shalt  }
0x76: {  	_ =	shalt  }
0x77: {  	_ =	shalt  }
0x78: {  	_ =	shalt  }
0x79: {  	_ =	shalt  }
0x7a: {  	_ =	shalt  }
0x7b: {  	_ =	shalt  }
0x7c: {  	_ =	shalt  }
0x7d: {  	_ =	shalt  }
0x7e: {  	_ =	shalt  }
0x7f: {  	_ =	shalt  }
0x80: {  	_ =	shalt  }
0x81: {  	_ =	shalt  }
0x82: {  	_ =	shalt  }
0x83: {  	_ =	shalt  }
0x84: {  	_ =	shalt  }
0x85: {  	_ =	shalt  }
0x86: {  	_ =	shalt  }
0x87: {  	_ =	shalt  }
.Lfunc_end0:
.L_simem_size_0:
called_computation.1_lowered:
.L_overlay_start_0:
0x88: {  	s2 =	sld [smem:$0x3FD9]  }
0x89: {  	s3 =	sld [smem:$0x3FFE];
	_ =	sdelay $0x1  }
0x8a: {  	s1 =	srdreg.scid  }
0x8b: {  	s0 =	sand.u32 $0x1, s1  }
0x8c: {  	s16 =	sshll.u32 s0, $0xA;
	s2 =	sadd.s32 s3, s2  }
0x8d: {  	s2 =	sadd.s32 s2, s16  }
0x8e: {  	[smem:$0x3FBB] =	sst s2  }
0x8f: {  	_ = 	snop  }
0x90: {  	(tm) =	ssettm $0x1  }
0x91: {  	s17 =	sld [smem:$0x3FFB];
	_ =	sdelay $0x3  }
0x92: {  	_ =	strace s17  }
0x93: {  	s2 =	sld [smem:$0x3FFC];
	_ =	sdelay $0x3  }
0x94: {  	_ =	strace s2  }
0x95: {  	s2 =	sld [smem:$0x3FFD];
	_ =	sdelay $0x3  }
0x96: {  	_ =	strace s2  }
0x97: {  	_ =	strace $0x8FFFFFFF  }
0x98: {  	s18 =	sld [smem:$0x3FDB];
	_ =	sdelay $0x1  }
0x99: {  	s19 =	simm.s32 $_scs_section_size  }
0x9a: {  	s4 =	simm.s32 $_size__tile_overlayer_lowered;
	s5 =	simm.s32 $_tile_overlayer_lowered  }
0x9b: {  	s22 =	simm.s32 $0x1BFF;
	s21 =	sshll.u32 s5, $0x1;
	s2 =	sadd.s32 s19, s18  }
0x9c: {  	s6 =	simm.s32 $0x0;
	s20 =	sshll.u32 s4, $0x1;
	s4 =	sadd.s32 s21, s2  }
0x9d: {  	[timem:s6], [sflag:s22] =	dma.local [hbm:s4], s20  }
0x9e: {  	_ =	swait.ge [sflag:s22], s20  }
0x9f: {  	s3 =	ssub.s32 $0x0, s20;
	[sflag:s22] =	ssyncset.done $0x0  }
0xa0: {  	[sflag:s22] =	ssyncadd.s32 s3;
	_ =	sdelay $0x1  }
0xa1: {  	s23 =	simm.s32 $0x1B8B  }
0xa2: {  	_ =	swait.ge [sflag:s23], $0x1  }
0xa3: {  	[sflag:s23] =	ssyncset.done $0x0  }
0xa4: {  	s25 =	simm.s32 $0x1B8E;
	s24 =	sld [smem:$0x3FFE];
	[sflag:s23] =	ssyncadd.s32 $0xFFFFFFFF  }
0xa5: {  	s26 =	simm.s32 $execute0_lowered;
	[smem:$0x3FD2] =	sst s25  }
0xa6: {  	s4 =	sshll.u32 s26, $0x1;
	_ =	strace $0x80000049;
	[dreg:$0x1] =	wrdreg $0xFFFFFFFF  }
0xa7: {  	s28 =	simm.s32 $_size_execute0_lowered;
	s2 =	sadd.s32 s2, s4;
	[dreg:$0x0] =	wrdreg $0x0  }
0xa8: {  	s4 =	sshll.u32 s28, $0x1;
	[dreg:$0x2] =	wrdreg s2  }
0xa9: {  	[dreg:$0x3] =	wrdreg s4  }
0xaa: {  	[dreg:$0x4] =	wrdreg $0xC0  }
0xab: {  	_ =	task [dreg:s6], $0x5FFFF  }
0xac: {  	[dreg:$0x1] =	wrdreg $0xFFFFFFFF  }
0xad: {  	[dreg:$0x0] =	wrdreg $0x60  }
0xae: {  	[dreg:$0x2] =	wrdreg s24  }
0xaf: {  	[dreg:$0x3] =	wrdreg $0x91000  }
0xb0: {  	[dreg:$0x4] =	wrdreg $0x9  }
0xb1: {  	_ =	task.clear_ibuf [dreg:s6], $0x5FFFF;
	_ =	strace $0x90000049  }
0xb2: {  	s29 =	simm.s32 $0x9;
	_ =	strace $0x8000004B  }
0xb3: {  	_ =	swait.ge [sflag:s29], $0x1  }
0xb4: {  	[sflag:s29] =	ssyncadd.s32 $0xFFFFFFFF  }
0xb5: {  	_ =	strace $0x9000004B  }
0xb6: {  	_ =	sfence  }
0xb7: {  	s30 =	sld [smem:$0x0];
	_ =	sdelay $0x2  }
0xb8: {  	s31 =	sshll.u32 s1, $0xD;
	s1 =	sshrl.u32 s1, $0x2  }
0xb9: {  	s3 =	sand.u32 $0x4000, s31;
	s1 =	sadd.s32 s1, s30  }
0xba: {  	s0 =	sor.u32 s3, s0;
	s1 =	sshll.u32 s1, $0x11  }
0xbb: {  	s0 =	sor.u32 s1, s0  }
0xbc: {  	s0 =	sadd.s32 $0x8F2B, s0  }
0xbd: {  	[sflag:s0] =	ssyncadd.remote.s32 $0x1  }
0xbe: {  	_ =	sfence.sel $0xFFFF  }
0xbf: {  	[dreg:$0x0] =	wrdreg $0xFFFFFFFF;
	(pc) =	sbr.abs _section_cstart, $3  }
0xc0: {  	[dreg:$0x1] =	wrdreg $0xFFFFFFFF  }
0xc1: {  	_ =	task.clear_ibuf [dreg:s6], $0x2FFFF;
	_ =	strace $0x9FFFFFFF  }
0xc2: {  	(tm) =	ssettm $0x7FFFFFFF  }
0xc3: {  	_ =	shalt  }
tec
execute0_lowered:
.L_overlay_start_1:
0x0: {  	(tag) =	ssettag $0x1  }
0x1: {  	s0 =	rddreg [dreg:$0x0]  }
0x2: {  	s2 =	rddreg [dreg:$0x1]  }
0x3: {  	s1 =	srdreg.scid;
	s3 =	simm.s32 $0x0;
	s9 =	stileid.u32  }
0x4: {  	s28 =	simm.s32 $0x4100;
	s29 =	simm.s32 $0x3;
	s30 =	simm.s32 $0x50  }
0x5: {  	s31 =	simm.s32 $0x80;
	s1 =	sand.u32 $0x1, s1;
	[smem:$0x7FF] =	sst s3  }
0x6: {  	s4 =	sshll.u32 s9, $0xF;
	s7 =	smul.u32 $0x280, s9;
	s6 =	sadd.s32 $0x3400, s0  }
0x7: {  	s9 =	smul.u32 $0x50000, s9;
	s10 =	sadd.s32 $0x23400, s0;
	s5 =	sshll.u32 s1, $0xE  }
0x8: {  	_ =	strace $0x8000004A;
	s8 =	smul.u32 $0x2800, s1;
	[dreg:$0x3] =	wrdreg s10  }
0x9: {  	s1 =	ssub.s32 $0x2, s1;
	s4 =	sor.u32 s5, s4;
	s5 =	sadd.s32 $0x24000, s0  }
0xa: {  	s14 =	sshrl.u32 s1, $0x1;
	s9 =	sshrl.u32 s9, $0x2;
	s15 =	sshrl.u32 s4, $0x3  }
0xb: {  	s7 =	sadd.s32 s7, s8;
	s1 =	ssub.s32 s1, s14;
	s8 =	sadd.s32 s9, s2  }
0xc: {  	s16 =	sadd.s32 s15, s0;
	s7 =	sshll.u32 s7, $0x4;
	s18 =	sadd.s32 s6, s15  }
0xd: {  	s9 =	sadd.s32 $0x2800, s8;
	s26 =	smax.u32 s1, $0x1;
	[dreg:$0x5] =	wrdreg s18  }
0xe: {  	s0 =	sadd.s32 s7, s0;
	s17 =	sadd.s32 $0x13400, s16;
	[dreg:$0xe] =	wrdreg s26  }
0xf: {  	s10 =	sadd.s32 $0x5000, s8;
	[dreg:$0x4] =	wrdreg s17;
	s19 =	sadd.s32 $0x4C000, s0  }
0x10: {  	s11 =	sadd.s32 $0x7800, s8;
	s20 =	sadd.s32 $0x4C500, s0;
	[dreg:$0x6] =	wrdreg s19  }
0x11: {  	s12 =	sadd.s32 $0xA000, s8;
	s21 =	sadd.s32 $0x4CA00, s0;
	[dreg:$0x7] =	wrdreg s20  }
0x12: {  	s13 =	sadd.s32 $0xC800, s8;
	s22 =	sadd.s32 $0x4CF00, s0;
	[dreg:$0x8] =	wrdreg s21  }
0x13: {  	s14 =	sadd.s32 $0xF000, s8;
	s23 =	sadd.s32 $0x4D400, s0;
	[dreg:$0x9] =	wrdreg s22  }
0x14: {  	s1 =	simm.s32 $0x1;
	s24 =	sadd.s32 $0x4D900, s0;
	[dreg:$0xa] =	wrdreg s23  }
0x15: {  	s15 =	simm.s32 $0x0;
	s25 =	sadd.s32 $0x4DE00, s0;
	[dreg:$0xb] =	wrdreg s24  }
0x16: {  	s26 =	sadd.s32 $0x11800, s8;
	s0 =	sadd.s32 $0x4E300, s0;
	[dreg:$0xc] =	wrdreg s25  }
0x17: {  	s7 =	simm.s32 $0x2;
	[dreg:$0xd] =	wrdreg s0;
	s0 =	simm.s32 $0x6900  }
.LBB2_1:
0x18: {  	s16 =	rddreg [dreg:$0x3]  }
0x19: {  	[tilespmem:s28], [sflag:$0x3] =	stream.linear.gather [hbm4b:s16+s3], $0x2800, $0x38;
	[tilespmem:$0x1D100] =	vst v63  }
0x1a: {  	_ =	swait.ge [sflag:s29], $0x2800  }
0x1b: {  	[sflag:s29] =	ssyncset.done $0x0  }
0x1c: {  	[sflag:s29] =	ssyncadd.s32 $0xFFFFD800  }
0x1d: {  	[spmem:s8] =	stream.linear.scatter [tilespmem:s28], [sflag:$0x3], $0x2800, $0x38;
	[tilespmem:$0x1D100] =	vst v63  }
0x1e: {  	_ =	swait.ge [sflag:s29], $0x2800  }
0x1f: {  	[sflag:s29] =	ssyncset.done $0x0  }
0x20: {  	[sflag:s29] =	ssyncadd.s32 $0xFFFFD800  }
0x21: {  	[spmem:s9] =	stream.linear.scatter [tilespmem:s28], [sflag:$0x3], $0x2800, $0x38;
	[tilespmem:$0x1D100] =	vst v63  }
0x22: {  	_ =	swait.ge [sflag:s29], $0x2800  }
0x23: {  	[sflag:s29] =	ssyncset.done $0x0  }
0x24: {  	[sflag:s29] =	ssyncadd.s32 $0xFFFFD800  }
0x25: {  	[spmem:s10] =	stream.linear.scatter [tilespmem:s28], [sflag:$0x3], $0x2800, $0x38;
	[tilespmem:$0x1D100] =	vst v63  }
0x26: {  	_ =	swait.ge [sflag:s29], $0x2800  }
0x27: {  	[sflag:s29] =	ssyncset.done $0x0  }
0x28: {  	[sflag:s29] =	ssyncadd.s32 $0xFFFFD800  }
0x29: {  	[spmem:s11] =	stream.linear.scatter [tilespmem:s28], [sflag:$0x3], $0x2800, $0x38;
	[tilespmem:$0x1D100] =	vst v63  }
0x2a: {  	_ =	swait.ge [sflag:s29], $0x2800  }
0x2b: {  	[sflag:s29] =	ssyncset.done $0x0  }
0x2c: {  	[sflag:s29] =	ssyncadd.s32 $0xFFFFD800  }
0x2d: {  	[spmem:s12] =	stream.linear.scatter [tilespmem:s28], [sflag:$0x3], $0x2800, $0x38;
	[tilespmem:$0x1D100] =	vst v63  }
0x2e: {  	_ =	swait.ge [sflag:s29], $0x2800  }
0x2f: {  	[sflag:s29] =	ssyncset.done $0x0  }
0x30: {  	[sflag:s29] =	ssyncadd.s32 $0xFFFFD800  }
0x31: {  	[spmem:s13] =	stream.linear.scatter [tilespmem:s28], [sflag:$0x3], $0x2800, $0x38;
	[tilespmem:$0x1D100] =	vst v63  }
0x32: {  	_ =	swait.ge [sflag:s29], $0x2800  }
0x33: {  	[sflag:s29] =	ssyncset.done $0x0  }
0x34: {  	[sflag:s29] =	ssyncadd.s32 $0xFFFFD800  }
0x35: {  	[spmem:s14] =	stream.linear.scatter [tilespmem:s28], [sflag:$0x3], $0x2800, $0x38;
	[tilespmem:$0x1D100] =	vst v63  }
0x36: {  	_ =	swait.ge [sflag:s29], $0x2800  }
0x37: {  	[sflag:s29] =	ssyncset.done $0x0  }
0x38: {  	[sflag:s29] =	ssyncadd.s32 $0xFFFFD800  }
0x39: {  	[spmem:s26] =	stream.linear.scatter [tilespmem:s28], [sflag:$0x3], $0x2800, $0x38;
	[tilespmem:$0x1D100] =	vst v63  }
0x3a: {  	_ =	swait.ge [sflag:s29], $0x2800  }
0x3b: {  	[sflag:s29] =	ssyncset.done $0x0  }
0x3c: {  	s20 =	simm.s32 $0x100;
	s17 =	rddreg [dreg:$0x4];
	[sflag:s29] =	ssyncadd.s32 $0xFFFFD800  }
0x3d: {  	[tilespmem:s20], [sflag:$0x3] =	stream.linear.gather [hbm4b:s17+s3], $0x3E80, $0x38;
	[tilespmem:$0x1D100] =	vst v63  }
0x3e: {  	_ =	swait.ge [sflag:s29], $0x3E80  }
0x3f: {  	[sflag:s29] =	ssyncset.done $0x0  }
0x40: {  	[sflag:s29] =	ssyncadd.s32 $0xFFFFC180  }
0x41: {  	s22 =	simm.s32 $0x80;
	s18 =	simm.s32 $0x0;
	[bflag:$0x0] =	sbarrier.arrive $0xFFFF  }
0x42: {  	s18 =	sand.u32 $0x3C00, s18;
	s17 =	sand.u32 $0x380, s22;
	s21 =	rddreg [dreg:$0x5]  }
0x43: {  	[tilespmem:s3], [sflag:$0x3] =	stream.linear.gather [hbm4b:s21+s3], $0x80, $0x38;
	[tilespmem:$0x1D100] =	vst v63  }
0x44: {  	s17 =	sor.u32 s17, s18;
	_ =	swait.ge [sflag:s29], $0x80  }
0x45: {  	s17 =	sor.u32 s4, s17;
	[sflag:s29] =	ssyncset.done $0x0  }
0x46: {  	s17 =	sshrl.u32 s17, $0x3;
	[sflag:s29] =	ssyncadd.s32 $0xFFFFFF80  }
0x47: {  	[tilespmem:s28], [sflag:$0x1] =	stream.indirect.gather [hbm4b:s5+s30], $0x80, s3, s30, $0xb8;
	[tilespmem:$0x1D100] =	vst v63  }
0x48: {  	s17 =	sadd.s32 s6, s17  }
0x49: {  	[tilespmem:s31], [sflag:$0x3] =	stream.linear.gather [hbm4b:s17+s3], $0x80, $0x38;
	[tilespmem:$0x1D100] =	vst v63  }
0x4a: {  	_ =	swait.ge [sflag:s29], $0x80  }
0x4b: {  	[sflag:s29] =	ssyncset.done $0x0  }
0x4c: {  	[sflag:s29] =	ssyncadd.s32 $0xFFFFFF80  }
0x4d: {  	[tilespmem:s0], [sflag:$0x2] =	stream.indirect.gather [hbm4b:s5+s30], $0x80, s31, s30, $0xb8;
	[tilespmem:$0x1D100] =	vst v63  }
0x4e: {  	_ =	swait.ge [sflag:s1], $0x2800  }
0x4f: {  	s23 =	sand.u32 $0x7C00, s20;
	[sflag:s1] =	ssyncset.done $0x0  }
0x50: {  	s16 =	sand.u32 $0x300, s20;
	s17 =	sadd.s32 s4, s23;
	[sflag:s1] =	ssyncadd.s32 $0xFFFFD800  }
0x51: {  	[spmem:s2] =	stream.indirect.scatter.add.f32 [tilespmem:s28], [sflag:$0x3], $0x80, s20, s30, $0xb8;
	[tilespmem:$0x1D100] =	vst v63  }
0x52: {  	s16 =	sor.u32 s16, s17;
	_ =	swait.ge [sflag:s29], $0x2800  }
0x53: {  	s24 =	simm.s32 $0x180;
	s16 =	sshrl.u32 s16, $0x3;
	[sflag:s29] =	ssyncset.done $0x0  }
0x54: {  	s25 =	simm.s32 $0x100;
	s16 =	sadd.s32 s6, s16;
	[sflag:s29] =	ssyncadd.s32 $0xFFFFD800  }
0x55: {  	[tilespmem:s3], [sflag:$0x3] =	stream.linear.gather [hbm4b:s16+s3], $0x80, $0x38;
	[tilespmem:$0x1D100] =	vst v63  }
0x56: {  	s19 =	simm.s32 $0x180;
	s18 =	sand.u32 $0x3C00, s25;
	_ =	swait.ge [sflag:s29], $0x80  }
0x57: {  	s21 =	simm.s32 $0x300;
	s17 =	simm.s32 $0x200;
	[sflag:s29] =	ssyncset.done $0x0  }
0x58: {  	s20 =	simm.s32 $0x300;
	s16 =	sand.u32 $0x380, s24;
	[sflag:s29] =	ssyncadd.s32 $0xFFFFFF80  }
0x59: {  	[tilespmem:s28], [sflag:$0x1] =	stream.indirect.gather [hbm4b:s5+s30], $0x80, s3, s30, $0xb8;
	[tilespmem:$0x1D100] =	vst v63  }
0x5a: {  	s18 =	sor.u32 s16, s18;
	s16 =	simm.s32 $0x280;
	_ =	swait.ge [sflag:s7], $0x2800  }
0x5b: {  	s23 =	sor.u32 s4, s18;
	s18 =	simm.s32 $0x200;
	[sflag:s7] =	ssyncset.done $0x0  }
.LBB2_2:
0x5c: {  	s23 =	sshrl.u32 s23, $0x3  }
0x5d: {  	[sflag:s7] =	ssyncadd.s32 $0xFFFFD800;
	s24 =	smov.u32 s21;
	s22 =	sadd.s32 $0x100, s21  }
0x5e: {  	[spmem:s2] =	stream.indirect.scatter.add.f32 [tilespmem:s0], [sflag:$0x3], $0x80, s19, s30, $0xb8;
	[tilespmem:$0x1D100] =	vst v63  }
0x5f: {  	s25 =	sadd.s32 $0x80, s20;
	p0 =	sne.s32 s21, $0x3E00;
	_ =	swait.ge [sflag:s29], $0x2800  }
0x60: {  	s19 =	smov.u32 s16;
	s16 =	smov.u32 s25;
	[sflag:s29] =	ssyncset.done $0x0  }
0x61: {  	s21 =	sadd.s32 s6, s23;
	[sflag:s29] =	ssyncadd.s32 $0xFFFFD800  }
0x62: {  	[tilespmem:s31], [sflag:$0x3] =	stream.linear.gather [hbm4b:s21+s3], $0x80, $0x38;
	[tilespmem:$0x1D100] =	vst v63  }
0x63: {  	_ =	swait.ge [sflag:s29], $0x80  }
0x64: {  	[sflag:s29] =	ssyncset.done $0x0  }
0x65: {  	[sflag:s29] =	ssyncadd.s32 $0xFFFFFF80  }
0x66: {  	[tilespmem:s0], [sflag:$0x2] =	stream.indirect.gather [hbm4b:s5+s30], $0x80, s31, s30, $0xb8;
	[tilespmem:$0x1D100] =	vst v63  }
0x67: {  	_ =	swait.ge [sflag:s1], $0x2800  }
0x68: {  	[sflag:s1] =	ssyncset.done $0x0  }
0x69: {  	s21 =	sand.u32 $0x7C00, s17;
	[sflag:s1] =	ssyncadd.s32 $0xFFFFD800  }
0x6a: {  	[spmem:s2] =	stream.indirect.scatter.add.f32 [tilespmem:s28], [sflag:$0x3], $0x80, s18, s30, $0xb8;
	[tilespmem:$0x1D100] =	vst v63  }
0x6b: {  	s17 =	sand.u32 $0x300, s17;
	s18 =	sadd.s32 s4, s21;
	_ =	swait.ge [sflag:s29], $0x2800  }
0x6c: {  	s18 =	sor.u32 s17, s18;
	s17 =	smov.u32 s24;
	[sflag:s29] =	ssyncset.done $0x0  }
0x6d: {  	s21 =	sshrl.u32 s18, $0x3;
	s18 =	smov.u32 s20;
	[sflag:s29] =	ssyncadd.s32 $0xFFFFD800  }
0x6e: {  	s21 =	sadd.s32 s6, s21  }
0x6f: {  	[tilespmem:s3], [sflag:$0x3] =	stream.linear.gather [hbm4b:s21+s3], $0x80, $0x38;
	[tilespmem:$0x1D100] =	vst v63  }
0x70: {  	s23 =	sadd.s32 $0xFFFFFF00, s17;
	_ =	swait.ge [sflag:s29], $0x80  }
.Ltmp0:
0x71: {  	s21 =	sadd.s32 $0xFFFFFF80, s17;
	[sflag:s29] =	ssyncset.done $0x0;
	(pc) =	sbr.rel @p0 .LBB2_2-.Ltmp0, $4  }
0x72: {  	s23 =	sand.u32 $0x3C00, s23;
	s21 =	sand.u32 $0x380, s21;
	[sflag:s29] =	ssyncadd.s32 $0xFFFFFF80  }
0x73: {  	[tilespmem:s28], [sflag:$0x1] =	stream.indirect.gather [hbm4b:s5+s30], $0x80, s3, s30, $0xb8;
	[tilespmem:$0x1D100] =	vst v63  }
0x74: {  	s20 =	sadd.s32 $0x100, s20;
	s21 =	sor.u32 s21, s23;
	_ =	swait.ge [sflag:s7], $0x2800  }
0x75: {  	s23 =	sor.u32 s4, s21;
	s21 =	smov.u32 s22;
	[sflag:s7] =	ssyncset.done $0x0  }
0x76: {  	[sflag:s7] =	ssyncadd.s32 $0xFFFFD800  }
0x77: {  	[spmem:s2] =	stream.indirect.scatter.add.f32 [tilespmem:s0], [sflag:$0x3], $0x80, s19, s30, $0xb8;
	[tilespmem:$0x1D100] =	vst v63  }
0x78: {  	_ =	swait.ge [sflag:s29], $0x2800  }
0x79: {  	s22 =	sshrl.u32 s23, $0x3;
	[sflag:s29] =	ssyncset.done $0x0  }
0x7a: {  	s19 =	sadd.s32 s6, s22;
	[sflag:s29] =	ssyncadd.s32 $0xFFFFD800  }
0x7b: {  	[tilespmem:s31], [sflag:$0x3] =	stream.linear.gather [hbm4b:s19+s3], $0x80, $0x38;
	[tilespmem:$0x1D100] =	vst v63  }
0x7c: {  	_ =	swait.ge [sflag:s29], $0x80  }
0x7d: {  	[sflag:s29] =	ssyncset.done $0x0  }
0x7e: {  	[sflag:s29] =	ssyncadd.s32 $0xFFFFFF80  }
0x7f: {  	[tilespmem:s0], [sflag:$0x2] =	stream.indirect.gather [hbm4b:s5+s30], $0x80, s31, s30, $0xb8;
	[tilespmem:$0x1D100] =	vst v63  }
0x80: {  	_ =	swait.ge [sflag:s1], $0x2800  }
0x81: {  	[sflag:s1] =	ssyncset.done $0x0  }
0x82: {  	s23 =	sand.u32 $0x7C00, s17;
	[sflag:s1] =	ssyncadd.s32 $0xFFFFD800  }
0x83: {  	[spmem:s2] =	stream.indirect.scatter.add.f32 [tilespmem:s28], [sflag:$0x3], $0x80, s18, s30, $0xb8;
	[tilespmem:$0x1D100] =	vst v63  }
0x84: {  	s24 =	sand.u32 $0x300, s17;
	s18 =	sadd.s32 s4, s23  }
0x85: {  	s17 =	sor.u32 s24, s18;
	_ =	swait.ge [sflag:s29], $0x2800  }
0x86: {  	[sflag:s29] =	ssyncset.done $0x0;
	s17 =	sshrl.u32 s17, $0x3  }
0x87: {  	[sflag:s29] =	ssyncadd.s32 $0xFFFFD800;
	s17 =	sadd.s32 s6, s17  }
0x88: {  	[tilespmem:s3], [sflag:$0x3] =	stream.linear.gather [hbm4b:s17+s3], $0x80, $0x38;
	[tilespmem:$0x1D100] =	vst v63  }
0x89: {  	_ =	swait.ge [sflag:s29], $0x80  }
0x8a: {  	[sflag:s29] =	ssyncset.done $0x0  }
0x8b: {  	[sflag:s29] =	ssyncadd.s32 $0xFFFFFF80  }
0x8c: {  	[tilespmem:s28], [sflag:$0x1] =	stream.indirect.gather [hbm4b:s5+s30], $0x80, s3, s30, $0xb8;
	[tilespmem:$0x1D100] =	vst v63  }
0x8d: {  	_ =	swait.ge [sflag:s7], $0x2800  }
0x8e: {  	[sflag:s7] =	ssyncset.done $0x0  }
0x8f: {  	[sflag:s7] =	ssyncadd.s32 $0xFFFFD800  }
0x90: {  	[spmem:s2] =	stream.indirect.scatter.add.f32 [tilespmem:s0], [sflag:$0x3], $0x80, s16, s30, $0xb8;
	[tilespmem:$0x1D100] =	vst v63  }
0x91: {  	_ =	swait.ge [sflag:s29], $0x2800  }
0x92: {  	[sflag:s29] =	ssyncset.done $0x0  }
0x93: {  	[sflag:s29] =	ssyncadd.s32 $0xFFFFD800  }
0x94: {  	_ =	swait.ge [sflag:s1], $0x2800  }
0x95: {  	[sflag:s1] =	ssyncset.done $0x0  }
0x96: {  	s25 =	simm.s32 $0x3F00;
	[sflag:s1] =	ssyncadd.s32 $0xFFFFD800  }
0x97: {  	[spmem:s2] =	stream.indirect.scatter.add.f32 [tilespmem:s28], [sflag:$0x3], $0x80, s25, s30, $0xb8;
	[tilespmem:$0x1D100] =	vst v63  }
0x98: {  	_ =	swait.ge [sflag:s29], $0x2800  }
0x99: {  	[sflag:s29] =	ssyncset.done $0x0  }
0x9a: {  	[sflag:s29] =	ssyncadd.s32 $0xFFFFD800  }
0x9b: {  	[bflag:$0x0] =	sbarrier.arrive $0xFFFF  }
0x9c: {  	[tilespmem:s28], [sflag:$0x3] =	stream.linear.gather [spmem:s8], $0x2800, $0x38;
	[tilespmem:$0x1D100] =	vst v63  }
0x9d: {  	_ =	swait.ge [sflag:s29], $0x2800  }
0x9e: {  	[sflag:s29] =	ssyncset.done $0x0  }
0x9f: {  	s17 =	rddreg [dreg:$0x6];
	[sflag:s29] =	ssyncadd.s32 $0xFFFFD800  }
0xa0: {  	[hbm4b:s17+s3] =	stream.linear.scatter [tilespmem:s28], [sflag:$0x3], $0x2800, $0x38;
	[tilespmem:$0x1D100] =	vst v63  }
0xa1: {  	_ =	swait.ge [sflag:s29], $0x2800  }
0xa2: {  	[sflag:s29] =	ssyncset.done $0x0  }
0xa3: {  	[sflag:s29] =	ssyncadd.s32 $0xFFFFD800  }
0xa4: {  	[tilespmem:s28], [sflag:$0x3] =	stream.linear.gather [spmem:s9], $0x2800, $0x38;
	[tilespmem:$0x1D100] =	vst v63  }
0xa5: {  	_ =	swait.ge [sflag:s29], $0x2800  }
0xa6: {  	[sflag:s29] =	ssyncset.done $0x0  }
0xa7: {  	s18 =	rddreg [dreg:$0x7];
	[sflag:s29] =	ssyncadd.s32 $0xFFFFD800  }
0xa8: {  	[hbm4b:s18+s3] =	stream.linear.scatter [tilespmem:s28], [sflag:$0x3], $0x2800, $0x38;
	[tilespmem:$0x1D100] =	vst v63  }
0xa9: {  	_ =	swait.ge [sflag:s29], $0x2800  }
0xaa: {  	[sflag:s29] =	ssyncset.done $0x0  }
0xab: {  	[sflag:s29] =	ssyncadd.s32 $0xFFFFD800  }
0xac: {  	[tilespmem:s28], [sflag:$0x3] =	stream.linear.gather [spmem:s10], $0x2800, $0x38;
	[tilespmem:$0x1D100] =	vst v63  }
0xad: {  	_ =	swait.ge [sflag:s29], $0x2800  }
0xae: {  	[sflag:s29] =	ssyncset.done $0x0  }
0xaf: {  	s19 =	rddreg [dreg:$0x8];
	[sflag:s29] =	ssyncadd.s32 $0xFFFFD800  }
0xb0: {  	[hbm4b:s19+s3] =	stream.linear.scatter [tilespmem:s28], [sflag:$0x3], $0x2800, $0x38;
	[tilespmem:$0x1D100] =	vst v63  }
0xb1: {  	_ =	swait.ge [sflag:s29], $0x2800  }
0xb2: {  	[sflag:s29] =	ssyncset.done $0x0  }
0xb3: {  	[sflag:s29] =	ssyncadd.s32 $0xFFFFD800  }
0xb4: {  	[tilespmem:s28], [sflag:$0x3] =	stream.linear.gather [spmem:s11], $0x2800, $0x38;
	[tilespmem:$0x1D100] =	vst v63  }
0xb5: {  	_ =	swait.ge [sflag:s29], $0x2800  }
0xb6: {  	[sflag:s29] =	ssyncset.done $0x0  }
0xb7: {  	s20 =	rddreg [dreg:$0x9];
	[sflag:s29] =	ssyncadd.s32 $0xFFFFD800  }
0xb8: {  	[hbm4b:s20+s3] =	stream.linear.scatter [tilespmem:s28], [sflag:$0x3], $0x2800, $0x38;
	[tilespmem:$0x1D100] =	vst v63  }
0xb9: {  	_ =	swait.ge [sflag:s29], $0x2800  }
0xba: {  	[sflag:s29] =	ssyncset.done $0x0  }
0xbb: {  	[sflag:s29] =	ssyncadd.s32 $0xFFFFD800  }
0xbc: {  	[tilespmem:s28], [sflag:$0x3] =	stream.linear.gather [spmem:s12], $0x2800, $0x38;
	[tilespmem:$0x1D100] =	vst v63  }
0xbd: {  	_ =	swait.ge [sflag:s29], $0x2800  }
0xbe: {  	[sflag:s29] =	ssyncset.done $0x0  }
0xbf: {  	s21 =	rddreg [dreg:$0xa];
	[sflag:s29] =	ssyncadd.s32 $0xFFFFD800  }
0xc0: {  	[hbm4b:s21+s3] =	stream.linear.scatter [tilespmem:s28], [sflag:$0x3], $0x2800, $0x38;
	[tilespmem:$0x1D100] =	vst v63  }
0xc1: {  	_ =	swait.ge [sflag:s29], $0x2800  }
0xc2: {  	[sflag:s29] =	ssyncset.done $0x0  }
0xc3: {  	[sflag:s29] =	ssyncadd.s32 $0xFFFFD800  }
0xc4: {  	[tilespmem:s28], [sflag:$0x3] =	stream.linear.gather [spmem:s13], $0x2800, $0x38;
	[tilespmem:$0x1D100] =	vst v63  }
0xc5: {  	_ =	swait.ge [sflag:s29], $0x2800  }
0xc6: {  	[sflag:s29] =	ssyncset.done $0x0  }
0xc7: {  	s22 =	rddreg [dreg:$0xb];
	[sflag:s29] =	ssyncadd.s32 $0xFFFFD800  }
0xc8: {  	[hbm4b:s22+s3] =	stream.linear.scatter [tilespmem:s28], [sflag:$0x3], $0x2800, $0x38;
	[tilespmem:$0x1D100] =	vst v63  }
0xc9: {  	_ =	swait.ge [sflag:s29], $0x2800  }
0xca: {  	[sflag:s29] =	ssyncset.done $0x0  }
0xcb: {  	[sflag:s29] =	ssyncadd.s32 $0xFFFFD800  }
0xcc: {  	[tilespmem:s28], [sflag:$0x3] =	stream.linear.gather [spmem:s14], $0x2800, $0x38;
	[tilespmem:$0x1D100] =	vst v63  }
0xcd: {  	_ =	swait.ge [sflag:s29], $0x2800  }
0xce: {  	[sflag:s29] =	ssyncset.done $0x0  }
0xcf: {  	s23 =	rddreg [dreg:$0xc];
	[sflag:s29] =	ssyncadd.s32 $0xFFFFD800  }
0xd0: {  	[hbm4b:s23+s3] =	stream.linear.scatter [tilespmem:s28], [sflag:$0x3], $0x2800, $0x38;
	[tilespmem:$0x1D100] =	vst v63  }
0xd1: {  	_ =	swait.ge [sflag:s29], $0x2800  }
0xd2: {  	[sflag:s29] =	ssyncset.done $0x0  }
0xd3: {  	[sflag:s29] =	ssyncadd.s32 $0xFFFFD800  }
0xd4: {  	[tilespmem:s28], [sflag:$0x3] =	stream.linear.gather [spmem:s26], $0x2800, $0x38;
	[tilespmem:$0x1D100] =	vst v63  }
0xd5: {  	_ =	swait.ge [sflag:s29], $0x2800  }
0xd6: {  	[sflag:s29] =	ssyncset.done $0x0  }
0xd7: {  	s24 =	rddreg [dreg:$0xd];
	[sflag:s29] =	ssyncadd.s32 $0xFFFFD800  }
0xd8: {  	[hbm4b:s24+s3] =	stream.linear.scatter [tilespmem:s28], [sflag:$0x3], $0x2800, $0x38;
	[tilespmem:$0x1D100] =	vst v63  }
0xd9: {  	_ =	swait.ge [sflag:s29], $0x2800  }
0xda: {  	s15 =	sadd.s32 $0x1, s15;
	s25 =	rddreg [dreg:$0xe]  }
0xdb: {  	p0 =	sne.s32 s15, s25  }
.Ltmp1:
0xdc: {  	_ = 	snop;
	(pc) =	sbr.rel @p0 .LBB2_1-.Ltmp1, $3  }
0xdd: {  	_ =	sdelay $0x1  }
0xde: {  	[sflag:s29] =	ssyncset.done $0x0  }
0xdf: {  	[sflag:s29] =	ssyncadd.s32 $0xFFFFD800  }
0xe0: {  	_ =	sfence.sel $0x180000  }
0xe1: {  	[bflag:$0x0] =	sbarrier.arrive $0xFFFF  }
0xe2: {  	_ =	strace $0x9000004A  }
0xe3: {  	s0 =	stileid.u32;
	[bflag:$0x2] =	sbarrier.arrive $0xFFFF  }
0xe4: {  	p0 =	sne.s32 s0, $0x0;
	s0 =	rddreg [dreg:$0x2]  }
0xe5: {  	s0 =	sadd.s32 @!p0 $0x100000, s0  }
0xe6: {  	[sflag:s0] =	ssyncadd.tile.s32 @!p0 $0x1;
	_ =	shalt  }
.Lfunc_end2:
_tile_overlayer_lowered:
.L_overlay_start_2:
0xe7: {  	(tag) =	ssettag $0x2  }
0xe8: {  	s0 =	rddreg [dreg:$0x0];
	s2 =	stileid.u32  }
0xe9: {  	s1 =	rddreg [dreg:$0x1];
	p0 =	sne.s32 s2, $0x0  }
0xea: {  	s3 =	rddreg [dreg:$0x2];
	[bflag:$0x3] =	sbarrier.arrive $0xFFFF;
	s2 =	simm.s32 @!p0 $0x1C03  }
0xeb: {  	[timem:s3], [sflag:s2] =	dma.local @!p0 [hbm:s0], s1  }
0xec: {  	s0 =	simm.s32 @!p0 $0x3  }
0xed: {  	_ =	swait.ge @!p0 [sflag:s0], s1  }
0xee: {  	s1 =	ssub.s32 @!p0 $0x0, s1;
	[sflag:s0] =	ssyncset.done @!p0 $0x0  }
0xef: {  	[sflag:s0] =	ssyncadd.s32 @!p0 s1  }
0xf0: {  	[bflag:$0x3] =	sbarrier.arrive $0xFFFF  }
0xf1: {  	_ =	shalt  }

// kernel: kernel.16.cloned.1.call-start
scs
__scs_entry_jumppad:
0x0: {  	(pc) =	sbr.rel $0x88, $3  }
0x1: {  	(tag) =	ssettag $0x0;
	lr =	simm.s32 $0x1  }
0x2: {  	[smem:$0x3F94] =	sst lr;
	_ =	strace $0xD0000000  }
0x3: {  	_ = 	snop  }
0x4: {  	_ = 	snop  }
0x5: {  	_ = 	snop  }
0x6: {  	_ = 	snop  }
0x7: {  	_ = 	snop  }
__scs_overlays_trampoline_lowered:
0x8: {  	[smem:$0x3FA3] =	sst s0  }
0x9: {  	[smem:$0x3FA4] =	sst s1  }
0xa: {  	[smem:$0x3FA5] =	sst s2  }
0xb: {  	[smem:$0x3FA6] =	sst s3  }
0xc: {  	[smem:$0x3FA7] =	sst s4  }
0xd: {  	[smem:$0x3FA8] =	sst s5  }
0xe: {  	[smem:$0x3FA9] =	sst s6  }
0xf: {  	[smem:$0x3FAA] =	sst s7  }
0x10: {  	[smem:$0x3FAB] =	sst s8  }
0x11: {  	[smem:$0x3FAC] =	sst s9;
	s0 =	simm.s32 @!p0 $0x0  }
0x12: {  	s1 =	sld [smem:$0x3F92];
	s0 =	simm.s32 @p0 $0x1  }
0x13: {  	[smem:$0x3FAD] =	sst s0;
	s0 =	simm.s32 @!p1 $0x0  }
0x14: {  	s2 =	sld [smem:$0x3F91];
	s0 =	simm.s32 @p1 $0x1  }
0x15: {  	[smem:$0x3FAE] =	sst s0;
	s0 =	simm.s32 @!p2 $0x0  }
0x16: {  	s3 =	sld [smem:$0x3FDB];
	s0 =	simm.s32 @p2 $0x1  }
0x17: {  	s4 =	simm.s32 $0x1BF5;
	[smem:$0x3FB0] =	sst s0  }
0x18: {  	s0 =	sld [smem:$0x3F93];
	_ =	swait.ge [sflag:s4], $0x0  }
0x19: {  	s7 =	sld [smem:$0x3F94]  }
0x1a: {  	s8 =	sadd.s32 $0xFFFFE003, lr  }
0x1b: {  	s9 =	sadd.s32 $0xFFFFFEF7, lr;
	s5 =	simm.s32 $0xFFFFFFFF;
	p2 =	slt.u32 s8, $0xFFFFF086  }
0x1c: {  	p1 =	slt.u32 s9, $0xF7A;
	s5 =	simm.s32 @!p2 $0x0  }
0x1d: {  	s5 =	simm.s32 @p1 $0x1;
	p0 =	seq.s32 s7, s2  }
0x1e: {  	s7 =	smul.u32 @!p0 $0xF7A, s2;
	p2 =	seq.s32 @!p0 s5, $0x0  }
0x1f: {  	s9 =	smul.u32 $0xF7A, s1;
	s8 =	simm.s32 @!p0 $0x1BF5;
	p2 =	por !p2, p0  }
0x20: {  	[sflag:s8] =	ssyncset.s32 @!p0 $0xFFFFF086;
	s6 =	sadd.s32 @!p0 s3, s7;
	s7 =	simm.s32 @!p0 $0x108  }
0x21: {  	s3 =	sadd.s32 s3, s9;
	s6 =	sadd.s32 @!p0 $0x88, s6;
	s7 =	simm.s32 @p2 $0x1082  }
0x22: {  	[simem:s7], [sflag:s8] =	dma.local @!p0 [hbm:s6], $0xF7A  }
0x23: {  	s9 =	sor.u32 $0xD0000000, s2;
	s6 =	simm.s32 $0x108;
	_ =	swait.ge @!p0 [sflag:s8], $0x0  }
0x24: {  	s3 =	sadd.s32 $0x88, s3;
	s6 =	simm.s32 @!p1 $0x1082;
	[sflag:s4] =	ssyncset.s32 $0xFFFFF086  }
0x25: {  	[simem:s6], [sflag:s4] =	dma.local [hbm:s3], $0xF7A  }
0x26: {  	[smem:$0x3F94] =	sst s1;
	(tag) =	ssettag s2;
	_ =	strace s9  }
0x27: {  	s1 =	sld [smem:$0x3FA4]  }
0x28: {  	s2 =	sld [smem:$0x3FA5]  }
0x29: {  	s4 =	sld [smem:$0x3FA7]  }
0x2a: {  	p0 =	seq.s32 s5, $0x0;
	s5 =	sld [smem:$0x3FA8]  }
0x2b: {  	s6 =	sld [smem:$0x3FA9]  }
0x2c: {  	s7 =	sld [smem:$0x3FAA]  }
0x2d: {  	s3 =	simm.s32 $0x108;
	s8 =	sld [smem:$0x3FAB]  }
0x2e: {  	s3 =	simm.s32 @!p0 $0x1082;
	s9 =	sld [smem:$0x3FAC]  }
0x2f: {  	lr =	sadd.s32 s0, s3;
	s0 =	sld [smem:$0x3FA3]  }
0x30: {  	s3 =	sld [smem:$0x3FA6]  }
0x31: {  	[smem:$0x3FAF] =	sst s10  }
0x32: {  	s10 =	sld [smem:$0x3FAD];
	_ =	sdelay $0x3  }
0x33: {  	p0 =	seq.s32 s10, $0x1;
	s10 =	sld [smem:$0x3FAF];
	_ =	sdelay $0x3  }
0x34: {  	[smem:$0x3FAF] =	sst s10  }
0x35: {  	s10 =	sld [smem:$0x3FAE];
	_ =	sdelay $0x3  }
0x36: {  	p1 =	seq.s32 s10, $0x1;
	s10 =	sld [smem:$0x3FAF];
	_ =	sdelay $0x3  }
0x37: {  	[smem:$0x3FAF] =	sst s10  }
0x38: {  	s10 =	sld [smem:$0x3FB0]  }
0x39: {  	_ = 	snop;
	(pc) =	sbr.ind lr, $3  }
0x3a: {  	_ = 	snop  }
0x3b: {  	_ = 	snop  }
0x3c: {  	p2 =	seq.s32 s10, $0x1;
	s10 =	sld [smem:$0x3FAF]  }
0x3d: {  	_ =	shalt  }
0x3e: {  	_ =	shalt  }
0x3f: {  	_ =	shalt  }
0x40: {  	_ =	shalt  }
0x41: {  	_ =	shalt  }
0x42: {  	_ =	shalt  }
0x43: {  	_ =	shalt  }
0x44: {  	_ =	shalt  }
0x45: {  	_ =	shalt  }
0x46: {  	_ =	shalt  }
0x47: {  	_ =	shalt  }
0x48: {  	_ =	shalt  }
0x49: {  	_ =	shalt  }
0x4a: {  	_ =	shalt  }
0x4b: {  	_ =	shalt  }
0x4c: {  	_ =	shalt  }
0x4d: {  	_ =	shalt  }
0x4e: {  	_ =	shalt  }
0x4f: {  	_ =	shalt  }
0x50: {  	_ =	shalt  }
0x51: {  	_ =	shalt  }
0x52: {  	_ =	shalt  }
0x53: {  	_ =	shalt  }
0x54: {  	_ =	shalt  }
0x55: {  	_ =	shalt  }
0x56: {  	_ =	shalt  }
0x57: {  	_ =	shalt  }
0x58: {  	_ =	shalt  }
0x59: {  	_ =	shalt  }
0x5a: {  	_ =	shalt  }
0x5b: {  	_ =	shalt  }
0x5c: {  	_ =	shalt  }
0x5d: {  	_ =	shalt  }
0x5e: {  	_ =	shalt  }
0x5f: {  	_ =	shalt  }
0x60: {  	_ =	shalt  }
0x61: {  	_ =	shalt  }
0x62: {  	_ =	shalt  }
0x63: {  	_ =	shalt  }
0x64: {  	_ =	shalt  }
0x65: {  	_ =	shalt  }
0x66: {  	_ =	shalt  }
0x67: {  	_ =	shalt  }
0x68: {  	_ =	shalt  }
0x69: {  	_ =	shalt  }
0x6a: {  	_ =	shalt  }
0x6b: {  	_ =	shalt  }
0x6c: {  	_ =	shalt  }
0x6d: {  	_ =	shalt  }
0x6e: {  	_ =	shalt  }
0x6f: {  	_ =	shalt  }
0x70: {  	_ =	shalt  }
0x71: {  	_ =	shalt  }
0x72: {  	_ =	shalt  }
0x73: {  	_ =	shalt  }
0x74: {  	_ =	shalt  }
0x75: {  	_ =	shalt  }
0x76: {  	_ =	shalt  }
0x77: {  	_ =	shalt  }
0x78: {  	_ =	shalt  }
0x79: {  	_ =	shalt  }
0x7a: {  	_ =	shalt  }
0x7b: {  	_ =	shalt  }
0x7c: {  	_ =	shalt  }
0x7d: {  	_ =	shalt  }
0x7e: {  	_ =	shalt  }
0x7f: {  	_ =	shalt  }
0x80: {  	_ =	shalt  }
0x81: {  	_ =	shalt  }
0x82: {  	_ =	shalt  }
0x83: {  	_ =	shalt  }
0x84: {  	_ =	shalt  }
0x85: {  	_ =	shalt  }
0x86: {  	_ =	shalt  }
0x87: {  	_ =	shalt  }
.Lfunc_end0:
.L_simem_size_0:
called_computation.2_lowered:
.L_overlay_start_0:
0x88: {  	s2 =	sld [smem:$0x3FD9]  }
0x89: {  	s3 =	sld [smem:$0x3FFE];
	_ =	sdelay $0x1  }
0x8a: {  	s1 =	srdreg.scid  }
0x8b: {  	s0 =	sand.u32 $0x1, s1  }
0x8c: {  	s16 =	sshll.u32 s0, $0xA;
	s2 =	sadd.s32 s3, s2  }
0x8d: {  	s2 =	sadd.s32 s2, s16  }
0x8e: {  	[smem:$0x3FBB] =	sst s2  }
0x8f: {  	_ = 	snop  }
0x90: {  	(tm) =	ssettm $0x1  }
0x91: {  	s17 =	sld [smem:$0x3FFB];
	_ =	sdelay $0x3  }
0x92: {  	_ =	strace s17  }
0x93: {  	s2 =	sld [smem:$0x3FFC];
	_ =	sdelay $0x3  }
0x94: {  	_ =	strace s2  }
0x95: {  	s2 =	sld [smem:$0x3FFD];
	_ =	sdelay $0x3  }
0x96: {  	_ =	strace s2  }
0x97: {  	_ =	strace $0x8FFFFFFF  }
0x98: {  	s18 =	sld [smem:$0x3FDB];
	_ =	sdelay $0x1  }
0x99: {  	s19 =	simm.s32 $_scs_section_size  }
0x9a: {  	s4 =	simm.s32 $_size__tile_overlayer_lowered;
	s5 =	simm.s32 $_tile_overlayer_lowered  }
0x9b: {  	s22 =	simm.s32 $0x1BFF;
	s21 =	sshll.u32 s5, $0x1;
	s2 =	sadd.s32 s19, s18  }
0x9c: {  	s6 =	simm.s32 $0x0;
	s20 =	sshll.u32 s4, $0x1;
	s4 =	sadd.s32 s21, s2  }
0x9d: {  	[timem:s6], [sflag:s22] =	dma.local [hbm:s4], s20  }
0x9e: {  	_ =	swait.ge [sflag:s22], s20  }
0x9f: {  	s3 =	ssub.s32 $0x0, s20;
	[sflag:s22] =	ssyncset.done $0x0  }
0xa0: {  	[sflag:s22] =	ssyncadd.s32 s3;
	_ =	sdelay $0x1  }
0xa1: {  	s23 =	simm.s32 $0x1B8B  }
0xa2: {  	_ =	swait.ge [sflag:s23], $0x1  }
0xa3: {  	[sflag:s23] =	ssyncset.done $0x0  }
0xa4: {  	s25 =	simm.s32 $0x1B8E;
	s24 =	sld [smem:$0x3FFE];
	[sflag:s23] =	ssyncadd.s32 $0xFFFFFFFF  }
0xa5: {  	s26 =	simm.s32 $execute0_lowered;
	[smem:$0x3FD2] =	sst s25  }
0xa6: {  	s4 =	sshll.u32 s26, $0x1;
	_ =	strace $0x8000004C;
	[dreg:$0x1] =	wrdreg $0xFFFFFFFF  }
0xa7: {  	s28 =	simm.s32 $_size_execute0_lowered;
	s2 =	sadd.s32 s2, s4;
	[dreg:$0x0] =	wrdreg $0x0  }
0xa8: {  	s4 =	sshll.u32 s28, $0x1;
	[dreg:$0x2] =	wrdreg s2  }
0xa9: {  	[dreg:$0x3] =	wrdreg s4  }
0xaa: {  	[dreg:$0x4] =	wrdreg $0xC0  }
0xab: {  	_ =	task [dreg:s6], $0x5FFFF  }
0xac: {  	[dreg:$0x1] =	wrdreg $0xFFFFFFFF  }
0xad: {  	[dreg:$0x0] =	wrdreg $0x60  }
0xae: {  	[dreg:$0x2] =	wrdreg s24  }
0xaf: {  	[dreg:$0x3] =	wrdreg $0x91000  }
0xb0: {  	[dreg:$0x4] =	wrdreg $0x9  }
0xb1: {  	_ =	task.clear_ibuf [dreg:s6], $0x5FFFF;
	_ =	strace $0x9000004C  }
0xb2: {  	s29 =	simm.s32 $0x9;
	_ =	strace $0x8000004E  }
0xb3: {  	_ =	swait.ge [sflag:s29], $0x1  }
0xb4: {  	[sflag:s29] =	ssyncadd.s32 $0xFFFFFFFF  }
0xb5: {  	_ =	strace $0x9000004E  }
0xb6: {  	_ =	sfence  }
0xb7: {  	s30 =	sld [smem:$0x0];
	_ =	sdelay $0x2  }
0xb8: {  	s31 =	sshll.u32 s1, $0xD;
	s1 =	sshrl.u32 s1, $0x2  }
0xb9: {  	s3 =	sand.u32 $0x4000, s31;
	s1 =	sadd.s32 s1, s30  }
0xba: {  	s0 =	sor.u32 s3, s0;
	s1 =	sshll.u32 s1, $0x11  }
0xbb: {  	s0 =	sor.u32 s1, s0  }
0xbc: {  	s0 =	sadd.s32 $0x8F2B, s0  }
0xbd: {  	[sflag:s0] =	ssyncadd.remote.s32 $0x1  }
0xbe: {  	_ =	sfence.sel $0xFFFF  }
0xbf: {  	[dreg:$0x0] =	wrdreg $0xFFFFFFFF;
	(pc) =	sbr.abs _section_cstart, $3  }
0xc0: {  	[dreg:$0x1] =	wrdreg $0xFFFFFFFF  }
0xc1: {  	_ =	task.clear_ibuf [dreg:s6], $0x2FFFF;
	_ =	strace $0x9FFFFFFF  }
0xc2: {  	(tm) =	ssettm $0x7FFFFFFF  }
0xc3: {  	_ =	shalt  }
tec
execute0_lowered:
.L_overlay_start_1:
0x0: {  	(tag) =	ssettag $0x1  }
0x1: {  	s0 =	rddreg [dreg:$0x0]  }
0x2: {  	s2 =	rddreg [dreg:$0x1]  }
0x3: {  	s1 =	srdreg.scid;
	s3 =	simm.s32 $0x0;
	s9 =	stileid.u32  }
0x4: {  	s28 =	simm.s32 $0x4100;
	s29 =	simm.s32 $0x3;
	s30 =	simm.s32 $0x50  }
0x5: {  	s31 =	simm.s32 $0x80;
	s1 =	sand.u32 $0x1, s1;
	[smem:$0x7FF] =	sst s3  }
0x6: {  	s4 =	sshll.u32 s9, $0xF;
	s7 =	smul.u32 $0x280, s9;
	s6 =	sadd.s32 $0x3400, s0  }
0x7: {  	s9 =	smul.u32 $0x50000, s9;
	s10 =	sadd.s32 $0x23400, s0;
	s5 =	sshll.u32 s1, $0xE  }
0x8: {  	_ =	strace $0x8000004D;
	s8 =	smul.u32 $0x2800, s1;
	[dreg:$0x3] =	wrdreg s10  }
0x9: {  	s1 =	ssub.s32 $0x2, s1;
	s4 =	sor.u32 s5, s4;
	s5 =	sadd.s32 $0x24000, s0  }
0xa: {  	s14 =	sshrl.u32 s1, $0x1;
	s9 =	sshrl.u32 s9, $0x2;
	s15 =	sshrl.u32 s4, $0x3  }
0xb: {  	s7 =	sadd.s32 s7, s8;
	s1 =	ssub.s32 s1, s14;
	s8 =	sadd.s32 s9, s2  }
0xc: {  	s16 =	sadd.s32 s15, s0;
	s7 =	sshll.u32 s7, $0x4;
	s18 =	sadd.s32 s6, s15  }
0xd: {  	s9 =	sadd.s32 $0x2800, s8;
	s26 =	smax.u32 s1, $0x1;
	[dreg:$0x5] =	wrdreg s18  }
0xe: {  	s0 =	sadd.s32 s7, s0;
	s17 =	sadd.s32 $0x13400, s16;
	[dreg:$0xe] =	wrdreg s26  }
0xf: {  	s10 =	sadd.s32 $0x5000, s8;
	[dreg:$0x4] =	wrdreg s17;
	s19 =	sadd.s32 $0x4C000, s0  }
0x10: {  	s11 =	sadd.s32 $0x7800, s8;
	s20 =	sadd.s32 $0x4C500, s0;
	[dreg:$0x6] =	wrdreg s19  }
0x11: {  	s12 =	sadd.s32 $0xA000, s8;
	s21 =	sadd.s32 $0x4CA00, s0;
	[dreg:$0x7] =	wrdreg s20  }
0x12: {  	s13 =	sadd.s32 $0xC800, s8;
	s22 =	sadd.s32 $0x4CF00, s0;
	[dreg:$0x8] =	wrdreg s21  }
0x13: {  	s14 =	sadd.s32 $0xF000, s8;
	s23 =	sadd.s32 $0x4D400, s0;
	[dreg:$0x9] =	wrdreg s22  }
0x14: {  	s1 =	simm.s32 $0x1;
	s24 =	sadd.s32 $0x4D900, s0;
	[dreg:$0xa] =	wrdreg s23  }
0x15: {  	s15 =	simm.s32 $0x0;
	s25 =	sadd.s32 $0x4DE00, s0;
	[dreg:$0xb] =	wrdreg s24  }
0x16: {  	s26 =	sadd.s32 $0x11800, s8;
	s0 =	sadd.s32 $0x4E300, s0;
	[dreg:$0xc] =	wrdreg s25  }
0x17: {  	s7 =	simm.s32 $0x2;
	[dreg:$0xd] =	wrdreg s0;
	s0 =	simm.s32 $0x6900  }
.LBB2_1:
0x18: {  	s16 =	rddreg [dreg:$0x3]  }
0x19: {  	[tilespmem:s28], [sflag:$0x3] =	stream.linear.gather [hbm4b:s16+s3], $0x2800, $0x38;
	[tilespmem:$0x1D100] =	vst v63  }
0x1a: {  	_ =	swait.ge [sflag:s29], $0x2800  }
0x1b: {  	[sflag:s29] =	ssyncset.done $0x0  }
0x1c: {  	[sflag:s29] =	ssyncadd.s32 $0xFFFFD800  }
0x1d: {  	[spmem:s8] =	stream.linear.scatter [tilespmem:s28], [sflag:$0x3], $0x2800, $0x38;
	[tilespmem:$0x1D100] =	vst v63  }
0x1e: {  	_ =	swait.ge [sflag:s29], $0x2800  }
0x1f: {  	[sflag:s29] =	ssyncset.done $0x0  }
0x20: {  	[sflag:s29] =	ssyncadd.s32 $0xFFFFD800  }
0x21: {  	[spmem:s9] =	stream.linear.scatter [tilespmem:s28], [sflag:$0x3], $0x2800, $0x38;
	[tilespmem:$0x1D100] =	vst v63  }
0x22: {  	_ =	swait.ge [sflag:s29], $0x2800  }
0x23: {  	[sflag:s29] =	ssyncset.done $0x0  }
0x24: {  	[sflag:s29] =	ssyncadd.s32 $0xFFFFD800  }
0x25: {  	[spmem:s10] =	stream.linear.scatter [tilespmem:s28], [sflag:$0x3], $0x2800, $0x38;
	[tilespmem:$0x1D100] =	vst v63  }
0x26: {  	_ =	swait.ge [sflag:s29], $0x2800  }
0x27: {  	[sflag:s29] =	ssyncset.done $0x0  }
0x28: {  	[sflag:s29] =	ssyncadd.s32 $0xFFFFD800  }
0x29: {  	[spmem:s11] =	stream.linear.scatter [tilespmem:s28], [sflag:$0x3], $0x2800, $0x38;
	[tilespmem:$0x1D100] =	vst v63  }
0x2a: {  	_ =	swait.ge [sflag:s29], $0x2800  }
0x2b: {  	[sflag:s29] =	ssyncset.done $0x0  }
0x2c: {  	[sflag:s29] =	ssyncadd.s32 $0xFFFFD800  }
0x2d: {  	[spmem:s12] =	stream.linear.scatter [tilespmem:s28], [sflag:$0x3], $0x2800, $0x38;
	[tilespmem:$0x1D100] =	vst v63  }
0x2e: {  	_ =	swait.ge [sflag:s29], $0x2800  }
0x2f: {  	[sflag:s29] =	ssyncset.done $0x0  }
0x30: {  	[sflag:s29] =	ssyncadd.s32 $0xFFFFD800  }
0x31: {  	[spmem:s13] =	stream.linear.scatter [tilespmem:s28], [sflag:$0x3], $0x2800, $0x38;
	[tilespmem:$0x1D100] =	vst v63  }
0x32: {  	_ =	swait.ge [sflag:s29], $0x2800  }
0x33: {  	[sflag:s29] =	ssyncset.done $0x0  }
0x34: {  	[sflag:s29] =	ssyncadd.s32 $0xFFFFD800  }
0x35: {  	[spmem:s14] =	stream.linear.scatter [tilespmem:s28], [sflag:$0x3], $0x2800, $0x38;
	[tilespmem:$0x1D100] =	vst v63  }
0x36: {  	_ =	swait.ge [sflag:s29], $0x2800  }
0x37: {  	[sflag:s29] =	ssyncset.done $0x0  }
0x38: {  	[sflag:s29] =	ssyncadd.s32 $0xFFFFD800  }
0x39: {  	[spmem:s26] =	stream.linear.scatter [tilespmem:s28], [sflag:$0x3], $0x2800, $0x38;
	[tilespmem:$0x1D100] =	vst v63  }
0x3a: {  	_ =	swait.ge [sflag:s29], $0x2800  }
0x3b: {  	[sflag:s29] =	ssyncset.done $0x0  }
0x3c: {  	s20 =	simm.s32 $0x100;
	s17 =	rddreg [dreg:$0x4];
	[sflag:s29] =	ssyncadd.s32 $0xFFFFD800  }
0x3d: {  	[tilespmem:s20], [sflag:$0x3] =	stream.linear.gather [hbm4b:s17+s3], $0x3E80, $0x38;
	[tilespmem:$0x1D100] =	vst v63  }
0x3e: {  	_ =	swait.ge [sflag:s29], $0x3E80  }
0x3f: {  	[sflag:s29] =	ssyncset.done $0x0  }
0x40: {  	[sflag:s29] =	ssyncadd.s32 $0xFFFFC180  }
0x41: {  	s22 =	simm.s32 $0x80;
	s18 =	simm.s32 $0x0;
	[bflag:$0x0] =	sbarrier.arrive $0xFFFF  }
0x42: {  	s18 =	sand.u32 $0x3C00, s18;
	s17 =	sand.u32 $0x380, s22;
	s21 =	rddreg [dreg:$0x5]  }
0x43: {  	[tilespmem:s3], [sflag:$0x3] =	stream.linear.gather [hbm4b:s21+s3], $0x80, $0x38;
	[tilespmem:$0x1D100] =	vst v63  }
0x44: {  	s17 =	sor.u32 s17, s18;
	_ =	swait.ge [sflag:s29], $0x80  }
0x45: {  	s17 =	sor.u32 s4, s17;
	[sflag:s29] =	ssyncset.done $0x0  }
0x46: {  	s17 =	sshrl.u32 s17, $0x3;
	[sflag:s29] =	ssyncadd.s32 $0xFFFFFF80  }
0x47: {  	[tilespmem:s28], [sflag:$0x1] =	stream.indirect.gather [hbm4b:s5+s30], $0x80, s3, s30, $0xb8;
	[tilespmem:$0x1D100] =	vst v63  }
0x48: {  	s17 =	sadd.s32 s6, s17  }
0x49: {  	[tilespmem:s31], [sflag:$0x3] =	stream.linear.gather [hbm4b:s17+s3], $0x80, $0x38;
	[tilespmem:$0x1D100] =	vst v63  }
0x4a: {  	_ =	swait.ge [sflag:s29], $0x80  }
0x4b: {  	[sflag:s29] =	ssyncset.done $0x0  }
0x4c: {  	[sflag:s29] =	ssyncadd.s32 $0xFFFFFF80  }
0x4d: {  	[tilespmem:s0], [sflag:$0x2] =	stream.indirect.gather [hbm4b:s5+s30], $0x80, s31, s30, $0xb8;
	[tilespmem:$0x1D100] =	vst v63  }
0x4e: {  	_ =	swait.ge [sflag:s1], $0x2800  }
0x4f: {  	s23 =	sand.u32 $0x7C00, s20;
	[sflag:s1] =	ssyncset.done $0x0  }
0x50: {  	s16 =	sand.u32 $0x300, s20;
	s17 =	sadd.s32 s4, s23;
	[sflag:s1] =	ssyncadd.s32 $0xFFFFD800  }
0x51: {  	[spmem:s2] =	stream.indirect.scatter.add.f32 [tilespmem:s28], [sflag:$0x3], $0x80, s20, s30, $0xb8;
	[tilespmem:$0x1D100] =	vst v63  }
0x52: {  	s16 =	sor.u32 s16, s17;
	_ =	swait.ge [sflag:s29], $0x2800  }
0x53: {  	s24 =	simm.s32 $0x180;
	s16 =	sshrl.u32 s16, $0x3;
	[sflag:s29] =	ssyncset.done $0x0  }
0x54: {  	s25 =	simm.s32 $0x100;
	s16 =	sadd.s32 s6, s16;
	[sflag:s29] =	ssyncadd.s32 $0xFFFFD800  }
0x55: {  	[tilespmem:s3], [sflag:$0x3] =	stream.linear.gather [hbm4b:s16+s3], $0x80, $0x38;
	[tilespmem:$0x1D100] =	vst v63  }
0x56: {  	s19 =	simm.s32 $0x180;
	s18 =	sand.u32 $0x3C00, s25;
	_ =	swait.ge [sflag:s29], $0x80  }
0x57: {  	s21 =	simm.s32 $0x300;
	s17 =	simm.s32 $0x200;
	[sflag:s29] =	ssyncset.done $0x0  }
0x58: {  	s20 =	simm.s32 $0x300;
	s16 =	sand.u32 $0x380, s24;
	[sflag:s29] =	ssyncadd.s32 $0xFFFFFF80  }
0x59: {  	[tilespmem:s28], [sflag:$0x1] =	stream.indirect.gather [hbm4b:s5+s30], $0x80, s3, s30, $0xb8;
	[tilespmem:$0x1D100] =	vst v63  }
0x5a: {  	s18 =	sor.u32 s16, s18;
	s16 =	simm.s32 $0x280;
	_ =	swait.ge [sflag:s7], $0x2800  }
0x5b: {  	s23 =	sor.u32 s4, s18;
	s18 =	simm.s32 $0x200;
	[sflag:s7] =	ssyncset.done $0x0  }
.LBB2_2:
0x5c: {  	s23 =	sshrl.u32 s23, $0x3  }
0x5d: {  	[sflag:s7] =	ssyncadd.s32 $0xFFFFD800;
	s24 =	smov.u32 s21;
	s22 =	sadd.s32 $0x100, s21  }
0x5e: {  	[spmem:s2] =	stream.indirect.scatter.add.f32 [tilespmem:s0], [sflag:$0x3], $0x80, s19, s30, $0xb8;
	[tilespmem:$0x1D100] =	vst v63  }
0x5f: {  	s25 =	sadd.s32 $0x80, s20;
	p0 =	sne.s32 s21, $0x3E00;
	_ =	swait.ge [sflag:s29], $0x2800  }
0x60: {  	s19 =	smov.u32 s16;
	s16 =	smov.u32 s25;
	[sflag:s29] =	ssyncset.done $0x0  }
0x61: {  	s21 =	sadd.s32 s6, s23;
	[sflag:s29] =	ssyncadd.s32 $0xFFFFD800  }
0x62: {  	[tilespmem:s31], [sflag:$0x3] =	stream.linear.gather [hbm4b:s21+s3], $0x80, $0x38;
	[tilespmem:$0x1D100] =	vst v63  }
0x63: {  	_ =	swait.ge [sflag:s29], $0x80  }
0x64: {  	[sflag:s29] =	ssyncset.done $0x0  }
0x65: {  	[sflag:s29] =	ssyncadd.s32 $0xFFFFFF80  }
0x66: {  	[tilespmem:s0], [sflag:$0x2] =	stream.indirect.gather [hbm4b:s5+s30], $0x80, s31, s30, $0xb8;
	[tilespmem:$0x1D100] =	vst v63  }
0x67: {  	_ =	swait.ge [sflag:s1], $0x2800  }
0x68: {  	[sflag:s1] =	ssyncset.done $0x0  }
0x69: {  	s21 =	sand.u32 $0x7C00, s17;
	[sflag:s1] =	ssyncadd.s32 $0xFFFFD800  }
0x6a: {  	[spmem:s2] =	stream.indirect.scatter.add.f32 [tilespmem:s28], [sflag:$0x3], $0x80, s18, s30, $0xb8;
	[tilespmem:$0x1D100] =	vst v63  }
0x6b: {  	s17 =	sand.u32 $0x300, s17;
	s18 =	sadd.s32 s4, s21;
	_ =	swait.ge [sflag:s29], $0x2800  }
0x6c: {  	s18 =	sor.u32 s17, s18;
	s17 =	smov.u32 s24;
	[sflag:s29] =	ssyncset.done $0x0  }
0x6d: {  	s21 =	sshrl.u32 s18, $0x3;
	s18 =	smov.u32 s20;
	[sflag:s29] =	ssyncadd.s32 $0xFFFFD800  }
0x6e: {  	s21 =	sadd.s32 s6, s21  }
0x6f: {  	[tilespmem:s3], [sflag:$0x3] =	stream.linear.gather [hbm4b:s21+s3], $0x80, $0x38;
	[tilespmem:$0x1D100] =	vst v63  }
0x70: {  	s23 =	sadd.s32 $0xFFFFFF00, s17;
	_ =	swait.ge [sflag:s29], $0x80  }
.Ltmp0:
0x71: {  	s21 =	sadd.s32 $0xFFFFFF80, s17;
	[sflag:s29] =	ssyncset.done $0x0;
	(pc) =	sbr.rel @p0 .LBB2_2-.Ltmp0, $4  }
0x72: {  	s23 =	sand.u32 $0x3C00, s23;
	s21 =	sand.u32 $0x380, s21;
	[sflag:s29] =	ssyncadd.s32 $0xFFFFFF80  }
0x73: {  	[tilespmem:s28], [sflag:$0x1] =	stream.indirect.gather [hbm4b:s5+s30], $0x80, s3, s30, $0xb8;
	[tilespmem:$0x1D100] =	vst v63  }
0x74: {  	s20 =	sadd.s32 $0x100, s20;
	s21 =	sor.u32 s21, s23;
	_ =	swait.ge [sflag:s7], $0x2800  }
0x75: {  	s23 =	sor.u32 s4, s21;
	s21 =	smov.u32 s22;
	[sflag:s7] =	ssyncset.done $0x0  }
0x76: {  	[sflag:s7] =	ssyncadd.s32 $0xFFFFD800  }
0x77: {  	[spmem:s2] =	stream.indirect.scatter.add.f32 [tilespmem:s0], [sflag:$0x3], $0x80, s19, s30, $0xb8;
	[tilespmem:$0x1D100] =	vst v63  }
0x78: {  	_ =	swait.ge [sflag:s29], $0x2800  }
0x79: {  	s22 =	sshrl.u32 s23, $0x3;
	[sflag:s29] =	ssyncset.done $0x0  }
0x7a: {  	s19 =	sadd.s32 s6, s22;
	[sflag:s29] =	ssyncadd.s32 $0xFFFFD800  }
0x7b: {  	[tilespmem:s31], [sflag:$0x3] =	stream.linear.gather [hbm4b:s19+s3], $0x80, $0x38;
	[tilespmem:$0x1D100] =	vst v63  }
0x7c: {  	_ =	swait.ge [sflag:s29], $0x80  }
0x7d: {  	[sflag:s29] =	ssyncset.done $0x0  }
0x7e: {  	[sflag:s29] =	ssyncadd.s32 $0xFFFFFF80  }
0x7f: {  	[tilespmem:s0], [sflag:$0x2] =	stream.indirect.gather [hbm4b:s5+s30], $0x80, s31, s30, $0xb8;
	[tilespmem:$0x1D100] =	vst v63  }
0x80: {  	_ =	swait.ge [sflag:s1], $0x2800  }
0x81: {  	[sflag:s1] =	ssyncset.done $0x0  }
0x82: {  	s23 =	sand.u32 $0x7C00, s17;
	[sflag:s1] =	ssyncadd.s32 $0xFFFFD800  }
0x83: {  	[spmem:s2] =	stream.indirect.scatter.add.f32 [tilespmem:s28], [sflag:$0x3], $0x80, s18, s30, $0xb8;
	[tilespmem:$0x1D100] =	vst v63  }
0x84: {  	s24 =	sand.u32 $0x300, s17;
	s18 =	sadd.s32 s4, s23  }
0x85: {  	s17 =	sor.u32 s24, s18;
	_ =	swait.ge [sflag:s29], $0x2800  }
0x86: {  	[sflag:s29] =	ssyncset.done $0x0;
	s17 =	sshrl.u32 s17, $0x3  }
0x87: {  	[sflag:s29] =	ssyncadd.s32 $0xFFFFD800;
	s17 =	sadd.s32 s6, s17  }
0x88: {  	[tilespmem:s3], [sflag:$0x3] =	stream.linear.gather [hbm4b:s17+s3], $0x80, $0x38;
	[tilespmem:$0x1D100] =	vst v63  }
0x89: {  	_ =	swait.ge [sflag:s29], $0x80  }
0x8a: {  	[sflag:s29] =	ssyncset.done $0x0  }
0x8b: {  	[sflag:s29] =	ssyncadd.s32 $0xFFFFFF80  }
0x8c: {  	[tilespmem:s28], [sflag:$0x1] =	stream.indirect.gather [hbm4b:s5+s30], $0x80, s3, s30, $0xb8;
	[tilespmem:$0x1D100] =	vst v63  }
0x8d: {  	_ =	swait.ge [sflag:s7], $0x2800  }
0x8e: {  	[sflag:s7] =	ssyncset.done $0x0  }
0x8f: {  	[sflag:s7] =	ssyncadd.s32 $0xFFFFD800  }
0x90: {  	[spmem:s2] =	stream.indirect.scatter.add.f32 [tilespmem:s0], [sflag:$0x3], $0x80, s16, s30, $0xb8;
	[tilespmem:$0x1D100] =	vst v63  }
0x91: {  	_ =	swait.ge [sflag:s29], $0x2800  }
0x92: {  	[sflag:s29] =	ssyncset.done $0x0  }
0x93: {  	[sflag:s29] =	ssyncadd.s32 $0xFFFFD800  }
0x94: {  	_ =	swait.ge [sflag:s1], $0x2800  }
0x95: {  	[sflag:s1] =	ssyncset.done $0x0  }
0x96: {  	s25 =	simm.s32 $0x3F00;
	[sflag:s1] =	ssyncadd.s32 $0xFFFFD800  }
0x97: {  	[spmem:s2] =	stream.indirect.scatter.add.f32 [tilespmem:s28], [sflag:$0x3], $0x80, s25, s30, $0xb8;
	[tilespmem:$0x1D100] =	vst v63  }
0x98: {  	_ =	swait.ge [sflag:s29], $0x2800  }
0x99: {  	[sflag:s29] =	ssyncset.done $0x0  }
0x9a: {  	[sflag:s29] =	ssyncadd.s32 $0xFFFFD800  }
0x9b: {  	[bflag:$0x0] =	sbarrier.arrive $0xFFFF  }
0x9c: {  	[tilespmem:s28], [sflag:$0x3] =	stream.linear.gather [spmem:s8], $0x2800, $0x38;
	[tilespmem:$0x1D100] =	vst v63  }
0x9d: {  	_ =	swait.ge [sflag:s29], $0x2800  }
0x9e: {  	[sflag:s29] =	ssyncset.done $0x0  }
0x9f: {  	s17 =	rddreg [dreg:$0x6];
	[sflag:s29] =	ssyncadd.s32 $0xFFFFD800  }
0xa0: {  	[hbm4b:s17+s3] =	stream.linear.scatter [tilespmem:s28], [sflag:$0x3], $0x2800, $0x38;
	[tilespmem:$0x1D100] =	vst v63  }
0xa1: {  	_ =	swait.ge [sflag:s29], $0x2800  }
0xa2: {  	[sflag:s29] =	ssyncset.done $0x0  }
0xa3: {  	[sflag:s29] =	ssyncadd.s32 $0xFFFFD800  }
0xa4: {  	[tilespmem:s28], [sflag:$0x3] =	stream.linear.gather [spmem:s9], $0x2800, $0x38;
	[tilespmem:$0x1D100] =	vst v63  }
0xa5: {  	_ =	swait.ge [sflag:s29], $0x2800  }
0xa6: {  	[sflag:s29] =	ssyncset.done $0x0  }
0xa7: {  	s18 =	rddreg [dreg:$0x7];
	[sflag:s29] =	ssyncadd.s32 $0xFFFFD800  }
0xa8: {  	[hbm4b:s18+s3] =	stream.linear.scatter [tilespmem:s28], [sflag:$0x3], $0x2800, $0x38;
	[tilespmem:$0x1D100] =	vst v63  }
0xa9: {  	_ =	swait.ge [sflag:s29], $0x2800  }
0xaa: {  	[sflag:s29] =	ssyncset.done $0x0  }
0xab: {  	[sflag:s29] =	ssyncadd.s32 $0xFFFFD800  }
0xac: {  	[tilespmem:s28], [sflag:$0x3] =	stream.linear.gather [spmem:s10], $0x2800, $0x38;
	[tilespmem:$0x1D100] =	vst v63  }
0xad: {  	_ =	swait.ge [sflag:s29], $0x2800  }
0xae: {  	[sflag:s29] =	ssyncset.done $0x0  }
0xaf: {  	s19 =	rddreg [dreg:$0x8];
	[sflag:s29] =	ssyncadd.s32 $0xFFFFD800  }
0xb0: {  	[hbm4b:s19+s3] =	stream.linear.scatter [tilespmem:s28], [sflag:$0x3], $0x2800, $0x38;
	[tilespmem:$0x1D100] =	vst v63  }
0xb1: {  	_ =	swait.ge [sflag:s29], $0x2800  }
0xb2: {  	[sflag:s29] =	ssyncset.done $0x0  }
0xb3: {  	[sflag:s29] =	ssyncadd.s32 $0xFFFFD800  }
0xb4: {  	[tilespmem:s28], [sflag:$0x3] =	stream.linear.gather [spmem:s11], $0x2800, $0x38;
	[tilespmem:$0x1D100] =	vst v63  }
0xb5: {  	_ =	swait.ge [sflag:s29], $0x2800  }
0xb6: {  	[sflag:s29] =	ssyncset.done $0x0  }
0xb7: {  	s20 =	rddreg [dreg:$0x9];
	[sflag:s29] =	ssyncadd.s32 $0xFFFFD800  }
0xb8: {  	[hbm4b:s20+s3] =	stream.linear.scatter [tilespmem:s28], [sflag:$0x3], $0x2800, $0x38;
	[tilespmem:$0x1D100] =	vst v63  }
0xb9: {  	_ =	swait.ge [sflag:s29], $0x2800  }
0xba: {  	[sflag:s29] =	ssyncset.done $0x0  }
0xbb: {  	[sflag:s29] =	ssyncadd.s32 $0xFFFFD800  }
0xbc: {  	[tilespmem:s28], [sflag:$0x3] =	stream.linear.gather [spmem:s12], $0x2800, $0x38;
	[tilespmem:$0x1D100] =	vst v63  }
0xbd: {  	_ =	swait.ge [sflag:s29], $0x2800  }
0xbe: {  	[sflag:s29] =	ssyncset.done $0x0  }
0xbf: {  	s21 =	rddreg [dreg:$0xa];
	[sflag:s29] =	ssyncadd.s32 $0xFFFFD800  }
0xc0: {  	[hbm4b:s21+s3] =	stream.linear.scatter [tilespmem:s28], [sflag:$0x3], $0x2800, $0x38;
	[tilespmem:$0x1D100] =	vst v63  }
0xc1: {  	_ =	swait.ge [sflag:s29], $0x2800  }
0xc2: {  	[sflag:s29] =	ssyncset.done $0x0  }
0xc3: {  	[sflag:s29] =	ssyncadd.s32 $0xFFFFD800  }
0xc4: {  	[tilespmem:s28], [sflag:$0x3] =	stream.linear.gather [spmem:s13], $0x2800, $0x38;
	[tilespmem:$0x1D100] =	vst v63  }
0xc5: {  	_ =	swait.ge [sflag:s29], $0x2800  }
0xc6: {  	[sflag:s29] =	ssyncset.done $0x0  }
0xc7: {  	s22 =	rddreg [dreg:$0xb];
	[sflag:s29] =	ssyncadd.s32 $0xFFFFD800  }
0xc8: {  	[hbm4b:s22+s3] =	stream.linear.scatter [tilespmem:s28], [sflag:$0x3], $0x2800, $0x38;
	[tilespmem:$0x1D100] =	vst v63  }
0xc9: {  	_ =	swait.ge [sflag:s29], $0x2800  }
0xca: {  	[sflag:s29] =	ssyncset.done $0x0  }
0xcb: {  	[sflag:s29] =	ssyncadd.s32 $0xFFFFD800  }
0xcc: {  	[tilespmem:s28], [sflag:$0x3] =	stream.linear.gather [spmem:s14], $0x2800, $0x38;
	[tilespmem:$0x1D100] =	vst v63  }
0xcd: {  	_ =	swait.ge [sflag:s29], $0x2800  }
0xce: {  	[sflag:s29] =	ssyncset.done $0x0  }
0xcf: {  	s23 =	rddreg [dreg:$0xc];
	[sflag:s29] =	ssyncadd.s32 $0xFFFFD800  }
0xd0: {  	[hbm4b:s23+s3] =	stream.linear.scatter [tilespmem:s28], [sflag:$0x3], $0x2800, $0x38;
	[tilespmem:$0x1D100] =	vst v63  }
0xd1: {  	_ =	swait.ge [sflag:s29], $0x2800  }
0xd2: {  	[sflag:s29] =	ssyncset.done $0x0  }
0xd3: {  	[sflag:s29] =	ssyncadd.s32 $0xFFFFD800  }
0xd4: {  	[tilespmem:s28], [sflag:$0x3] =	stream.linear.gather [spmem:s26], $0x2800, $0x38;
	[tilespmem:$0x1D100] =	vst v63  }
0xd5: {  	_ =	swait.ge [sflag:s29], $0x2800  }
0xd6: {  	[sflag:s29] =	ssyncset.done $0x0  }
0xd7: {  	s24 =	rddreg [dreg:$0xd];
	[sflag:s29] =	ssyncadd.s32 $0xFFFFD800  }
0xd8: {  	[hbm4b:s24+s3] =	stream.linear.scatter [tilespmem:s28], [sflag:$0x3], $0x2800, $0x38;
	[tilespmem:$0x1D100] =	vst v63  }
0xd9: {  	_ =	swait.ge [sflag:s29], $0x2800  }
0xda: {  	s15 =	sadd.s32 $0x1, s15;
	s25 =	rddreg [dreg:$0xe]  }
0xdb: {  	p0 =	sne.s32 s15, s25  }
.Ltmp1:
0xdc: {  	_ = 	snop;
	(pc) =	sbr.rel @p0 .LBB2_1-.Ltmp1, $3  }
0xdd: {  	_ =	sdelay $0x1  }
0xde: {  	[sflag:s29] =	ssyncset.done $0x0  }
0xdf: {  	[sflag:s29] =	ssyncadd.s32 $0xFFFFD800  }
0xe0: {  	_ =	sfence.sel $0x180000  }
0xe1: {  	[bflag:$0x0] =	sbarrier.arrive $0xFFFF  }
0xe2: {  	_ =	strace $0x9000004D  }
0xe3: {  	s0 =	stileid.u32;
	[bflag:$0x2] =	sbarrier.arrive $0xFFFF  }
0xe4: {  	p0 =	sne.s32 s0, $0x0;
	s0 =	rddreg [dreg:$0x2]  }
0xe5: {  	s0 =	sadd.s32 @!p0 $0x100000, s0  }
0xe6: {  	[sflag:s0] =	ssyncadd.tile.s32 @!p0 $0x1;
	_ =	shalt  }
.Lfunc_end2:
_tile_overlayer_lowered:
.L_overlay_start_2:
0xe7: {  	(tag) =	ssettag $0x2  }
0xe8: {  	s0 =	rddreg [dreg:$0x0];
	s2 =	stileid.u32  }
0xe9: {  	s1 =	rddreg [dreg:$0x1];
	p0 =	sne.s32 s2, $0x0  }
0xea: {  	s3 =	rddreg [dreg:$0x2];
	[bflag:$0x3] =	sbarrier.arrive $0xFFFF;
	s2 =	simm.s32 @!p0 $0x1C03  }
0xeb: {  	[timem:s3], [sflag:s2] =	dma.local @!p0 [hbm:s0], s1  }
0xec: {  	s0 =	simm.s32 @!p0 $0x3  }
0xed: {  	_ =	swait.ge @!p0 [sflag:s0], s1  }
0xee: {  	s1 =	ssub.s32 @!p0 $0x0, s1;
	[sflag:s0] =	ssyncset.done @!p0 $0x0  }
0xef: {  	[sflag:s0] =	ssyncadd.s32 @!p0 s1  }
0xf0: {  	[bflag:$0x3] =	sbarrier.arrive $0xFFFF  }
0xf1: {  	_ =	shalt  }

// kernel: kernel.19.cloned.1.call-start
scs
__scs_entry_jumppad:
0x0: {  	(pc) =	sbr.rel $0x88, $3  }
0x1: {  	(tag) =	ssettag $0x0;
	lr =	simm.s32 $0x1  }
0x2: {  	[smem:$0x3F94] =	sst lr;
	_ =	strace $0xD0000000  }
0x3: {  	_ = 	snop  }
0x4: {  	_ = 	snop  }
0x5: {  	_ = 	snop  }
0x6: {  	_ = 	snop  }
0x7: {  	_ = 	snop  }
__scs_overlays_trampoline_lowered:
0x8: {  	[smem:$0x3FA3] =	sst s0  }
0x9: {  	[smem:$0x3FA4] =	sst s1  }
0xa: {  	[smem:$0x3FA5] =	sst s2  }
0xb: {  	[smem:$0x3FA6] =	sst s3  }
0xc: {  	[smem:$0x3FA7] =	sst s4  }
0xd: {  	[smem:$0x3FA8] =	sst s5  }
0xe: {  	[smem:$0x3FA9] =	sst s6  }
0xf: {  	[smem:$0x3FAA] =	sst s7  }
0x10: {  	[smem:$0x3FAB] =	sst s8  }
0x11: {  	[smem:$0x3FAC] =	sst s9;
	s0 =	simm.s32 @!p0 $0x0  }
0x12: {  	s1 =	sld [smem:$0x3F92];
	s0 =	simm.s32 @p0 $0x1  }
0x13: {  	[smem:$0x3FAD] =	sst s0;
	s0 =	simm.s32 @!p1 $0x0  }
0x14: {  	s2 =	sld [smem:$0x3F91];
	s0 =	simm.s32 @p1 $0x1  }
0x15: {  	[smem:$0x3FAE] =	sst s0;
	s0 =	simm.s32 @!p2 $0x0  }
0x16: {  	s3 =	sld [smem:$0x3FDB];
	s0 =	simm.s32 @p2 $0x1  }
0x17: {  	s4 =	simm.s32 $0x1BF5;
	[smem:$0x3FB0] =	sst s0  }
0x18: {  	s0 =	sld [smem:$0x3F93];
	_ =	swait.ge [sflag:s4], $0x0  }
0x19: {  	s7 =	sld [smem:$0x3F94]  }
0x1a: {  	s8 =	sadd.s32 $0xFFFFE003, lr  }
0x1b: {  	s9 =	sadd.s32 $0xFFFFFEF7, lr;
	s5 =	simm.s32 $0xFFFFFFFF;
	p2 =	slt.u32 s8, $0xFFFFF086  }
0x1c: {  	p1 =	slt.u32 s9, $0xF7A;
	s5 =	simm.s32 @!p2 $0x0  }
0x1d: {  	s5 =	simm.s32 @p1 $0x1;
	p0 =	seq.s32 s7, s2  }
0x1e: {  	s7 =	smul.u32 @!p0 $0xF7A, s2;
	p2 =	seq.s32 @!p0 s5, $0x0  }
0x1f: {  	s9 =	smul.u32 $0xF7A, s1;
	s8 =	simm.s32 @!p0 $0x1BF5;
	p2 =	por !p2, p0  }
0x20: {  	[sflag:s8] =	ssyncset.s32 @!p0 $0xFFFFF086;
	s6 =	sadd.s32 @!p0 s3, s7;
	s7 =	simm.s32 @!p0 $0x108  }
0x21: {  	s3 =	sadd.s32 s3, s9;
	s6 =	sadd.s32 @!p0 $0x88, s6;
	s7 =	simm.s32 @p2 $0x1082  }
0x22: {  	[simem:s7], [sflag:s8] =	dma.local @!p0 [hbm:s6], $0xF7A  }
0x23: {  	s9 =	sor.u32 $0xD0000000, s2;
	s6 =	simm.s32 $0x108;
	_ =	swait.ge @!p0 [sflag:s8], $0x0  }
0x24: {  	s3 =	sadd.s32 $0x88, s3;
	s6 =	simm.s32 @!p1 $0x1082;
	[sflag:s4] =	ssyncset.s32 $0xFFFFF086  }
0x25: {  	[simem:s6], [sflag:s4] =	dma.local [hbm:s3], $0xF7A  }
0x26: {  	[smem:$0x3F94] =	sst s1;
	(tag) =	ssettag s2;
	_ =	strace s9  }
0x27: {  	s1 =	sld [smem:$0x3FA4]  }
0x28: {  	s2 =	sld [smem:$0x3FA5]  }
0x29: {  	s4 =	sld [smem:$0x3FA7]  }
0x2a: {  	p0 =	seq.s32 s5, $0x0;
	s5 =	sld [smem:$0x3FA8]  }
0x2b: {  	s6 =	sld [smem:$0x3FA9]  }
0x2c: {  	s7 =	sld [smem:$0x3FAA]  }
0x2d: {  	s3 =	simm.s32 $0x108;
	s8 =	sld [smem:$0x3FAB]  }
0x2e: {  	s3 =	simm.s32 @!p0 $0x1082;
	s9 =	sld [smem:$0x3FAC]  }
0x2f: {  	lr =	sadd.s32 s0, s3;
	s0 =	sld [smem:$0x3FA3]  }
0x30: {  	s3 =	sld [smem:$0x3FA6]  }
0x31: {  	[smem:$0x3FAF] =	sst s10  }
0x32: {  	s10 =	sld [smem:$0x3FAD];
	_ =	sdelay $0x3  }
0x33: {  	p0 =	seq.s32 s10, $0x1;
	s10 =	sld [smem:$0x3FAF];
	_ =	sdelay $0x3  }
0x34: {  	[smem:$0x3FAF] =	sst s10  }
0x35: {  	s10 =	sld [smem:$0x3FAE];
	_ =	sdelay $0x3  }
0x36: {  	p1 =	seq.s32 s10, $0x1;
	s10 =	sld [smem:$0x3FAF];
	_ =	sdelay $0x3  }
0x37: {  	[smem:$0x3FAF] =	sst s10  }
0x38: {  	s10 =	sld [smem:$0x3FB0]  }
0x39: {  	_ = 	snop;
	(pc) =	sbr.ind lr, $3  }
0x3a: {  	_ = 	snop  }
0x3b: {  	_ = 	snop  }
0x3c: {  	p2 =	seq.s32 s10, $0x1;
	s10 =	sld [smem:$0x3FAF]  }
0x3d: {  	_ =	shalt  }
0x3e: {  	_ =	shalt  }
0x3f: {  	_ =	shalt  }
0x40: {  	_ =	shalt  }
0x41: {  	_ =	shalt  }
0x42: {  	_ =	shalt  }
0x43: {  	_ =	shalt  }
0x44: {  	_ =	shalt  }
0x45: {  	_ =	shalt  }
0x46: {  	_ =	shalt  }
0x47: {  	_ =	shalt  }
0x48: {  	_ =	shalt  }
0x49: {  	_ =	shalt  }
0x4a: {  	_ =	shalt  }
0x4b: {  	_ =	shalt  }
0x4c: {  	_ =	shalt  }
0x4d: {  	_ =	shalt  }
0x4e: {  	_ =	shalt  }
0x4f: {  	_ =	shalt  }
0x50: {  	_ =	shalt  }
0x51: {  	_ =	shalt  }
0x52: {  	_ =	shalt  }
0x53: {  	_ =	shalt  }
0x54: {  	_ =	shalt  }
0x55: {  	_ =	shalt  }
0x56: {  	_ =	shalt  }
0x57: {  	_ =	shalt  }
0x58: {  	_ =	shalt  }
0x59: {  	_ =	shalt  }
0x5a: {  	_ =	shalt  }
0x5b: {  	_ =	shalt  }
0x5c: {  	_ =	shalt  }
0x5d: {  	_ =	shalt  }
0x5e: {  	_ =	shalt  }
0x5f: {  	_ =	shalt  }
0x60: {  	_ =	shalt  }
0x61: {  	_ =	shalt  }
0x62: {  	_ =	shalt  }
0x63: {  	_ =	shalt  }
0x64: {  	_ =	shalt  }
0x65: {  	_ =	shalt  }
0x66: {  	_ =	shalt  }
0x67: {  	_ =	shalt  }
0x68: {  	_ =	shalt  }
0x69: {  	_ =	shalt  }
0x6a: {  	_ =	shalt  }
0x6b: {  	_ =	shalt  }
0x6c: {  	_ =	shalt  }
0x6d: {  	_ =	shalt  }
0x6e: {  	_ =	shalt  }
0x6f: {  	_ =	shalt  }
0x70: {  	_ =	shalt  }
0x71: {  	_ =	shalt  }
0x72: {  	_ =	shalt  }
0x73: {  	_ =	shalt  }
0x74: {  	_ =	shalt  }
0x75: {  	_ =	shalt  }
0x76: {  	_ =	shalt  }
0x77: {  	_ =	shalt  }
0x78: {  	_ =	shalt  }
0x79: {  	_ =	shalt  }
0x7a: {  	_ =	shalt  }
0x7b: {  	_ =	shalt  }
0x7c: {  	_ =	shalt  }
0x7d: {  	_ =	shalt  }
0x7e: {  	_ =	shalt  }
0x7f: {  	_ =	shalt  }
0x80: {  	_ =	shalt  }
0x81: {  	_ =	shalt  }
0x82: {  	_ =	shalt  }
0x83: {  	_ =	shalt  }
0x84: {  	_ =	shalt  }
0x85: {  	_ =	shalt  }
0x86: {  	_ =	shalt  }
0x87: {  	_ =	shalt  }
.Lfunc_end0:
.L_simem_size_0:
called_computation.3_lowered:
.L_overlay_start_0:
0x88: {  	s2 =	sld [smem:$0x3FD9]  }
0x89: {  	s3 =	sld [smem:$0x3FFE];
	_ =	sdelay $0x1  }
0x8a: {  	s1 =	srdreg.scid  }
0x8b: {  	s0 =	sand.u32 $0x1, s1  }
0x8c: {  	s16 =	sshll.u32 s0, $0xA;
	s2 =	sadd.s32 s3, s2  }
0x8d: {  	s2 =	sadd.s32 s2, s16  }
0x8e: {  	[smem:$0x3FBB] =	sst s2  }
0x8f: {  	_ = 	snop  }
0x90: {  	(tm) =	ssettm $0x1  }
0x91: {  	s17 =	sld [smem:$0x3FFB];
	_ =	sdelay $0x3  }
0x92: {  	_ =	strace s17  }
0x93: {  	s2 =	sld [smem:$0x3FFC];
	_ =	sdelay $0x3  }
0x94: {  	_ =	strace s2  }
0x95: {  	s2 =	sld [smem:$0x3FFD];
	_ =	sdelay $0x3  }
0x96: {  	_ =	strace s2  }
0x97: {  	_ =	strace $0x8FFFFFFF  }
0x98: {  	s18 =	sld [smem:$0x3FDB];
	_ =	sdelay $0x1  }
0x99: {  	s19 =	simm.s32 $_scs_section_size  }
0x9a: {  	s4 =	simm.s32 $_size__tile_overlayer_lowered;
	s5 =	simm.s32 $_tile_overlayer_lowered  }
0x9b: {  	s22 =	simm.s32 $0x1BFF;
	s21 =	sshll.u32 s5, $0x1;
	s2 =	sadd.s32 s19, s18  }
0x9c: {  	s6 =	simm.s32 $0x0;
	s20 =	sshll.u32 s4, $0x1;
	s4 =	sadd.s32 s21, s2  }
0x9d: {  	[timem:s6], [sflag:s22] =	dma.local [hbm:s4], s20  }
0x9e: {  	_ =	swait.ge [sflag:s22], s20  }
0x9f: {  	s3 =	ssub.s32 $0x0, s20;
	[sflag:s22] =	ssyncset.done $0x0  }
0xa0: {  	[sflag:s22] =	ssyncadd.s32 s3;
	_ =	sdelay $0x1  }
0xa1: {  	s23 =	simm.s32 $0x1B8B  }
0xa2: {  	_ =	swait.ge [sflag:s23], $0x1  }
0xa3: {  	[sflag:s23] =	ssyncset.done $0x0  }
0xa4: {  	s25 =	simm.s32 $0x1B8E;
	s24 =	sld [smem:$0x3FFE];
	[sflag:s23] =	ssyncadd.s32 $0xFFFFFFFF  }
0xa5: {  	s26 =	simm.s32 $execute0_lowered;
	[smem:$0x3FD2] =	sst s25  }
0xa6: {  	s4 =	sshll.u32 s26, $0x1;
	_ =	strace $0x8000004F;
	[dreg:$0x1] =	wrdreg $0xFFFFFFFF  }
0xa7: {  	s28 =	simm.s32 $_size_execute0_lowered;
	s2 =	sadd.s32 s2, s4;
	[dreg:$0x0] =	wrdreg $0x0  }
0xa8: {  	s4 =	sshll.u32 s28, $0x1;
	[dreg:$0x2] =	wrdreg s2  }
0xa9: {  	[dreg:$0x3] =	wrdreg s4  }
0xaa: {  	[dreg:$0x4] =	wrdreg $0xC0  }
0xab: {  	_ =	task [dreg:s6], $0x5FFFF  }
0xac: {  	[dreg:$0x1] =	wrdreg $0xFFFFFFFF  }
0xad: {  	[dreg:$0x0] =	wrdreg $0x60  }
0xae: {  	[dreg:$0x2] =	wrdreg s24  }
0xaf: {  	[dreg:$0x3] =	wrdreg $0x91000  }
0xb0: {  	[dreg:$0x4] =	wrdreg $0x9  }
0xb1: {  	_ =	task.clear_ibuf [dreg:s6], $0x5FFFF;
	_ =	strace $0x9000004F  }
0xb2: {  	s29 =	simm.s32 $0x9;
	_ =	strace $0x80000051  }
0xb3: {  	_ =	swait.ge [sflag:s29], $0x1  }
0xb4: {  	[sflag:s29] =	ssyncadd.s32 $0xFFFFFFFF  }
0xb5: {  	_ =	strace $0x90000051  }
0xb6: {  	_ =	sfence  }
0xb7: {  	s30 =	sld [smem:$0x0];
	_ =	sdelay $0x2  }
0xb8: {  	s31 =	sshll.u32 s1, $0xD;
	s1 =	sshrl.u32 s1, $0x2  }
0xb9: {  	s3 =	sand.u32 $0x4000, s31;
	s1 =	sadd.s32 s1, s30  }
0xba: {  	s0 =	sor.u32 s3, s0;
	s1 =	sshll.u32 s1, $0x11  }
0xbb: {  	s0 =	sor.u32 s1, s0  }
0xbc: {  	s0 =	sadd.s32 $0x8F2B, s0  }
0xbd: {  	[sflag:s0] =	ssyncadd.remote.s32 $0x1  }
0xbe: {  	_ =	sfence.sel $0xFFFF  }
0xbf: {  	[dreg:$0x0] =	wrdreg $0xFFFFFFFF;
	(pc) =	sbr.abs _section_cstart, $3  }
0xc0: {  	[dreg:$0x1] =	wrdreg $0xFFFFFFFF  }
0xc1: {  	_ =	task.clear_ibuf [dreg:s6], $0x2FFFF;
	_ =	strace $0x9FFFFFFF  }
0xc2: {  	(tm) =	ssettm $0x7FFFFFFF  }
0xc3: {  	_ =	shalt  }
tec
execute0_lowered:
.L_overlay_start_1:
0x0: {  	(tag) =	ssettag $0x1  }
0x1: {  	s0 =	rddreg [dreg:$0x0]  }
0x2: {  	s2 =	rddreg [dreg:$0x1]  }
0x3: {  	s1 =	srdreg.scid;
	s3 =	simm.s32 $0x0;
	s9 =	stileid.u32  }
0x4: {  	s28 =	simm.s32 $0x4100;
	s29 =	simm.s32 $0x3;
	s30 =	simm.s32 $0x50  }
0x5: {  	s31 =	simm.s32 $0x80;
	s1 =	sand.u32 $0x1, s1;
	[smem:$0x7FF] =	sst s3  }
0x6: {  	s4 =	sshll.u32 s9, $0xF;
	s7 =	smul.u32 $0x280, s9;
	s6 =	sadd.s32 $0x3400, s0  }
0x7: {  	s9 =	smul.u32 $0x50000, s9;
	s10 =	sadd.s32 $0x23400, s0;
	s5 =	sshll.u32 s1, $0xE  }
0x8: {  	_ =	strace $0x80000050;
	s8 =	smul.u32 $0x2800, s1;
	[dreg:$0x3] =	wrdreg s10  }
0x9: {  	s1 =	ssub.s32 $0x2, s1;
	s4 =	sor.u32 s5, s4;
	s5 =	sadd.s32 $0x24000, s0  }
0xa: {  	s14 =	sshrl.u32 s1, $0x1;
	s9 =	sshrl.u32 s9, $0x2;
	s15 =	sshrl.u32 s4, $0x3  }
0xb: {  	s7 =	sadd.s32 s7, s8;
	s1 =	ssub.s32 s1, s14;
	s8 =	sadd.s32 s9, s2  }
0xc: {  	s16 =	sadd.s32 s15, s0;
	s7 =	sshll.u32 s7, $0x4;
	s18 =	sadd.s32 s6, s15  }
0xd: {  	s9 =	sadd.s32 $0x2800, s8;
	s26 =	smax.u32 s1, $0x1;
	[dreg:$0x5] =	wrdreg s18  }
0xe: {  	s0 =	sadd.s32 s7, s0;
	s17 =	sadd.s32 $0x13400, s16;
	[dreg:$0xe] =	wrdreg s26  }
0xf: {  	s10 =	sadd.s32 $0x5000, s8;
	[dreg:$0x4] =	wrdreg s17;
	s19 =	sadd.s32 $0x4C000, s0  }
0x10: {  	s11 =	sadd.s32 $0x7800, s8;
	s20 =	sadd.s32 $0x4C500, s0;
	[dreg:$0x6] =	wrdreg s19  }
0x11: {  	s12 =	sadd.s32 $0xA000, s8;
	s21 =	sadd.s32 $0x4CA00, s0;
	[dreg:$0x7] =	wrdreg s20  }
0x12: {  	s13 =	sadd.s32 $0xC800, s8;
	s22 =	sadd.s32 $0x4CF00, s0;
	[dreg:$0x8] =	wrdreg s21  }
0x13: {  	s14 =	sadd.s32 $0xF000, s8;
	s23 =	sadd.s32 $0x4D400, s0;
	[dreg:$0x9] =	wrdreg s22  }
0x14: {  	s1 =	simm.s32 $0x1;
	s24 =	sadd.s32 $0x4D900, s0;
	[dreg:$0xa] =	wrdreg s23  }
0x15: {  	s15 =	simm.s32 $0x0;
	s25 =	sadd.s32 $0x4DE00, s0;
	[dreg:$0xb] =	wrdreg s24  }
0x16: {  	s26 =	sadd.s32 $0x11800, s8;
	s0 =	sadd.s32 $0x4E300, s0;
	[dreg:$0xc] =	wrdreg s25  }
0x17: {  	s7 =	simm.s32 $0x2;
	[dreg:$0xd] =	wrdreg s0;
	s0 =	simm.s32 $0x6900  }
.LBB2_1:
0x18: {  	s16 =	rddreg [dreg:$0x3]  }
0x19: {  	[tilespmem:s28], [sflag:$0x3] =	stream.linear.gather [hbm4b:s16+s3], $0x2800, $0x38;
	[tilespmem:$0x1D100] =	vst v63  }
0x1a: {  	_ =	swait.ge [sflag:s29], $0x2800  }
0x1b: {  	[sflag:s29] =	ssyncset.done $0x0  }
0x1c: {  	[sflag:s29] =	ssyncadd.s32 $0xFFFFD800  }
0x1d: {  	[spmem:s8] =	stream.linear.scatter [tilespmem:s28], [sflag:$0x3], $0x2800, $0x38;
	[tilespmem:$0x1D100] =	vst v63  }
0x1e: {  	_ =	swait.ge [sflag:s29], $0x2800  }
0x1f: {  	[sflag:s29] =	ssyncset.done $0x0  }
0x20: {  	[sflag:s29] =	ssyncadd.s32 $0xFFFFD800  }
0x21: {  	[spmem:s9] =	stream.linear.scatter [tilespmem:s28], [sflag:$0x3], $0x2800, $0x38;
	[tilespmem:$0x1D100] =	vst v63  }
0x22: {  	_ =	swait.ge [sflag:s29], $0x2800  }
0x23: {  	[sflag:s29] =	ssyncset.done $0x0  }
0x24: {  	[sflag:s29] =	ssyncadd.s32 $0xFFFFD800  }
0x25: {  	[spmem:s10] =	stream.linear.scatter [tilespmem:s28], [sflag:$0x3], $0x2800, $0x38;
	[tilespmem:$0x1D100] =	vst v63  }
0x26: {  	_ =	swait.ge [sflag:s29], $0x2800  }
0x27: {  	[sflag:s29] =	ssyncset.done $0x0  }
0x28: {  	[sflag:s29] =	ssyncadd.s32 $0xFFFFD800  }
0x29: {  	[spmem:s11] =	stream.linear.scatter [tilespmem:s28], [sflag:$0x3], $0x2800, $0x38;
	[tilespmem:$0x1D100] =	vst v63  }
0x2a: {  	_ =	swait.ge [sflag:s29], $0x2800  }
0x2b: {  	[sflag:s29] =	ssyncset.done $0x0  }
0x2c: {  	[sflag:s29] =	ssyncadd.s32 $0xFFFFD800  }
0x2d: {  	[spmem:s12] =	stream.linear.scatter [tilespmem:s28], [sflag:$0x3], $0x2800, $0x38;
	[tilespmem:$0x1D100] =	vst v63  }
0x2e: {  	_ =	swait.ge [sflag:s29], $0x2800  }
0x2f: {  	[sflag:s29] =	ssyncset.done $0x0  }
0x30: {  	[sflag:s29] =	ssyncadd.s32 $0xFFFFD800  }
0x31: {  	[spmem:s13] =	stream.linear.scatter [tilespmem:s28], [sflag:$0x3], $0x2800, $0x38;
	[tilespmem:$0x1D100] =	vst v63  }
0x32: {  	_ =	swait.ge [sflag:s29], $0x2800  }
0x33: {  	[sflag:s29] =	ssyncset.done $0x0  }
0x34: {  	[sflag:s29] =	ssyncadd.s32 $0xFFFFD800  }
0x35: {  	[spmem:s14] =	stream.linear.scatter [tilespmem:s28], [sflag:$0x3], $0x2800, $0x38;
	[tilespmem:$0x1D100] =	vst v63  }
0x36: {  	_ =	swait.ge [sflag:s29], $0x2800  }
0x37: {  	[sflag:s29] =	ssyncset.done $0x0  }
0x38: {  	[sflag:s29] =	ssyncadd.s32 $0xFFFFD800  }
0x39: {  	[spmem:s26] =	stream.linear.scatter [tilespmem:s28], [sflag:$0x3], $0x2800, $0x38;
	[tilespmem:$0x1D100] =	vst v63  }
0x3a: {  	_ =	swait.ge [sflag:s29], $0x2800  }
0x3b: {  	[sflag:s29] =	ssyncset.done $0x0  }
0x3c: {  	s20 =	simm.s32 $0x100;
	s17 =	rddreg [dreg:$0x4];
	[sflag:s29] =	ssyncadd.s32 $0xFFFFD800  }
0x3d: {  	[tilespmem:s20], [sflag:$0x3] =	stream.linear.gather [hbm4b:s17+s3], $0x3E80, $0x38;
	[tilespmem:$0x1D100] =	vst v63  }
0x3e: {  	_ =	swait.ge [sflag:s29], $0x3E80  }
0x3f: {  	[sflag:s29] =	ssyncset.done $0x0  }
0x40: {  	[sflag:s29] =	ssyncadd.s32 $0xFFFFC180  }
0x41: {  	s22 =	simm.s32 $0x80;
	s18 =	simm.s32 $0x0;
	[bflag:$0x0] =	sbarrier.arrive $0xFFFF  }
0x42: {  	s18 =	sand.u32 $0x3C00, s18;
	s17 =	sand.u32 $0x380, s22;
	s21 =	rddreg [dreg:$0x5]  }
0x43: {  	[tilespmem:s3], [sflag:$0x3] =	stream.linear.gather [hbm4b:s21+s3], $0x80, $0x38;
	[tilespmem:$0x1D100] =	vst v63  }
0x44: {  	s17 =	sor.u32 s17, s18;
	_ =	swait.ge [sflag:s29], $0x80  }
0x45: {  	s17 =	sor.u32 s4, s17;
	[sflag:s29] =	ssyncset.done $0x0  }
0x46: {  	s17 =	sshrl.u32 s17, $0x3;
	[sflag:s29] =	ssyncadd.s32 $0xFFFFFF80  }
0x47: {  	[tilespmem:s28], [sflag:$0x1] =	stream.indirect.gather [hbm4b:s5+s30], $0x80, s3, s30, $0xb8;
	[tilespmem:$0x1D100] =	vst v63  }
0x48: {  	s17 =	sadd.s32 s6, s17  }
0x49: {  	[tilespmem:s31], [sflag:$0x3] =	stream.linear.gather [hbm4b:s17+s3], $0x80, $0x38;
	[tilespmem:$0x1D100] =	vst v63  }
0x4a: {  	_ =	swait.ge [sflag:s29], $0x80  }
0x4b: {  	[sflag:s29] =	ssyncset.done $0x0  }
0x4c: {  	[sflag:s29] =	ssyncadd.s32 $0xFFFFFF80  }
0x4d: {  	[tilespmem:s0], [sflag:$0x2] =	stream.indirect.gather [hbm4b:s5+s30], $0x80, s31, s30, $0xb8;
	[tilespmem:$0x1D100] =	vst v63  }
0x4e: {  	_ =	swait.ge [sflag:s1], $0x2800  }
0x4f: {  	s23 =	sand.u32 $0x7C00, s20;
	[sflag:s1] =	ssyncset.done $0x0  }
0x50: {  	s16 =	sand.u32 $0x300, s20;
	s17 =	sadd.s32 s4, s23;
	[sflag:s1] =	ssyncadd.s32 $0xFFFFD800  }
0x51: {  	[spmem:s2] =	stream.indirect.scatter.add.f32 [tilespmem:s28], [sflag:$0x3], $0x80, s20, s30, $0xb8;
	[tilespmem:$0x1D100] =	vst v63  }
0x52: {  	s16 =	sor.u32 s16, s17;
	_ =	swait.ge [sflag:s29], $0x2800  }
0x53: {  	s24 =	simm.s32 $0x180;
	s16 =	sshrl.u32 s16, $0x3;
	[sflag:s29] =	ssyncset.done $0x0  }
0x54: {  	s25 =	simm.s32 $0x100;
	s16 =	sadd.s32 s6, s16;
	[sflag:s29] =	ssyncadd.s32 $0xFFFFD800  }
0x55: {  	[tilespmem:s3], [sflag:$0x3] =	stream.linear.gather [hbm4b:s16+s3], $0x80, $0x38;
	[tilespmem:$0x1D100] =	vst v63  }
0x56: {  	s19 =	simm.s32 $0x180;
	s18 =	sand.u32 $0x3C00, s25;
	_ =	swait.ge [sflag:s29], $0x80  }
0x57: {  	s21 =	simm.s32 $0x300;
	s17 =	simm.s32 $0x200;
	[sflag:s29] =	ssyncset.done $0x0  }
0x58: {  	s20 =	simm.s32 $0x300;
	s16 =	sand.u32 $0x380, s24;
	[sflag:s29] =	ssyncadd.s32 $0xFFFFFF80  }
0x59: {  	[tilespmem:s28], [sflag:$0x1] =	stream.indirect.gather [hbm4b:s5+s30], $0x80, s3, s30, $0xb8;
	[tilespmem:$0x1D100] =	vst v63  }
0x5a: {  	s18 =	sor.u32 s16, s18;
	s16 =	simm.s32 $0x280;
	_ =	swait.ge [sflag:s7], $0x2800  }
0x5b: {  	s23 =	sor.u32 s4, s18;
	s18 =	simm.s32 $0x200;
	[sflag:s7] =	ssyncset.done $0x0  }
.LBB2_2:
0x5c: {  	s23 =	sshrl.u32 s23, $0x3  }
0x5d: {  	[sflag:s7] =	ssyncadd.s32 $0xFFFFD800;
	s24 =	smov.u32 s21;
	s22 =	sadd.s32 $0x100, s21  }
0x5e: {  	[spmem:s2] =	stream.indirect.scatter.add.f32 [tilespmem:s0], [sflag:$0x3], $0x80, s19, s30, $0xb8;
	[tilespmem:$0x1D100] =	vst v63  }
0x5f: {  	s25 =	sadd.s32 $0x80, s20;
	p0 =	sne.s32 s21, $0x3E00;
	_ =	swait.ge [sflag:s29], $0x2800  }
0x60: {  	s19 =	smov.u32 s16;
	s16 =	smov.u32 s25;
	[sflag:s29] =	ssyncset.done $0x0  }
0x61: {  	s21 =	sadd.s32 s6, s23;
	[sflag:s29] =	ssyncadd.s32 $0xFFFFD800  }
0x62: {  	[tilespmem:s31], [sflag:$0x3] =	stream.linear.gather [hbm4b:s21+s3], $0x80, $0x38;
	[tilespmem:$0x1D100] =	vst v63  }
0x63: {  	_ =	swait.ge [sflag:s29], $0x80  }
0x64: {  	[sflag:s29] =	ssyncset.done $0x0  }
0x65: {  	[sflag:s29] =	ssyncadd.s32 $0xFFFFFF80  }
0x66: {  	[tilespmem:s0], [sflag:$0x2] =	stream.indirect.gather [hbm4b:s5+s30], $0x80, s31, s30, $0xb8;
	[tilespmem:$0x1D100] =	vst v63  }
0x67: {  	_ =	swait.ge [sflag:s1], $0x2800  }
0x68: {  	[sflag:s1] =	ssyncset.done $0x0  }
0x69: {  	s21 =	sand.u32 $0x7C00, s17;
	[sflag:s1] =	ssyncadd.s32 $0xFFFFD800  }
0x6a: {  	[spmem:s2] =	stream.indirect.scatter.add.f32 [tilespmem:s28], [sflag:$0x3], $0x80, s18, s30, $0xb8;
	[tilespmem:$0x1D100] =	vst v63  }
0x6b: {  	s17 =	sand.u32 $0x300, s17;
	s18 =	sadd.s32 s4, s21;
	_ =	swait.ge [sflag:s29], $0x2800  }
0x6c: {  	s18 =	sor.u32 s17, s18;
	s17 =	smov.u32 s24;
	[sflag:s29] =	ssyncset.done $0x0  }
0x6d: {  	s21 =	sshrl.u32 s18, $0x3;
	s18 =	smov.u32 s20;
	[sflag:s29] =	ssyncadd.s32 $0xFFFFD800  }
0x6e: {  	s21 =	sadd.s32 s6, s21  }
0x6f: {  	[tilespmem:s3], [sflag:$0x3] =	stream.linear.gather [hbm4b:s21+s3], $0x80, $0x38;
	[tilespmem:$0x1D100] =	vst v63  }
0x70: {  	s23 =	sadd.s32 $0xFFFFFF00, s17;
	_ =	swait.ge [sflag:s29], $0x80  }
.Ltmp0:
0x71: {  	s21 =	sadd.s32 $0xFFFFFF80, s17;
	[sflag:s29] =	ssyncset.done $0x0;
	(pc) =	sbr.rel @p0 .LBB2_2-.Ltmp0, $4  }
0x72: {  	s23 =	sand.u32 $0x3C00, s23;
	s21 =	sand.u32 $0x380, s21;
	[sflag:s29] =	ssyncadd.s32 $0xFFFFFF80  }
0x73: {  	[tilespmem:s28], [sflag:$0x1] =	stream.indirect.gather [hbm4b:s5+s30], $0x80, s3, s30, $0xb8;
	[tilespmem:$0x1D100] =	vst v63  }
0x74: {  	s20 =	sadd.s32 $0x100, s20;
	s21 =	sor.u32 s21, s23;
	_ =	swait.ge [sflag:s7], $0x2800  }
0x75: {  	s23 =	sor.u32 s4, s21;
	s21 =	smov.u32 s22;
	[sflag:s7] =	ssyncset.done $0x0  }
0x76: {  	[sflag:s7] =	ssyncadd.s32 $0xFFFFD800  }
0x77: {  	[spmem:s2] =	stream.indirect.scatter.add.f32 [tilespmem:s0], [sflag:$0x3], $0x80, s19, s30, $0xb8;
	[tilespmem:$0x1D100] =	vst v63  }
0x78: {  	_ =	swait.ge [sflag:s29], $0x2800  }
0x79: {  	s22 =	sshrl.u32 s23, $0x3;
	[sflag:s29] =	ssyncset.done $0x0  }
0x7a: {  	s19 =	sadd.s32 s6, s22;
	[sflag:s29] =	ssyncadd.s32 $0xFFFFD800  }
0x7b: {  	[tilespmem:s31], [sflag:$0x3] =	stream.linear.gather [hbm4b:s19+s3], $0x80, $0x38;
	[tilespmem:$0x1D100] =	vst v63  }
0x7c: {  	_ =	swait.ge [sflag:s29], $0x80  }
0x7d: {  	[sflag:s29] =	ssyncset.done $0x0  }
0x7e: {  	[sflag:s29] =	ssyncadd.s32 $0xFFFFFF80  }
0x7f: {  	[tilespmem:s0], [sflag:$0x2] =	stream.indirect.gather [hbm4b:s5+s30], $0x80, s31, s30, $0xb8;
	[tilespmem:$0x1D100] =	vst v63  }
0x80: {  	_ =	swait.ge [sflag:s1], $0x2800  }
0x81: {  	[sflag:s1] =	ssyncset.done $0x0  }
0x82: {  	s23 =	sand.u32 $0x7C00, s17;
	[sflag:s1] =	ssyncadd.s32 $0xFFFFD800  }
0x83: {  	[spmem:s2] =	stream.indirect.scatter.add.f32 [tilespmem:s28], [sflag:$0x3], $0x80, s18, s30, $0xb8;
	[tilespmem:$0x1D100] =	vst v63  }
0x84: {  	s24 =	sand.u32 $0x300, s17;
	s18 =	sadd.s32 s4, s23  }
0x85: {  	s17 =	sor.u32 s24, s18;
	_ =	swait.ge [sflag:s29], $0x2800  }
0x86: {  	[sflag:s29] =	ssyncset.done $0x0;
	s17 =	sshrl.u32 s17, $0x3  }
0x87: {  	[sflag:s29] =	ssyncadd.s32 $0xFFFFD800;
	s17 =	sadd.s32 s6, s17  }
0x88: {  	[tilespmem:s3], [sflag:$0x3] =	stream.linear.gather [hbm4b:s17+s3], $0x80, $0x38;
	[tilespmem:$0x1D100] =	vst v63  }
0x89: {  	_ =	swait.ge [sflag:s29], $0x80  }
0x8a: {  	[sflag:s29] =	ssyncset.done $0x0  }
0x8b: {  	[sflag:s29] =	ssyncadd.s32 $0xFFFFFF80  }
0x8c: {  	[tilespmem:s28], [sflag:$0x1] =	stream.indirect.gather [hbm4b:s5+s30], $0x80, s3, s30, $0xb8;
	[tilespmem:$0x1D100] =	vst v63  }
0x8d: {  	_ =	swait.ge [sflag:s7], $0x2800  }
0x8e: {  	[sflag:s7] =	ssyncset.done $0x0  }
0x8f: {  	[sflag:s7] =	ssyncadd.s32 $0xFFFFD800  }
0x90: {  	[spmem:s2] =	stream.indirect.scatter.add.f32 [tilespmem:s0], [sflag:$0x3], $0x80, s16, s30, $0xb8;
	[tilespmem:$0x1D100] =	vst v63  }
0x91: {  	_ =	swait.ge [sflag:s29], $0x2800  }
0x92: {  	[sflag:s29] =	ssyncset.done $0x0  }
0x93: {  	[sflag:s29] =	ssyncadd.s32 $0xFFFFD800  }
0x94: {  	_ =	swait.ge [sflag:s1], $0x2800  }
0x95: {  	[sflag:s1] =	ssyncset.done $0x0  }
0x96: {  	s25 =	simm.s32 $0x3F00;
	[sflag:s1] =	ssyncadd.s32 $0xFFFFD800  }
0x97: {  	[spmem:s2] =	stream.indirect.scatter.add.f32 [tilespmem:s28], [sflag:$0x3], $0x80, s25, s30, $0xb8;
	[tilespmem:$0x1D100] =	vst v63  }
0x98: {  	_ =	swait.ge [sflag:s29], $0x2800  }
0x99: {  	[sflag:s29] =	ssyncset.done $0x0  }
0x9a: {  	[sflag:s29] =	ssyncadd.s32 $0xFFFFD800  }
0x9b: {  	[bflag:$0x0] =	sbarrier.arrive $0xFFFF  }
0x9c: {  	[tilespmem:s28], [sflag:$0x3] =	stream.linear.gather [spmem:s8], $0x2800, $0x38;
	[tilespmem:$0x1D100] =	vst v63  }
0x9d: {  	_ =	swait.ge [sflag:s29], $0x2800  }
0x9e: {  	[sflag:s29] =	ssyncset.done $0x0  }
0x9f: {  	s17 =	rddreg [dreg:$0x6];
	[sflag:s29] =	ssyncadd.s32 $0xFFFFD800  }
0xa0: {  	[hbm4b:s17+s3] =	stream.linear.scatter [tilespmem:s28], [sflag:$0x3], $0x2800, $0x38;
	[tilespmem:$0x1D100] =	vst v63  }
0xa1: {  	_ =	swait.ge [sflag:s29], $0x2800  }
0xa2: {  	[sflag:s29] =	ssyncset.done $0x0  }
0xa3: {  	[sflag:s29] =	ssyncadd.s32 $0xFFFFD800  }
0xa4: {  	[tilespmem:s28], [sflag:$0x3] =	stream.linear.gather [spmem:s9], $0x2800, $0x38;
	[tilespmem:$0x1D100] =	vst v63  }
0xa5: {  	_ =	swait.ge [sflag:s29], $0x2800  }
0xa6: {  	[sflag:s29] =	ssyncset.done $0x0  }
0xa7: {  	s18 =	rddreg [dreg:$0x7];
	[sflag:s29] =	ssyncadd.s32 $0xFFFFD800  }
0xa8: {  	[hbm4b:s18+s3] =	stream.linear.scatter [tilespmem:s28], [sflag:$0x3], $0x2800, $0x38;
	[tilespmem:$0x1D100] =	vst v63  }
0xa9: {  	_ =	swait.ge [sflag:s29], $0x2800  }
0xaa: {  	[sflag:s29] =	ssyncset.done $0x0  }
0xab: {  	[sflag:s29] =	ssyncadd.s32 $0xFFFFD800  }
0xac: {  	[tilespmem:s28], [sflag:$0x3] =	stream.linear.gather [spmem:s10], $0x2800, $0x38;
	[tilespmem:$0x1D100] =	vst v63  }
0xad: {  	_ =	swait.ge [sflag:s29], $0x2800  }
0xae: {  	[sflag:s29] =	ssyncset.done $0x0  }
0xaf: {  	s19 =	rddreg [dreg:$0x8];
	[sflag:s29] =	ssyncadd.s32 $0xFFFFD800  }
0xb0: {  	[hbm4b:s19+s3] =	stream.linear.scatter [tilespmem:s28], [sflag:$0x3], $0x2800, $0x38;
	[tilespmem:$0x1D100] =	vst v63  }
0xb1: {  	_ =	swait.ge [sflag:s29], $0x2800  }
0xb2: {  	[sflag:s29] =	ssyncset.done $0x0  }
0xb3: {  	[sflag:s29] =	ssyncadd.s32 $0xFFFFD800  }
0xb4: {  	[tilespmem:s28], [sflag:$0x3] =	stream.linear.gather [spmem:s11], $0x2800, $0x38;
	[tilespmem:$0x1D100] =	vst v63  }
0xb5: {  	_ =	swait.ge [sflag:s29], $0x2800  }
0xb6: {  	[sflag:s29] =	ssyncset.done $0x0  }
0xb7: {  	s20 =	rddreg [dreg:$0x9];
	[sflag:s29] =	ssyncadd.s32 $0xFFFFD800  }
0xb8: {  	[hbm4b:s20+s3] =	stream.linear.scatter [tilespmem:s28], [sflag:$0x3], $0x2800, $0x38;
	[tilespmem:$0x1D100] =	vst v63  }
0xb9: {  	_ =	swait.ge [sflag:s29], $0x2800  }
0xba: {  	[sflag:s29] =	ssyncset.done $0x0  }
0xbb: {  	[sflag:s29] =	ssyncadd.s32 $0xFFFFD800  }
0xbc: {  	[tilespmem:s28], [sflag:$0x3] =	stream.linear.gather [spmem:s12], $0x2800, $0x38;
	[tilespmem:$0x1D100] =	vst v63  }
0xbd: {  	_ =	swait.ge [sflag:s29], $0x2800  }
0xbe: {  	[sflag:s29] =	ssyncset.done $0x0  }
0xbf: {  	s21 =	rddreg [dreg:$0xa];
	[sflag:s29] =	ssyncadd.s32 $0xFFFFD800  }
0xc0: {  	[hbm4b:s21+s3] =	stream.linear.scatter [tilespmem:s28], [sflag:$0x3], $0x2800, $0x38;
	[tilespmem:$0x1D100] =	vst v63  }
0xc1: {  	_ =	swait.ge [sflag:s29], $0x2800  }
0xc2: {  	[sflag:s29] =	ssyncset.done $0x0  }
0xc3: {  	[sflag:s29] =	ssyncadd.s32 $0xFFFFD800  }
0xc4: {  	[tilespmem:s28], [sflag:$0x3] =	stream.linear.gather [spmem:s13], $0x2800, $0x38;
	[tilespmem:$0x1D100] =	vst v63  }
0xc5: {  	_ =	swait.ge [sflag:s29], $0x2800  }
0xc6: {  	[sflag:s29] =	ssyncset.done $0x0  }
0xc7: {  	s22 =	rddreg [dreg:$0xb];
	[sflag:s29] =	ssyncadd.s32 $0xFFFFD800  }
0xc8: {  	[hbm4b:s22+s3] =	stream.linear.scatter [tilespmem:s28], [sflag:$0x3], $0x2800, $0x38;
	[tilespmem:$0x1D100] =	vst v63  }
0xc9: {  	_ =	swait.ge [sflag:s29], $0x2800  }
0xca: {  	[sflag:s29] =	ssyncset.done $0x0  }
0xcb: {  	[sflag:s29] =	ssyncadd.s32 $0xFFFFD800  }
0xcc: {  	[tilespmem:s28], [sflag:$0x3] =	stream.linear.gather [spmem:s14], $0x2800, $0x38;
	[tilespmem:$0x1D100] =	vst v63  }
0xcd: {  	_ =	swait.ge [sflag:s29], $0x2800  }
0xce: {  	[sflag:s29] =	ssyncset.done $0x0  }
0xcf: {  	s23 =	rddreg [dreg:$0xc];
	[sflag:s29] =	ssyncadd.s32 $0xFFFFD800  }
0xd0: {  	[hbm4b:s23+s3] =	stream.linear.scatter [tilespmem:s28], [sflag:$0x3], $0x2800, $0x38;
	[tilespmem:$0x1D100] =	vst v63  }
0xd1: {  	_ =	swait.ge [sflag:s29], $0x2800  }
0xd2: {  	[sflag:s29] =	ssyncset.done $0x0  }
0xd3: {  	[sflag:s29] =	ssyncadd.s32 $0xFFFFD800  }
0xd4: {  	[tilespmem:s28], [sflag:$0x3] =	stream.linear.gather [spmem:s26], $0x2800, $0x38;
	[tilespmem:$0x1D100] =	vst v63  }
0xd5: {  	_ =	swait.ge [sflag:s29], $0x2800  }
0xd6: {  	[sflag:s29] =	ssyncset.done $0x0  }
0xd7: {  	s24 =	rddreg [dreg:$0xd];
	[sflag:s29] =	ssyncadd.s32 $0xFFFFD800  }
0xd8: {  	[hbm4b:s24+s3] =	stream.linear.scatter [tilespmem:s28], [sflag:$0x3], $0x2800, $0x38;
	[tilespmem:$0x1D100] =	vst v63  }
0xd9: {  	_ =	swait.ge [sflag:s29], $0x2800  }
0xda: {  	s15 =	sadd.s32 $0x1, s15;
	s25 =	rddreg [dreg:$0xe]  }
0xdb: {  	p0 =	sne.s32 s15, s25  }
.Ltmp1:
0xdc: {  	_ = 	snop;
	(pc) =	sbr.rel @p0 .LBB2_1-.Ltmp1, $3  }
0xdd: {  	_ =	sdelay $0x1  }
0xde: {  	[sflag:s29] =	ssyncset.done $0x0  }
0xdf: {  	[sflag:s29] =	ssyncadd.s32 $0xFFFFD800  }
0xe0: {  	_ =	sfence.sel $0x180000  }
0xe1: {  	[bflag:$0x0] =	sbarrier.arrive $0xFFFF  }
0xe2: {  	_ =	strace $0x90000050  }
0xe3: {  	s0 =	stileid.u32;
	[bflag:$0x2] =	sbarrier.arrive $0xFFFF  }
0xe4: {  	p0 =	sne.s32 s0, $0x0;
	s0 =	rddreg [dreg:$0x2]  }
0xe5: {  	s0 =	sadd.s32 @!p0 $0x100000, s0  }
0xe6: {  	[sflag:s0] =	ssyncadd.tile.s32 @!p0 $0x1;
	_ =	shalt  }
.Lfunc_end2:
_tile_overlayer_lowered:
.L_overlay_start_2:
0xe7: {  	(tag) =	ssettag $0x2  }
0xe8: {  	s0 =	rddreg [dreg:$0x0];
	s2 =	stileid.u32  }
0xe9: {  	s1 =	rddreg [dreg:$0x1];
	p0 =	sne.s32 s2, $0x0  }
0xea: {  	s3 =	rddreg [dreg:$0x2];
	[bflag:$0x3] =	sbarrier.arrive $0xFFFF;
	s2 =	simm.s32 @!p0 $0x1C03  }
0xeb: {  	[timem:s3], [sflag:s2] =	dma.local @!p0 [hbm:s0], s1  }
0xec: {  	s0 =	simm.s32 @!p0 $0x3  }
0xed: {  	_ =	swait.ge @!p0 [sflag:s0], s1  }
0xee: {  	s1 =	ssub.s32 @!p0 $0x0, s1;
	[sflag:s0] =	ssyncset.done @!p0 $0x0  }
0xef: {  	[sflag:s0] =	ssyncadd.s32 @!p0 s1  }
0xf0: {  	[bflag:$0x3] =	sbarrier.arrive $0xFFFF  }
0xf1: {  	_ =	shalt  }

</sc_bundles>
